<compile_context>
chip_gen: v7x
topology: tpu7x:2x2x1
jax: 0.10.2.dev20260603
libtpu: 0.0.44.dev20260713+nightly
codegen_flags: <defaults>
</compile_context>

<pallas_src>
import functools

import jax
import jax.numpy as jnp
from jax import lax
from jax.experimental import pallas as pl
from jax.experimental.pallas import tpu as pltpu
from jax.experimental.pallas import tpu_sc as plsc

_VOCAB = 100000
_D = 64
_B = 4096
_T = 50
_NW = 32
_BPW = _B // _NW
_RB = 3
_L = 16
_TP = 136


def _transpose_rows(rows, tb, dvecs):

    def rbody(r, carry):
        rvec = jnp.broadcast_to(r, (_L,))
        for dc in range(_D // _L):
            v = rows[r, pl.ds(dc * _L, _L)]
            plsc.store_scatter(tb, [dvecs[dc], rvec], v)
        return carry

    lax.fori_loop(0, _BPW, rbody, 0, unroll=32)


def _transpose_idx(raw, idx_v, tvecs):

    def rbody(r, carry):
        rvec = jnp.broadcast_to(r, (_L,))
        for tc in range(_T // _L):
            v = raw[r, pl.ds(tc * _L, _L)]
            plsc.store_scatter(idx_v, [tvecs[tc], rvec], v)
        return carry

    lax.fori_loop(0, _BPW, rbody, 0, unroll=16)

    lanes = lax.iota(jnp.int32, _L)
    for t in range((_T // _L) * _L, _T):
        tv = jnp.broadcast_to(t, (_L,))
        for rc in range(_BPW // _L):
            v = plsc.load_gather(raw, [rc * _L + lanes, tv])
            idx_v[t, pl.ds(rc * _L, _L)] = v


def _emb_body(table_hbm, idx_hbm, out_hbm, idx_raw, idx_v, rows_v, tbuf,
              gsem, ssem):
    wid = lax.axis_index("s") * 2 + lax.axis_index("c")
    base = wid * _BPW
    lanes = lax.iota(jnp.int32, _L)
    dvecs = [dc * _L + lanes for dc in range(_D // _L)]
    tvecs = [tc * _L + lanes for tc in range(_T // _L + 1)]

    pltpu.sync_copy(idx_hbm.at[pl.ds(base, _BPW)], idx_raw)
    _transpose_idx(idx_raw, idx_v, tvecs)

    def fire_gather(t):
        pltpu.async_copy(
            table_hbm.at[idx_v.at[t, pl.ds(0, _BPW)]],
            rows_v.at[lax.rem(t, _RB)],
            gsem,
        )

    def wait_gather():
        pltpu.make_async_copy(
            table_hbm.at[idx_v.at[0, pl.ds(0, _BPW)]],
            rows_v.at[0],
            gsem,
        ).wait()

    def wait_store():
        pltpu.make_async_copy(
            tbuf.at[0, :, pl.ds(0, _BPW)],
            out_hbm.at[0, :, pl.ds(0, _BPW)],
            ssem,
        ).wait()

    for t in range(_RB):
        fire_gather(t)

    def body(t, carry):
        phase = lax.rem(t, 2)
        wait_gather()

        @pl.when(t >= 2)
        def _():
            wait_store()

        _transpose_rows(rows_v.at[lax.rem(t, _RB)], tbuf.at[phase], dvecs)

        pltpu.async_copy(
            tbuf.at[phase, :, pl.ds(0, _BPW)],
            out_hbm.at[t, :, pl.ds(base, _BPW)],
            ssem,
        )

        @pl.when(t + _RB < _T)
        def _():
            fire_gather(t + _RB)

        return carry

    lax.fori_loop(0, _T, body, 0)
    wait_store()
    wait_store()


_emb_call = functools.partial(
    pl.kernel,
    mesh=plsc.VectorSubcoreMesh(core_axis_name="c", subcore_axis_name="s"),
    out_type=jax.ShapeDtypeStruct((_T, _D, _B), jnp.float32),
    scratch_types=[
        pltpu.VMEM((_BPW, _T), jnp.int32),
        pltpu.VMEM((_T, _TP), jnp.int32),
        pltpu.VMEM((_RB, _BPW, 2 * _D), jnp.float32),
        pltpu.VMEM((2, _D, _BPW + 1), jnp.float32),
        pltpu.SemaphoreType.DMA,
        pltpu.SemaphoreType.DMA,
    ],
    compiler_params=pltpu.CompilerParams(
        use_tc_tiling_on_sc=False, needs_layout_passes=False
    ),
)(_emb_body)


@jax.jit
def kernel(input, emb_weight):
    table = jnp.pad(emb_weight, ((0, 0), (0, _D)))
    out_t = _emb_call(table, input.astype(jnp.int32))
    return out_t.transpose(2, 0, 1)

# --- scband reference (transcript-rebuilt; emitter-appended) ---
"""Pipeline reference for scband-rnn-5454608465965 (READ-ONLY COPY).

The authoritative reference and input builder live on the scoring server;
editing this copy changes nothing except your own understanding.
"""

import jax, jax.numpy as jnp
import numpy as np

VOCAB = 100000
EMBED_DIM = 64
BATCH = 4096
HIST_LEN = 50

def setup_inputs(seed: int = 0) -> dict:
    key = jax.random.key(seed)
    k_idx, k_emb = jax.random.split(key)
    input_ids = jax.random.randint(k_idx, (BATCH, HIST_LEN), 0, VOCAB, dtype=jnp.int64 if jax.config.jax_enable_x64 else jnp.int32)
    emb_weight = jax.random.normal(k_emb, (VOCAB, EMBED_DIM), dtype=jnp.float32)
    return {"input": input_ids, "emb_weight": emb_weight}

def reference(input, emb_weight):
    # nn.Embedding lookup: gather rows of the table by index
    x = jnp.take(emb_weight, input, axis=0)
    return x

if __name__ == "__main__":
    import jax
    _d = setup_inputs()
    print(jax.jit(kernel)(*tuple(_d.values())))

</pallas_src>

<mosaic_0001>
#map = affine_map<(d0, d1) -> (0, 0)>
#map1 = affine_map<(d0, d1) -> (0, 0, 0)>
module attributes {stable_mosaic.version = 14 : i64} {
  func.func @_emb_body(%arg0: i32, %arg1: i32, %arg2: memref<100000x128xf32, #tpu.memory_space<hbm>>, %arg3: memref<4096x50xi32, #tpu.memory_space<hbm>>, %arg4: memref<50x64x4096xf32, #tpu.memory_space<hbm>>, %arg5: memref<128x50xi32, #tpu.memory_space<vmem>>, %arg6: memref<50x136xi32, #tpu.memory_space<vmem>>, %arg7: memref<3x128x128xf32, #tpu.memory_space<vmem>>, %arg8: memref<2x64x129xf32, #tpu.memory_space<vmem>>, %arg9: memref<!tpu.dma_semaphore, #tpu.memory_space<semaphore_mem>>, %arg10: memref<!tpu.dma_semaphore, #tpu.memory_space<semaphore_mem>>) attributes {dimension_semantics = [#tpu.dimension_semantics<core_parallel>, #tpu.dimension_semantics<subcore_parallel>], iteration_bounds = array<i64: 2, 16>, scalar_prefetch = 0 : i64, scratch_operands = 6 : i64, tpu.core_type = #tpu.core_type<sc_vector_subcore>, window_params = [{transform_indices = #map}, {transform_indices = #map}, {transform_indices = #map1}]} {
    %mul3A = arith.constant 2 : i32
    %mul3A_0 = arith.muli %arg1, %mul3A : i32
    %add3A = arith.addi %mul3A_0, %arg0 : i32
    %mul3A_1 = arith.constant 128 : i32
    %mul3A_2 = arith.muli %add3A, %mul3A_1 : i32
    %iota3A = tpu.iota {dimensions = array<i32: 0>} : vector<16xi32>
    %add3A_3 = arith.constant 0 : i32
    %add3A_4 = vector.broadcast %add3A_3 : i32 to vector<16xi32>
    %add3A_5 = arith.addi %add3A_4, %iota3A : vector<16xi32>
    %add3A_6 = arith.constant 16 : i32
    %add3A_7 = vector.broadcast %add3A_6 : i32 to vector<16xi32>
    %add3A_8 = arith.addi %add3A_7, %iota3A : vector<16xi32>
    %add3A_9 = arith.constant 32 : i32
    %add3A_10 = vector.broadcast %add3A_9 : i32 to vector<16xi32>
    %add3A_11 = arith.addi %add3A_10, %iota3A : vector<16xi32>
    %add3A_12 = arith.constant 48 : i32
    %add3A_13 = vector.broadcast %add3A_12 : i32 to vector<16xi32>
    %add3A_14 = arith.addi %add3A_13, %iota3A : vector<16xi32>
    %add3A_15 = arith.constant 0 : i32
    %add3A_16 = vector.broadcast %add3A_15 : i32 to vector<16xi32>
    %add3A_17 = arith.addi %add3A_16, %iota3A : vector<16xi32>
    %add3A_18 = arith.constant 16 : i32
    %add3A_19 = vector.broadcast %add3A_18 : i32 to vector<16xi32>
    %add3A_20 = arith.addi %add3A_19, %iota3A : vector<16xi32>
    %add3A_21 = arith.constant 32 : i32
    %add3A_22 = vector.broadcast %add3A_21 : i32 to vector<16xi32>
    %add3A_23 = arith.addi %add3A_22, %iota3A : vector<16xi32>
    %add3A_24 = arith.constant 48 : i32
    %add3A_25 = vector.broadcast %add3A_24 : i32 to vector<16xi32>
    %add3A_26 = arith.addi %add3A_25, %iota3A : vector<16xi32>
    "tpu.region"() ({
      %run_scoped3A = tpu.sem_alloc : memref<!tpu.dma_semaphore, #tpu.memory_space<semaphore_mem>>
      %dma_start3A_243 = arith.constant 0 : i32
      %dma_start3A_244 = tpu.memref_slice %arg3[%mul3A_2, %dma_start3A_243] : memref<4096x50xi32, #tpu.memory_space<hbm>> -> memref<128x50xi32, #tpu.memory_space<hbm>>
      %dma_start3A_245 = arith.constant 0 : i32
      %dma_start3A_246 = tpu.memref_slice %arg3[%mul3A_2, %dma_start3A_245] : memref<4096x50xi32, #tpu.memory_space<hbm>> -> memref<128x50xi32, #tpu.memory_space<hbm>>
      tpu.enqueue_dma source(%dma_start3A_246 : memref<128x50xi32, #tpu.memory_space<hbm>>) target(%arg5 : memref<128x50xi32, #tpu.memory_space<vmem>>) target_semaphore(%run_scoped3A : memref<!tpu.dma_semaphore, #tpu.memory_space<semaphore_mem>>)
      %dma_wait3A_247 = arith.constant 0 : i32
      %dma_wait3A_248 = tpu.memref_slice %arg3[%mul3A_2, %dma_wait3A_247] : memref<4096x50xi32, #tpu.memory_space<hbm>> -> memref<128x50xi32, #tpu.memory_space<hbm>>
      %dma_wait3A_249 = arith.constant 0 : i32
      %dma_wait3A_250 = tpu.memref_slice %arg3[%mul3A_2, %dma_wait3A_249] : memref<4096x50xi32, #tpu.memory_space<hbm>> -> memref<128x50xi32, #tpu.memory_space<hbm>>
      tpu.wait_dma2 semaphore(%run_scoped3A : memref<!tpu.dma_semaphore, #tpu.memory_space<semaphore_mem>>) src(%dma_wait3A_250 : memref<128x50xi32, #tpu.memory_space<hbm>>) dst(%arg5 : memref<128x50xi32, #tpu.memory_space<vmem>>)
      tpu.yield
    }) : () -> ()
    %scan3A = arith.constant 0 : i32
    %scan3A_27 = arith.constant 0 : i32
    %scan3A_28 = arith.constant 128 : i32
    %scan3A_29 = arith.addi %scan3A_27, %scan3A_28 : i32
    %scan3A_30 = arith.constant 16 : i32
    scf.for %scan3A_243 = %scan3A_27 to %scan3A_29 step %scan3A_30  : i32 {
      %broadcast_in_dim3A_244 = vector.broadcast %scan3A_243 : i32 to vector<16xi32>
      %get3A = arith.index_cast %scan3A_243 : i32 to index
      %get3A_245 = arith.constant 0 : index
      %get3A_246 = tpu.vector_load %arg5[%get3A, %get3A_245] {strides = array<i32>} : memref<128x50xi32, #tpu.memory_space<vmem>>, vector<16xi32>,
      tpu.vector_store_idx %arg6[%add3A_17, %broadcast_in_dim3A_244], %get3A_246 : memref<50x136xi32, #tpu.memory_space<vmem>>[vector<16xi32>, vector<16xi32>], vector<16xi32>,
      %get3A_247 = arith.index_cast %scan3A_243 : i32 to index
      %get3A_248 = arith.constant 16 : index
      %get3A_249 = tpu.vector_load %arg5[%get3A_247, %get3A_248] {strides = array<i32>} : memref<128x50xi32, #tpu.memory_space<vmem>>, vector<16xi32>,
      tpu.vector_store_idx %arg6[%add3A_20, %broadcast_in_dim3A_244], %get3A_249 : memref<50x136xi32, #tpu.memory_space<vmem>>[vector<16xi32>, vector<16xi32>], vector<16xi32>,
      %get3A_250 = arith.index_cast %scan3A_243 : i32 to index
      %get3A_251 = arith.constant 32 : index
      %get3A_252 = tpu.vector_load %arg5[%get3A_250, %get3A_251] {strides = array<i32>} : memref<128x50xi32, #tpu.memory_space<vmem>>, vector<16xi32>,
      tpu.vector_store_idx %arg6[%add3A_23, %broadcast_in_dim3A_244], %get3A_252 : memref<50x136xi32, #tpu.memory_space<vmem>>[vector<16xi32>, vector<16xi32>], vector<16xi32>,
      %scan3A_253 = arith.constant 1 : i32
      %scan3A_254 = arith.addi %scan3A_243, %scan3A_253 : i32
      %broadcast_in_dim3A_255 = vector.broadcast %scan3A_254 : i32 to vector<16xi32>
      %get3A_256 = arith.index_cast %scan3A_254 : i32 to index
      %get3A_257 = arith.constant 0 : index
      %get3A_258 = tpu.vector_load %arg5[%get3A_256, %get3A_257] {strides = array<i32>} : memref<128x50xi32, #tpu.memory_space<vmem>>, vector<16xi32>,
      tpu.vector_store_idx %arg6[%add3A_17, %broadcast_in_dim3A_255], %get3A_258 : memref<50x136xi32, #tpu.memory_space<vmem>>[vector<16xi32>, vector<16xi32>], vector<16xi32>,
      %get3A_259 = arith.index_cast %scan3A_254 : i32 to index
      %get3A_260 = arith.constant 16 : index
      %get3A_261 = tpu.vector_load %arg5[%get3A_259, %get3A_260] {strides = array<i32>} : memref<128x50xi32, #tpu.memory_space<vmem>>, vector<16xi32>,
      tpu.vector_store_idx %arg6[%add3A_20, %broadcast_in_dim3A_255], %get3A_261 : memref<50x136xi32, #tpu.memory_space<vmem>>[vector<16xi32>, vector<16xi32>], vector<16xi32>,
      %get3A_262 = arith.index_cast %scan3A_254 : i32 to index
      %get3A_263 = arith.constant 32 : index
      %get3A_264 = tpu.vector_load %arg5[%get3A_262, %get3A_263] {strides = array<i32>} : memref<128x50xi32, #tpu.memory_space<vmem>>, vector<16xi32>,
      tpu.vector_store_idx %arg6[%add3A_23, %broadcast_in_dim3A_255], %get3A_264 : memref<50x136xi32, #tpu.memory_space<vmem>>[vector<16xi32>, vector<16xi32>], vector<16xi32>,
      %scan3A_265 = arith.constant 2 : i32
      %scan3A_266 = arith.addi %scan3A_243, %scan3A_265 : i32
      %broadcast_in_dim3A_267 = vector.broadcast %scan3A_266 : i32 to vector<16xi32>
      %get3A_268 = arith.index_cast %scan3A_266 : i32 to index
      %get3A_269 = arith.constant 0 : index
      %get3A_270 = tpu.vector_load %arg5[%get3A_268, %get3A_269] {strides = array<i32>} : memref<128x50xi32, #tpu.memory_space<vmem>>, vector<16xi32>,
      tpu.vector_store_idx %arg6[%add3A_17, %broadcast_in_dim3A_267], %get3A_270 : memref<50x136xi32, #tpu.memory_space<vmem>>[vector<16xi32>, vector<16xi32>], vector<16xi32>,
      %get3A_271 = arith.index_cast %scan3A_266 : i32 to index
      %get3A_272 = arith.constant 16 : index
      %get3A_273 = tpu.vector_load %arg5[%get3A_271, %get3A_272] {strides = array<i32>} : memref<128x50xi32, #tpu.memory_space<vmem>>, vector<16xi32>,
      tpu.vector_store_idx %arg6[%add3A_20, %broadcast_in_dim3A_267], %get3A_273 : memref<50x136xi32, #tpu.memory_space<vmem>>[vector<16xi32>, vector<16xi32>], vector<16xi32>,
      %get3A_274 = arith.index_cast %scan3A_266 : i32 to index
      %get3A_275 = arith.constant 32 : index
      %get3A_276 = tpu.vector_load %arg5[%get3A_274, %get3A_275] {strides = array<i32>} : memref<128x50xi32, #tpu.memory_space<vmem>>, vector<16xi32>,
      tpu.vector_store_idx %arg6[%add3A_23, %broadcast_in_dim3A_267], %get3A_276 : memref<50x136xi32, #tpu.memory_space<vmem>>[vector<16xi32>, vector<16xi32>], vector<16xi32>,
      %scan3A_277 = arith.constant 3 : i32
      %scan3A_278 = arith.addi %scan3A_243, %scan3A_277 : i32
      %broadcast_in_dim3A_279 = vector.broadcast %scan3A_278 : i32 to vector<16xi32>
      %get3A_280 = arith.index_cast %scan3A_278 : i32 to index
      %get3A_281 = arith.constant 0 : index
      %get3A_282 = tpu.vector_load %arg5[%get3A_280, %get3A_281] {strides = array<i32>} : memref<128x50xi32, #tpu.memory_space<vmem>>, vector<16xi32>,
      tpu.vector_store_idx %arg6[%add3A_17, %broadcast_in_dim3A_279], %get3A_282 : memref<50x136xi32, #tpu.memory_space<vmem>>[vector<16xi32>, vector<16xi32>], vector<16xi32>,
      %get3A_283 = arith.index_cast %scan3A_278 : i32 to index
      %get3A_284 = arith.constant 16 : index
      %get3A_285 = tpu.vector_load %arg5[%get3A_283, %get3A_284] {strides = array<i32>} : memref<128x50xi32, #tpu.memory_space<vmem>>, vector<16xi32>,
      tpu.vector_store_idx %arg6[%add3A_20, %broadcast_in_dim3A_279], %get3A_285 : memref<50x136xi32, #tpu.memory_space<vmem>>[vector<16xi32>, vector<16xi32>], vector<16xi32>,
      %get3A_286 = arith.index_cast %scan3A_278 : i32 to index
      %get3A_287 = arith.constant 32 : index
      %get3A_288 = tpu.vector_load %arg5[%get3A_286, %get3A_287] {strides = array<i32>} : memref<128x50xi32, #tpu.memory_space<vmem>>, vector<16xi32>,
      tpu.vector_store_idx %arg6[%add3A_23, %broadcast_in_dim3A_279], %get3A_288 : memref<50x136xi32, #tpu.memory_space<vmem>>[vector<16xi32>, vector<16xi32>], vector<16xi32>,
      %scan3A_289 = arith.constant 4 : i32
      %scan3A_290 = arith.addi %scan3A_243, %scan3A_289 : i32
      %broadcast_in_dim3A_291 = vector.broadcast %scan3A_290 : i32 to vector<16xi32>
      %get3A_292 = arith.index_cast %scan3A_290 : i32 to index
      %get3A_293 = arith.constant 0 : index
      %get3A_294 = tpu.vector_load %arg5[%get3A_292, %get3A_293] {strides = array<i32>} : memref<128x50xi32, #tpu.memory_space<vmem>>, vector<16xi32>,
      tpu.vector_store_idx %arg6[%add3A_17, %broadcast_in_dim3A_291], %get3A_294 : memref<50x136xi32, #tpu.memory_space<vmem>>[vector<16xi32>, vector<16xi32>], vector<16xi32>,
      %get3A_295 = arith.index_cast %scan3A_290 : i32 to index
      %get3A_296 = arith.constant 16 : index
      %get3A_297 = tpu.vector_load %arg5[%get3A_295, %get3A_296] {strides = array<i32>} : memref<128x50xi32, #tpu.memory_space<vmem>>, vector<16xi32>,
      tpu.vector_store_idx %arg6[%add3A_20, %broadcast_in_dim3A_291], %get3A_297 : memref<50x136xi32, #tpu.memory_space<vmem>>[vector<16xi32>, vector<16xi32>], vector<16xi32>,
      %get3A_298 = arith.index_cast %scan3A_290 : i32 to index
      %get3A_299 = arith.constant 32 : index
      %get3A_300 = tpu.vector_load %arg5[%get3A_298, %get3A_299] {strides = array<i32>} : memref<128x50xi32, #tpu.memory_space<vmem>>, vector<16xi32>,
      tpu.vector_store_idx %arg6[%add3A_23, %broadcast_in_dim3A_291], %get3A_300 : memref<50x136xi32, #tpu.memory_space<vmem>>[vector<16xi32>, vector<16xi32>], vector<16xi32>,
      %scan3A_301 = arith.constant 5 : i32
      %scan3A_302 = arith.addi %scan3A_243, %scan3A_301 : i32
      %broadcast_in_dim3A_303 = vector.broadcast %scan3A_302 : i32 to vector<16xi32>
      %get3A_304 = arith.index_cast %scan3A_302 : i32 to index
      %get3A_305 = arith.constant 0 : index
      %get3A_306 = tpu.vector_load %arg5[%get3A_304, %get3A_305] {strides = array<i32>} : memref<128x50xi32, #tpu.memory_space<vmem>>, vector<16xi32>,
      tpu.vector_store_idx %arg6[%add3A_17, %broadcast_in_dim3A_303], %get3A_306 : memref<50x136xi32, #tpu.memory_space<vmem>>[vector<16xi32>, vector<16xi32>], vector<16xi32>,
      %get3A_307 = arith.index_cast %scan3A_302 : i32 to index
      %get3A_308 = arith.constant 16 : index
      %get3A_309 = tpu.vector_load %arg5[%get3A_307, %get3A_308] {strides = array<i32>} : memref<128x50xi32, #tpu.memory_space<vmem>>, vector<16xi32>,
      tpu.vector_store_idx %arg6[%add3A_20, %broadcast_in_dim3A_303], %get3A_309 : memref<50x136xi32, #tpu.memory_space<vmem>>[vector<16xi32>, vector<16xi32>], vector<16xi32>,
      %get3A_310 = arith.index_cast %scan3A_302 : i32 to index
      %get3A_311 = arith.constant 32 : index
      %get3A_312 = tpu.vector_load %arg5[%get3A_310, %get3A_311] {strides = array<i32>} : memref<128x50xi32, #tpu.memory_space<vmem>>, vector<16xi32>,
      tpu.vector_store_idx %arg6[%add3A_23, %broadcast_in_dim3A_303], %get3A_312 : memref<50x136xi32, #tpu.memory_space<vmem>>[vector<16xi32>, vector<16xi32>], vector<16xi32>,
      %scan3A_313 = arith.constant 6 : i32
      %scan3A_314 = arith.addi %scan3A_243, %scan3A_313 : i32
      %broadcast_in_dim3A_315 = vector.broadcast %scan3A_314 : i32 to vector<16xi32>
      %get3A_316 = arith.index_cast %scan3A_314 : i32 to index
      %get3A_317 = arith.constant 0 : index
      %get3A_318 = tpu.vector_load %arg5[%get3A_316, %get3A_317] {strides = array<i32>} : memref<128x50xi32, #tpu.memory_space<vmem>>, vector<16xi32>,
      tpu.vector_store_idx %arg6[%add3A_17, %broadcast_in_dim3A_315], %get3A_318 : memref<50x136xi32, #tpu.memory_space<vmem>>[vector<16xi32>, vector<16xi32>], vector<16xi32>,
      %get3A_319 = arith.index_cast %scan3A_314 : i32 to index
      %get3A_320 = arith.constant 16 : index
      %get3A_321 = tpu.vector_load %arg5[%get3A_319, %get3A_320] {strides = array<i32>} : memref<128x50xi32, #tpu.memory_space<vmem>>, vector<16xi32>,
      tpu.vector_store_idx %arg6[%add3A_20, %broadcast_in_dim3A_315], %get3A_321 : memref<50x136xi32, #tpu.memory_space<vmem>>[vector<16xi32>, vector<16xi32>], vector<16xi32>,
      %get3A_322 = arith.index_cast %scan3A_314 : i32 to index
      %get3A_323 = arith.constant 32 : index
      %get3A_324 = tpu.vector_load %arg5[%get3A_322, %get3A_323] {strides = array<i32>} : memref<128x50xi32, #tpu.memory_space<vmem>>, vector<16xi32>,
      tpu.vector_store_idx %arg6[%add3A_23, %broadcast_in_dim3A_315], %get3A_324 : memref<50x136xi32, #tpu.memory_space<vmem>>[vector<16xi32>, vector<16xi32>], vector<16xi32>,
      %scan3A_325 = arith.constant 7 : i32
      %scan3A_326 = arith.addi %scan3A_243, %scan3A_325 : i32
      %broadcast_in_dim3A_327 = vector.broadcast %scan3A_326 : i32 to vector<16xi32>
      %get3A_328 = arith.index_cast %scan3A_326 : i32 to index
      %get3A_329 = arith.constant 0 : index
      %get3A_330 = tpu.vector_load %arg5[%get3A_328, %get3A_329] {strides = array<i32>} : memref<128x50xi32, #tpu.memory_space<vmem>>, vector<16xi32>,
      tpu.vector_store_idx %arg6[%add3A_17, %broadcast_in_dim3A_327], %get3A_330 : memref<50x136xi32, #tpu.memory_space<vmem>>[vector<16xi32>, vector<16xi32>], vector<16xi32>,
      %get3A_331 = arith.index_cast %scan3A_326 : i32 to index
      %get3A_332 = arith.constant 16 : index
      %get3A_333 = tpu.vector_load %arg5[%get3A_331, %get3A_332] {strides = array<i32>} : memref<128x50xi32, #tpu.memory_space<vmem>>, vector<16xi32>,
      tpu.vector_store_idx %arg6[%add3A_20, %broadcast_in_dim3A_327], %get3A_333 : memref<50x136xi32, #tpu.memory_space<vmem>>[vector<16xi32>, vector<16xi32>], vector<16xi32>,
      %get3A_334 = arith.index_cast %scan3A_326 : i32 to index
      %get3A_335 = arith.constant 32 : index
      %get3A_336 = tpu.vector_load %arg5[%get3A_334, %get3A_335] {strides = array<i32>} : memref<128x50xi32, #tpu.memory_space<vmem>>, vector<16xi32>,
      tpu.vector_store_idx %arg6[%add3A_23, %broadcast_in_dim3A_327], %get3A_336 : memref<50x136xi32, #tpu.memory_space<vmem>>[vector<16xi32>, vector<16xi32>], vector<16xi32>,
      %scan3A_337 = arith.constant 8 : i32
      %scan3A_338 = arith.addi %scan3A_243, %scan3A_337 : i32
      %broadcast_in_dim3A_339 = vector.broadcast %scan3A_338 : i32 to vector<16xi32>
      %get3A_340 = arith.index_cast %scan3A_338 : i32 to index
      %get3A_341 = arith.constant 0 : index
      %get3A_342 = tpu.vector_load %arg5[%get3A_340, %get3A_341] {strides = array<i32>} : memref<128x50xi32, #tpu.memory_space<vmem>>, vector<16xi32>,
      tpu.vector_store_idx %arg6[%add3A_17, %broadcast_in_dim3A_339], %get3A_342 : memref<50x136xi32, #tpu.memory_space<vmem>>[vector<16xi32>, vector<16xi32>], vector<16xi32>,
      %get3A_343 = arith.index_cast %scan3A_338 : i32 to index
      %get3A_344 = arith.constant 16 : index
      %get3A_345 = tpu.vector_load %arg5[%get3A_343, %get3A_344] {strides = array<i32>} : memref<128x50xi32, #tpu.memory_space<vmem>>, vector<16xi32>,
      tpu.vector_store_idx %arg6[%add3A_20, %broadcast_in_dim3A_339], %get3A_345 : memref<50x136xi32, #tpu.memory_space<vmem>>[vector<16xi32>, vector<16xi32>], vector<16xi32>,
      %get3A_346 = arith.index_cast %scan3A_338 : i32 to index
      %get3A_347 = arith.constant 32 : index
      %get3A_348 = tpu.vector_load %arg5[%get3A_346, %get3A_347] {strides = array<i32>} : memref<128x50xi32, #tpu.memory_space<vmem>>, vector<16xi32>,
      tpu.vector_store_idx %arg6[%add3A_23, %broadcast_in_dim3A_339], %get3A_348 : memref<50x136xi32, #tpu.memory_space<vmem>>[vector<16xi32>, vector<16xi32>], vector<16xi32>,
      %scan3A_349 = arith.constant 9 : i32
      %scan3A_350 = arith.addi %scan3A_243, %scan3A_349 : i32
      %broadcast_in_dim3A_351 = vector.broadcast %scan3A_350 : i32 to vector<16xi32>
      %get3A_352 = arith.index_cast %scan3A_350 : i32 to index
      %get3A_353 = arith.constant 0 : index
      %get3A_354 = tpu.vector_load %arg5[%get3A_352, %get3A_353] {strides = array<i32>} : memref<128x50xi32, #tpu.memory_space<vmem>>, vector<16xi32>,
      tpu.vector_store_idx %arg6[%add3A_17, %broadcast_in_dim3A_351], %get3A_354 : memref<50x136xi32, #tpu.memory_space<vmem>>[vector<16xi32>, vector<16xi32>], vector<16xi32>,
      %get3A_355 = arith.index_cast %scan3A_350 : i32 to index
      %get3A_356 = arith.constant 16 : index
      %get3A_357 = tpu.vector_load %arg5[%get3A_355, %get3A_356] {strides = array<i32>} : memref<128x50xi32, #tpu.memory_space<vmem>>, vector<16xi32>,
      tpu.vector_store_idx %arg6[%add3A_20, %broadcast_in_dim3A_351], %get3A_357 : memref<50x136xi32, #tpu.memory_space<vmem>>[vector<16xi32>, vector<16xi32>], vector<16xi32>,
      %get3A_358 = arith.index_cast %scan3A_350 : i32 to index
      %get3A_359 = arith.constant 32 : index
      %get3A_360 = tpu.vector_load %arg5[%get3A_358, %get3A_359] {strides = array<i32>} : memref<128x50xi32, #tpu.memory_space<vmem>>, vector<16xi32>,
      tpu.vector_store_idx %arg6[%add3A_23, %broadcast_in_dim3A_351], %get3A_360 : memref<50x136xi32, #tpu.memory_space<vmem>>[vector<16xi32>, vector<16xi32>], vector<16xi32>,
      %scan3A_361 = arith.constant 10 : i32
      %scan3A_362 = arith.addi %scan3A_243, %scan3A_361 : i32
      %broadcast_in_dim3A_363 = vector.broadcast %scan3A_362 : i32 to vector<16xi32>
      %get3A_364 = arith.index_cast %scan3A_362 : i32 to index
      %get3A_365 = arith.constant 0 : index
      %get3A_366 = tpu.vector_load %arg5[%get3A_364, %get3A_365] {strides = array<i32>} : memref<128x50xi32, #tpu.memory_space<vmem>>, vector<16xi32>,
      tpu.vector_store_idx %arg6[%add3A_17, %broadcast_in_dim3A_363], %get3A_366 : memref<50x136xi32, #tpu.memory_space<vmem>>[vector<16xi32>, vector<16xi32>], vector<16xi32>,
      %get3A_367 = arith.index_cast %scan3A_362 : i32 to index
      %get3A_368 = arith.constant 16 : index
      %get3A_369 = tpu.vector_load %arg5[%get3A_367, %get3A_368] {strides = array<i32>} : memref<128x50xi32, #tpu.memory_space<vmem>>, vector<16xi32>,
      tpu.vector_store_idx %arg6[%add3A_20, %broadcast_in_dim3A_363], %get3A_369 : memref<50x136xi32, #tpu.memory_space<vmem>>[vector<16xi32>, vector<16xi32>], vector<16xi32>,
      %get3A_370 = arith.index_cast %scan3A_362 : i32 to index
      %get3A_371 = arith.constant 32 : index
      %get3A_372 = tpu.vector_load %arg5[%get3A_370, %get3A_371] {strides = array<i32>} : memref<128x50xi32, #tpu.memory_space<vmem>>, vector<16xi32>,
      tpu.vector_store_idx %arg6[%add3A_23, %broadcast_in_dim3A_363], %get3A_372 : memref<50x136xi32, #tpu.memory_space<vmem>>[vector<16xi32>, vector<16xi32>], vector<16xi32>,
      %scan3A_373 = arith.constant 11 : i32
      %scan3A_374 = arith.addi %scan3A_243, %scan3A_373 : i32
      %broadcast_in_dim3A_375 = vector.broadcast %scan3A_374 : i32 to vector<16xi32>
      %get3A_376 = arith.index_cast %scan3A_374 : i32 to index
      %get3A_377 = arith.constant 0 : index
      %get3A_378 = tpu.vector_load %arg5[%get3A_376, %get3A_377] {strides = array<i32>} : memref<128x50xi32, #tpu.memory_space<vmem>>, vector<16xi32>,
      tpu.vector_store_idx %arg6[%add3A_17, %broadcast_in_dim3A_375], %get3A_378 : memref<50x136xi32, #tpu.memory_space<vmem>>[vector<16xi32>, vector<16xi32>], vector<16xi32>,
      %get3A_379 = arith.index_cast %scan3A_374 : i32 to index
      %get3A_380 = arith.constant 16 : index
      %get3A_381 = tpu.vector_load %arg5[%get3A_379, %get3A_380] {strides = array<i32>} : memref<128x50xi32, #tpu.memory_space<vmem>>, vector<16xi32>,
      tpu.vector_store_idx %arg6[%add3A_20, %broadcast_in_dim3A_375], %get3A_381 : memref<50x136xi32, #tpu.memory_space<vmem>>[vector<16xi32>, vector<16xi32>], vector<16xi32>,
      %get3A_382 = arith.index_cast %scan3A_374 : i32 to index
      %get3A_383 = arith.constant 32 : index
      %get3A_384 = tpu.vector_load %arg5[%get3A_382, %get3A_383] {strides = array<i32>} : memref<128x50xi32, #tpu.memory_space<vmem>>, vector<16xi32>,
      tpu.vector_store_idx %arg6[%add3A_23, %broadcast_in_dim3A_375], %get3A_384 : memref<50x136xi32, #tpu.memory_space<vmem>>[vector<16xi32>, vector<16xi32>], vector<16xi32>,
      %scan3A_385 = arith.constant 12 : i32
      %scan3A_386 = arith.addi %scan3A_243, %scan3A_385 : i32
      %broadcast_in_dim3A_387 = vector.broadcast %scan3A_386 : i32 to vector<16xi32>
      %get3A_388 = arith.index_cast %scan3A_386 : i32 to index
      %get3A_389 = arith.constant 0 : index
      %get3A_390 = tpu.vector_load %arg5[%get3A_388, %get3A_389] {strides = array<i32>} : memref<128x50xi32, #tpu.memory_space<vmem>>, vector<16xi32>,
      tpu.vector_store_idx %arg6[%add3A_17, %broadcast_in_dim3A_387], %get3A_390 : memref<50x136xi32, #tpu.memory_space<vmem>>[vector<16xi32>, vector<16xi32>], vector<16xi32>,
      %get3A_391 = arith.index_cast %scan3A_386 : i32 to index
      %get3A_392 = arith.constant 16 : index
      %get3A_393 = tpu.vector_load %arg5[%get3A_391, %get3A_392] {strides = array<i32>} : memref<128x50xi32, #tpu.memory_space<vmem>>, vector<16xi32>,
      tpu.vector_store_idx %arg6[%add3A_20, %broadcast_in_dim3A_387], %get3A_393 : memref<50x136xi32, #tpu.memory_space<vmem>>[vector<16xi32>, vector<16xi32>], vector<16xi32>,
      %get3A_394 = arith.index_cast %scan3A_386 : i32 to index
      %get3A_395 = arith.constant 32 : index
      %get3A_396 = tpu.vector_load %arg5[%get3A_394, %get3A_395] {strides = array<i32>} : memref<128x50xi32, #tpu.memory_space<vmem>>, vector<16xi32>,
      tpu.vector_store_idx %arg6[%add3A_23, %broadcast_in_dim3A_387], %get3A_396 : memref<50x136xi32, #tpu.memory_space<vmem>>[vector<16xi32>, vector<16xi32>], vector<16xi32>,
      %scan3A_397 = arith.constant 13 : i32
      %scan3A_398 = arith.addi %scan3A_243, %scan3A_397 : i32
      %broadcast_in_dim3A_399 = vector.broadcast %scan3A_398 : i32 to vector<16xi32>
      %get3A_400 = arith.index_cast %scan3A_398 : i32 to index
      %get3A_401 = arith.constant 0 : index
      %get3A_402 = tpu.vector_load %arg5[%get3A_400, %get3A_401] {strides = array<i32>} : memref<128x50xi32, #tpu.memory_space<vmem>>, vector<16xi32>,
      tpu.vector_store_idx %arg6[%add3A_17, %broadcast_in_dim3A_399], %get3A_402 : memref<50x136xi32, #tpu.memory_space<vmem>>[vector<16xi32>, vector<16xi32>], vector<16xi32>,
      %get3A_403 = arith.index_cast %scan3A_398 : i32 to index
      %get3A_404 = arith.constant 16 : index
      %get3A_405 = tpu.vector_load %arg5[%get3A_403, %get3A_404] {strides = array<i32>} : memref<128x50xi32, #tpu.memory_space<vmem>>, vector<16xi32>,
      tpu.vector_store_idx %arg6[%add3A_20, %broadcast_in_dim3A_399], %get3A_405 : memref<50x136xi32, #tpu.memory_space<vmem>>[vector<16xi32>, vector<16xi32>], vector<16xi32>,
      %get3A_406 = arith.index_cast %scan3A_398 : i32 to index
      %get3A_407 = arith.constant 32 : index
      %get3A_408 = tpu.vector_load %arg5[%get3A_406, %get3A_407] {strides = array<i32>} : memref<128x50xi32, #tpu.memory_space<vmem>>, vector<16xi32>,
      tpu.vector_store_idx %arg6[%add3A_23, %broadcast_in_dim3A_399], %get3A_408 : memref<50x136xi32, #tpu.memory_space<vmem>>[vector<16xi32>, vector<16xi32>], vector<16xi32>,
      %scan3A_409 = arith.constant 14 : i32
      %scan3A_410 = arith.addi %scan3A_243, %scan3A_409 : i32
      %broadcast_in_dim3A_411 = vector.broadcast %scan3A_410 : i32 to vector<16xi32>
      %get3A_412 = arith.index_cast %scan3A_410 : i32 to index
      %get3A_413 = arith.constant 0 : index
      %get3A_414 = tpu.vector_load %arg5[%get3A_412, %get3A_413] {strides = array<i32>} : memref<128x50xi32, #tpu.memory_space<vmem>>, vector<16xi32>,
      tpu.vector_store_idx %arg6[%add3A_17, %broadcast_in_dim3A_411], %get3A_414 : memref<50x136xi32, #tpu.memory_space<vmem>>[vector<16xi32>, vector<16xi32>], vector<16xi32>,
      %get3A_415 = arith.index_cast %scan3A_410 : i32 to index
      %get3A_416 = arith.constant 16 : index
      %get3A_417 = tpu.vector_load %arg5[%get3A_415, %get3A_416] {strides = array<i32>} : memref<128x50xi32, #tpu.memory_space<vmem>>, vector<16xi32>,
      tpu.vector_store_idx %arg6[%add3A_20, %broadcast_in_dim3A_411], %get3A_417 : memref<50x136xi32, #tpu.memory_space<vmem>>[vector<16xi32>, vector<16xi32>], vector<16xi32>,
      %get3A_418 = arith.index_cast %scan3A_410 : i32 to index
      %get3A_419 = arith.constant 32 : index
      %get3A_420 = tpu.vector_load %arg5[%get3A_418, %get3A_419] {strides = array<i32>} : memref<128x50xi32, #tpu.memory_space<vmem>>, vector<16xi32>,
      tpu.vector_store_idx %arg6[%add3A_23, %broadcast_in_dim3A_411], %get3A_420 : memref<50x136xi32, #tpu.memory_space<vmem>>[vector<16xi32>, vector<16xi32>], vector<16xi32>,
      %scan3A_421 = arith.constant 15 : i32
      %scan3A_422 = arith.addi %scan3A_243, %scan3A_421 : i32
      %broadcast_in_dim3A_423 = vector.broadcast %scan3A_422 : i32 to vector<16xi32>
      %get3A_424 = arith.index_cast %scan3A_422 : i32 to index
      %get3A_425 = arith.constant 0 : index
      %get3A_426 = tpu.vector_load %arg5[%get3A_424, %get3A_425] {strides = array<i32>} : memref<128x50xi32, #tpu.memory_space<vmem>>, vector<16xi32>,
      tpu.vector_store_idx %arg6[%add3A_17, %broadcast_in_dim3A_423], %get3A_426 : memref<50x136xi32, #tpu.memory_space<vmem>>[vector<16xi32>, vector<16xi32>], vector<16xi32>,
      %get3A_427 = arith.index_cast %scan3A_422 : i32 to index
      %get3A_428 = arith.constant 16 : index
      %get3A_429 = tpu.vector_load %arg5[%get3A_427, %get3A_428] {strides = array<i32>} : memref<128x50xi32, #tpu.memory_space<vmem>>, vector<16xi32>,
      tpu.vector_store_idx %arg6[%add3A_20, %broadcast_in_dim3A_423], %get3A_429 : memref<50x136xi32, #tpu.memory_space<vmem>>[vector<16xi32>, vector<16xi32>], vector<16xi32>,
      %get3A_430 = arith.index_cast %scan3A_422 : i32 to index
      %get3A_431 = arith.constant 32 : index
      %get3A_432 = tpu.vector_load %arg5[%get3A_430, %get3A_431] {strides = array<i32>} : memref<128x50xi32, #tpu.memory_space<vmem>>, vector<16xi32>,
      tpu.vector_store_idx %arg6[%add3A_23, %broadcast_in_dim3A_423], %get3A_432 : memref<50x136xi32, #tpu.memory_space<vmem>>[vector<16xi32>, vector<16xi32>], vector<16xi32>,
    }
    %scan3A_31 = arith.constant 128 : i32
    %iota3A_32 = tpu.iota {dimensions = array<i32: 0>} : vector<16xi32>
    %broadcast_in_dim3A = arith.constant 48 : i32
    %broadcast_in_dim3A_33 = vector.broadcast %broadcast_in_dim3A : i32 to vector<16xi32>
    %add3A_34 = arith.constant 0 : i32
    %add3A_35 = vector.broadcast %add3A_34 : i32 to vector<16xi32>
    %add3A_36 = arith.addi %add3A_35, %iota3A_32 : vector<16xi32>
    %gather3A = tpu.vector_load_idx %arg5[%add3A_36, %broadcast_in_dim3A_33] : memref<128x50xi32, #tpu.memory_space<vmem>>[vector<16xi32>, vector<16xi32>], vector<16xi32>,
    %swap3A = arith.constant 48 : i32
    %swap3A_37 = arith.index_cast %swap3A : i32 to index
    %swap3A_38 = arith.constant 0 : index
    %swap3A_39 = tpu.vector_load %arg6[%swap3A_37, %swap3A_38] {strides = array<i32>} : memref<50x136xi32, #tpu.memory_space<vmem>>, vector<16xi32>,
    tpu.vector_store %arg6[%swap3A_37, %swap3A_38], %gather3A {strides = array<i32>} : memref<50x136xi32, #tpu.memory_space<vmem>>, vector<16xi32>,
    %add3A_40 = arith.constant 16 : i32
    %add3A_41 = vector.broadcast %add3A_40 : i32 to vector<16xi32>
    %add3A_42 = arith.addi %add3A_41, %iota3A_32 : vector<16xi32>
    %gather3A_43 = tpu.vector_load_idx %arg5[%add3A_42, %broadcast_in_dim3A_33] : memref<128x50xi32, #tpu.memory_space<vmem>>[vector<16xi32>, vector<16xi32>], vector<16xi32>,
    %swap3A_44 = arith.constant 48 : i32
    %swap3A_45 = arith.index_cast %swap3A_44 : i32 to index
    %swap3A_46 = arith.constant 16 : index
    %swap3A_47 = tpu.vector_load %arg6[%swap3A_45, %swap3A_46] {strides = array<i32>} : memref<50x136xi32, #tpu.memory_space<vmem>>, vector<16xi32>,
    tpu.vector_store %arg6[%swap3A_45, %swap3A_46], %gather3A_43 {strides = array<i32>} : memref<50x136xi32, #tpu.memory_space<vmem>>, vector<16xi32>,
    %add3A_48 = arith.constant 32 : i32
    %add3A_49 = vector.broadcast %add3A_48 : i32 to vector<16xi32>
    %add3A_50 = arith.addi %add3A_49, %iota3A_32 : vector<16xi32>
    %gather3A_51 = tpu.vector_load_idx %arg5[%add3A_50, %broadcast_in_dim3A_33] : memref<128x50xi32, #tpu.memory_space<vmem>>[vector<16xi32>, vector<16xi32>], vector<16xi32>,
    %swap3A_52 = arith.constant 48 : i32
    %swap3A_53 = arith.index_cast %swap3A_52 : i32 to index
    %swap3A_54 = arith.constant 32 : index
    %swap3A_55 = tpu.vector_load %arg6[%swap3A_53, %swap3A_54] {strides = array<i32>} : memref<50x136xi32, #tpu.memory_space<vmem>>, vector<16xi32>,
    tpu.vector_store %arg6[%swap3A_53, %swap3A_54], %gather3A_51 {strides = array<i32>} : memref<50x136xi32, #tpu.memory_space<vmem>>, vector<16xi32>,
    %add3A_56 = arith.constant 48 : i32
    %add3A_57 = vector.broadcast %add3A_56 : i32 to vector<16xi32>
    %add3A_58 = arith.addi %add3A_57, %iota3A_32 : vector<16xi32>
    %gather3A_59 = tpu.vector_load_idx %arg5[%add3A_58, %broadcast_in_dim3A_33] : memref<128x50xi32, #tpu.memory_space<vmem>>[vector<16xi32>, vector<16xi32>], vector<16xi32>,
    %swap3A_60 = arith.constant 48 : i32
    %swap3A_61 = arith.index_cast %swap3A_60 : i32 to index
    %swap3A_62 = arith.constant 48 : index
    %swap3A_63 = tpu.vector_load %arg6[%swap3A_61, %swap3A_62] {strides = array<i32>} : memref<50x136xi32, #tpu.memory_space<vmem>>, vector<16xi32>,
    tpu.vector_store %arg6[%swap3A_61, %swap3A_62], %gather3A_59 {strides = array<i32>} : memref<50x136xi32, #tpu.memory_space<vmem>>, vector<16xi32>,
    %add3A_64 = arith.constant 64 : i32
    %add3A_65 = vector.broadcast %add3A_64 : i32 to vector<16xi32>
    %add3A_66 = arith.addi %add3A_65, %iota3A_32 : vector<16xi32>
    %gather3A_67 = tpu.vector_load_idx %arg5[%add3A_66, %broadcast_in_dim3A_33] : memref<128x50xi32, #tpu.memory_space<vmem>>[vector<16xi32>, vector<16xi32>], vector<16xi32>,
    %swap3A_68 = arith.constant 48 : i32
    %swap3A_69 = arith.index_cast %swap3A_68 : i32 to index
    %swap3A_70 = arith.constant 64 : index
    %swap3A_71 = tpu.vector_load %arg6[%swap3A_69, %swap3A_70] {strides = array<i32>} : memref<50x136xi32, #tpu.memory_space<vmem>>, vector<16xi32>,
    tpu.vector_store %arg6[%swap3A_69, %swap3A_70], %gather3A_67 {strides = array<i32>} : memref<50x136xi32, #tpu.memory_space<vmem>>, vector<16xi32>,
    %add3A_72 = arith.constant 80 : i32
    %add3A_73 = vector.broadcast %add3A_72 : i32 to vector<16xi32>
    %add3A_74 = arith.addi %add3A_73, %iota3A_32 : vector<16xi32>
    %gather3A_75 = tpu.vector_load_idx %arg5[%add3A_74, %broadcast_in_dim3A_33] : memref<128x50xi32, #tpu.memory_space<vmem>>[vector<16xi32>, vector<16xi32>], vector<16xi32>,
    %swap3A_76 = arith.constant 48 : i32
    %swap3A_77 = arith.index_cast %swap3A_76 : i32 to index
    %swap3A_78 = arith.constant 80 : index
    %swap3A_79 = tpu.vector_load %arg6[%swap3A_77, %swap3A_78] {strides = array<i32>} : memref<50x136xi32, #tpu.memory_space<vmem>>, vector<16xi32>,
    tpu.vector_store %arg6[%swap3A_77, %swap3A_78], %gather3A_75 {strides = array<i32>} : memref<50x136xi32, #tpu.memory_space<vmem>>, vector<16xi32>,
    %add3A_80 = arith.constant 96 : i32
    %add3A_81 = vector.broadcast %add3A_80 : i32 to vector<16xi32>
    %add3A_82 = arith.addi %add3A_81, %iota3A_32 : vector<16xi32>
    %gather3A_83 = tpu.vector_load_idx %arg5[%add3A_82, %broadcast_in_dim3A_33] : memref<128x50xi32, #tpu.memory_space<vmem>>[vector<16xi32>, vector<16xi32>], vector<16xi32>,
    %swap3A_84 = arith.constant 48 : i32
    %swap3A_85 = arith.index_cast %swap3A_84 : i32 to index
    %swap3A_86 = arith.constant 96 : index
    %swap3A_87 = tpu.vector_load %arg6[%swap3A_85, %swap3A_86] {strides = array<i32>} : memref<50x136xi32, #tpu.memory_space<vmem>>, vector<16xi32>,
    tpu.vector_store %arg6[%swap3A_85, %swap3A_86], %gather3A_83 {strides = array<i32>} : memref<50x136xi32, #tpu.memory_space<vmem>>, vector<16xi32>,
    %add3A_88 = arith.constant 112 : i32
    %add3A_89 = vector.broadcast %add3A_88 : i32 to vector<16xi32>
    %add3A_90 = arith.addi %add3A_89, %iota3A_32 : vector<16xi32>
    %gather3A_91 = tpu.vector_load_idx %arg5[%add3A_90, %broadcast_in_dim3A_33] : memref<128x50xi32, #tpu.memory_space<vmem>>[vector<16xi32>, vector<16xi32>], vector<16xi32>,
    %swap3A_92 = arith.constant 48 : i32
    %swap3A_93 = arith.index_cast %swap3A_92 : i32 to index
    %swap3A_94 = arith.constant 112 : index
    %swap3A_95 = tpu.vector_load %arg6[%swap3A_93, %swap3A_94] {strides = array<i32>} : memref<50x136xi32, #tpu.memory_space<vmem>>, vector<16xi32>,
    tpu.vector_store %arg6[%swap3A_93, %swap3A_94], %gather3A_91 {strides = array<i32>} : memref<50x136xi32, #tpu.memory_space<vmem>>, vector<16xi32>,
    %broadcast_in_dim3A_96 = arith.constant 49 : i32
    %broadcast_in_dim3A_97 = vector.broadcast %broadcast_in_dim3A_96 : i32 to vector<16xi32>
    %add3A_98 = arith.constant 0 : i32
    %add3A_99 = vector.broadcast %add3A_98 : i32 to vector<16xi32>
    %add3A_100 = arith.addi %add3A_99, %iota3A_32 : vector<16xi32>
    %gather3A_101 = tpu.vector_load_idx %arg5[%add3A_100, %broadcast_in_dim3A_97] : memref<128x50xi32, #tpu.memory_space<vmem>>[vector<16xi32>, vector<16xi32>], vector<16xi32>,
    %swap3A_102 = arith.constant 49 : i32
    %swap3A_103 = arith.index_cast %swap3A_102 : i32 to index
    %swap3A_104 = arith.constant 0 : index
    %swap3A_105 = tpu.vector_load %arg6[%swap3A_103, %swap3A_104] {strides = array<i32>} : memref<50x136xi32, #tpu.memory_space<vmem>>, vector<16xi32>,
    tpu.vector_store %arg6[%swap3A_103, %swap3A_104], %gather3A_101 {strides = array<i32>} : memref<50x136xi32, #tpu.memory_space<vmem>>, vector<16xi32>,
    %add3A_106 = arith.constant 16 : i32
    %add3A_107 = vector.broadcast %add3A_106 : i32 to vector<16xi32>
    %add3A_108 = arith.addi %add3A_107, %iota3A_32 : vector<16xi32>
    %gather3A_109 = tpu.vector_load_idx %arg5[%add3A_108, %broadcast_in_dim3A_97] : memref<128x50xi32, #tpu.memory_space<vmem>>[vector<16xi32>, vector<16xi32>], vector<16xi32>,
    %swap3A_110 = arith.constant 49 : i32
    %swap3A_111 = arith.index_cast %swap3A_110 : i32 to index
    %swap3A_112 = arith.constant 16 : index
    %swap3A_113 = tpu.vector_load %arg6[%swap3A_111, %swap3A_112] {strides = array<i32>} : memref<50x136xi32, #tpu.memory_space<vmem>>, vector<16xi32>,
    tpu.vector_store %arg6[%swap3A_111, %swap3A_112], %gather3A_109 {strides = array<i32>} : memref<50x136xi32, #tpu.memory_space<vmem>>, vector<16xi32>,
    %add3A_114 = arith.constant 32 : i32
    %add3A_115 = vector.broadcast %add3A_114 : i32 to vector<16xi32>
    %add3A_116 = arith.addi %add3A_115, %iota3A_32 : vector<16xi32>
    %gather3A_117 = tpu.vector_load_idx %arg5[%add3A_116, %broadcast_in_dim3A_97] : memref<128x50xi32, #tpu.memory_space<vmem>>[vector<16xi32>, vector<16xi32>], vector<16xi32>,
    %swap3A_118 = arith.constant 49 : i32
    %swap3A_119 = arith.index_cast %swap3A_118 : i32 to index
    %swap3A_120 = arith.constant 32 : index
    %swap3A_121 = tpu.vector_load %arg6[%swap3A_119, %swap3A_120] {strides = array<i32>} : memref<50x136xi32, #tpu.memory_space<vmem>>, vector<16xi32>,
    tpu.vector_store %arg6[%swap3A_119, %swap3A_120], %gather3A_117 {strides = array<i32>} : memref<50x136xi32, #tpu.memory_space<vmem>>, vector<16xi32>,
    %add3A_122 = arith.constant 48 : i32
    %add3A_123 = vector.broadcast %add3A_122 : i32 to vector<16xi32>
    %add3A_124 = arith.addi %add3A_123, %iota3A_32 : vector<16xi32>
    %gather3A_125 = tpu.vector_load_idx %arg5[%add3A_124, %broadcast_in_dim3A_97] : memref<128x50xi32, #tpu.memory_space<vmem>>[vector<16xi32>, vector<16xi32>], vector<16xi32>,
    %swap3A_126 = arith.constant 49 : i32
    %swap3A_127 = arith.index_cast %swap3A_126 : i32 to index
    %swap3A_128 = arith.constant 48 : index
    %swap3A_129 = tpu.vector_load %arg6[%swap3A_127, %swap3A_128] {strides = array<i32>} : memref<50x136xi32, #tpu.memory_space<vmem>>, vector<16xi32>,
    tpu.vector_store %arg6[%swap3A_127, %swap3A_128], %gather3A_125 {strides = array<i32>} : memref<50x136xi32, #tpu.memory_space<vmem>>, vector<16xi32>,
    %add3A_130 = arith.constant 64 : i32
    %add3A_131 = vector.broadcast %add3A_130 : i32 to vector<16xi32>
    %add3A_132 = arith.addi %add3A_131, %iota3A_32 : vector<16xi32>
    %gather3A_133 = tpu.vector_load_idx %arg5[%add3A_132, %broadcast_in_dim3A_97] : memref<128x50xi32, #tpu.memory_space<vmem>>[vector<16xi32>, vector<16xi32>], vector<16xi32>,
    %swap3A_134 = arith.constant 49 : i32
    %swap3A_135 = arith.index_cast %swap3A_134 : i32 to index
    %swap3A_136 = arith.constant 64 : index
    %swap3A_137 = tpu.vector_load %arg6[%swap3A_135, %swap3A_136] {strides = array<i32>} : memref<50x136xi32, #tpu.memory_space<vmem>>, vector<16xi32>,
    tpu.vector_store %arg6[%swap3A_135, %swap3A_136], %gather3A_133 {strides = array<i32>} : memref<50x136xi32, #tpu.memory_space<vmem>>, vector<16xi32>,
    %add3A_138 = arith.constant 80 : i32
    %add3A_139 = vector.broadcast %add3A_138 : i32 to vector<16xi32>
    %add3A_140 = arith.addi %add3A_139, %iota3A_32 : vector<16xi32>
    %gather3A_141 = tpu.vector_load_idx %arg5[%add3A_140, %broadcast_in_dim3A_97] : memref<128x50xi32, #tpu.memory_space<vmem>>[vector<16xi32>, vector<16xi32>], vector<16xi32>,
    %swap3A_142 = arith.constant 49 : i32
    %swap3A_143 = arith.index_cast %swap3A_142 : i32 to index
    %swap3A_144 = arith.constant 80 : index
    %swap3A_145 = tpu.vector_load %arg6[%swap3A_143, %swap3A_144] {strides = array<i32>} : memref<50x136xi32, #tpu.memory_space<vmem>>, vector<16xi32>,
    tpu.vector_store %arg6[%swap3A_143, %swap3A_144], %gather3A_141 {strides = array<i32>} : memref<50x136xi32, #tpu.memory_space<vmem>>, vector<16xi32>,
    %add3A_146 = arith.constant 96 : i32
    %add3A_147 = vector.broadcast %add3A_146 : i32 to vector<16xi32>
    %add3A_148 = arith.addi %add3A_147, %iota3A_32 : vector<16xi32>
    %gather3A_149 = tpu.vector_load_idx %arg5[%add3A_148, %broadcast_in_dim3A_97] : memref<128x50xi32, #tpu.memory_space<vmem>>[vector<16xi32>, vector<16xi32>], vector<16xi32>,
    %swap3A_150 = arith.constant 49 : i32
    %swap3A_151 = arith.index_cast %swap3A_150 : i32 to index
    %swap3A_152 = arith.constant 96 : index
    %swap3A_153 = tpu.vector_load %arg6[%swap3A_151, %swap3A_152] {strides = array<i32>} : memref<50x136xi32, #tpu.memory_space<vmem>>, vector<16xi32>,
    tpu.vector_store %arg6[%swap3A_151, %swap3A_152], %gather3A_149 {strides = array<i32>} : memref<50x136xi32, #tpu.memory_space<vmem>>, vector<16xi32>,
    %add3A_154 = arith.constant 112 : i32
    %add3A_155 = vector.broadcast %add3A_154 : i32 to vector<16xi32>
    %add3A_156 = arith.addi %add3A_155, %iota3A_32 : vector<16xi32>
    %gather3A_157 = tpu.vector_load_idx %arg5[%add3A_156, %broadcast_in_dim3A_97] : memref<128x50xi32, #tpu.memory_space<vmem>>[vector<16xi32>, vector<16xi32>], vector<16xi32>,
    %swap3A_158 = arith.constant 49 : i32
    %swap3A_159 = arith.index_cast %swap3A_158 : i32 to index
    %swap3A_160 = arith.constant 112 : index
    %swap3A_161 = tpu.vector_load %arg6[%swap3A_159, %swap3A_160] {strides = array<i32>} : memref<50x136xi32, #tpu.memory_space<vmem>>, vector<16xi32>,
    tpu.vector_store %arg6[%swap3A_159, %swap3A_160], %gather3A_157 {strides = array<i32>} : memref<50x136xi32, #tpu.memory_space<vmem>>, vector<16xi32>,
    %rem3A = arith.constant 0 : i32
    %rem3A_162 = arith.constant 3 : i32
    %rem3A_163 = arith.remsi %rem3A, %rem3A_162 : i32
    %dma_start3A = arith.constant 0 : i32
    %dma_start3A_164 = arith.constant 0 : i32
    %dma_start3A_165 = arith.constant 0 : i32
    %dma_start3A_166 = tpu.memref_slice %arg7[%rem3A_163, %dma_start3A_164, %dma_start3A_165] : memref<3x128x128xf32, #tpu.memory_space<vmem>> -> memref<1x128x128xf32, #tpu.memory_space<vmem>>
    %dma_start3A_167 = tpu.memref_squeeze %dma_start3A_166 : memref<1x128x128xf32, #tpu.memory_space<vmem>> -> memref<128x128xf32, #tpu.memory_space<vmem>>
    %dma_start3A_168 = arith.constant 0 : i32
    %dma_start3A_169 = tpu.memref_slice %arg6[%dma_start3A, %dma_start3A_168] : memref<50x136xi32, #tpu.memory_space<vmem>> -> memref<1x128xi32, #tpu.memory_space<vmem>>
    %dma_start3A_170 = tpu.memref_squeeze %dma_start3A_169 : memref<1x128xi32, #tpu.memory_space<vmem>> -> memref<128xi32, #tpu.memory_space<vmem>>
    %dma_start3A_171 = arith.constant 0 : i32
    %dma_start3A_172 = arith.constant 0 : i32
    %dma_start3A_173 = tpu.memref_slice %arg2[%dma_start3A_171, %dma_start3A_172] : memref<100000x128xf32, #tpu.memory_space<hbm>> -> memref<100000x128xf32, #tpu.memory_space<hbm>>
    tpu.enqueue_indirect_dma source(%dma_start3A_173 : memref<100000x128xf32, #tpu.memory_space<hbm>>) target(%dma_start3A_167 : memref<128x128xf32, #tpu.memory_space<vmem>>) offsets(%dma_start3A_170 : memref<128xi32, #tpu.memory_space<vmem>>) semaphore(%arg9 : memref<!tpu.dma_semaphore, #tpu.memory_space<semaphore_mem>>)
    %rem3A_174 = arith.constant 1 : i32
    %rem3A_175 = arith.constant 3 : i32
    %rem3A_176 = arith.remsi %rem3A_174, %rem3A_175 : i32
    %dma_start3A_177 = arith.constant 1 : i32
    %dma_start3A_178 = arith.constant 0 : i32
    %dma_start3A_179 = arith.constant 0 : i32
    %dma_start3A_180 = tpu.memref_slice %arg7[%rem3A_176, %dma_start3A_178, %dma_start3A_179] : memref<3x128x128xf32, #tpu.memory_space<vmem>> -> memref<1x128x128xf32, #tpu.memory_space<vmem>>
    %dma_start3A_181 = tpu.memref_squeeze %dma_start3A_180 : memref<1x128x128xf32, #tpu.memory_space<vmem>> -> memref<128x128xf32, #tpu.memory_space<vmem>>
    %dma_start3A_182 = arith.constant 0 : i32
    %dma_start3A_183 = tpu.memref_slice %arg6[%dma_start3A_177, %dma_start3A_182] : memref<50x136xi32, #tpu.memory_space<vmem>> -> memref<1x128xi32, #tpu.memory_space<vmem>>
    %dma_start3A_184 = tpu.memref_squeeze %dma_start3A_183 : memref<1x128xi32, #tpu.memory_space<vmem>> -> memref<128xi32, #tpu.memory_space<vmem>>
    %dma_start3A_185 = arith.constant 0 : i32
    %dma_start3A_186 = arith.constant 0 : i32
    %dma_start3A_187 = tpu.memref_slice %arg2[%dma_start3A_185, %dma_start3A_186] : memref<100000x128xf32, #tpu.memory_space<hbm>> -> memref<100000x128xf32, #tpu.memory_space<hbm>>
    tpu.enqueue_indirect_dma source(%dma_start3A_187 : memref<100000x128xf32, #tpu.memory_space<hbm>>) target(%dma_start3A_181 : memref<128x128xf32, #tpu.memory_space<vmem>>) offsets(%dma_start3A_184 : memref<128xi32, #tpu.memory_space<vmem>>) semaphore(%arg9 : memref<!tpu.dma_semaphore, #tpu.memory_space<semaphore_mem>>)
    %rem3A_188 = arith.constant 2 : i32
    %rem3A_189 = arith.constant 3 : i32
    %rem3A_190 = arith.remsi %rem3A_188, %rem3A_189 : i32
    %dma_start3A_191 = arith.constant 2 : i32
    %dma_start3A_192 = arith.constant 0 : i32
    %dma_start3A_193 = arith.constant 0 : i32
    %dma_start3A_194 = tpu.memref_slice %arg7[%rem3A_190, %dma_start3A_192, %dma_start3A_193] : memref<3x128x128xf32, #tpu.memory_space<vmem>> -> memref<1x128x128xf32, #tpu.memory_space<vmem>>
    %dma_start3A_195 = tpu.memref_squeeze %dma_start3A_194 : memref<1x128x128xf32, #tpu.memory_space<vmem>> -> memref<128x128xf32, #tpu.memory_space<vmem>>
    %dma_start3A_196 = arith.constant 0 : i32
    %dma_start3A_197 = tpu.memref_slice %arg6[%dma_start3A_191, %dma_start3A_196] : memref<50x136xi32, #tpu.memory_space<vmem>> -> memref<1x128xi32, #tpu.memory_space<vmem>>
    %dma_start3A_198 = tpu.memref_squeeze %dma_start3A_197 : memref<1x128xi32, #tpu.memory_space<vmem>> -> memref<128xi32, #tpu.memory_space<vmem>>
    %dma_start3A_199 = arith.constant 0 : i32
    %dma_start3A_200 = arith.constant 0 : i32
    %dma_start3A_201 = tpu.memref_slice %arg2[%dma_start3A_199, %dma_start3A_200] : memref<100000x128xf32, #tpu.memory_space<hbm>> -> memref<100000x128xf32, #tpu.memory_space<hbm>>
    tpu.enqueue_indirect_dma source(%dma_start3A_201 : memref<100000x128xf32, #tpu.memory_space<hbm>>) target(%dma_start3A_195 : memref<128x128xf32, #tpu.memory_space<vmem>>) offsets(%dma_start3A_198 : memref<128xi32, #tpu.memory_space<vmem>>) semaphore(%arg9 : memref<!tpu.dma_semaphore, #tpu.memory_space<semaphore_mem>>)
    %scan3A_202 = arith.constant 0 : i32
    %scan3A_203 = arith.constant 0 : i32
    %scan3A_204 = arith.constant 50 : i32
    %scan3A_205 = arith.addi %scan3A_203, %scan3A_204 : i32
    %scan3A_206 = arith.constant 1 : i32
    scf.for %scan3A_243 = %scan3A_203 to %scan3A_205 step %scan3A_206  : i32 {
      %rem3A_244 = arith.constant 2 : i32
      %rem3A_245 = arith.remsi %scan3A_243, %rem3A_244 : i32
      %dma_wait3A_246 = arith.constant 0 : i32
      %dma_wait3A_247 = arith.constant 0 : i32
      %dma_wait3A_248 = arith.constant 0 : i32
      %dma_wait3A_249 = arith.constant 0 : i32
      %dma_wait3A_250 = tpu.memref_slice %arg7[%dma_wait3A_247, %dma_wait3A_248, %dma_wait3A_249] : memref<3x128x128xf32, #tpu.memory_space<vmem>> -> memref<1x128x128xf32, #tpu.memory_space<vmem>>
      %dma_wait3A_251 = tpu.memref_squeeze %dma_wait3A_250 : memref<1x128x128xf32, #tpu.memory_space<vmem>> -> memref<128x128xf32, #tpu.memory_space<vmem>>
      %dma_wait3A_252 = arith.constant 0 : i32
      %dma_wait3A_253 = tpu.memref_slice %arg6[%dma_wait3A_246, %dma_wait3A_252] : memref<50x136xi32, #tpu.memory_space<vmem>> -> memref<1x128xi32, #tpu.memory_space<vmem>>
      %dma_wait3A_254 = tpu.memref_squeeze %dma_wait3A_253 : memref<1x128xi32, #tpu.memory_space<vmem>> -> memref<128xi32, #tpu.memory_space<vmem>>
      %dma_wait3A_255 = arith.constant 0 : i32
      %dma_wait3A_256 = arith.constant 0 : i32
      %dma_wait3A_257 = tpu.memref_slice %arg2[%dma_wait3A_255, %dma_wait3A_256] : memref<100000x128xf32, #tpu.memory_space<hbm>> -> memref<100000x128xf32, #tpu.memory_space<hbm>>
      tpu.wait_indirect_dma semaphore(%arg9 : memref<!tpu.dma_semaphore, #tpu.memory_space<semaphore_mem>>) src(%dma_wait3A_257 : memref<100000x128xf32, #tpu.memory_space<hbm>>) dst(%dma_wait3A_251 : memref<128x128xf32, #tpu.memory_space<vmem>>)
      %ge3A = arith.constant 2 : i32
      %ge3A_258 = arith.cmpi sge, %scan3A_243, %ge3A : i32
      %convert_element_type3A = arith.extui %ge3A_258 : i1 to i32
      %cond3A = arith.constant 0 : i32
      %cond3A_259 = arith.cmpi ne, %convert_element_type3A, %cond3A : i32
      scf.if %cond3A_259 {
        %dma_wait3A_288 = arith.constant 0 : i32
        %dma_wait3A_289 = arith.constant 0 : i32
        %dma_wait3A_290 = arith.constant 0 : i32
        %dma_wait3A_291 = arith.constant 0 : i32
        %dma_wait3A_292 = tpu.memref_slice %arg8[%dma_wait3A_288, %dma_wait3A_290, %dma_wait3A_291] : memref<2x64x129xf32, #tpu.memory_space<vmem>> -> memref<1x64x128xf32, #tpu.memory_space<vmem>>
        %dma_wait3A_293 = tpu.memref_squeeze %dma_wait3A_292 : memref<1x64x128xf32, #tpu.memory_space<vmem>> -> memref<64x128xf32, #tpu.memory_space<vmem>>
        %dma_wait3A_294 = arith.constant 0 : i32
        %dma_wait3A_295 = arith.constant 0 : i32
        %dma_wait3A_296 = tpu.memref_slice %arg4[%dma_wait3A_289, %dma_wait3A_294, %dma_wait3A_295] : memref<50x64x4096xf32, #tpu.memory_space<hbm>> -> memref<1x64x128xf32, #tpu.memory_space<hbm>>
        %dma_wait3A_297 = tpu.memref_squeeze %dma_wait3A_296 : memref<1x64x128xf32, #tpu.memory_space<hbm>> -> memref<64x128xf32, #tpu.memory_space<hbm>>
        %dma_wait3A_298 = arith.constant 0 : i32
        %dma_wait3A_299 = arith.constant 0 : i32
        %dma_wait3A_300 = tpu.memref_slice %arg4[%dma_wait3A_289, %dma_wait3A_298, %dma_wait3A_299] : memref<50x64x4096xf32, #tpu.memory_space<hbm>> -> memref<1x64x128xf32, #tpu.memory_space<hbm>>
        %dma_wait3A_301 = tpu.memref_squeeze %dma_wait3A_300 : memref<1x64x128xf32, #tpu.memory_space<hbm>> -> memref<64x128xf32, #tpu.memory_space<hbm>>
        %dma_wait3A_302 = arith.constant 0 : i32
        %dma_wait3A_303 = arith.constant 0 : i32
        %dma_wait3A_304 = tpu.memref_slice %arg8[%dma_wait3A_288, %dma_wait3A_302, %dma_wait3A_303] : memref<2x64x129xf32, #tpu.memory_space<vmem>> -> memref<1x64x128xf32, #tpu.memory_space<vmem>>
        %dma_wait3A_305 = tpu.memref_squeeze %dma_wait3A_304 : memref<1x64x128xf32, #tpu.memory_space<vmem>> -> memref<64x128xf32, #tpu.memory_space<vmem>>
        tpu.wait_dma2 semaphore(%arg10 : memref<!tpu.dma_semaphore, #tpu.memory_space<semaphore_mem>>) src(%dma_wait3A_305 : memref<64x128xf32, #tpu.memory_space<vmem>>) dst(%dma_wait3A_301 : memref<64x128xf32, #tpu.memory_space<hbm>>)
      } else {
      }
      %rem3A_260 = arith.constant 3 : i32
      %rem3A_261 = arith.remsi %scan3A_243, %rem3A_260 : i32
      %scan3A_262 = arith.constant 0 : i32
      %scan3A_263 = arith.constant 0 : i32
      %scan3A_264 = arith.constant 128 : i32
      %scan3A_265 = arith.addi %scan3A_263, %scan3A_264 : i32
      %scan3A_266 = arith.constant 32 : i32
      scf.for %scan3A_288 = %scan3A_263 to %scan3A_265 step %scan3A_266  : i32 {
        %broadcast_in_dim3A_289 = vector.broadcast %scan3A_288 : i32 to vector<16xi32>
        %get3A = arith.constant 0 : i32
        %get3A_290 = arith.constant 0 : i32
        %get3A_291 = tpu.memref_slice %arg7[%rem3A_261, %get3A, %get3A_290] : memref<3x128x128xf32, #tpu.memory_space<vmem>> -> memref<1x128x128xf32, #tpu.memory_space<vmem>>
        %get3A_292 = tpu.memref_squeeze %get3A_291 : memref<1x128x128xf32, #tpu.memory_space<vmem>> -> memref<128x128xf32, #tpu.memory_space<vmem>>
        %get3A_293 = arith.index_cast %scan3A_288 : i32 to index
        %get3A_294 = arith.constant 0 : index
        %get3A_295 = tpu.vector_load %get3A_292[%get3A_293, %get3A_294] {strides = array<i32>} : memref<128x128xf32, #tpu.memory_space<vmem>>, vector<16xf32>,
        %scatter3A = arith.constant 0 : i32
        %scatter3A_296 = arith.constant 0 : i32
        %scatter3A_297 = tpu.memref_slice %arg8[%rem3A_245, %scatter3A, %scatter3A_296] : memref<2x64x129xf32, #tpu.memory_space<vmem>> -> memref<1x64x129xf32, #tpu.memory_space<vmem>>
        %scatter3A_298 = tpu.memref_squeeze %scatter3A_297 : memref<1x64x129xf32, #tpu.memory_space<vmem>> -> memref<64x129xf32, #tpu.memory_space<vmem>>
        tpu.vector_store_idx %scatter3A_298[%add3A_5, %broadcast_in_dim3A_289], %get3A_295 : memref<64x129xf32, #tpu.memory_space<vmem>>[vector<16xi32>, vector<16xi32>], vector<16xf32>,
        %get3A_299 = arith.constant 0 : i32
        %get3A_300 = arith.constant 0 : i32
        %get3A_301 = tpu.memref_slice %arg7[%rem3A_261, %get3A_299, %get3A_300] : memref<3x128x128xf32, #tpu.memory_space<vmem>> -> memref<1x128x128xf32, #tpu.memory_space<vmem>>
        %get3A_302 = tpu.memref_squeeze %get3A_301 : memref<1x128x128xf32, #tpu.memory_space<vmem>> -> memref<128x128xf32, #tpu.memory_space<vmem>>
        %get3A_303 = arith.index_cast %scan3A_288 : i32 to index
        %get3A_304 = arith.constant 16 : index
        %get3A_305 = tpu.vector_load %get3A_302[%get3A_303, %get3A_304] {strides = array<i32>} : memref<128x128xf32, #tpu.memory_space<vmem>>, vector<16xf32>,
        %scatter3A_306 = arith.constant 0 : i32
        %scatter3A_307 = arith.constant 0 : i32
        %scatter3A_308 = tpu.memref_slice %arg8[%rem3A_245, %scatter3A_306, %scatter3A_307] : memref<2x64x129xf32, #tpu.memory_space<vmem>> -> memref<1x64x129xf32, #tpu.memory_space<vmem>>
        %scatter3A_309 = tpu.memref_squeeze %scatter3A_308 : memref<1x64x129xf32, #tpu.memory_space<vmem>> -> memref<64x129xf32, #tpu.memory_space<vmem>>
        tpu.vector_store_idx %scatter3A_309[%add3A_8, %broadcast_in_dim3A_289], %get3A_305 : memref<64x129xf32, #tpu.memory_space<vmem>>[vector<16xi32>, vector<16xi32>], vector<16xf32>,
        %get3A_310 = arith.constant 0 : i32
        %get3A_311 = arith.constant 0 : i32
        %get3A_312 = tpu.memref_slice %arg7[%rem3A_261, %get3A_310, %get3A_311] : memref<3x128x128xf32, #tpu.memory_space<vmem>> -> memref<1x128x128xf32, #tpu.memory_space<vmem>>
        %get3A_313 = tpu.memref_squeeze %get3A_312 : memref<1x128x128xf32, #tpu.memory_space<vmem>> -> memref<128x128xf32, #tpu.memory_space<vmem>>
        %get3A_314 = arith.index_cast %scan3A_288 : i32 to index
        %get3A_315 = arith.constant 32 : index
        %get3A_316 = tpu.vector_load %get3A_313[%get3A_314, %get3A_315] {strides = array<i32>} : memref<128x128xf32, #tpu.memory_space<vmem>>, vector<16xf32>,
        %scatter3A_317 = arith.constant 0 : i32
        %scatter3A_318 = arith.constant 0 : i32
        %scatter3A_319 = tpu.memref_slice %arg8[%rem3A_245, %scatter3A_317, %scatter3A_318] : memref<2x64x129xf32, #tpu.memory_space<vmem>> -> memref<1x64x129xf32, #tpu.memory_space<vmem>>
        %scatter3A_320 = tpu.memref_squeeze %scatter3A_319 : memref<1x64x129xf32, #tpu.memory_space<vmem>> -> memref<64x129xf32, #tpu.memory_space<vmem>>
        tpu.vector_store_idx %scatter3A_320[%add3A_11, %broadcast_in_dim3A_289], %get3A_316 : memref<64x129xf32, #tpu.memory_space<vmem>>[vector<16xi32>, vector<16xi32>], vector<16xf32>,
        %get3A_321 = arith.constant 0 : i32
        %get3A_322 = arith.constant 0 : i32
        %get3A_323 = tpu.memref_slice %arg7[%rem3A_261, %get3A_321, %get3A_322] : memref<3x128x128xf32, #tpu.memory_space<vmem>> -> memref<1x128x128xf32, #tpu.memory_space<vmem>>
        %get3A_324 = tpu.memref_squeeze %get3A_323 : memref<1x128x128xf32, #tpu.memory_space<vmem>> -> memref<128x128xf32, #tpu.memory_space<vmem>>
        %get3A_325 = arith.index_cast %scan3A_288 : i32 to index
        %get3A_326 = arith.constant 48 : index
        %get3A_327 = tpu.vector_load %get3A_324[%get3A_325, %get3A_326] {strides = array<i32>} : memref<128x128xf32, #tpu.memory_space<vmem>>, vector<16xf32>,
        %scatter3A_328 = arith.constant 0 : i32
        %scatter3A_329 = arith.constant 0 : i32
        %scatter3A_330 = tpu.memref_slice %arg8[%rem3A_245, %scatter3A_328, %scatter3A_329] : memref<2x64x129xf32, #tpu.memory_space<vmem>> -> memref<1x64x129xf32, #tpu.memory_space<vmem>>
        %scatter3A_331 = tpu.memref_squeeze %scatter3A_330 : memref<1x64x129xf32, #tpu.memory_space<vmem>> -> memref<64x129xf32, #tpu.memory_space<vmem>>
        tpu.vector_store_idx %scatter3A_331[%add3A_14, %broadcast_in_dim3A_289], %get3A_327 : memref<64x129xf32, #tpu.memory_space<vmem>>[vector<16xi32>, vector<16xi32>], vector<16xf32>,
        %scan3A_332 = arith.constant 1 : i32
        %scan3A_333 = arith.addi %scan3A_288, %scan3A_332 : i32
        %broadcast_in_dim3A_334 = vector.broadcast %scan3A_333 : i32 to vector<16xi32>
        %get3A_335 = arith.constant 0 : i32
        %get3A_336 = arith.constant 0 : i32
        %get3A_337 = tpu.memref_slice %arg7[%rem3A_261, %get3A_335, %get3A_336] : memref<3x128x128xf32, #tpu.memory_space<vmem>> -> memref<1x128x128xf32, #tpu.memory_space<vmem>>
        %get3A_338 = tpu.memref_squeeze %get3A_337 : memref<1x128x128xf32, #tpu.memory_space<vmem>> -> memref<128x128xf32, #tpu.memory_space<vmem>>
        %get3A_339 = arith.index_cast %scan3A_333 : i32 to index
        %get3A_340 = arith.constant 0 : index
        %get3A_341 = tpu.vector_load %get3A_338[%get3A_339, %get3A_340] {strides = array<i32>} : memref<128x128xf32, #tpu.memory_space<vmem>>, vector<16xf32>,
        %scatter3A_342 = arith.constant 0 : i32
        %scatter3A_343 = arith.constant 0 : i32
        %scatter3A_344 = tpu.memref_slice %arg8[%rem3A_245, %scatter3A_342, %scatter3A_343] : memref<2x64x129xf32, #tpu.memory_space<vmem>> -> memref<1x64x129xf32, #tpu.memory_space<vmem>>
        %scatter3A_345 = tpu.memref_squeeze %scatter3A_344 : memref<1x64x129xf32, #tpu.memory_space<vmem>> -> memref<64x129xf32, #tpu.memory_space<vmem>>
        tpu.vector_store_idx %scatter3A_345[%add3A_5, %broadcast_in_dim3A_334], %get3A_341 : memref<64x129xf32, #tpu.memory_space<vmem>>[vector<16xi32>, vector<16xi32>], vector<16xf32>,
        %get3A_346 = arith.constant 0 : i32
        %get3A_347 = arith.constant 0 : i32
        %get3A_348 = tpu.memref_slice %arg7[%rem3A_261, %get3A_346, %get3A_347] : memref<3x128x128xf32, #tpu.memory_space<vmem>> -> memref<1x128x128xf32, #tpu.memory_space<vmem>>
        %get3A_349 = tpu.memref_squeeze %get3A_348 : memref<1x128x128xf32, #tpu.memory_space<vmem>> -> memref<128x128xf32, #tpu.memory_space<vmem>>
        %get3A_350 = arith.index_cast %scan3A_333 : i32 to index
        %get3A_351 = arith.constant 16 : index
        %get3A_352 = tpu.vector_load %get3A_349[%get3A_350, %get3A_351] {strides = array<i32>} : memref<128x128xf32, #tpu.memory_space<vmem>>, vector<16xf32>,
        %scatter3A_353 = arith.constant 0 : i32
        %scatter3A_354 = arith.constant 0 : i32
        %scatter3A_355 = tpu.memref_slice %arg8[%rem3A_245, %scatter3A_353, %scatter3A_354] : memref<2x64x129xf32, #tpu.memory_space<vmem>> -> memref<1x64x129xf32, #tpu.memory_space<vmem>>
        %scatter3A_356 = tpu.memref_squeeze %scatter3A_355 : memref<1x64x129xf32, #tpu.memory_space<vmem>> -> memref<64x129xf32, #tpu.memory_space<vmem>>
        tpu.vector_store_idx %scatter3A_356[%add3A_8, %broadcast_in_dim3A_334], %get3A_352 : memref<64x129xf32, #tpu.memory_space<vmem>>[vector<16xi32>, vector<16xi32>], vector<16xf32>,
        %get3A_357 = arith.constant 0 : i32
        %get3A_358 = arith.constant 0 : i32
        %get3A_359 = tpu.memref_slice %arg7[%rem3A_261, %get3A_357, %get3A_358] : memref<3x128x128xf32, #tpu.memory_space<vmem>> -> memref<1x128x128xf32, #tpu.memory_space<vmem>>
        %get3A_360 = tpu.memref_squeeze %get3A_359 : memref<1x128x128xf32, #tpu.memory_space<vmem>> -> memref<128x128xf32, #tpu.memory_space<vmem>>
        %get3A_361 = arith.index_cast %scan3A_333 : i32 to index
        %get3A_362 = arith.constant 32 : index
        %get3A_363 = tpu.vector_load %get3A_360[%get3A_361, %get3A_362] {strides = array<i32>} : memref<128x128xf32, #tpu.memory_space<vmem>>, vector<16xf32>,
        %scatter3A_364 = arith.constant 0 : i32
        %scatter3A_365 = arith.constant 0 : i32
        %scatter3A_366 = tpu.memref_slice %arg8[%rem3A_245, %scatter3A_364, %scatter3A_365] : memref<2x64x129xf32, #tpu.memory_space<vmem>> -> memref<1x64x129xf32, #tpu.memory_space<vmem>>
        %scatter3A_367 = tpu.memref_squeeze %scatter3A_366 : memref<1x64x129xf32, #tpu.memory_space<vmem>> -> memref<64x129xf32, #tpu.memory_space<vmem>>
        tpu.vector_store_idx %scatter3A_367[%add3A_11, %broadcast_in_dim3A_334], %get3A_363 : memref<64x129xf32, #tpu.memory_space<vmem>>[vector<16xi32>, vector<16xi32>], vector<16xf32>,
        %get3A_368 = arith.constant 0 : i32
        %get3A_369 = arith.constant 0 : i32
        %get3A_370 = tpu.memref_slice %arg7[%rem3A_261, %get3A_368, %get3A_369] : memref<3x128x128xf32, #tpu.memory_space<vmem>> -> memref<1x128x128xf32, #tpu.memory_space<vmem>>
        %get3A_371 = tpu.memref_squeeze %get3A_370 : memref<1x128x128xf32, #tpu.memory_space<vmem>> -> memref<128x128xf32, #tpu.memory_space<vmem>>
        %get3A_372 = arith.index_cast %scan3A_333 : i32 to index
        %get3A_373 = arith.constant 48 : index
        %get3A_374 = tpu.vector_load %get3A_371[%get3A_372, %get3A_373] {strides = array<i32>} : memref<128x128xf32, #tpu.memory_space<vmem>>, vector<16xf32>,
        %scatter3A_375 = arith.constant 0 : i32
        %scatter3A_376 = arith.constant 0 : i32
        %scatter3A_377 = tpu.memref_slice %arg8[%rem3A_245, %scatter3A_375, %scatter3A_376] : memref<2x64x129xf32, #tpu.memory_space<vmem>> -> memref<1x64x129xf32, #tpu.memory_space<vmem>>
        %scatter3A_378 = tpu.memref_squeeze %scatter3A_377 : memref<1x64x129xf32, #tpu.memory_space<vmem>> -> memref<64x129xf32, #tpu.memory_space<vmem>>
        tpu.vector_store_idx %scatter3A_378[%add3A_14, %broadcast_in_dim3A_334], %get3A_374 : memref<64x129xf32, #tpu.memory_space<vmem>>[vector<16xi32>, vector<16xi32>], vector<16xf32>,
        %scan3A_379 = arith.constant 2 : i32
        %scan3A_380 = arith.addi %scan3A_288, %scan3A_379 : i32
        %broadcast_in_dim3A_381 = vector.broadcast %scan3A_380 : i32 to vector<16xi32>
        %get3A_382 = arith.constant 0 : i32
        %get3A_383 = arith.constant 0 : i32
        %get3A_384 = tpu.memref_slice %arg7[%rem3A_261, %get3A_382, %get3A_383] : memref<3x128x128xf32, #tpu.memory_space<vmem>> -> memref<1x128x128xf32, #tpu.memory_space<vmem>>
        %get3A_385 = tpu.memref_squeeze %get3A_384 : memref<1x128x128xf32, #tpu.memory_space<vmem>> -> memref<128x128xf32, #tpu.memory_space<vmem>>
        %get3A_386 = arith.index_cast %scan3A_380 : i32 to index
        %get3A_387 = arith.constant 0 : index
        %get3A_388 = tpu.vector_load %get3A_385[%get3A_386, %get3A_387] {strides = array<i32>} : memref<128x128xf32, #tpu.memory_space<vmem>>, vector<16xf32>,
        %scatter3A_389 = arith.constant 0 : i32
        %scatter3A_390 = arith.constant 0 : i32
        %scatter3A_391 = tpu.memref_slice %arg8[%rem3A_245, %scatter3A_389, %scatter3A_390] : memref<2x64x129xf32, #tpu.memory_space<vmem>> -> memref<1x64x129xf32, #tpu.memory_space<vmem>>
        %scatter3A_392 = tpu.memref_squeeze %scatter3A_391 : memref<1x64x129xf32, #tpu.memory_space<vmem>> -> memref<64x129xf32, #tpu.memory_space<vmem>>
        tpu.vector_store_idx %scatter3A_392[%add3A_5, %broadcast_in_dim3A_381], %get3A_388 : memref<64x129xf32, #tpu.memory_space<vmem>>[vector<16xi32>, vector<16xi32>], vector<16xf32>,
        %get3A_393 = arith.constant 0 : i32
        %get3A_394 = arith.constant 0 : i32
        %get3A_395 = tpu.memref_slice %arg7[%rem3A_261, %get3A_393, %get3A_394] : memref<3x128x128xf32, #tpu.memory_space<vmem>> -> memref<1x128x128xf32, #tpu.memory_space<vmem>>
        %get3A_396 = tpu.memref_squeeze %get3A_395 : memref<1x128x128xf32, #tpu.memory_space<vmem>> -> memref<128x128xf32, #tpu.memory_space<vmem>>
        %get3A_397 = arith.index_cast %scan3A_380 : i32 to index
        %get3A_398 = arith.constant 16 : index
        %get3A_399 = tpu.vector_load %get3A_396[%get3A_397, %get3A_398] {strides = array<i32>} : memref<128x128xf32, #tpu.memory_space<vmem>>, vector<16xf32>,
        %scatter3A_400 = arith.constant 0 : i32
        %scatter3A_401 = arith.constant 0 : i32
        %scatter3A_402 = tpu.memref_slice %arg8[%rem3A_245, %scatter3A_400, %scatter3A_401] : memref<2x64x129xf32, #tpu.memory_space<vmem>> -> memref<1x64x129xf32, #tpu.memory_space<vmem>>
        %scatter3A_403 = tpu.memref_squeeze %scatter3A_402 : memref<1x64x129xf32, #tpu.memory_space<vmem>> -> memref<64x129xf32, #tpu.memory_space<vmem>>
        tpu.vector_store_idx %scatter3A_403[%add3A_8, %broadcast_in_dim3A_381], %get3A_399 : memref<64x129xf32, #tpu.memory_space<vmem>>[vector<16xi32>, vector<16xi32>], vector<16xf32>,
        %get3A_404 = arith.constant 0 : i32
        %get3A_405 = arith.constant 0 : i32
        %get3A_406 = tpu.memref_slice %arg7[%rem3A_261, %get3A_404, %get3A_405] : memref<3x128x128xf32, #tpu.memory_space<vmem>> -> memref<1x128x128xf32, #tpu.memory_space<vmem>>
        %get3A_407 = tpu.memref_squeeze %get3A_406 : memref<1x128x128xf32, #tpu.memory_space<vmem>> -> memref<128x128xf32, #tpu.memory_space<vmem>>
        %get3A_408 = arith.index_cast %scan3A_380 : i32 to index
        %get3A_409 = arith.constant 32 : index
        %get3A_410 = tpu.vector_load %get3A_407[%get3A_408, %get3A_409] {strides = array<i32>} : memref<128x128xf32, #tpu.memory_space<vmem>>, vector<16xf32>,
        %scatter3A_411 = arith.constant 0 : i32
        %scatter3A_412 = arith.constant 0 : i32
        %scatter3A_413 = tpu.memref_slice %arg8[%rem3A_245, %scatter3A_411, %scatter3A_412] : memref<2x64x129xf32, #tpu.memory_space<vmem>> -> memref<1x64x129xf32, #tpu.memory_space<vmem>>
        %scatter3A_414 = tpu.memref_squeeze %scatter3A_413 : memref<1x64x129xf32, #tpu.memory_space<vmem>> -> memref<64x129xf32, #tpu.memory_space<vmem>>
        tpu.vector_store_idx %scatter3A_414[%add3A_11, %broadcast_in_dim3A_381], %get3A_410 : memref<64x129xf32, #tpu.memory_space<vmem>>[vector<16xi32>, vector<16xi32>], vector<16xf32>,
        %get3A_415 = arith.constant 0 : i32
        %get3A_416 = arith.constant 0 : i32
        %get3A_417 = tpu.memref_slice %arg7[%rem3A_261, %get3A_415, %get3A_416] : memref<3x128x128xf32, #tpu.memory_space<vmem>> -> memref<1x128x128xf32, #tpu.memory_space<vmem>>
        %get3A_418 = tpu.memref_squeeze %get3A_417 : memref<1x128x128xf32, #tpu.memory_space<vmem>> -> memref<128x128xf32, #tpu.memory_space<vmem>>
        %get3A_419 = arith.index_cast %scan3A_380 : i32 to index
        %get3A_420 = arith.constant 48 : index
        %get3A_421 = tpu.vector_load %get3A_418[%get3A_419, %get3A_420] {strides = array<i32>} : memref<128x128xf32, #tpu.memory_space<vmem>>, vector<16xf32>,
        %scatter3A_422 = arith.constant 0 : i32
        %scatter3A_423 = arith.constant 0 : i32
        %scatter3A_424 = tpu.memref_slice %arg8[%rem3A_245, %scatter3A_422, %scatter3A_423] : memref<2x64x129xf32, #tpu.memory_space<vmem>> -> memref<1x64x129xf32, #tpu.memory_space<vmem>>
        %scatter3A_425 = tpu.memref_squeeze %scatter3A_424 : memref<1x64x129xf32, #tpu.memory_space<vmem>> -> memref<64x129xf32, #tpu.memory_space<vmem>>
        tpu.vector_store_idx %scatter3A_425[%add3A_14, %broadcast_in_dim3A_381], %get3A_421 : memref<64x129xf32, #tpu.memory_space<vmem>>[vector<16xi32>, vector<16xi32>], vector<16xf32>,
        %scan3A_426 = arith.constant 3 : i32
        %scan3A_427 = arith.addi %scan3A_288, %scan3A_426 : i32
        %broadcast_in_dim3A_428 = vector.broadcast %scan3A_427 : i32 to vector<16xi32>
        %get3A_429 = arith.constant 0 : i32
        %get3A_430 = arith.constant 0 : i32
        %get3A_431 = tpu.memref_slice %arg7[%rem3A_261, %get3A_429, %get3A_430] : memref<3x128x128xf32, #tpu.memory_space<vmem>> -> memref<1x128x128xf32, #tpu.memory_space<vmem>>
        %get3A_432 = tpu.memref_squeeze %get3A_431 : memref<1x128x128xf32, #tpu.memory_space<vmem>> -> memref<128x128xf32, #tpu.memory_space<vmem>>
        %get3A_433 = arith.index_cast %scan3A_427 : i32 to index
        %get3A_434 = arith.constant 0 : index
        %get3A_435 = tpu.vector_load %get3A_432[%get3A_433, %get3A_434] {strides = array<i32>} : memref<128x128xf32, #tpu.memory_space<vmem>>, vector<16xf32>,
        %scatter3A_436 = arith.constant 0 : i32
        %scatter3A_437 = arith.constant 0 : i32
        %scatter3A_438 = tpu.memref_slice %arg8[%rem3A_245, %scatter3A_436, %scatter3A_437] : memref<2x64x129xf32, #tpu.memory_space<vmem>> -> memref<1x64x129xf32, #tpu.memory_space<vmem>>
        %scatter3A_439 = tpu.memref_squeeze %scatter3A_438 : memref<1x64x129xf32, #tpu.memory_space<vmem>> -> memref<64x129xf32, #tpu.memory_space<vmem>>
        tpu.vector_store_idx %scatter3A_439[%add3A_5, %broadcast_in_dim3A_428], %get3A_435 : memref<64x129xf32, #tpu.memory_space<vmem>>[vector<16xi32>, vector<16xi32>], vector<16xf32>,
        %get3A_440 = arith.constant 0 : i32
        %get3A_441 = arith.constant 0 : i32
        %get3A_442 = tpu.memref_slice %arg7[%rem3A_261, %get3A_440, %get3A_441] : memref<3x128x128xf32, #tpu.memory_space<vmem>> -> memref<1x128x128xf32, #tpu.memory_space<vmem>>
        %get3A_443 = tpu.memref_squeeze %get3A_442 : memref<1x128x128xf32, #tpu.memory_space<vmem>> -> memref<128x128xf32, #tpu.memory_space<vmem>>
        %get3A_444 = arith.index_cast %scan3A_427 : i32 to index
        %get3A_445 = arith.constant 16 : index
        %get3A_446 = tpu.vector_load %get3A_443[%get3A_444, %get3A_445] {strides = array<i32>} : memref<128x128xf32, #tpu.memory_space<vmem>>, vector<16xf32>,
        %scatter3A_447 = arith.constant 0 : i32
        %scatter3A_448 = arith.constant 0 : i32
        %scatter3A_449 = tpu.memref_slice %arg8[%rem3A_245, %scatter3A_447, %scatter3A_448] : memref<2x64x129xf32, #tpu.memory_space<vmem>> -> memref<1x64x129xf32, #tpu.memory_space<vmem>>
        %scatter3A_450 = tpu.memref_squeeze %scatter3A_449 : memref<1x64x129xf32, #tpu.memory_space<vmem>> -> memref<64x129xf32, #tpu.memory_space<vmem>>
        tpu.vector_store_idx %scatter3A_450[%add3A_8, %broadcast_in_dim3A_428], %get3A_446 : memref<64x129xf32, #tpu.memory_space<vmem>>[vector<16xi32>, vector<16xi32>], vector<16xf32>,
        %get3A_451 = arith.constant 0 : i32
        %get3A_452 = arith.constant 0 : i32
        %get3A_453 = tpu.memref_slice %arg7[%rem3A_261, %get3A_451, %get3A_452] : memref<3x128x128xf32, #tpu.memory_space<vmem>> -> memref<1x128x128xf32, #tpu.memory_space<vmem>>
        %get3A_454 = tpu.memref_squeeze %get3A_453 : memref<1x128x128xf32, #tpu.memory_space<vmem>> -> memref<128x128xf32, #tpu.memory_space<vmem>>
        %get3A_455 = arith.index_cast %scan3A_427 : i32 to index
        %get3A_456 = arith.constant 32 : index
        %get3A_457 = tpu.vector_load %get3A_454[%get3A_455, %get3A_456] {strides = array<i32>} : memref<128x128xf32, #tpu.memory_space<vmem>>, vector<16xf32>,
        %scatter3A_458 = arith.constant 0 : i32
        %scatter3A_459 = arith.constant 0 : i32
        %scatter3A_460 = tpu.memref_slice %arg8[%rem3A_245, %scatter3A_458, %scatter3A_459] : memref<2x64x129xf32, #tpu.memory_space<vmem>> -> memref<1x64x129xf32, #tpu.memory_space<vmem>>
        %scatter3A_461 = tpu.memref_squeeze %scatter3A_460 : memref<1x64x129xf32, #tpu.memory_space<vmem>> -> memref<64x129xf32, #tpu.memory_space<vmem>>
        tpu.vector_store_idx %scatter3A_461[%add3A_11, %broadcast_in_dim3A_428], %get3A_457 : memref<64x129xf32, #tpu.memory_space<vmem>>[vector<16xi32>, vector<16xi32>], vector<16xf32>,
        %get3A_462 = arith.constant 0 : i32
        %get3A_463 = arith.constant 0 : i32
        %get3A_464 = tpu.memref_slice %arg7[%rem3A_261, %get3A_462, %get3A_463] : memref<3x128x128xf32, #tpu.memory_space<vmem>> -> memref<1x128x128xf32, #tpu.memory_space<vmem>>
        %get3A_465 = tpu.memref_squeeze %get3A_464 : memref<1x128x128xf32, #tpu.memory_space<vmem>> -> memref<128x128xf32, #tpu.memory_space<vmem>>
        %get3A_466 = arith.index_cast %scan3A_427 : i32 to index
        %get3A_467 = arith.constant 48 : index
        %get3A_468 = tpu.vector_load %get3A_465[%get3A_466, %get3A_467] {strides = array<i32>} : memref<128x128xf32, #tpu.memory_space<vmem>>, vector<16xf32>,
        %scatter3A_469 = arith.constant 0 : i32
        %scatter3A_470 = arith.constant 0 : i32
        %scatter3A_471 = tpu.memref_slice %arg8[%rem3A_245, %scatter3A_469, %scatter3A_470] : memref<2x64x129xf32, #tpu.memory_space<vmem>> -> memref<1x64x129xf32, #tpu.memory_space<vmem>>
        %scatter3A_472 = tpu.memref_squeeze %scatter3A_471 : memref<1x64x129xf32, #tpu.memory_space<vmem>> -> memref<64x129xf32, #tpu.memory_space<vmem>>
        tpu.vector_store_idx %scatter3A_472[%add3A_14, %broadcast_in_dim3A_428], %get3A_468 : memref<64x129xf32, #tpu.memory_space<vmem>>[vector<16xi32>, vector<16xi32>], vector<16xf32>,
        %scan3A_473 = arith.constant 4 : i32
        %scan3A_474 = arith.addi %scan3A_288, %scan3A_473 : i32
        %broadcast_in_dim3A_475 = vector.broadcast %scan3A_474 : i32 to vector<16xi32>
        %get3A_476 = arith.constant 0 : i32
        %get3A_477 = arith.constant 0 : i32
        %get3A_478 = tpu.memref_slice %arg7[%rem3A_261, %get3A_476, %get3A_477] : memref<3x128x128xf32, #tpu.memory_space<vmem>> -> memref<1x128x128xf32, #tpu.memory_space<vmem>>
        %get3A_479 = tpu.memref_squeeze %get3A_478 : memref<1x128x128xf32, #tpu.memory_space<vmem>> -> memref<128x128xf32, #tpu.memory_space<vmem>>
        %get3A_480 = arith.index_cast %scan3A_474 : i32 to index
        %get3A_481 = arith.constant 0 : index
        %get3A_482 = tpu.vector_load %get3A_479[%get3A_480, %get3A_481] {strides = array<i32>} : memref<128x128xf32, #tpu.memory_space<vmem>>, vector<16xf32>,
        %scatter3A_483 = arith.constant 0 : i32
        %scatter3A_484 = arith.constant 0 : i32
        %scatter3A_485 = tpu.memref_slice %arg8[%rem3A_245, %scatter3A_483, %scatter3A_484] : memref<2x64x129xf32, #tpu.memory_space<vmem>> -> memref<1x64x129xf32, #tpu.memory_space<vmem>>
        %scatter3A_486 = tpu.memref_squeeze %scatter3A_485 : memref<1x64x129xf32, #tpu.memory_space<vmem>> -> memref<64x129xf32, #tpu.memory_space<vmem>>
        tpu.vector_store_idx %scatter3A_486[%add3A_5, %broadcast_in_dim3A_475], %get3A_482 : memref<64x129xf32, #tpu.memory_space<vmem>>[vector<16xi32>, vector<16xi32>], vector<16xf32>,
        %get3A_487 = arith.constant 0 : i32
        %get3A_488 = arith.constant 0 : i32
        %get3A_489 = tpu.memref_slice %arg7[%rem3A_261, %get3A_487, %get3A_488] : memref<3x128x128xf32, #tpu.memory_space<vmem>> -> memref<1x128x128xf32, #tpu.memory_space<vmem>>
        %get3A_490 = tpu.memref_squeeze %get3A_489 : memref<1x128x128xf32, #tpu.memory_space<vmem>> -> memref<128x128xf32, #tpu.memory_space<vmem>>
        %get3A_491 = arith.index_cast %scan3A_474 : i32 to index
        %get3A_492 = arith.constant 16 : index
        %get3A_493 = tpu.vector_load %get3A_490[%get3A_491, %get3A_492] {strides = array<i32>} : memref<128x128xf32, #tpu.memory_space<vmem>>, vector<16xf32>,
        %scatter3A_494 = arith.constant 0 : i32
        %scatter3A_495 = arith.constant 0 : i32
        %scatter3A_496 = tpu.memref_slice %arg8[%rem3A_245, %scatter3A_494, %scatter3A_495] : memref<2x64x129xf32, #tpu.memory_space<vmem>> -> memref<1x64x129xf32, #tpu.memory_space<vmem>>
        %scatter3A_497 = tpu.memref_squeeze %scatter3A_496 : memref<1x64x129xf32, #tpu.memory_space<vmem>> -> memref<64x129xf32, #tpu.memory_space<vmem>>
        tpu.vector_store_idx %scatter3A_497[%add3A_8, %broadcast_in_dim3A_475], %get3A_493 : memref<64x129xf32, #tpu.memory_space<vmem>>[vector<16xi32>, vector<16xi32>], vector<16xf32>,
        %get3A_498 = arith.constant 0 : i32
        %get3A_499 = arith.constant 0 : i32
        %get3A_500 = tpu.memref_slice %arg7[%rem3A_261, %get3A_498, %get3A_499] : memref<3x128x128xf32, #tpu.memory_space<vmem>> -> memref<1x128x128xf32, #tpu.memory_space<vmem>>
        %get3A_501 = tpu.memref_squeeze %get3A_500 : memref<1x128x128xf32, #tpu.memory_space<vmem>> -> memref<128x128xf32, #tpu.memory_space<vmem>>
        %get3A_502 = arith.index_cast %scan3A_474 : i32 to index
        %get3A_503 = arith.constant 32 : index
        %get3A_504 = tpu.vector_load %get3A_501[%get3A_502, %get3A_503] {strides = array<i32>} : memref<128x128xf32, #tpu.memory_space<vmem>>, vector<16xf32>,
        %scatter3A_505 = arith.constant 0 : i32
        %scatter3A_506 = arith.constant 0 : i32
        %scatter3A_507 = tpu.memref_slice %arg8[%rem3A_245, %scatter3A_505, %scatter3A_506] : memref<2x64x129xf32, #tpu.memory_space<vmem>> -> memref<1x64x129xf32, #tpu.memory_space<vmem>>
        %scatter3A_508 = tpu.memref_squeeze %scatter3A_507 : memref<1x64x129xf32, #tpu.memory_space<vmem>> -> memref<64x129xf32, #tpu.memory_space<vmem>>
        tpu.vector_store_idx %scatter3A_508[%add3A_11, %broadcast_in_dim3A_475], %get3A_504 : memref<64x129xf32, #tpu.memory_space<vmem>>[vector<16xi32>, vector<16xi32>], vector<16xf32>,
        %get3A_509 = arith.constant 0 : i32
        %get3A_510 = arith.constant 0 : i32
        %get3A_511 = tpu.memref_slice %arg7[%rem3A_261, %get3A_509, %get3A_510] : memref<3x128x128xf32, #tpu.memory_space<vmem>> -> memref<1x128x128xf32, #tpu.memory_space<vmem>>
        %get3A_512 = tpu.memref_squeeze %get3A_511 : memref<1x128x128xf32, #tpu.memory_space<vmem>> -> memref<128x128xf32, #tpu.memory_space<vmem>>
        %get3A_513 = arith.index_cast %scan3A_474 : i32 to index
        %get3A_514 = arith.constant 48 : index
        %get3A_515 = tpu.vector_load %get3A_512[%get3A_513, %get3A_514] {strides = array<i32>} : memref<128x128xf32, #tpu.memory_space<vmem>>, vector<16xf32>,
        %scatter3A_516 = arith.constant 0 : i32
        %scatter3A_517 = arith.constant 0 : i32
        %scatter3A_518 = tpu.memref_slice %arg8[%rem3A_245, %scatter3A_516, %scatter3A_517] : memref<2x64x129xf32, #tpu.memory_space<vmem>> -> memref<1x64x129xf32, #tpu.memory_space<vmem>>
        %scatter3A_519 = tpu.memref_squeeze %scatter3A_518 : memref<1x64x129xf32, #tpu.memory_space<vmem>> -> memref<64x129xf32, #tpu.memory_space<vmem>>
        tpu.vector_store_idx %scatter3A_519[%add3A_14, %broadcast_in_dim3A_475], %get3A_515 : memref<64x129xf32, #tpu.memory_space<vmem>>[vector<16xi32>, vector<16xi32>], vector<16xf32>,
        %scan3A_520 = arith.constant 5 : i32
        %scan3A_521 = arith.addi %scan3A_288, %scan3A_520 : i32
        %broadcast_in_dim3A_522 = vector.broadcast %scan3A_521 : i32 to vector<16xi32>
        %get3A_523 = arith.constant 0 : i32
        %get3A_524 = arith.constant 0 : i32
        %get3A_525 = tpu.memref_slice %arg7[%rem3A_261, %get3A_523, %get3A_524] : memref<3x128x128xf32, #tpu.memory_space<vmem>> -> memref<1x128x128xf32, #tpu.memory_space<vmem>>
        %get3A_526 = tpu.memref_squeeze %get3A_525 : memref<1x128x128xf32, #tpu.memory_space<vmem>> -> memref<128x128xf32, #tpu.memory_space<vmem>>
        %get3A_527 = arith.index_cast %scan3A_521 : i32 to index
        %get3A_528 = arith.constant 0 : index
        %get3A_529 = tpu.vector_load %get3A_526[%get3A_527, %get3A_528] {strides = array<i32>} : memref<128x128xf32, #tpu.memory_space<vmem>>, vector<16xf32>,
        %scatter3A_530 = arith.constant 0 : i32
        %scatter3A_531 = arith.constant 0 : i32
        %scatter3A_532 = tpu.memref_slice %arg8[%rem3A_245, %scatter3A_530, %scatter3A_531] : memref<2x64x129xf32, #tpu.memory_space<vmem>> -> memref<1x64x129xf32, #tpu.memory_space<vmem>>
        %scatter3A_533 = tpu.memref_squeeze %scatter3A_532 : memref<1x64x129xf32, #tpu.memory_space<vmem>> -> memref<64x129xf32, #tpu.memory_space<vmem>>
        tpu.vector_store_idx %scatter3A_533[%add3A_5, %broadcast_in_dim3A_522], %get3A_529 : memref<64x129xf32, #tpu.memory_space<vmem>>[vector<16xi32>, vector<16xi32>], vector<16xf32>,
        %get3A_534 = arith.constant 0 : i32
        %get3A_535 = arith.constant 0 : i32
        %get3A_536 = tpu.memref_slice %arg7[%rem3A_261, %get3A_534, %get3A_535] : memref<3x128x128xf32, #tpu.memory_space<vmem>> -> memref<1x128x128xf32, #tpu.memory_space<vmem>>
        %get3A_537 = tpu.memref_squeeze %get3A_536 : memref<1x128x128xf32, #tpu.memory_space<vmem>> -> memref<128x128xf32, #tpu.memory_space<vmem>>
        %get3A_538 = arith.index_cast %scan3A_521 : i32 to index
        %get3A_539 = arith.constant 16 : index
        %get3A_540 = tpu.vector_load %get3A_537[%get3A_538, %get3A_539] {strides = array<i32>} : memref<128x128xf32, #tpu.memory_space<vmem>>, vector<16xf32>,
        %scatter3A_541 = arith.constant 0 : i32
        %scatter3A_542 = arith.constant 0 : i32
        %scatter3A_543 = tpu.memref_slice %arg8[%rem3A_245, %scatter3A_541, %scatter3A_542] : memref<2x64x129xf32, #tpu.memory_space<vmem>> -> memref<1x64x129xf32, #tpu.memory_space<vmem>>
        %scatter3A_544 = tpu.memref_squeeze %scatter3A_543 : memref<1x64x129xf32, #tpu.memory_space<vmem>> -> memref<64x129xf32, #tpu.memory_space<vmem>>
        tpu.vector_store_idx %scatter3A_544[%add3A_8, %broadcast_in_dim3A_522], %get3A_540 : memref<64x129xf32, #tpu.memory_space<vmem>>[vector<16xi32>, vector<16xi32>], vector<16xf32>,
        %get3A_545 = arith.constant 0 : i32
        %get3A_546 = arith.constant 0 : i32
        %get3A_547 = tpu.memref_slice %arg7[%rem3A_261, %get3A_545, %get3A_546] : memref<3x128x128xf32, #tpu.memory_space<vmem>> -> memref<1x128x128xf32, #tpu.memory_space<vmem>>
        %get3A_548 = tpu.memref_squeeze %get3A_547 : memref<1x128x128xf32, #tpu.memory_space<vmem>> -> memref<128x128xf32, #tpu.memory_space<vmem>>
        %get3A_549 = arith.index_cast %scan3A_521 : i32 to index
        %get3A_550 = arith.constant 32 : index
        %get3A_551 = tpu.vector_load %get3A_548[%get3A_549, %get3A_550] {strides = array<i32>} : memref<128x128xf32, #tpu.memory_space<vmem>>, vector<16xf32>,
        %scatter3A_552 = arith.constant 0 : i32
        %scatter3A_553 = arith.constant 0 : i32
        %scatter3A_554 = tpu.memref_slice %arg8[%rem3A_245, %scatter3A_552, %scatter3A_553] : memref<2x64x129xf32, #tpu.memory_space<vmem>> -> memref<1x64x129xf32, #tpu.memory_space<vmem>>
        %scatter3A_555 = tpu.memref_squeeze %scatter3A_554 : memref<1x64x129xf32, #tpu.memory_space<vmem>> -> memref<64x129xf32, #tpu.memory_space<vmem>>
        tpu.vector_store_idx %scatter3A_555[%add3A_11, %broadcast_in_dim3A_522], %get3A_551 : memref<64x129xf32, #tpu.memory_space<vmem>>[vector<16xi32>, vector<16xi32>], vector<16xf32>,
        %get3A_556 = arith.constant 0 : i32
        %get3A_557 = arith.constant 0 : i32
        %get3A_558 = tpu.memref_slice %arg7[%rem3A_261, %get3A_556, %get3A_557] : memref<3x128x128xf32, #tpu.memory_space<vmem>> -> memref<1x128x128xf32, #tpu.memory_space<vmem>>
        %get3A_559 = tpu.memref_squeeze %get3A_558 : memref<1x128x128xf32, #tpu.memory_space<vmem>> -> memref<128x128xf32, #tpu.memory_space<vmem>>
        %get3A_560 = arith.index_cast %scan3A_521 : i32 to index
        %get3A_561 = arith.constant 48 : index
        %get3A_562 = tpu.vector_load %get3A_559[%get3A_560, %get3A_561] {strides = array<i32>} : memref<128x128xf32, #tpu.memory_space<vmem>>, vector<16xf32>,
        %scatter3A_563 = arith.constant 0 : i32
        %scatter3A_564 = arith.constant 0 : i32
        %scatter3A_565 = tpu.memref_slice %arg8[%rem3A_245, %scatter3A_563, %scatter3A_564] : memref<2x64x129xf32, #tpu.memory_space<vmem>> -> memref<1x64x129xf32, #tpu.memory_space<vmem>>
        %scatter3A_566 = tpu.memref_squeeze %scatter3A_565 : memref<1x64x129xf32, #tpu.memory_space<vmem>> -> memref<64x129xf32, #tpu.memory_space<vmem>>
        tpu.vector_store_idx %scatter3A_566[%add3A_14, %broadcast_in_dim3A_522], %get3A_562 : memref<64x129xf32, #tpu.memory_space<vmem>>[vector<16xi32>, vector<16xi32>], vector<16xf32>,
        %scan3A_567 = arith.constant 6 : i32
        %scan3A_568 = arith.addi %scan3A_288, %scan3A_567 : i32
        %broadcast_in_dim3A_569 = vector.broadcast %scan3A_568 : i32 to vector<16xi32>
        %get3A_570 = arith.constant 0 : i32
        %get3A_571 = arith.constant 0 : i32
        %get3A_572 = tpu.memref_slice %arg7[%rem3A_261, %get3A_570, %get3A_571] : memref<3x128x128xf32, #tpu.memory_space<vmem>> -> memref<1x128x128xf32, #tpu.memory_space<vmem>>
        %get3A_573 = tpu.memref_squeeze %get3A_572 : memref<1x128x128xf32, #tpu.memory_space<vmem>> -> memref<128x128xf32, #tpu.memory_space<vmem>>
        %get3A_574 = arith.index_cast %scan3A_568 : i32 to index
        %get3A_575 = arith.constant 0 : index
        %get3A_576 = tpu.vector_load %get3A_573[%get3A_574, %get3A_575] {strides = array<i32>} : memref<128x128xf32, #tpu.memory_space<vmem>>, vector<16xf32>,
        %scatter3A_577 = arith.constant 0 : i32
        %scatter3A_578 = arith.constant 0 : i32
        %scatter3A_579 = tpu.memref_slice %arg8[%rem3A_245, %scatter3A_577, %scatter3A_578] : memref<2x64x129xf32, #tpu.memory_space<vmem>> -> memref<1x64x129xf32, #tpu.memory_space<vmem>>
        %scatter3A_580 = tpu.memref_squeeze %scatter3A_579 : memref<1x64x129xf32, #tpu.memory_space<vmem>> -> memref<64x129xf32, #tpu.memory_space<vmem>>
        tpu.vector_store_idx %scatter3A_580[%add3A_5, %broadcast_in_dim3A_569], %get3A_576 : memref<64x129xf32, #tpu.memory_space<vmem>>[vector<16xi32>, vector<16xi32>], vector<16xf32>,
        %get3A_581 = arith.constant 0 : i32
        %get3A_582 = arith.constant 0 : i32
        %get3A_583 = tpu.memref_slice %arg7[%rem3A_261, %get3A_581, %get3A_582] : memref<3x128x128xf32, #tpu.memory_space<vmem>> -> memref<1x128x128xf32, #tpu.memory_space<vmem>>
        %get3A_584 = tpu.memref_squeeze %get3A_583 : memref<1x128x128xf32, #tpu.memory_space<vmem>> -> memref<128x128xf32, #tpu.memory_space<vmem>>
        %get3A_585 = arith.index_cast %scan3A_568 : i32 to index
        %get3A_586 = arith.constant 16 : index
        %get3A_587 = tpu.vector_load %get3A_584[%get3A_585, %get3A_586] {strides = array<i32>} : memref<128x128xf32, #tpu.memory_space<vmem>>, vector<16xf32>,
        %scatter3A_588 = arith.constant 0 : i32
        %scatter3A_589 = arith.constant 0 : i32
        %scatter3A_590 = tpu.memref_slice %arg8[%rem3A_245, %scatter3A_588, %scatter3A_589] : memref<2x64x129xf32, #tpu.memory_space<vmem>> -> memref<1x64x129xf32, #tpu.memory_space<vmem>>
        %scatter3A_591 = tpu.memref_squeeze %scatter3A_590 : memref<1x64x129xf32, #tpu.memory_space<vmem>> -> memref<64x129xf32, #tpu.memory_space<vmem>>
        tpu.vector_store_idx %scatter3A_591[%add3A_8, %broadcast_in_dim3A_569], %get3A_587 : memref<64x129xf32, #tpu.memory_space<vmem>>[vector<16xi32>, vector<16xi32>], vector<16xf32>,
        %get3A_592 = arith.constant 0 : i32
        %get3A_593 = arith.constant 0 : i32
        %get3A_594 = tpu.memref_slice %arg7[%rem3A_261, %get3A_592, %get3A_593] : memref<3x128x128xf32, #tpu.memory_space<vmem>> -> memref<1x128x128xf32, #tpu.memory_space<vmem>>
        %get3A_595 = tpu.memref_squeeze %get3A_594 : memref<1x128x128xf32, #tpu.memory_space<vmem>> -> memref<128x128xf32, #tpu.memory_space<vmem>>
        %get3A_596 = arith.index_cast %scan3A_568 : i32 to index
        %get3A_597 = arith.constant 32 : index
        %get3A_598 = tpu.vector_load %get3A_595[%get3A_596, %get3A_597] {strides = array<i32>} : memref<128x128xf32, #tpu.memory_space<vmem>>, vector<16xf32>,
        %scatter3A_599 = arith.constant 0 : i32
        %scatter3A_600 = arith.constant 0 : i32
        %scatter3A_601 = tpu.memref_slice %arg8[%rem3A_245, %scatter3A_599, %scatter3A_600] : memref<2x64x129xf32, #tpu.memory_space<vmem>> -> memref<1x64x129xf32, #tpu.memory_space<vmem>>
        %scatter3A_602 = tpu.memref_squeeze %scatter3A_601 : memref<1x64x129xf32, #tpu.memory_space<vmem>> -> memref<64x129xf32, #tpu.memory_space<vmem>>
        tpu.vector_store_idx %scatter3A_602[%add3A_11, %broadcast_in_dim3A_569], %get3A_598 : memref<64x129xf32, #tpu.memory_space<vmem>>[vector<16xi32>, vector<16xi32>], vector<16xf32>,
        %get3A_603 = arith.constant 0 : i32
        %get3A_604 = arith.constant 0 : i32
        %get3A_605 = tpu.memref_slice %arg7[%rem3A_261, %get3A_603, %get3A_604] : memref<3x128x128xf32, #tpu.memory_space<vmem>> -> memref<1x128x128xf32, #tpu.memory_space<vmem>>
        %get3A_606 = tpu.memref_squeeze %get3A_605 : memref<1x128x128xf32, #tpu.memory_space<vmem>> -> memref<128x128xf32, #tpu.memory_space<vmem>>
        %get3A_607 = arith.index_cast %scan3A_568 : i32 to index
        %get3A_608 = arith.constant 48 : index
        %get3A_609 = tpu.vector_load %get3A_606[%get3A_607, %get3A_608] {strides = array<i32>} : memref<128x128xf32, #tpu.memory_space<vmem>>, vector<16xf32>,
        %scatter3A_610 = arith.constant 0 : i32
        %scatter3A_611 = arith.constant 0 : i32
        %scatter3A_612 = tpu.memref_slice %arg8[%rem3A_245, %scatter3A_610, %scatter3A_611] : memref<2x64x129xf32, #tpu.memory_space<vmem>> -> memref<1x64x129xf32, #tpu.memory_space<vmem>>
        %scatter3A_613 = tpu.memref_squeeze %scatter3A_612 : memref<1x64x129xf32, #tpu.memory_space<vmem>> -> memref<64x129xf32, #tpu.memory_space<vmem>>
        tpu.vector_store_idx %scatter3A_613[%add3A_14, %broadcast_in_dim3A_569], %get3A_609 : memref<64x129xf32, #tpu.memory_space<vmem>>[vector<16xi32>, vector<16xi32>], vector<16xf32>,
        %scan3A_614 = arith.constant 7 : i32
        %scan3A_615 = arith.addi %scan3A_288, %scan3A_614 : i32
        %broadcast_in_dim3A_616 = vector.broadcast %scan3A_615 : i32 to vector<16xi32>
        %get3A_617 = arith.constant 0 : i32
        %get3A_618 = arith.constant 0 : i32
        %get3A_619 = tpu.memref_slice %arg7[%rem3A_261, %get3A_617, %get3A_618] : memref<3x128x128xf32, #tpu.memory_space<vmem>> -> memref<1x128x128xf32, #tpu.memory_space<vmem>>
        %get3A_620 = tpu.memref_squeeze %get3A_619 : memref<1x128x128xf32, #tpu.memory_space<vmem>> -> memref<128x128xf32, #tpu.memory_space<vmem>>
        %get3A_621 = arith.index_cast %scan3A_615 : i32 to index
        %get3A_622 = arith.constant 0 : index
        %get3A_623 = tpu.vector_load %get3A_620[%get3A_621, %get3A_622] {strides = array<i32>} : memref<128x128xf32, #tpu.memory_space<vmem>>, vector<16xf32>,
        %scatter3A_624 = arith.constant 0 : i32
        %scatter3A_625 = arith.constant 0 : i32
        %scatter3A_626 = tpu.memref_slice %arg8[%rem3A_245, %scatter3A_624, %scatter3A_625] : memref<2x64x129xf32, #tpu.memory_space<vmem>> -> memref<1x64x129xf32, #tpu.memory_space<vmem>>
        %scatter3A_627 = tpu.memref_squeeze %scatter3A_626 : memref<1x64x129xf32, #tpu.memory_space<vmem>> -> memref<64x129xf32, #tpu.memory_space<vmem>>
        tpu.vector_store_idx %scatter3A_627[%add3A_5, %broadcast_in_dim3A_616], %get3A_623 : memref<64x129xf32, #tpu.memory_space<vmem>>[vector<16xi32>, vector<16xi32>], vector<16xf32>,
        %get3A_628 = arith.constant 0 : i32
        %get3A_629 = arith.constant 0 : i32
        %get3A_630 = tpu.memref_slice %arg7[%rem3A_261, %get3A_628, %get3A_629] : memref<3x128x128xf32, #tpu.memory_space<vmem>> -> memref<1x128x128xf32, #tpu.memory_space<vmem>>
        %get3A_631 = tpu.memref_squeeze %get3A_630 : memref<1x128x128xf32, #tpu.memory_space<vmem>> -> memref<128x128xf32, #tpu.memory_space<vmem>>
        %get3A_632 = arith.index_cast %scan3A_615 : i32 to index
        %get3A_633 = arith.constant 16 : index
        %get3A_634 = tpu.vector_load %get3A_631[%get3A_632, %get3A_633] {strides = array<i32>} : memref<128x128xf32, #tpu.memory_space<vmem>>, vector<16xf32>,
        %scatter3A_635 = arith.constant 0 : i32
        %scatter3A_636 = arith.constant 0 : i32
        %scatter3A_637 = tpu.memref_slice %arg8[%rem3A_245, %scatter3A_635, %scatter3A_636] : memref<2x64x129xf32, #tpu.memory_space<vmem>> -> memref<1x64x129xf32, #tpu.memory_space<vmem>>
        %scatter3A_638 = tpu.memref_squeeze %scatter3A_637 : memref<1x64x129xf32, #tpu.memory_space<vmem>> -> memref<64x129xf32, #tpu.memory_space<vmem>>
        tpu.vector_store_idx %scatter3A_638[%add3A_8, %broadcast_in_dim3A_616], %get3A_634 : memref<64x129xf32, #tpu.memory_space<vmem>>[vector<16xi32>, vector<16xi32>], vector<16xf32>,
        %get3A_639 = arith.constant 0 : i32
        %get3A_640 = arith.constant 0 : i32
        %get3A_641 = tpu.memref_slice %arg7[%rem3A_261, %get3A_639, %get3A_640] : memref<3x128x128xf32, #tpu.memory_space<vmem>> -> memref<1x128x128xf32, #tpu.memory_space<vmem>>
        %get3A_642 = tpu.memref_squeeze %get3A_641 : memref<1x128x128xf32, #tpu.memory_space<vmem>> -> memref<128x128xf32, #tpu.memory_space<vmem>>
        %get3A_643 = arith.index_cast %scan3A_615 : i32 to index
        %get3A_644 = arith.constant 32 : index
        %get3A_645 = tpu.vector_load %get3A_642[%get3A_643, %get3A_644] {strides = array<i32>} : memref<128x128xf32, #tpu.memory_space<vmem>>, vector<16xf32>,
        %scatter3A_646 = arith.constant 0 : i32
        %scatter3A_647 = arith.constant 0 : i32
        %scatter3A_648 = tpu.memref_slice %arg8[%rem3A_245, %scatter3A_646, %scatter3A_647] : memref<2x64x129xf32, #tpu.memory_space<vmem>> -> memref<1x64x129xf32, #tpu.memory_space<vmem>>
        %scatter3A_649 = tpu.memref_squeeze %scatter3A_648 : memref<1x64x129xf32, #tpu.memory_space<vmem>> -> memref<64x129xf32, #tpu.memory_space<vmem>>
        tpu.vector_store_idx %scatter3A_649[%add3A_11, %broadcast_in_dim3A_616], %get3A_645 : memref<64x129xf32, #tpu.memory_space<vmem>>[vector<16xi32>, vector<16xi32>], vector<16xf32>,
        %get3A_650 = arith.constant 0 : i32
        %get3A_651 = arith.constant 0 : i32
        %get3A_652 = tpu.memref_slice %arg7[%rem3A_261, %get3A_650, %get3A_651] : memref<3x128x128xf32, #tpu.memory_space<vmem>> -> memref<1x128x128xf32, #tpu.memory_space<vmem>>
        %get3A_653 = tpu.memref_squeeze %get3A_652 : memref<1x128x128xf32, #tpu.memory_space<vmem>> -> memref<128x128xf32, #tpu.memory_space<vmem>>
        %get3A_654 = arith.index_cast %scan3A_615 : i32 to index
        %get3A_655 = arith.constant 48 : index
        %get3A_656 = tpu.vector_load %get3A_653[%get3A_654, %get3A_655] {strides = array<i32>} : memref<128x128xf32, #tpu.memory_space<vmem>>, vector<16xf32>,
        %scatter3A_657 = arith.constant 0 : i32
        %scatter3A_658 = arith.constant 0 : i32
        %scatter3A_659 = tpu.memref_slice %arg8[%rem3A_245, %scatter3A_657, %scatter3A_658] : memref<2x64x129xf32, #tpu.memory_space<vmem>> -> memref<1x64x129xf32, #tpu.memory_space<vmem>>
        %scatter3A_660 = tpu.memref_squeeze %scatter3A_659 : memref<1x64x129xf32, #tpu.memory_space<vmem>> -> memref<64x129xf32, #tpu.memory_space<vmem>>
        tpu.vector_store_idx %scatter3A_660[%add3A_14, %broadcast_in_dim3A_616], %get3A_656 : memref<64x129xf32, #tpu.memory_space<vmem>>[vector<16xi32>, vector<16xi32>], vector<16xf32>,
        %scan3A_661 = arith.constant 8 : i32
        %scan3A_662 = arith.addi %scan3A_288, %scan3A_661 : i32
        %broadcast_in_dim3A_663 = vector.broadcast %scan3A_662 : i32 to vector<16xi32>
        %get3A_664 = arith.constant 0 : i32
        %get3A_665 = arith.constant 0 : i32
        %get3A_666 = tpu.memref_slice %arg7[%rem3A_261, %get3A_664, %get3A_665] : memref<3x128x128xf32, #tpu.memory_space<vmem>> -> memref<1x128x128xf32, #tpu.memory_space<vmem>>
        %get3A_667 = tpu.memref_squeeze %get3A_666 : memref<1x128x128xf32, #tpu.memory_space<vmem>> -> memref<128x128xf32, #tpu.memory_space<vmem>>
        %get3A_668 = arith.index_cast %scan3A_662 : i32 to index
        %get3A_669 = arith.constant 0 : index
        %get3A_670 = tpu.vector_load %get3A_667[%get3A_668, %get3A_669] {strides = array<i32>} : memref<128x128xf32, #tpu.memory_space<vmem>>, vector<16xf32>,
        %scatter3A_671 = arith.constant 0 : i32
        %scatter3A_672 = arith.constant 0 : i32
        %scatter3A_673 = tpu.memref_slice %arg8[%rem3A_245, %scatter3A_671, %scatter3A_672] : memref<2x64x129xf32, #tpu.memory_space<vmem>> -> memref<1x64x129xf32, #tpu.memory_space<vmem>>
        %scatter3A_674 = tpu.memref_squeeze %scatter3A_673 : memref<1x64x129xf32, #tpu.memory_space<vmem>> -> memref<64x129xf32, #tpu.memory_space<vmem>>
        tpu.vector_store_idx %scatter3A_674[%add3A_5, %broadcast_in_dim3A_663], %get3A_670 : memref<64x129xf32, #tpu.memory_space<vmem>>[vector<16xi32>, vector<16xi32>], vector<16xf32>,
        %get3A_675 = arith.constant 0 : i32
        %get3A_676 = arith.constant 0 : i32
        %get3A_677 = tpu.memref_slice %arg7[%rem3A_261, %get3A_675, %get3A_676] : memref<3x128x128xf32, #tpu.memory_space<vmem>> -> memref<1x128x128xf32, #tpu.memory_space<vmem>>
        %get3A_678 = tpu.memref_squeeze %get3A_677 : memref<1x128x128xf32, #tpu.memory_space<vmem>> -> memref<128x128xf32, #tpu.memory_space<vmem>>
        %get3A_679 = arith.index_cast %scan3A_662 : i32 to index
        %get3A_680 = arith.constant 16 : index
        %get3A_681 = tpu.vector_load %get3A_678[%get3A_679, %get3A_680] {strides = array<i32>} : memref<128x128xf32, #tpu.memory_space<vmem>>, vector<16xf32>,
        %scatter3A_682 = arith.constant 0 : i32
        %scatter3A_683 = arith.constant 0 : i32
        %scatter3A_684 = tpu.memref_slice %arg8[%rem3A_245, %scatter3A_682, %scatter3A_683] : memref<2x64x129xf32, #tpu.memory_space<vmem>> -> memref<1x64x129xf32, #tpu.memory_space<vmem>>
        %scatter3A_685 = tpu.memref_squeeze %scatter3A_684 : memref<1x64x129xf32, #tpu.memory_space<vmem>> -> memref<64x129xf32, #tpu.memory_space<vmem>>
        tpu.vector_store_idx %scatter3A_685[%add3A_8, %broadcast_in_dim3A_663], %get3A_681 : memref<64x129xf32, #tpu.memory_space<vmem>>[vector<16xi32>, vector<16xi32>], vector<16xf32>,
        %get3A_686 = arith.constant 0 : i32
        %get3A_687 = arith.constant 0 : i32
        %get3A_688 = tpu.memref_slice %arg7[%rem3A_261, %get3A_686, %get3A_687] : memref<3x128x128xf32, #tpu.memory_space<vmem>> -> memref<1x128x128xf32, #tpu.memory_space<vmem>>
        %get3A_689 = tpu.memref_squeeze %get3A_688 : memref<1x128x128xf32, #tpu.memory_space<vmem>> -> memref<128x128xf32, #tpu.memory_space<vmem>>
        %get3A_690 = arith.index_cast %scan3A_662 : i32 to index
        %get3A_691 = arith.constant 32 : index
        %get3A_692 = tpu.vector_load %get3A_689[%get3A_690, %get3A_691] {strides = array<i32>} : memref<128x128xf32, #tpu.memory_space<vmem>>, vector<16xf32>,
        %scatter3A_693 = arith.constant 0 : i32
        %scatter3A_694 = arith.constant 0 : i32
        %scatter3A_695 = tpu.memref_slice %arg8[%rem3A_245, %scatter3A_693, %scatter3A_694] : memref<2x64x129xf32, #tpu.memory_space<vmem>> -> memref<1x64x129xf32, #tpu.memory_space<vmem>>
        %scatter3A_696 = tpu.memref_squeeze %scatter3A_695 : memref<1x64x129xf32, #tpu.memory_space<vmem>> -> memref<64x129xf32, #tpu.memory_space<vmem>>
        tpu.vector_store_idx %scatter3A_696[%add3A_11, %broadcast_in_dim3A_663], %get3A_692 : memref<64x129xf32, #tpu.memory_space<vmem>>[vector<16xi32>, vector<16xi32>], vector<16xf32>,
        %get3A_697 = arith.constant 0 : i32
        %get3A_698 = arith.constant 0 : i32
        %get3A_699 = tpu.memref_slice %arg7[%rem3A_261, %get3A_697, %get3A_698] : memref<3x128x128xf32, #tpu.memory_space<vmem>> -> memref<1x128x128xf32, #tpu.memory_space<vmem>>
        %get3A_700 = tpu.memref_squeeze %get3A_699 : memref<1x128x128xf32, #tpu.memory_space<vmem>> -> memref<128x128xf32, #tpu.memory_space<vmem>>
        %get3A_701 = arith.index_cast %scan3A_662 : i32 to index
        %get3A_702 = arith.constant 48 : index
        %get3A_703 = tpu.vector_load %get3A_700[%get3A_701, %get3A_702] {strides = array<i32>} : memref<128x128xf32, #tpu.memory_space<vmem>>, vector<16xf32>,
        %scatter3A_704 = arith.constant 0 : i32
        %scatter3A_705 = arith.constant 0 : i32
        %scatter3A_706 = tpu.memref_slice %arg8[%rem3A_245, %scatter3A_704, %scatter3A_705] : memref<2x64x129xf32, #tpu.memory_space<vmem>> -> memref<1x64x129xf32, #tpu.memory_space<vmem>>
        %scatter3A_707 = tpu.memref_squeeze %scatter3A_706 : memref<1x64x129xf32, #tpu.memory_space<vmem>> -> memref<64x129xf32, #tpu.memory_space<vmem>>
        tpu.vector_store_idx %scatter3A_707[%add3A_14, %broadcast_in_dim3A_663], %get3A_703 : memref<64x129xf32, #tpu.memory_space<vmem>>[vector<16xi32>, vector<16xi32>], vector<16xf32>,
        %scan3A_708 = arith.constant 9 : i32
        %scan3A_709 = arith.addi %scan3A_288, %scan3A_708 : i32
        %broadcast_in_dim3A_710 = vector.broadcast %scan3A_709 : i32 to vector<16xi32>
        %get3A_711 = arith.constant 0 : i32
        %get3A_712 = arith.constant 0 : i32
        %get3A_713 = tpu.memref_slice %arg7[%rem3A_261, %get3A_711, %get3A_712] : memref<3x128x128xf32, #tpu.memory_space<vmem>> -> memref<1x128x128xf32, #tpu.memory_space<vmem>>
        %get3A_714 = tpu.memref_squeeze %get3A_713 : memref<1x128x128xf32, #tpu.memory_space<vmem>> -> memref<128x128xf32, #tpu.memory_space<vmem>>
        %get3A_715 = arith.index_cast %scan3A_709 : i32 to index
        %get3A_716 = arith.constant 0 : index
        %get3A_717 = tpu.vector_load %get3A_714[%get3A_715, %get3A_716] {strides = array<i32>} : memref<128x128xf32, #tpu.memory_space<vmem>>, vector<16xf32>,
        %scatter3A_718 = arith.constant 0 : i32
        %scatter3A_719 = arith.constant 0 : i32
        %scatter3A_720 = tpu.memref_slice %arg8[%rem3A_245, %scatter3A_718, %scatter3A_719] : memref<2x64x129xf32, #tpu.memory_space<vmem>> -> memref<1x64x129xf32, #tpu.memory_space<vmem>>
        %scatter3A_721 = tpu.memref_squeeze %scatter3A_720 : memref<1x64x129xf32, #tpu.memory_space<vmem>> -> memref<64x129xf32, #tpu.memory_space<vmem>>
        tpu.vector_store_idx %scatter3A_721[%add3A_5, %broadcast_in_dim3A_710], %get3A_717 : memref<64x129xf32, #tpu.memory_space<vmem>>[vector<16xi32>, vector<16xi32>], vector<16xf32>,
        %get3A_722 = arith.constant 0 : i32
        %get3A_723 = arith.constant 0 : i32
        %get3A_724 = tpu.memref_slice %arg7[%rem3A_261, %get3A_722, %get3A_723] : memref<3x128x128xf32, #tpu.memory_space<vmem>> -> memref<1x128x128xf32, #tpu.memory_space<vmem>>
        %get3A_725 = tpu.memref_squeeze %get3A_724 : memref<1x128x128xf32, #tpu.memory_space<vmem>> -> memref<128x128xf32, #tpu.memory_space<vmem>>
        %get3A_726 = arith.index_cast %scan3A_709 : i32 to index
        %get3A_727 = arith.constant 16 : index
        %get3A_728 = tpu.vector_load %get3A_725[%get3A_726, %get3A_727] {strides = array<i32>} : memref<128x128xf32, #tpu.memory_space<vmem>>, vector<16xf32>,
        %scatter3A_729 = arith.constant 0 : i32
        %scatter3A_730 = arith.constant 0 : i32
        %scatter3A_731 = tpu.memref_slice %arg8[%rem3A_245, %scatter3A_729, %scatter3A_730] : memref<2x64x129xf32, #tpu.memory_space<vmem>> -> memref<1x64x129xf32, #tpu.memory_space<vmem>>
        %scatter3A_732 = tpu.memref_squeeze %scatter3A_731 : memref<1x64x129xf32, #tpu.memory_space<vmem>> -> memref<64x129xf32, #tpu.memory_space<vmem>>
        tpu.vector_store_idx %scatter3A_732[%add3A_8, %broadcast_in_dim3A_710], %get3A_728 : memref<64x129xf32, #tpu.memory_space<vmem>>[vector<16xi32>, vector<16xi32>], vector<16xf32>,
        %get3A_733 = arith.constant 0 : i32
        %get3A_734 = arith.constant 0 : i32
        %get3A_735 = tpu.memref_slice %arg7[%rem3A_261, %get3A_733, %get3A_734] : memref<3x128x128xf32, #tpu.memory_space<vmem>> -> memref<1x128x128xf32, #tpu.memory_space<vmem>>
        %get3A_736 = tpu.memref_squeeze %get3A_735 : memref<1x128x128xf32, #tpu.memory_space<vmem>> -> memref<128x128xf32, #tpu.memory_space<vmem>>
        %get3A_737 = arith.index_cast %scan3A_709 : i32 to index
        %get3A_738 = arith.constant 32 : index
        %get3A_739 = tpu.vector_load %get3A_736[%get3A_737, %get3A_738] {strides = array<i32>} : memref<128x128xf32, #tpu.memory_space<vmem>>, vector<16xf32>,
        %scatter3A_740 = arith.constant 0 : i32
        %scatter3A_741 = arith.constant 0 : i32
        %scatter3A_742 = tpu.memref_slice %arg8[%rem3A_245, %scatter3A_740, %scatter3A_741] : memref<2x64x129xf32, #tpu.memory_space<vmem>> -> memref<1x64x129xf32, #tpu.memory_space<vmem>>
        %scatter3A_743 = tpu.memref_squeeze %scatter3A_742 : memref<1x64x129xf32, #tpu.memory_space<vmem>> -> memref<64x129xf32, #tpu.memory_space<vmem>>
        tpu.vector_store_idx %scatter3A_743[%add3A_11, %broadcast_in_dim3A_710], %get3A_739 : memref<64x129xf32, #tpu.memory_space<vmem>>[vector<16xi32>, vector<16xi32>], vector<16xf32>,
        %get3A_744 = arith.constant 0 : i32
        %get3A_745 = arith.constant 0 : i32
        %get3A_746 = tpu.memref_slice %arg7[%rem3A_261, %get3A_744, %get3A_745] : memref<3x128x128xf32, #tpu.memory_space<vmem>> -> memref<1x128x128xf32, #tpu.memory_space<vmem>>
        %get3A_747 = tpu.memref_squeeze %get3A_746 : memref<1x128x128xf32, #tpu.memory_space<vmem>> -> memref<128x128xf32, #tpu.memory_space<vmem>>
        %get3A_748 = arith.index_cast %scan3A_709 : i32 to index
        %get3A_749 = arith.constant 48 : index
        %get3A_750 = tpu.vector_load %get3A_747[%get3A_748, %get3A_749] {strides = array<i32>} : memref<128x128xf32, #tpu.memory_space<vmem>>, vector<16xf32>,
        %scatter3A_751 = arith.constant 0 : i32
        %scatter3A_752 = arith.constant 0 : i32
        %scatter3A_753 = tpu.memref_slice %arg8[%rem3A_245, %scatter3A_751, %scatter3A_752] : memref<2x64x129xf32, #tpu.memory_space<vmem>> -> memref<1x64x129xf32, #tpu.memory_space<vmem>>
        %scatter3A_754 = tpu.memref_squeeze %scatter3A_753 : memref<1x64x129xf32, #tpu.memory_space<vmem>> -> memref<64x129xf32, #tpu.memory_space<vmem>>
        tpu.vector_store_idx %scatter3A_754[%add3A_14, %broadcast_in_dim3A_710], %get3A_750 : memref<64x129xf32, #tpu.memory_space<vmem>>[vector<16xi32>, vector<16xi32>], vector<16xf32>,
        %scan3A_755 = arith.constant 10 : i32
        %scan3A_756 = arith.addi %scan3A_288, %scan3A_755 : i32
        %broadcast_in_dim3A_757 = vector.broadcast %scan3A_756 : i32 to vector<16xi32>
        %get3A_758 = arith.constant 0 : i32
        %get3A_759 = arith.constant 0 : i32
        %get3A_760 = tpu.memref_slice %arg7[%rem3A_261, %get3A_758, %get3A_759] : memref<3x128x128xf32, #tpu.memory_space<vmem>> -> memref<1x128x128xf32, #tpu.memory_space<vmem>>
        %get3A_761 = tpu.memref_squeeze %get3A_760 : memref<1x128x128xf32, #tpu.memory_space<vmem>> -> memref<128x128xf32, #tpu.memory_space<vmem>>
        %get3A_762 = arith.index_cast %scan3A_756 : i32 to index
        %get3A_763 = arith.constant 0 : index
        %get3A_764 = tpu.vector_load %get3A_761[%get3A_762, %get3A_763] {strides = array<i32>} : memref<128x128xf32, #tpu.memory_space<vmem>>, vector<16xf32>,
        %scatter3A_765 = arith.constant 0 : i32
        %scatter3A_766 = arith.constant 0 : i32
        %scatter3A_767 = tpu.memref_slice %arg8[%rem3A_245, %scatter3A_765, %scatter3A_766] : memref<2x64x129xf32, #tpu.memory_space<vmem>> -> memref<1x64x129xf32, #tpu.memory_space<vmem>>
        %scatter3A_768 = tpu.memref_squeeze %scatter3A_767 : memref<1x64x129xf32, #tpu.memory_space<vmem>> -> memref<64x129xf32, #tpu.memory_space<vmem>>
        tpu.vector_store_idx %scatter3A_768[%add3A_5, %broadcast_in_dim3A_757], %get3A_764 : memref<64x129xf32, #tpu.memory_space<vmem>>[vector<16xi32>, vector<16xi32>], vector<16xf32>,
        %get3A_769 = arith.constant 0 : i32
        %get3A_770 = arith.constant 0 : i32
        %get3A_771 = tpu.memref_slice %arg7[%rem3A_261, %get3A_769, %get3A_770] : memref<3x128x128xf32, #tpu.memory_space<vmem>> -> memref<1x128x128xf32, #tpu.memory_space<vmem>>
        %get3A_772 = tpu.memref_squeeze %get3A_771 : memref<1x128x128xf32, #tpu.memory_space<vmem>> -> memref<128x128xf32, #tpu.memory_space<vmem>>
        %get3A_773 = arith.index_cast %scan3A_756 : i32 to index
        %get3A_774 = arith.constant 16 : index
        %get3A_775 = tpu.vector_load %get3A_772[%get3A_773, %get3A_774] {strides = array<i32>} : memref<128x128xf32, #tpu.memory_space<vmem>>, vector<16xf32>,
        %scatter3A_776 = arith.constant 0 : i32
        %scatter3A_777 = arith.constant 0 : i32
        %scatter3A_778 = tpu.memref_slice %arg8[%rem3A_245, %scatter3A_776, %scatter3A_777] : memref<2x64x129xf32, #tpu.memory_space<vmem>> -> memref<1x64x129xf32, #tpu.memory_space<vmem>>
        %scatter3A_779 = tpu.memref_squeeze %scatter3A_778 : memref<1x64x129xf32, #tpu.memory_space<vmem>> -> memref<64x129xf32, #tpu.memory_space<vmem>>
        tpu.vector_store_idx %scatter3A_779[%add3A_8, %broadcast_in_dim3A_757], %get3A_775 : memref<64x129xf32, #tpu.memory_space<vmem>>[vector<16xi32>, vector<16xi32>], vector<16xf32>,
        %get3A_780 = arith.constant 0 : i32
        %get3A_781 = arith.constant 0 : i32
        %get3A_782 = tpu.memref_slice %arg7[%rem3A_261, %get3A_780, %get3A_781] : memref<3x128x128xf32, #tpu.memory_space<vmem>> -> memref<1x128x128xf32, #tpu.memory_space<vmem>>
        %get3A_783 = tpu.memref_squeeze %get3A_782 : memref<1x128x128xf32, #tpu.memory_space<vmem>> -> memref<128x128xf32, #tpu.memory_space<vmem>>
        %get3A_784 = arith.index_cast %scan3A_756 : i32 to index
        %get3A_785 = arith.constant 32 : index
        %get3A_786 = tpu.vector_load %get3A_783[%get3A_784, %get3A_785] {strides = array<i32>} : memref<128x128xf32, #tpu.memory_space<vmem>>, vector<16xf32>,
        %scatter3A_787 = arith.constant 0 : i32
        %scatter3A_788 = arith.constant 0 : i32
        %scatter3A_789 = tpu.memref_slice %arg8[%rem3A_245, %scatter3A_787, %scatter3A_788] : memref<2x64x129xf32, #tpu.memory_space<vmem>> -> memref<1x64x129xf32, #tpu.memory_space<vmem>>
        %scatter3A_790 = tpu.memref_squeeze %scatter3A_789 : memref<1x64x129xf32, #tpu.memory_space<vmem>> -> memref<64x129xf32, #tpu.memory_space<vmem>>
        tpu.vector_store_idx %scatter3A_790[%add3A_11, %broadcast_in_dim3A_757], %get3A_786 : memref<64x129xf32, #tpu.memory_space<vmem>>[vector<16xi32>, vector<16xi32>], vector<16xf32>,
        %get3A_791 = arith.constant 0 : i32
        %get3A_792 = arith.constant 0 : i32
        %get3A_793 = tpu.memref_slice %arg7[%rem3A_261, %get3A_791, %get3A_792] : memref<3x128x128xf32, #tpu.memory_space<vmem>> -> memref<1x128x128xf32, #tpu.memory_space<vmem>>
        %get3A_794 = tpu.memref_squeeze %get3A_793 : memref<1x128x128xf32, #tpu.memory_space<vmem>> -> memref<128x128xf32, #tpu.memory_space<vmem>>
        %get3A_795 = arith.index_cast %scan3A_756 : i32 to index
        %get3A_796 = arith.constant 48 : index
        %get3A_797 = tpu.vector_load %get3A_794[%get3A_795, %get3A_796] {strides = array<i32>} : memref<128x128xf32, #tpu.memory_space<vmem>>, vector<16xf32>,
        %scatter3A_798 = arith.constant 0 : i32
        %scatter3A_799 = arith.constant 0 : i32
        %scatter3A_800 = tpu.memref_slice %arg8[%rem3A_245, %scatter3A_798, %scatter3A_799] : memref<2x64x129xf32, #tpu.memory_space<vmem>> -> memref<1x64x129xf32, #tpu.memory_space<vmem>>
        %scatter3A_801 = tpu.memref_squeeze %scatter3A_800 : memref<1x64x129xf32, #tpu.memory_space<vmem>> -> memref<64x129xf32, #tpu.memory_space<vmem>>
        tpu.vector_store_idx %scatter3A_801[%add3A_14, %broadcast_in_dim3A_757], %get3A_797 : memref<64x129xf32, #tpu.memory_space<vmem>>[vector<16xi32>, vector<16xi32>], vector<16xf32>,
        %scan3A_802 = arith.constant 11 : i32
        %scan3A_803 = arith.addi %scan3A_288, %scan3A_802 : i32
        %broadcast_in_dim3A_804 = vector.broadcast %scan3A_803 : i32 to vector<16xi32>
        %get3A_805 = arith.constant 0 : i32
        %get3A_806 = arith.constant 0 : i32
        %get3A_807 = tpu.memref_slice %arg7[%rem3A_261, %get3A_805, %get3A_806] : memref<3x128x128xf32, #tpu.memory_space<vmem>> -> memref<1x128x128xf32, #tpu.memory_space<vmem>>
        %get3A_808 = tpu.memref_squeeze %get3A_807 : memref<1x128x128xf32, #tpu.memory_space<vmem>> -> memref<128x128xf32, #tpu.memory_space<vmem>>
        %get3A_809 = arith.index_cast %scan3A_803 : i32 to index
        %get3A_810 = arith.constant 0 : index
        %get3A_811 = tpu.vector_load %get3A_808[%get3A_809, %get3A_810] {strides = array<i32>} : memref<128x128xf32, #tpu.memory_space<vmem>>, vector<16xf32>,
        %scatter3A_812 = arith.constant 0 : i32
        %scatter3A_813 = arith.constant 0 : i32
        %scatter3A_814 = tpu.memref_slice %arg8[%rem3A_245, %scatter3A_812, %scatter3A_813] : memref<2x64x129xf32, #tpu.memory_space<vmem>> -> memref<1x64x129xf32, #tpu.memory_space<vmem>>
        %scatter3A_815 = tpu.memref_squeeze %scatter3A_814 : memref<1x64x129xf32, #tpu.memory_space<vmem>> -> memref<64x129xf32, #tpu.memory_space<vmem>>
        tpu.vector_store_idx %scatter3A_815[%add3A_5, %broadcast_in_dim3A_804], %get3A_811 : memref<64x129xf32, #tpu.memory_space<vmem>>[vector<16xi32>, vector<16xi32>], vector<16xf32>,
        %get3A_816 = arith.constant 0 : i32
        %get3A_817 = arith.constant 0 : i32
        %get3A_818 = tpu.memref_slice %arg7[%rem3A_261, %get3A_816, %get3A_817] : memref<3x128x128xf32, #tpu.memory_space<vmem>> -> memref<1x128x128xf32, #tpu.memory_space<vmem>>
        %get3A_819 = tpu.memref_squeeze %get3A_818 : memref<1x128x128xf32, #tpu.memory_space<vmem>> -> memref<128x128xf32, #tpu.memory_space<vmem>>
        %get3A_820 = arith.index_cast %scan3A_803 : i32 to index
        %get3A_821 = arith.constant 16 : index
        %get3A_822 = tpu.vector_load %get3A_819[%get3A_820, %get3A_821] {strides = array<i32>} : memref<128x128xf32, #tpu.memory_space<vmem>>, vector<16xf32>,
        %scatter3A_823 = arith.constant 0 : i32
        %scatter3A_824 = arith.constant 0 : i32
        %scatter3A_825 = tpu.memref_slice %arg8[%rem3A_245, %scatter3A_823, %scatter3A_824] : memref<2x64x129xf32, #tpu.memory_space<vmem>> -> memref<1x64x129xf32, #tpu.memory_space<vmem>>
        %scatter3A_826 = tpu.memref_squeeze %scatter3A_825 : memref<1x64x129xf32, #tpu.memory_space<vmem>> -> memref<64x129xf32, #tpu.memory_space<vmem>>
        tpu.vector_store_idx %scatter3A_826[%add3A_8, %broadcast_in_dim3A_804], %get3A_822 : memref<64x129xf32, #tpu.memory_space<vmem>>[vector<16xi32>, vector<16xi32>], vector<16xf32>,
        %get3A_827 = arith.constant 0 : i32
        %get3A_828 = arith.constant 0 : i32
        %get3A_829 = tpu.memref_slice %arg7[%rem3A_261, %get3A_827, %get3A_828] : memref<3x128x128xf32, #tpu.memory_space<vmem>> -> memref<1x128x128xf32, #tpu.memory_space<vmem>>
        %get3A_830 = tpu.memref_squeeze %get3A_829 : memref<1x128x128xf32, #tpu.memory_space<vmem>> -> memref<128x128xf32, #tpu.memory_space<vmem>>
        %get3A_831 = arith.index_cast %scan3A_803 : i32 to index
        %get3A_832 = arith.constant 32 : index
        %get3A_833 = tpu.vector_load %get3A_830[%get3A_831, %get3A_832] {strides = array<i32>} : memref<128x128xf32, #tpu.memory_space<vmem>>, vector<16xf32>,
        %scatter3A_834 = arith.constant 0 : i32
        %scatter3A_835 = arith.constant 0 : i32
        %scatter3A_836 = tpu.memref_slice %arg8[%rem3A_245, %scatter3A_834, %scatter3A_835] : memref<2x64x129xf32, #tpu.memory_space<vmem>> -> memref<1x64x129xf32, #tpu.memory_space<vmem>>
        %scatter3A_837 = tpu.memref_squeeze %scatter3A_836 : memref<1x64x129xf32, #tpu.memory_space<vmem>> -> memref<64x129xf32, #tpu.memory_space<vmem>>
        tpu.vector_store_idx %scatter3A_837[%add3A_11, %broadcast_in_dim3A_804], %get3A_833 : memref<64x129xf32, #tpu.memory_space<vmem>>[vector<16xi32>, vector<16xi32>], vector<16xf32>,
        %get3A_838 = arith.constant 0 : i32
        %get3A_839 = arith.constant 0 : i32
        %get3A_840 = tpu.memref_slice %arg7[%rem3A_261, %get3A_838, %get3A_839] : memref<3x128x128xf32, #tpu.memory_space<vmem>> -> memref<1x128x128xf32, #tpu.memory_space<vmem>>
        %get3A_841 = tpu.memref_squeeze %get3A_840 : memref<1x128x128xf32, #tpu.memory_space<vmem>> -> memref<128x128xf32, #tpu.memory_space<vmem>>
        %get3A_842 = arith.index_cast %scan3A_803 : i32 to index
        %get3A_843 = arith.constant 48 : index
        %get3A_844 = tpu.vector_load %get3A_841[%get3A_842, %get3A_843] {strides = array<i32>} : memref<128x128xf32, #tpu.memory_space<vmem>>, vector<16xf32>,
        %scatter3A_845 = arith.constant 0 : i32
        %scatter3A_846 = arith.constant 0 : i32
        %scatter3A_847 = tpu.memref_slice %arg8[%rem3A_245, %scatter3A_845, %scatter3A_846] : memref<2x64x129xf32, #tpu.memory_space<vmem>> -> memref<1x64x129xf32, #tpu.memory_space<vmem>>
        %scatter3A_848 = tpu.memref_squeeze %scatter3A_847 : memref<1x64x129xf32, #tpu.memory_space<vmem>> -> memref<64x129xf32, #tpu.memory_space<vmem>>
        tpu.vector_store_idx %scatter3A_848[%add3A_14, %broadcast_in_dim3A_804], %get3A_844 : memref<64x129xf32, #tpu.memory_space<vmem>>[vector<16xi32>, vector<16xi32>], vector<16xf32>,
        %scan3A_849 = arith.constant 12 : i32
        %scan3A_850 = arith.addi %scan3A_288, %scan3A_849 : i32
        %broadcast_in_dim3A_851 = vector.broadcast %scan3A_850 : i32 to vector<16xi32>
        %get3A_852 = arith.constant 0 : i32
        %get3A_853 = arith.constant 0 : i32
        %get3A_854 = tpu.memref_slice %arg7[%rem3A_261, %get3A_852, %get3A_853] : memref<3x128x128xf32, #tpu.memory_space<vmem>> -> memref<1x128x128xf32, #tpu.memory_space<vmem>>
        %get3A_855 = tpu.memref_squeeze %get3A_854 : memref<1x128x128xf32, #tpu.memory_space<vmem>> -> memref<128x128xf32, #tpu.memory_space<vmem>>
        %get3A_856 = arith.index_cast %scan3A_850 : i32 to index
        %get3A_857 = arith.constant 0 : index
        %get3A_858 = tpu.vector_load %get3A_855[%get3A_856, %get3A_857] {strides = array<i32>} : memref<128x128xf32, #tpu.memory_space<vmem>>, vector<16xf32>,
        %scatter3A_859 = arith.constant 0 : i32
        %scatter3A_860 = arith.constant 0 : i32
        %scatter3A_861 = tpu.memref_slice %arg8[%rem3A_245, %scatter3A_859, %scatter3A_860] : memref<2x64x129xf32, #tpu.memory_space<vmem>> -> memref<1x64x129xf32, #tpu.memory_space<vmem>>
        %scatter3A_862 = tpu.memref_squeeze %scatter3A_861 : memref<1x64x129xf32, #tpu.memory_space<vmem>> -> memref<64x129xf32, #tpu.memory_space<vmem>>
        tpu.vector_store_idx %scatter3A_862[%add3A_5, %broadcast_in_dim3A_851], %get3A_858 : memref<64x129xf32, #tpu.memory_space<vmem>>[vector<16xi32>, vector<16xi32>], vector<16xf32>,
        %get3A_863 = arith.constant 0 : i32
        %get3A_864 = arith.constant 0 : i32
        %get3A_865 = tpu.memref_slice %arg7[%rem3A_261, %get3A_863, %get3A_864] : memref<3x128x128xf32, #tpu.memory_space<vmem>> -> memref<1x128x128xf32, #tpu.memory_space<vmem>>
        %get3A_866 = tpu.memref_squeeze %get3A_865 : memref<1x128x128xf32, #tpu.memory_space<vmem>> -> memref<128x128xf32, #tpu.memory_space<vmem>>
        %get3A_867 = arith.index_cast %scan3A_850 : i32 to index
        %get3A_868 = arith.constant 16 : index
        %get3A_869 = tpu.vector_load %get3A_866[%get3A_867, %get3A_868] {strides = array<i32>} : memref<128x128xf32, #tpu.memory_space<vmem>>, vector<16xf32>,
        %scatter3A_870 = arith.constant 0 : i32
        %scatter3A_871 = arith.constant 0 : i32
        %scatter3A_872 = tpu.memref_slice %arg8[%rem3A_245, %scatter3A_870, %scatter3A_871] : memref<2x64x129xf32, #tpu.memory_space<vmem>> -> memref<1x64x129xf32, #tpu.memory_space<vmem>>
        %scatter3A_873 = tpu.memref_squeeze %scatter3A_872 : memref<1x64x129xf32, #tpu.memory_space<vmem>> -> memref<64x129xf32, #tpu.memory_space<vmem>>
        tpu.vector_store_idx %scatter3A_873[%add3A_8, %broadcast_in_dim3A_851], %get3A_869 : memref<64x129xf32, #tpu.memory_space<vmem>>[vector<16xi32>, vector<16xi32>], vector<16xf32>,
        %get3A_874 = arith.constant 0 : i32
        %get3A_875 = arith.constant 0 : i32
        %get3A_876 = tpu.memref_slice %arg7[%rem3A_261, %get3A_874, %get3A_875] : memref<3x128x128xf32, #tpu.memory_space<vmem>> -> memref<1x128x128xf32, #tpu.memory_space<vmem>>
        %get3A_877 = tpu.memref_squeeze %get3A_876 : memref<1x128x128xf32, #tpu.memory_space<vmem>> -> memref<128x128xf32, #tpu.memory_space<vmem>>
        %get3A_878 = arith.index_cast %scan3A_850 : i32 to index
        %get3A_879 = arith.constant 32 : index
        %get3A_880 = tpu.vector_load %get3A_877[%get3A_878, %get3A_879] {strides = array<i32>} : memref<128x128xf32, #tpu.memory_space<vmem>>, vector<16xf32>,
        %scatter3A_881 = arith.constant 0 : i32
        %scatter3A_882 = arith.constant 0 : i32
        %scatter3A_883 = tpu.memref_slice %arg8[%rem3A_245, %scatter3A_881, %scatter3A_882] : memref<2x64x129xf32, #tpu.memory_space<vmem>> -> memref<1x64x129xf32, #tpu.memory_space<vmem>>
        %scatter3A_884 = tpu.memref_squeeze %scatter3A_883 : memref<1x64x129xf32, #tpu.memory_space<vmem>> -> memref<64x129xf32, #tpu.memory_space<vmem>>
        tpu.vector_store_idx %scatter3A_884[%add3A_11, %broadcast_in_dim3A_851], %get3A_880 : memref<64x129xf32, #tpu.memory_space<vmem>>[vector<16xi32>, vector<16xi32>], vector<16xf32>,
        %get3A_885 = arith.constant 0 : i32
        %get3A_886 = arith.constant 0 : i32
        %get3A_887 = tpu.memref_slice %arg7[%rem3A_261, %get3A_885, %get3A_886] : memref<3x128x128xf32, #tpu.memory_space<vmem>> -> memref<1x128x128xf32, #tpu.memory_space<vmem>>
        %get3A_888 = tpu.memref_squeeze %get3A_887 : memref<1x128x128xf32, #tpu.memory_space<vmem>> -> memref<128x128xf32, #tpu.memory_space<vmem>>
        %get3A_889 = arith.index_cast %scan3A_850 : i32 to index
        %get3A_890 = arith.constant 48 : index
        %get3A_891 = tpu.vector_load %get3A_888[%get3A_889, %get3A_890] {strides = array<i32>} : memref<128x128xf32, #tpu.memory_space<vmem>>, vector<16xf32>,
        %scatter3A_892 = arith.constant 0 : i32
        %scatter3A_893 = arith.constant 0 : i32
        %scatter3A_894 = tpu.memref_slice %arg8[%rem3A_245, %scatter3A_892, %scatter3A_893] : memref<2x64x129xf32, #tpu.memory_space<vmem>> -> memref<1x64x129xf32, #tpu.memory_space<vmem>>
        %scatter3A_895 = tpu.memref_squeeze %scatter3A_894 : memref<1x64x129xf32, #tpu.memory_space<vmem>> -> memref<64x129xf32, #tpu.memory_space<vmem>>
        tpu.vector_store_idx %scatter3A_895[%add3A_14, %broadcast_in_dim3A_851], %get3A_891 : memref<64x129xf32, #tpu.memory_space<vmem>>[vector<16xi32>, vector<16xi32>], vector<16xf32>,
        %scan3A_896 = arith.constant 13 : i32
        %scan3A_897 = arith.addi %scan3A_288, %scan3A_896 : i32
        %broadcast_in_dim3A_898 = vector.broadcast %scan3A_897 : i32 to vector<16xi32>
        %get3A_899 = arith.constant 0 : i32
        %get3A_900 = arith.constant 0 : i32
        %get3A_901 = tpu.memref_slice %arg7[%rem3A_261, %get3A_899, %get3A_900] : memref<3x128x128xf32, #tpu.memory_space<vmem>> -> memref<1x128x128xf32, #tpu.memory_space<vmem>>
        %get3A_902 = tpu.memref_squeeze %get3A_901 : memref<1x128x128xf32, #tpu.memory_space<vmem>> -> memref<128x128xf32, #tpu.memory_space<vmem>>
        %get3A_903 = arith.index_cast %scan3A_897 : i32 to index
        %get3A_904 = arith.constant 0 : index
        %get3A_905 = tpu.vector_load %get3A_902[%get3A_903, %get3A_904] {strides = array<i32>} : memref<128x128xf32, #tpu.memory_space<vmem>>, vector<16xf32>,
        %scatter3A_906 = arith.constant 0 : i32
        %scatter3A_907 = arith.constant 0 : i32
        %scatter3A_908 = tpu.memref_slice %arg8[%rem3A_245, %scatter3A_906, %scatter3A_907] : memref<2x64x129xf32, #tpu.memory_space<vmem>> -> memref<1x64x129xf32, #tpu.memory_space<vmem>>
        %scatter3A_909 = tpu.memref_squeeze %scatter3A_908 : memref<1x64x129xf32, #tpu.memory_space<vmem>> -> memref<64x129xf32, #tpu.memory_space<vmem>>
        tpu.vector_store_idx %scatter3A_909[%add3A_5, %broadcast_in_dim3A_898], %get3A_905 : memref<64x129xf32, #tpu.memory_space<vmem>>[vector<16xi32>, vector<16xi32>], vector<16xf32>,
        %get3A_910 = arith.constant 0 : i32
        %get3A_911 = arith.constant 0 : i32
        %get3A_912 = tpu.memref_slice %arg7[%rem3A_261, %get3A_910, %get3A_911] : memref<3x128x128xf32, #tpu.memory_space<vmem>> -> memref<1x128x128xf32, #tpu.memory_space<vmem>>
        %get3A_913 = tpu.memref_squeeze %get3A_912 : memref<1x128x128xf32, #tpu.memory_space<vmem>> -> memref<128x128xf32, #tpu.memory_space<vmem>>
        %get3A_914 = arith.index_cast %scan3A_897 : i32 to index
        %get3A_915 = arith.constant 16 : index
        %get3A_916 = tpu.vector_load %get3A_913[%get3A_914, %get3A_915] {strides = array<i32>} : memref<128x128xf32, #tpu.memory_space<vmem>>, vector<16xf32>,
        %scatter3A_917 = arith.constant 0 : i32
        %scatter3A_918 = arith.constant 0 : i32
        %scatter3A_919 = tpu.memref_slice %arg8[%rem3A_245, %scatter3A_917, %scatter3A_918] : memref<2x64x129xf32, #tpu.memory_space<vmem>> -> memref<1x64x129xf32, #tpu.memory_space<vmem>>
        %scatter3A_920 = tpu.memref_squeeze %scatter3A_919 : memref<1x64x129xf32, #tpu.memory_space<vmem>> -> memref<64x129xf32, #tpu.memory_space<vmem>>
        tpu.vector_store_idx %scatter3A_920[%add3A_8, %broadcast_in_dim3A_898], %get3A_916 : memref<64x129xf32, #tpu.memory_space<vmem>>[vector<16xi32>, vector<16xi32>], vector<16xf32>,
        %get3A_921 = arith.constant 0 : i32
        %get3A_922 = arith.constant 0 : i32
        %get3A_923 = tpu.memref_slice %arg7[%rem3A_261, %get3A_921, %get3A_922] : memref<3x128x128xf32, #tpu.memory_space<vmem>> -> memref<1x128x128xf32, #tpu.memory_space<vmem>>
        %get3A_924 = tpu.memref_squeeze %get3A_923 : memref<1x128x128xf32, #tpu.memory_space<vmem>> -> memref<128x128xf32, #tpu.memory_space<vmem>>
        %get3A_925 = arith.index_cast %scan3A_897 : i32 to index
        %get3A_926 = arith.constant 32 : index
        %get3A_927 = tpu.vector_load %get3A_924[%get3A_925, %get3A_926] {strides = array<i32>} : memref<128x128xf32, #tpu.memory_space<vmem>>, vector<16xf32>,
        %scatter3A_928 = arith.constant 0 : i32
        %scatter3A_929 = arith.constant 0 : i32
        %scatter3A_930 = tpu.memref_slice %arg8[%rem3A_245, %scatter3A_928, %scatter3A_929] : memref<2x64x129xf32, #tpu.memory_space<vmem>> -> memref<1x64x129xf32, #tpu.memory_space<vmem>>
        %scatter3A_931 = tpu.memref_squeeze %scatter3A_930 : memref<1x64x129xf32, #tpu.memory_space<vmem>> -> memref<64x129xf32, #tpu.memory_space<vmem>>
        tpu.vector_store_idx %scatter3A_931[%add3A_11, %broadcast_in_dim3A_898], %get3A_927 : memref<64x129xf32, #tpu.memory_space<vmem>>[vector<16xi32>, vector<16xi32>], vector<16xf32>,
        %get3A_932 = arith.constant 0 : i32
        %get3A_933 = arith.constant 0 : i32
        %get3A_934 = tpu.memref_slice %arg7[%rem3A_261, %get3A_932, %get3A_933] : memref<3x128x128xf32, #tpu.memory_space<vmem>> -> memref<1x128x128xf32, #tpu.memory_space<vmem>>
        %get3A_935 = tpu.memref_squeeze %get3A_934 : memref<1x128x128xf32, #tpu.memory_space<vmem>> -> memref<128x128xf32, #tpu.memory_space<vmem>>
        %get3A_936 = arith.index_cast %scan3A_897 : i32 to index
        %get3A_937 = arith.constant 48 : index
        %get3A_938 = tpu.vector_load %get3A_935[%get3A_936, %get3A_937] {strides = array<i32>} : memref<128x128xf32, #tpu.memory_space<vmem>>, vector<16xf32>,
        %scatter3A_939 = arith.constant 0 : i32
        %scatter3A_940 = arith.constant 0 : i32
        %scatter3A_941 = tpu.memref_slice %arg8[%rem3A_245, %scatter3A_939, %scatter3A_940] : memref<2x64x129xf32, #tpu.memory_space<vmem>> -> memref<1x64x129xf32, #tpu.memory_space<vmem>>
        %scatter3A_942 = tpu.memref_squeeze %scatter3A_941 : memref<1x64x129xf32, #tpu.memory_space<vmem>> -> memref<64x129xf32, #tpu.memory_space<vmem>>
        tpu.vector_store_idx %scatter3A_942[%add3A_14, %broadcast_in_dim3A_898], %get3A_938 : memref<64x129xf32, #tpu.memory_space<vmem>>[vector<16xi32>, vector<16xi32>], vector<16xf32>,
        %scan3A_943 = arith.constant 14 : i32
        %scan3A_944 = arith.addi %scan3A_288, %scan3A_943 : i32
        %broadcast_in_dim3A_945 = vector.broadcast %scan3A_944 : i32 to vector<16xi32>
        %get3A_946 = arith.constant 0 : i32
        %get3A_947 = arith.constant 0 : i32
        %get3A_948 = tpu.memref_slice %arg7[%rem3A_261, %get3A_946, %get3A_947] : memref<3x128x128xf32, #tpu.memory_space<vmem>> -> memref<1x128x128xf32, #tpu.memory_space<vmem>>
        %get3A_949 = tpu.memref_squeeze %get3A_948 : memref<1x128x128xf32, #tpu.memory_space<vmem>> -> memref<128x128xf32, #tpu.memory_space<vmem>>
        %get3A_950 = arith.index_cast %scan3A_944 : i32 to index
        %get3A_951 = arith.constant 0 : index
        %get3A_952 = tpu.vector_load %get3A_949[%get3A_950, %get3A_951] {strides = array<i32>} : memref<128x128xf32, #tpu.memory_space<vmem>>, vector<16xf32>,
        %scatter3A_953 = arith.constant 0 : i32
        %scatter3A_954 = arith.constant 0 : i32
        %scatter3A_955 = tpu.memref_slice %arg8[%rem3A_245, %scatter3A_953, %scatter3A_954] : memref<2x64x129xf32, #tpu.memory_space<vmem>> -> memref<1x64x129xf32, #tpu.memory_space<vmem>>
        %scatter3A_956 = tpu.memref_squeeze %scatter3A_955 : memref<1x64x129xf32, #tpu.memory_space<vmem>> -> memref<64x129xf32, #tpu.memory_space<vmem>>
        tpu.vector_store_idx %scatter3A_956[%add3A_5, %broadcast_in_dim3A_945], %get3A_952 : memref<64x129xf32, #tpu.memory_space<vmem>>[vector<16xi32>, vector<16xi32>], vector<16xf32>,
        %get3A_957 = arith.constant 0 : i32
        %get3A_958 = arith.constant 0 : i32
        %get3A_959 = tpu.memref_slice %arg7[%rem3A_261, %get3A_957, %get3A_958] : memref<3x128x128xf32, #tpu.memory_space<vmem>> -> memref<1x128x128xf32, #tpu.memory_space<vmem>>
        %get3A_960 = tpu.memref_squeeze %get3A_959 : memref<1x128x128xf32, #tpu.memory_space<vmem>> -> memref<128x128xf32, #tpu.memory_space<vmem>>
        %get3A_961 = arith.index_cast %scan3A_944 : i32 to index
        %get3A_962 = arith.constant 16 : index
        %get3A_963 = tpu.vector_load %get3A_960[%get3A_961, %get3A_962] {strides = array<i32>} : memref<128x128xf32, #tpu.memory_space<vmem>>, vector<16xf32>,
        %scatter3A_964 = arith.constant 0 : i32
        %scatter3A_965 = arith.constant 0 : i32
        %scatter3A_966 = tpu.memref_slice %arg8[%rem3A_245, %scatter3A_964, %scatter3A_965] : memref<2x64x129xf32, #tpu.memory_space<vmem>> -> memref<1x64x129xf32, #tpu.memory_space<vmem>>
        %scatter3A_967 = tpu.memref_squeeze %scatter3A_966 : memref<1x64x129xf32, #tpu.memory_space<vmem>> -> memref<64x129xf32, #tpu.memory_space<vmem>>
        tpu.vector_store_idx %scatter3A_967[%add3A_8, %broadcast_in_dim3A_945], %get3A_963 : memref<64x129xf32, #tpu.memory_space<vmem>>[vector<16xi32>, vector<16xi32>], vector<16xf32>,
        %get3A_968 = arith.constant 0 : i32
        %get3A_969 = arith.constant 0 : i32
        %get3A_970 = tpu.memref_slice %arg7[%rem3A_261, %get3A_968, %get3A_969] : memref<3x128x128xf32, #tpu.memory_space<vmem>> -> memref<1x128x128xf32, #tpu.memory_space<vmem>>
        %get3A_971 = tpu.memref_squeeze %get3A_970 : memref<1x128x128xf32, #tpu.memory_space<vmem>> -> memref<128x128xf32, #tpu.memory_space<vmem>>
        %get3A_972 = arith.index_cast %scan3A_944 : i32 to index
        %get3A_973 = arith.constant 32 : index
        %get3A_974 = tpu.vector_load %get3A_971[%get3A_972, %get3A_973] {strides = array<i32>} : memref<128x128xf32, #tpu.memory_space<vmem>>, vector<16xf32>,
        %scatter3A_975 = arith.constant 0 : i32
        %scatter3A_976 = arith.constant 0 : i32
        %scatter3A_977 = tpu.memref_slice %arg8[%rem3A_245, %scatter3A_975, %scatter3A_976] : memref<2x64x129xf32, #tpu.memory_space<vmem>> -> memref<1x64x129xf32, #tpu.memory_space<vmem>>
        %scatter3A_978 = tpu.memref_squeeze %scatter3A_977 : memref<1x64x129xf32, #tpu.memory_space<vmem>> -> memref<64x129xf32, #tpu.memory_space<vmem>>
        tpu.vector_store_idx %scatter3A_978[%add3A_11, %broadcast_in_dim3A_945], %get3A_974 : memref<64x129xf32, #tpu.memory_space<vmem>>[vector<16xi32>, vector<16xi32>], vector<16xf32>,
        %get3A_979 = arith.constant 0 : i32
        %get3A_980 = arith.constant 0 : i32
        %get3A_981 = tpu.memref_slice %arg7[%rem3A_261, %get3A_979, %get3A_980] : memref<3x128x128xf32, #tpu.memory_space<vmem>> -> memref<1x128x128xf32, #tpu.memory_space<vmem>>
        %get3A_982 = tpu.memref_squeeze %get3A_981 : memref<1x128x128xf32, #tpu.memory_space<vmem>> -> memref<128x128xf32, #tpu.memory_space<vmem>>
        %get3A_983 = arith.index_cast %scan3A_944 : i32 to index
        %get3A_984 = arith.constant 48 : index
        %get3A_985 = tpu.vector_load %get3A_982[%get3A_983, %get3A_984] {strides = array<i32>} : memref<128x128xf32, #tpu.memory_space<vmem>>, vector<16xf32>,
        %scatter3A_986 = arith.constant 0 : i32
        %scatter3A_987 = arith.constant 0 : i32
        %scatter3A_988 = tpu.memref_slice %arg8[%rem3A_245, %scatter3A_986, %scatter3A_987] : memref<2x64x129xf32, #tpu.memory_space<vmem>> -> memref<1x64x129xf32, #tpu.memory_space<vmem>>
        %scatter3A_989 = tpu.memref_squeeze %scatter3A_988 : memref<1x64x129xf32, #tpu.memory_space<vmem>> -> memref<64x129xf32, #tpu.memory_space<vmem>>
        tpu.vector_store_idx %scatter3A_989[%add3A_14, %broadcast_in_dim3A_945], %get3A_985 : memref<64x129xf32, #tpu.memory_space<vmem>>[vector<16xi32>, vector<16xi32>], vector<16xf32>,
        %scan3A_990 = arith.constant 15 : i32
        %scan3A_991 = arith.addi %scan3A_288, %scan3A_990 : i32
        %broadcast_in_dim3A_992 = vector.broadcast %scan3A_991 : i32 to vector<16xi32>
        %get3A_993 = arith.constant 0 : i32
        %get3A_994 = arith.constant 0 : i32
        %get3A_995 = tpu.memref_slice %arg7[%rem3A_261, %get3A_993, %get3A_994] : memref<3x128x128xf32, #tpu.memory_space<vmem>> -> memref<1x128x128xf32, #tpu.memory_space<vmem>>
        %get3A_996 = tpu.memref_squeeze %get3A_995 : memref<1x128x128xf32, #tpu.memory_space<vmem>> -> memref<128x128xf32, #tpu.memory_space<vmem>>
        %get3A_997 = arith.index_cast %scan3A_991 : i32 to index
        %get3A_998 = arith.constant 0 : index
        %get3A_999 = tpu.vector_load %get3A_996[%get3A_997, %get3A_998] {strides = array<i32>} : memref<128x128xf32, #tpu.memory_space<vmem>>, vector<16xf32>,
        %scatter3A_1000 = arith.constant 0 : i32
        %scatter3A_1001 = arith.constant 0 : i32
        %scatter3A_1002 = tpu.memref_slice %arg8[%rem3A_245, %scatter3A_1000, %scatter3A_1001] : memref<2x64x129xf32, #tpu.memory_space<vmem>> -> memref<1x64x129xf32, #tpu.memory_space<vmem>>
        %scatter3A_1003 = tpu.memref_squeeze %scatter3A_1002 : memref<1x64x129xf32, #tpu.memory_space<vmem>> -> memref<64x129xf32, #tpu.memory_space<vmem>>
        tpu.vector_store_idx %scatter3A_1003[%add3A_5, %broadcast_in_dim3A_992], %get3A_999 : memref<64x129xf32, #tpu.memory_space<vmem>>[vector<16xi32>, vector<16xi32>], vector<16xf32>,
        %get3A_1004 = arith.constant 0 : i32
        %get3A_1005 = arith.constant 0 : i32
        %get3A_1006 = tpu.memref_slice %arg7[%rem3A_261, %get3A_1004, %get3A_1005] : memref<3x128x128xf32, #tpu.memory_space<vmem>> -> memref<1x128x128xf32, #tpu.memory_space<vmem>>
        %get3A_1007 = tpu.memref_squeeze %get3A_1006 : memref<1x128x128xf32, #tpu.memory_space<vmem>> -> memref<128x128xf32, #tpu.memory_space<vmem>>
        %get3A_1008 = arith.index_cast %scan3A_991 : i32 to index
        %get3A_1009 = arith.constant 16 : index
        %get3A_1010 = tpu.vector_load %get3A_1007[%get3A_1008, %get3A_1009] {strides = array<i32>} : memref<128x128xf32, #tpu.memory_space<vmem>>, vector<16xf32>,
        %scatter3A_1011 = arith.constant 0 : i32
        %scatter3A_1012 = arith.constant 0 : i32
        %scatter3A_1013 = tpu.memref_slice %arg8[%rem3A_245, %scatter3A_1011, %scatter3A_1012] : memref<2x64x129xf32, #tpu.memory_space<vmem>> -> memref<1x64x129xf32, #tpu.memory_space<vmem>>
        %scatter3A_1014 = tpu.memref_squeeze %scatter3A_1013 : memref<1x64x129xf32, #tpu.memory_space<vmem>> -> memref<64x129xf32, #tpu.memory_space<vmem>>
        tpu.vector_store_idx %scatter3A_1014[%add3A_8, %broadcast_in_dim3A_992], %get3A_1010 : memref<64x129xf32, #tpu.memory_space<vmem>>[vector<16xi32>, vector<16xi32>], vector<16xf32>,
        %get3A_1015 = arith.constant 0 : i32
        %get3A_1016 = arith.constant 0 : i32
        %get3A_1017 = tpu.memref_slice %arg7[%rem3A_261, %get3A_1015, %get3A_1016] : memref<3x128x128xf32, #tpu.memory_space<vmem>> -> memref<1x128x128xf32, #tpu.memory_space<vmem>>
        %get3A_1018 = tpu.memref_squeeze %get3A_1017 : memref<1x128x128xf32, #tpu.memory_space<vmem>> -> memref<128x128xf32, #tpu.memory_space<vmem>>
        %get3A_1019 = arith.index_cast %scan3A_991 : i32 to index
        %get3A_1020 = arith.constant 32 : index
        %get3A_1021 = tpu.vector_load %get3A_1018[%get3A_1019, %get3A_1020] {strides = array<i32>} : memref<128x128xf32, #tpu.memory_space<vmem>>, vector<16xf32>,
        %scatter3A_1022 = arith.constant 0 : i32
        %scatter3A_1023 = arith.constant 0 : i32
        %scatter3A_1024 = tpu.memref_slice %arg8[%rem3A_245, %scatter3A_1022, %scatter3A_1023] : memref<2x64x129xf32, #tpu.memory_space<vmem>> -> memref<1x64x129xf32, #tpu.memory_space<vmem>>
        %scatter3A_1025 = tpu.memref_squeeze %scatter3A_1024 : memref<1x64x129xf32, #tpu.memory_space<vmem>> -> memref<64x129xf32, #tpu.memory_space<vmem>>
        tpu.vector_store_idx %scatter3A_1025[%add3A_11, %broadcast_in_dim3A_992], %get3A_1021 : memref<64x129xf32, #tpu.memory_space<vmem>>[vector<16xi32>, vector<16xi32>], vector<16xf32>,
        %get3A_1026 = arith.constant 0 : i32
        %get3A_1027 = arith.constant 0 : i32
        %get3A_1028 = tpu.memref_slice %arg7[%rem3A_261, %get3A_1026, %get3A_1027] : memref<3x128x128xf32, #tpu.memory_space<vmem>> -> memref<1x128x128xf32, #tpu.memory_space<vmem>>
        %get3A_1029 = tpu.memref_squeeze %get3A_1028 : memref<1x128x128xf32, #tpu.memory_space<vmem>> -> memref<128x128xf32, #tpu.memory_space<vmem>>
        %get3A_1030 = arith.index_cast %scan3A_991 : i32 to index
        %get3A_1031 = arith.constant 48 : index
        %get3A_1032 = tpu.vector_load %get3A_1029[%get3A_1030, %get3A_1031] {strides = array<i32>} : memref<128x128xf32, #tpu.memory_space<vmem>>, vector<16xf32>,
        %scatter3A_1033 = arith.constant 0 : i32
        %scatter3A_1034 = arith.constant 0 : i32
        %scatter3A_1035 = tpu.memref_slice %arg8[%rem3A_245, %scatter3A_1033, %scatter3A_1034] : memref<2x64x129xf32, #tpu.memory_space<vmem>> -> memref<1x64x129xf32, #tpu.memory_space<vmem>>
        %scatter3A_1036 = tpu.memref_squeeze %scatter3A_1035 : memref<1x64x129xf32, #tpu.memory_space<vmem>> -> memref<64x129xf32, #tpu.memory_space<vmem>>
        tpu.vector_store_idx %scatter3A_1036[%add3A_14, %broadcast_in_dim3A_992], %get3A_1032 : memref<64x129xf32, #tpu.memory_space<vmem>>[vector<16xi32>, vector<16xi32>], vector<16xf32>,
        %scan3A_1037 = arith.constant 16 : i32
        %scan3A_1038 = arith.addi %scan3A_288, %scan3A_1037 : i32
        %broadcast_in_dim3A_1039 = vector.broadcast %scan3A_1038 : i32 to vector<16xi32>
        %get3A_1040 = arith.constant 0 : i32
        %get3A_1041 = arith.constant 0 : i32
        %get3A_1042 = tpu.memref_slice %arg7[%rem3A_261, %get3A_1040, %get3A_1041] : memref<3x128x128xf32, #tpu.memory_space<vmem>> -> memref<1x128x128xf32, #tpu.memory_space<vmem>>
        %get3A_1043 = tpu.memref_squeeze %get3A_1042 : memref<1x128x128xf32, #tpu.memory_space<vmem>> -> memref<128x128xf32, #tpu.memory_space<vmem>>
        %get3A_1044 = arith.index_cast %scan3A_1038 : i32 to index
        %get3A_1045 = arith.constant 0 : index
        %get3A_1046 = tpu.vector_load %get3A_1043[%get3A_1044, %get3A_1045] {strides = array<i32>} : memref<128x128xf32, #tpu.memory_space<vmem>>, vector<16xf32>,
        %scatter3A_1047 = arith.constant 0 : i32
        %scatter3A_1048 = arith.constant 0 : i32
        %scatter3A_1049 = tpu.memref_slice %arg8[%rem3A_245, %scatter3A_1047, %scatter3A_1048] : memref<2x64x129xf32, #tpu.memory_space<vmem>> -> memref<1x64x129xf32, #tpu.memory_space<vmem>>
        %scatter3A_1050 = tpu.memref_squeeze %scatter3A_1049 : memref<1x64x129xf32, #tpu.memory_space<vmem>> -> memref<64x129xf32, #tpu.memory_space<vmem>>
        tpu.vector_store_idx %scatter3A_1050[%add3A_5, %broadcast_in_dim3A_1039], %get3A_1046 : memref<64x129xf32, #tpu.memory_space<vmem>>[vector<16xi32>, vector<16xi32>], vector<16xf32>,
        %get3A_1051 = arith.constant 0 : i32
        %get3A_1052 = arith.constant 0 : i32
        %get3A_1053 = tpu.memref_slice %arg7[%rem3A_261, %get3A_1051, %get3A_1052] : memref<3x128x128xf32, #tpu.memory_space<vmem>> -> memref<1x128x128xf32, #tpu.memory_space<vmem>>
        %get3A_1054 = tpu.memref_squeeze %get3A_1053 : memref<1x128x128xf32, #tpu.memory_space<vmem>> -> memref<128x128xf32, #tpu.memory_space<vmem>>
        %get3A_1055 = arith.index_cast %scan3A_1038 : i32 to index
        %get3A_1056 = arith.constant 16 : index
        %get3A_1057 = tpu.vector_load %get3A_1054[%get3A_1055, %get3A_1056] {strides = array<i32>} : memref<128x128xf32, #tpu.memory_space<vmem>>, vector<16xf32>,
        %scatter3A_1058 = arith.constant 0 : i32
        %scatter3A_1059 = arith.constant 0 : i32
        %scatter3A_1060 = tpu.memref_slice %arg8[%rem3A_245, %scatter3A_1058, %scatter3A_1059] : memref<2x64x129xf32, #tpu.memory_space<vmem>> -> memref<1x64x129xf32, #tpu.memory_space<vmem>>
        %scatter3A_1061 = tpu.memref_squeeze %scatter3A_1060 : memref<1x64x129xf32, #tpu.memory_space<vmem>> -> memref<64x129xf32, #tpu.memory_space<vmem>>
        tpu.vector_store_idx %scatter3A_1061[%add3A_8, %broadcast_in_dim3A_1039], %get3A_1057 : memref<64x129xf32, #tpu.memory_space<vmem>>[vector<16xi32>, vector<16xi32>], vector<16xf32>,
        %get3A_1062 = arith.constant 0 : i32
        %get3A_1063 = arith.constant 0 : i32
        %get3A_1064 = tpu.memref_slice %arg7[%rem3A_261, %get3A_1062, %get3A_1063] : memref<3x128x128xf32, #tpu.memory_space<vmem>> -> memref<1x128x128xf32, #tpu.memory_space<vmem>>
        %get3A_1065 = tpu.memref_squeeze %get3A_1064 : memref<1x128x128xf32, #tpu.memory_space<vmem>> -> memref<128x128xf32, #tpu.memory_space<vmem>>
        %get3A_1066 = arith.index_cast %scan3A_1038 : i32 to index
        %get3A_1067 = arith.constant 32 : index
        %get3A_1068 = tpu.vector_load %get3A_1065[%get3A_1066, %get3A_1067] {strides = array<i32>} : memref<128x128xf32, #tpu.memory_space<vmem>>, vector<16xf32>,
        %scatter3A_1069 = arith.constant 0 : i32
        %scatter3A_1070 = arith.constant 0 : i32
        %scatter3A_1071 = tpu.memref_slice %arg8[%rem3A_245, %scatter3A_1069, %scatter3A_1070] : memref<2x64x129xf32, #tpu.memory_space<vmem>> -> memref<1x64x129xf32, #tpu.memory_space<vmem>>
        %scatter3A_1072 = tpu.memref_squeeze %scatter3A_1071 : memref<1x64x129xf32, #tpu.memory_space<vmem>> -> memref<64x129xf32, #tpu.memory_space<vmem>>
        tpu.vector_store_idx %scatter3A_1072[%add3A_11, %broadcast_in_dim3A_1039], %get3A_1068 : memref<64x129xf32, #tpu.memory_space<vmem>>[vector<16xi32>, vector<16xi32>], vector<16xf32>,
        %get3A_1073 = arith.constant 0 : i32
        %get3A_1074 = arith.constant 0 : i32
        %get3A_1075 = tpu.memref_slice %arg7[%rem3A_261, %get3A_1073, %get3A_1074] : memref<3x128x128xf32, #tpu.memory_space<vmem>> -> memref<1x128x128xf32, #tpu.memory_space<vmem>>
        %get3A_1076 = tpu.memref_squeeze %get3A_1075 : memref<1x128x128xf32, #tpu.memory_space<vmem>> -> memref<128x128xf32, #tpu.memory_space<vmem>>
        %get3A_1077 = arith.index_cast %scan3A_1038 : i32 to index
        %get3A_1078 = arith.constant 48 : index
        %get3A_1079 = tpu.vector_load %get3A_1076[%get3A_1077, %get3A_1078] {strides = array<i32>} : memref<128x128xf32, #tpu.memory_space<vmem>>, vector<16xf32>,
        %scatter3A_1080 = arith.constant 0 : i32
        %scatter3A_1081 = arith.constant 0 : i32
        %scatter3A_1082 = tpu.memref_slice %arg8[%rem3A_245, %scatter3A_1080, %scatter3A_1081] : memref<2x64x129xf32, #tpu.memory_space<vmem>> -> memref<1x64x129xf32, #tpu.memory_space<vmem>>
        %scatter3A_1083 = tpu.memref_squeeze %scatter3A_1082 : memref<1x64x129xf32, #tpu.memory_space<vmem>> -> memref<64x129xf32, #tpu.memory_space<vmem>>
        tpu.vector_store_idx %scatter3A_1083[%add3A_14, %broadcast_in_dim3A_1039], %get3A_1079 : memref<64x129xf32, #tpu.memory_space<vmem>>[vector<16xi32>, vector<16xi32>], vector<16xf32>,
        %scan3A_1084 = arith.constant 17 : i32
        %scan3A_1085 = arith.addi %scan3A_288, %scan3A_1084 : i32
        %broadcast_in_dim3A_1086 = vector.broadcast %scan3A_1085 : i32 to vector<16xi32>
        %get3A_1087 = arith.constant 0 : i32
        %get3A_1088 = arith.constant 0 : i32
        %get3A_1089 = tpu.memref_slice %arg7[%rem3A_261, %get3A_1087, %get3A_1088] : memref<3x128x128xf32, #tpu.memory_space<vmem>> -> memref<1x128x128xf32, #tpu.memory_space<vmem>>
        %get3A_1090 = tpu.memref_squeeze %get3A_1089 : memref<1x128x128xf32, #tpu.memory_space<vmem>> -> memref<128x128xf32, #tpu.memory_space<vmem>>
        %get3A_1091 = arith.index_cast %scan3A_1085 : i32 to index
        %get3A_1092 = arith.constant 0 : index
        %get3A_1093 = tpu.vector_load %get3A_1090[%get3A_1091, %get3A_1092] {strides = array<i32>} : memref<128x128xf32, #tpu.memory_space<vmem>>, vector<16xf32>,
        %scatter3A_1094 = arith.constant 0 : i32
        %scatter3A_1095 = arith.constant 0 : i32
        %scatter3A_1096 = tpu.memref_slice %arg8[%rem3A_245, %scatter3A_1094, %scatter3A_1095] : memref<2x64x129xf32, #tpu.memory_space<vmem>> -> memref<1x64x129xf32, #tpu.memory_space<vmem>>
        %scatter3A_1097 = tpu.memref_squeeze %scatter3A_1096 : memref<1x64x129xf32, #tpu.memory_space<vmem>> -> memref<64x129xf32, #tpu.memory_space<vmem>>
        tpu.vector_store_idx %scatter3A_1097[%add3A_5, %broadcast_in_dim3A_1086], %get3A_1093 : memref<64x129xf32, #tpu.memory_space<vmem>>[vector<16xi32>, vector<16xi32>], vector<16xf32>,
        %get3A_1098 = arith.constant 0 : i32
        %get3A_1099 = arith.constant 0 : i32
        %get3A_1100 = tpu.memref_slice %arg7[%rem3A_261, %get3A_1098, %get3A_1099] : memref<3x128x128xf32, #tpu.memory_space<vmem>> -> memref<1x128x128xf32, #tpu.memory_space<vmem>>
        %get3A_1101 = tpu.memref_squeeze %get3A_1100 : memref<1x128x128xf32, #tpu.memory_space<vmem>> -> memref<128x128xf32, #tpu.memory_space<vmem>>
        %get3A_1102 = arith.index_cast %scan3A_1085 : i32 to index
        %get3A_1103 = arith.constant 16 : index
        %get3A_1104 = tpu.vector_load %get3A_1101[%get3A_1102, %get3A_1103] {strides = array<i32>} : memref<128x128xf32, #tpu.memory_space<vmem>>, vector<16xf32>,
        %scatter3A_1105 = arith.constant 0 : i32
        %scatter3A_1106 = arith.constant 0 : i32
        %scatter3A_1107 = tpu.memref_slice %arg8[%rem3A_245, %scatter3A_1105, %scatter3A_1106] : memref<2x64x129xf32, #tpu.memory_space<vmem>> -> memref<1x64x129xf32, #tpu.memory_space<vmem>>
        %scatter3A_1108 = tpu.memref_squeeze %scatter3A_1107 : memref<1x64x129xf32, #tpu.memory_space<vmem>> -> memref<64x129xf32, #tpu.memory_space<vmem>>
        tpu.vector_store_idx %scatter3A_1108[%add3A_8, %broadcast_in_dim3A_1086], %get3A_1104 : memref<64x129xf32, #tpu.memory_space<vmem>>[vector<16xi32>, vector<16xi32>], vector<16xf32>,
        %get3A_1109 = arith.constant 0 : i32
        %get3A_1110 = arith.constant 0 : i32
        %get3A_1111 = tpu.memref_slice %arg7[%rem3A_261, %get3A_1109, %get3A_1110] : memref<3x128x128xf32, #tpu.memory_space<vmem>> -> memref<1x128x128xf32, #tpu.memory_space<vmem>>
        %get3A_1112 = tpu.memref_squeeze %get3A_1111 : memref<1x128x128xf32, #tpu.memory_space<vmem>> -> memref<128x128xf32, #tpu.memory_space<vmem>>
        %get3A_1113 = arith.index_cast %scan3A_1085 : i32 to index
        %get3A_1114 = arith.constant 32 : index
        %get3A_1115 = tpu.vector_load %get3A_1112[%get3A_1113, %get3A_1114] {strides = array<i32>} : memref<128x128xf32, #tpu.memory_space<vmem>>, vector<16xf32>,
        %scatter3A_1116 = arith.constant 0 : i32
        %scatter3A_1117 = arith.constant 0 : i32
        %scatter3A_1118 = tpu.memref_slice %arg8[%rem3A_245, %scatter3A_1116, %scatter3A_1117] : memref<2x64x129xf32, #tpu.memory_space<vmem>> -> memref<1x64x129xf32, #tpu.memory_space<vmem>>
        %scatter3A_1119 = tpu.memref_squeeze %scatter3A_1118 : memref<1x64x129xf32, #tpu.memory_space<vmem>> -> memref<64x129xf32, #tpu.memory_space<vmem>>
        tpu.vector_store_idx %scatter3A_1119[%add3A_11, %broadcast_in_dim3A_1086], %get3A_1115 : memref<64x129xf32, #tpu.memory_space<vmem>>[vector<16xi32>, vector<16xi32>], vector<16xf32>,
        %get3A_1120 = arith.constant 0 : i32
        %get3A_1121 = arith.constant 0 : i32
        %get3A_1122 = tpu.memref_slice %arg7[%rem3A_261, %get3A_1120, %get3A_1121] : memref<3x128x128xf32, #tpu.memory_space<vmem>> -> memref<1x128x128xf32, #tpu.memory_space<vmem>>
        %get3A_1123 = tpu.memref_squeeze %get3A_1122 : memref<1x128x128xf32, #tpu.memory_space<vmem>> -> memref<128x128xf32, #tpu.memory_space<vmem>>
        %get3A_1124 = arith.index_cast %scan3A_1085 : i32 to index
        %get3A_1125 = arith.constant 48 : index
        %get3A_1126 = tpu.vector_load %get3A_1123[%get3A_1124, %get3A_1125] {strides = array<i32>} : memref<128x128xf32, #tpu.memory_space<vmem>>, vector<16xf32>,
        %scatter3A_1127 = arith.constant 0 : i32
        %scatter3A_1128 = arith.constant 0 : i32
        %scatter3A_1129 = tpu.memref_slice %arg8[%rem3A_245, %scatter3A_1127, %scatter3A_1128] : memref<2x64x129xf32, #tpu.memory_space<vmem>> -> memref<1x64x129xf32, #tpu.memory_space<vmem>>
        %scatter3A_1130 = tpu.memref_squeeze %scatter3A_1129 : memref<1x64x129xf32, #tpu.memory_space<vmem>> -> memref<64x129xf32, #tpu.memory_space<vmem>>
        tpu.vector_store_idx %scatter3A_1130[%add3A_14, %broadcast_in_dim3A_1086], %get3A_1126 : memref<64x129xf32, #tpu.memory_space<vmem>>[vector<16xi32>, vector<16xi32>], vector<16xf32>,
        %scan3A_1131 = arith.constant 18 : i32
        %scan3A_1132 = arith.addi %scan3A_288, %scan3A_1131 : i32
        %broadcast_in_dim3A_1133 = vector.broadcast %scan3A_1132 : i32 to vector<16xi32>
        %get3A_1134 = arith.constant 0 : i32
        %get3A_1135 = arith.constant 0 : i32
        %get3A_1136 = tpu.memref_slice %arg7[%rem3A_261, %get3A_1134, %get3A_1135] : memref<3x128x128xf32, #tpu.memory_space<vmem>> -> memref<1x128x128xf32, #tpu.memory_space<vmem>>
        %get3A_1137 = tpu.memref_squeeze %get3A_1136 : memref<1x128x128xf32, #tpu.memory_space<vmem>> -> memref<128x128xf32, #tpu.memory_space<vmem>>
        %get3A_1138 = arith.index_cast %scan3A_1132 : i32 to index
        %get3A_1139 = arith.constant 0 : index
        %get3A_1140 = tpu.vector_load %get3A_1137[%get3A_1138, %get3A_1139] {strides = array<i32>} : memref<128x128xf32, #tpu.memory_space<vmem>>, vector<16xf32>,
        %scatter3A_1141 = arith.constant 0 : i32
        %scatter3A_1142 = arith.constant 0 : i32
        %scatter3A_1143 = tpu.memref_slice %arg8[%rem3A_245, %scatter3A_1141, %scatter3A_1142] : memref<2x64x129xf32, #tpu.memory_space<vmem>> -> memref<1x64x129xf32, #tpu.memory_space<vmem>>
        %scatter3A_1144 = tpu.memref_squeeze %scatter3A_1143 : memref<1x64x129xf32, #tpu.memory_space<vmem>> -> memref<64x129xf32, #tpu.memory_space<vmem>>
        tpu.vector_store_idx %scatter3A_1144[%add3A_5, %broadcast_in_dim3A_1133], %get3A_1140 : memref<64x129xf32, #tpu.memory_space<vmem>>[vector<16xi32>, vector<16xi32>], vector<16xf32>,
        %get3A_1145 = arith.constant 0 : i32
        %get3A_1146 = arith.constant 0 : i32
        %get3A_1147 = tpu.memref_slice %arg7[%rem3A_261, %get3A_1145, %get3A_1146] : memref<3x128x128xf32, #tpu.memory_space<vmem>> -> memref<1x128x128xf32, #tpu.memory_space<vmem>>
        %get3A_1148 = tpu.memref_squeeze %get3A_1147 : memref<1x128x128xf32, #tpu.memory_space<vmem>> -> memref<128x128xf32, #tpu.memory_space<vmem>>
        %get3A_1149 = arith.index_cast %scan3A_1132 : i32 to index
        %get3A_1150 = arith.constant 16 : index
        %get3A_1151 = tpu.vector_load %get3A_1148[%get3A_1149, %get3A_1150] {strides = array<i32>} : memref<128x128xf32, #tpu.memory_space<vmem>>, vector<16xf32>,
        %scatter3A_1152 = arith.constant 0 : i32
        %scatter3A_1153 = arith.constant 0 : i32
        %scatter3A_1154 = tpu.memref_slice %arg8[%rem3A_245, %scatter3A_1152, %scatter3A_1153] : memref<2x64x129xf32, #tpu.memory_space<vmem>> -> memref<1x64x129xf32, #tpu.memory_space<vmem>>
        %scatter3A_1155 = tpu.memref_squeeze %scatter3A_1154 : memref<1x64x129xf32, #tpu.memory_space<vmem>> -> memref<64x129xf32, #tpu.memory_space<vmem>>
        tpu.vector_store_idx %scatter3A_1155[%add3A_8, %broadcast_in_dim3A_1133], %get3A_1151 : memref<64x129xf32, #tpu.memory_space<vmem>>[vector<16xi32>, vector<16xi32>], vector<16xf32>,
        %get3A_1156 = arith.constant 0 : i32
        %get3A_1157 = arith.constant 0 : i32
        %get3A_1158 = tpu.memref_slice %arg7[%rem3A_261, %get3A_1156, %get3A_1157] : memref<3x128x128xf32, #tpu.memory_space<vmem>> -> memref<1x128x128xf32, #tpu.memory_space<vmem>>
        %get3A_1159 = tpu.memref_squeeze %get3A_1158 : memref<1x128x128xf32, #tpu.memory_space<vmem>> -> memref<128x128xf32, #tpu.memory_space<vmem>>
        %get3A_1160 = arith.index_cast %scan3A_1132 : i32 to index
        %get3A_1161 = arith.constant 32 : index
        %get3A_1162 = tpu.vector_load %get3A_1159[%get3A_1160, %get3A_1161] {strides = array<i32>} : memref<128x128xf32, #tpu.memory_space<vmem>>, vector<16xf32>,
        %scatter3A_1163 = arith.constant 0 : i32
        %scatter3A_1164 = arith.constant 0 : i32
        %scatter3A_1165 = tpu.memref_slice %arg8[%rem3A_245, %scatter3A_1163, %scatter3A_1164] : memref<2x64x129xf32, #tpu.memory_space<vmem>> -> memref<1x64x129xf32, #tpu.memory_space<vmem>>
        %scatter3A_1166 = tpu.memref_squeeze %scatter3A_1165 : memref<1x64x129xf32, #tpu.memory_space<vmem>> -> memref<64x129xf32, #tpu.memory_space<vmem>>
        tpu.vector_store_idx %scatter3A_1166[%add3A_11, %broadcast_in_dim3A_1133], %get3A_1162 : memref<64x129xf32, #tpu.memory_space<vmem>>[vector<16xi32>, vector<16xi32>], vector<16xf32>,
        %get3A_1167 = arith.constant 0 : i32
        %get3A_1168 = arith.constant 0 : i32
        %get3A_1169 = tpu.memref_slice %arg7[%rem3A_261, %get3A_1167, %get3A_1168] : memref<3x128x128xf32, #tpu.memory_space<vmem>> -> memref<1x128x128xf32, #tpu.memory_space<vmem>>
        %get3A_1170 = tpu.memref_squeeze %get3A_1169 : memref<1x128x128xf32, #tpu.memory_space<vmem>> -> memref<128x128xf32, #tpu.memory_space<vmem>>
        %get3A_1171 = arith.index_cast %scan3A_1132 : i32 to index
        %get3A_1172 = arith.constant 48 : index
        %get3A_1173 = tpu.vector_load %get3A_1170[%get3A_1171, %get3A_1172] {strides = array<i32>} : memref<128x128xf32, #tpu.memory_space<vmem>>, vector<16xf32>,
        %scatter3A_1174 = arith.constant 0 : i32
        %scatter3A_1175 = arith.constant 0 : i32
        %scatter3A_1176 = tpu.memref_slice %arg8[%rem3A_245, %scatter3A_1174, %scatter3A_1175] : memref<2x64x129xf32, #tpu.memory_space<vmem>> -> memref<1x64x129xf32, #tpu.memory_space<vmem>>
        %scatter3A_1177 = tpu.memref_squeeze %scatter3A_1176 : memref<1x64x129xf32, #tpu.memory_space<vmem>> -> memref<64x129xf32, #tpu.memory_space<vmem>>
        tpu.vector_store_idx %scatter3A_1177[%add3A_14, %broadcast_in_dim3A_1133], %get3A_1173 : memref<64x129xf32, #tpu.memory_space<vmem>>[vector<16xi32>, vector<16xi32>], vector<16xf32>,
        %scan3A_1178 = arith.constant 19 : i32
        %scan3A_1179 = arith.addi %scan3A_288, %scan3A_1178 : i32
        %broadcast_in_dim3A_1180 = vector.broadcast %scan3A_1179 : i32 to vector<16xi32>
        %get3A_1181 = arith.constant 0 : i32
        %get3A_1182 = arith.constant 0 : i32
        %get3A_1183 = tpu.memref_slice %arg7[%rem3A_261, %get3A_1181, %get3A_1182] : memref<3x128x128xf32, #tpu.memory_space<vmem>> -> memref<1x128x128xf32, #tpu.memory_space<vmem>>
        %get3A_1184 = tpu.memref_squeeze %get3A_1183 : memref<1x128x128xf32, #tpu.memory_space<vmem>> -> memref<128x128xf32, #tpu.memory_space<vmem>>
        %get3A_1185 = arith.index_cast %scan3A_1179 : i32 to index
        %get3A_1186 = arith.constant 0 : index
        %get3A_1187 = tpu.vector_load %get3A_1184[%get3A_1185, %get3A_1186] {strides = array<i32>} : memref<128x128xf32, #tpu.memory_space<vmem>>, vector<16xf32>,
        %scatter3A_1188 = arith.constant 0 : i32
        %scatter3A_1189 = arith.constant 0 : i32
        %scatter3A_1190 = tpu.memref_slice %arg8[%rem3A_245, %scatter3A_1188, %scatter3A_1189] : memref<2x64x129xf32, #tpu.memory_space<vmem>> -> memref<1x64x129xf32, #tpu.memory_space<vmem>>
        %scatter3A_1191 = tpu.memref_squeeze %scatter3A_1190 : memref<1x64x129xf32, #tpu.memory_space<vmem>> -> memref<64x129xf32, #tpu.memory_space<vmem>>
        tpu.vector_store_idx %scatter3A_1191[%add3A_5, %broadcast_in_dim3A_1180], %get3A_1187 : memref<64x129xf32, #tpu.memory_space<vmem>>[vector<16xi32>, vector<16xi32>], vector<16xf32>,
        %get3A_1192 = arith.constant 0 : i32
        %get3A_1193 = arith.constant 0 : i32
        %get3A_1194 = tpu.memref_slice %arg7[%rem3A_261, %get3A_1192, %get3A_1193] : memref<3x128x128xf32, #tpu.memory_space<vmem>> -> memref<1x128x128xf32, #tpu.memory_space<vmem>>
        %get3A_1195 = tpu.memref_squeeze %get3A_1194 : memref<1x128x128xf32, #tpu.memory_space<vmem>> -> memref<128x128xf32, #tpu.memory_space<vmem>>
        %get3A_1196 = arith.index_cast %scan3A_1179 : i32 to index
        %get3A_1197 = arith.constant 16 : index
        %get3A_1198 = tpu.vector_load %get3A_1195[%get3A_1196, %get3A_1197] {strides = array<i32>} : memref<128x128xf32, #tpu.memory_space<vmem>>, vector<16xf32>,
        %scatter3A_1199 = arith.constant 0 : i32
        %scatter3A_1200 = arith.constant 0 : i32
        %scatter3A_1201 = tpu.memref_slice %arg8[%rem3A_245, %scatter3A_1199, %scatter3A_1200] : memref<2x64x129xf32, #tpu.memory_space<vmem>> -> memref<1x64x129xf32, #tpu.memory_space<vmem>>
        %scatter3A_1202 = tpu.memref_squeeze %scatter3A_1201 : memref<1x64x129xf32, #tpu.memory_space<vmem>> -> memref<64x129xf32, #tpu.memory_space<vmem>>
        tpu.vector_store_idx %scatter3A_1202[%add3A_8, %broadcast_in_dim3A_1180], %get3A_1198 : memref<64x129xf32, #tpu.memory_space<vmem>>[vector<16xi32>, vector<16xi32>], vector<16xf32>,
        %get3A_1203 = arith.constant 0 : i32
        %get3A_1204 = arith.constant 0 : i32
        %get3A_1205 = tpu.memref_slice %arg7[%rem3A_261, %get3A_1203, %get3A_1204] : memref<3x128x128xf32, #tpu.memory_space<vmem>> -> memref<1x128x128xf32, #tpu.memory_space<vmem>>
        %get3A_1206 = tpu.memref_squeeze %get3A_1205 : memref<1x128x128xf32, #tpu.memory_space<vmem>> -> memref<128x128xf32, #tpu.memory_space<vmem>>
        %get3A_1207 = arith.index_cast %scan3A_1179 : i32 to index
        %get3A_1208 = arith.constant 32 : index
        %get3A_1209 = tpu.vector_load %get3A_1206[%get3A_1207, %get3A_1208] {strides = array<i32>} : memref<128x128xf32, #tpu.memory_space<vmem>>, vector<16xf32>,
        %scatter3A_1210 = arith.constant 0 : i32
        %scatter3A_1211 = arith.constant 0 : i32
        %scatter3A_1212 = tpu.memref_slice %arg8[%rem3A_245, %scatter3A_1210, %scatter3A_1211] : memref<2x64x129xf32, #tpu.memory_space<vmem>> -> memref<1x64x129xf32, #tpu.memory_space<vmem>>
        %scatter3A_1213 = tpu.memref_squeeze %scatter3A_1212 : memref<1x64x129xf32, #tpu.memory_space<vmem>> -> memref<64x129xf32, #tpu.memory_space<vmem>>
        tpu.vector_store_idx %scatter3A_1213[%add3A_11, %broadcast_in_dim3A_1180], %get3A_1209 : memref<64x129xf32, #tpu.memory_space<vmem>>[vector<16xi32>, vector<16xi32>], vector<16xf32>,
        %get3A_1214 = arith.constant 0 : i32
        %get3A_1215 = arith.constant 0 : i32
        %get3A_1216 = tpu.memref_slice %arg7[%rem3A_261, %get3A_1214, %get3A_1215] : memref<3x128x128xf32, #tpu.memory_space<vmem>> -> memref<1x128x128xf32, #tpu.memory_space<vmem>>
        %get3A_1217 = tpu.memref_squeeze %get3A_1216 : memref<1x128x128xf32, #tpu.memory_space<vmem>> -> memref<128x128xf32, #tpu.memory_space<vmem>>
        %get3A_1218 = arith.index_cast %scan3A_1179 : i32 to index
        %get3A_1219 = arith.constant 48 : index
        %get3A_1220 = tpu.vector_load %get3A_1217[%get3A_1218, %get3A_1219] {strides = array<i32>} : memref<128x128xf32, #tpu.memory_space<vmem>>, vector<16xf32>,
        %scatter3A_1221 = arith.constant 0 : i32
        %scatter3A_1222 = arith.constant 0 : i32
        %scatter3A_1223 = tpu.memref_slice %arg8[%rem3A_245, %scatter3A_1221, %scatter3A_1222] : memref<2x64x129xf32, #tpu.memory_space<vmem>> -> memref<1x64x129xf32, #tpu.memory_space<vmem>>
        %scatter3A_1224 = tpu.memref_squeeze %scatter3A_1223 : memref<1x64x129xf32, #tpu.memory_space<vmem>> -> memref<64x129xf32, #tpu.memory_space<vmem>>
        tpu.vector_store_idx %scatter3A_1224[%add3A_14, %broadcast_in_dim3A_1180], %get3A_1220 : memref<64x129xf32, #tpu.memory_space<vmem>>[vector<16xi32>, vector<16xi32>], vector<16xf32>,
        %scan3A_1225 = arith.constant 20 : i32
        %scan3A_1226 = arith.addi %scan3A_288, %scan3A_1225 : i32
        %broadcast_in_dim3A_1227 = vector.broadcast %scan3A_1226 : i32 to vector<16xi32>
        %get3A_1228 = arith.constant 0 : i32
        %get3A_1229 = arith.constant 0 : i32
        %get3A_1230 = tpu.memref_slice %arg7[%rem3A_261, %get3A_1228, %get3A_1229] : memref<3x128x128xf32, #tpu.memory_space<vmem>> -> memref<1x128x128xf32, #tpu.memory_space<vmem>>
        %get3A_1231 = tpu.memref_squeeze %get3A_1230 : memref<1x128x128xf32, #tpu.memory_space<vmem>> -> memref<128x128xf32, #tpu.memory_space<vmem>>
        %get3A_1232 = arith.index_cast %scan3A_1226 : i32 to index
        %get3A_1233 = arith.constant 0 : index
        %get3A_1234 = tpu.vector_load %get3A_1231[%get3A_1232, %get3A_1233] {strides = array<i32>} : memref<128x128xf32, #tpu.memory_space<vmem>>, vector<16xf32>,
        %scatter3A_1235 = arith.constant 0 : i32
        %scatter3A_1236 = arith.constant 0 : i32
        %scatter3A_1237 = tpu.memref_slice %arg8[%rem3A_245, %scatter3A_1235, %scatter3A_1236] : memref<2x64x129xf32, #tpu.memory_space<vmem>> -> memref<1x64x129xf32, #tpu.memory_space<vmem>>
        %scatter3A_1238 = tpu.memref_squeeze %scatter3A_1237 : memref<1x64x129xf32, #tpu.memory_space<vmem>> -> memref<64x129xf32, #tpu.memory_space<vmem>>
        tpu.vector_store_idx %scatter3A_1238[%add3A_5, %broadcast_in_dim3A_1227], %get3A_1234 : memref<64x129xf32, #tpu.memory_space<vmem>>[vector<16xi32>, vector<16xi32>], vector<16xf32>,
        %get3A_1239 = arith.constant 0 : i32
        %get3A_1240 = arith.constant 0 : i32
        %get3A_1241 = tpu.memref_slice %arg7[%rem3A_261, %get3A_1239, %get3A_1240] : memref<3x128x128xf32, #tpu.memory_space<vmem>> -> memref<1x128x128xf32, #tpu.memory_space<vmem>>
        %get3A_1242 = tpu.memref_squeeze %get3A_1241 : memref<1x128x128xf32, #tpu.memory_space<vmem>> -> memref<128x128xf32, #tpu.memory_space<vmem>>
        %get3A_1243 = arith.index_cast %scan3A_1226 : i32 to index
        %get3A_1244 = arith.constant 16 : index
        %get3A_1245 = tpu.vector_load %get3A_1242[%get3A_1243, %get3A_1244] {strides = array<i32>} : memref<128x128xf32, #tpu.memory_space<vmem>>, vector<16xf32>,
        %scatter3A_1246 = arith.constant 0 : i32
        %scatter3A_1247 = arith.constant 0 : i32
        %scatter3A_1248 = tpu.memref_slice %arg8[%rem3A_245, %scatter3A_1246, %scatter3A_1247] : memref<2x64x129xf32, #tpu.memory_space<vmem>> -> memref<1x64x129xf32, #tpu.memory_space<vmem>>
        %scatter3A_1249 = tpu.memref_squeeze %scatter3A_1248 : memref<1x64x129xf32, #tpu.memory_space<vmem>> -> memref<64x129xf32, #tpu.memory_space<vmem>>
        tpu.vector_store_idx %scatter3A_1249[%add3A_8, %broadcast_in_dim3A_1227], %get3A_1245 : memref<64x129xf32, #tpu.memory_space<vmem>>[vector<16xi32>, vector<16xi32>], vector<16xf32>,
        %get3A_1250 = arith.constant 0 : i32
        %get3A_1251 = arith.constant 0 : i32
        %get3A_1252 = tpu.memref_slice %arg7[%rem3A_261, %get3A_1250, %get3A_1251] : memref<3x128x128xf32, #tpu.memory_space<vmem>> -> memref<1x128x128xf32, #tpu.memory_space<vmem>>
        %get3A_1253 = tpu.memref_squeeze %get3A_1252 : memref<1x128x128xf32, #tpu.memory_space<vmem>> -> memref<128x128xf32, #tpu.memory_space<vmem>>
        %get3A_1254 = arith.index_cast %scan3A_1226 : i32 to index
        %get3A_1255 = arith.constant 32 : index
        %get3A_1256 = tpu.vector_load %get3A_1253[%get3A_1254, %get3A_1255] {strides = array<i32>} : memref<128x128xf32, #tpu.memory_space<vmem>>, vector<16xf32>,
        %scatter3A_1257 = arith.constant 0 : i32
        %scatter3A_1258 = arith.constant 0 : i32
        %scatter3A_1259 = tpu.memref_slice %arg8[%rem3A_245, %scatter3A_1257, %scatter3A_1258] : memref<2x64x129xf32, #tpu.memory_space<vmem>> -> memref<1x64x129xf32, #tpu.memory_space<vmem>>
        %scatter3A_1260 = tpu.memref_squeeze %scatter3A_1259 : memref<1x64x129xf32, #tpu.memory_space<vmem>> -> memref<64x129xf32, #tpu.memory_space<vmem>>
        tpu.vector_store_idx %scatter3A_1260[%add3A_11, %broadcast_in_dim3A_1227], %get3A_1256 : memref<64x129xf32, #tpu.memory_space<vmem>>[vector<16xi32>, vector<16xi32>], vector<16xf32>,
        %get3A_1261 = arith.constant 0 : i32
        %get3A_1262 = arith.constant 0 : i32
        %get3A_1263 = tpu.memref_slice %arg7[%rem3A_261, %get3A_1261, %get3A_1262] : memref<3x128x128xf32, #tpu.memory_space<vmem>> -> memref<1x128x128xf32, #tpu.memory_space<vmem>>
        %get3A_1264 = tpu.memref_squeeze %get3A_1263 : memref<1x128x128xf32, #tpu.memory_space<vmem>> -> memref<128x128xf32, #tpu.memory_space<vmem>>
        %get3A_1265 = arith.index_cast %scan3A_1226 : i32 to index
        %get3A_1266 = arith.constant 48 : index
        %get3A_1267 = tpu.vector_load %get3A_1264[%get3A_1265, %get3A_1266] {strides = array<i32>} : memref<128x128xf32, #tpu.memory_space<vmem>>, vector<16xf32>,
        %scatter3A_1268 = arith.constant 0 : i32
        %scatter3A_1269 = arith.constant 0 : i32
        %scatter3A_1270 = tpu.memref_slice %arg8[%rem3A_245, %scatter3A_1268, %scatter3A_1269] : memref<2x64x129xf32, #tpu.memory_space<vmem>> -> memref<1x64x129xf32, #tpu.memory_space<vmem>>
        %scatter3A_1271 = tpu.memref_squeeze %scatter3A_1270 : memref<1x64x129xf32, #tpu.memory_space<vmem>> -> memref<64x129xf32, #tpu.memory_space<vmem>>
        tpu.vector_store_idx %scatter3A_1271[%add3A_14, %broadcast_in_dim3A_1227], %get3A_1267 : memref<64x129xf32, #tpu.memory_space<vmem>>[vector<16xi32>, vector<16xi32>], vector<16xf32>,
        %scan3A_1272 = arith.constant 21 : i32
        %scan3A_1273 = arith.addi %scan3A_288, %scan3A_1272 : i32
        %broadcast_in_dim3A_1274 = vector.broadcast %scan3A_1273 : i32 to vector<16xi32>
        %get3A_1275 = arith.constant 0 : i32
        %get3A_1276 = arith.constant 0 : i32
        %get3A_1277 = tpu.memref_slice %arg7[%rem3A_261, %get3A_1275, %get3A_1276] : memref<3x128x128xf32, #tpu.memory_space<vmem>> -> memref<1x128x128xf32, #tpu.memory_space<vmem>>
        %get3A_1278 = tpu.memref_squeeze %get3A_1277 : memref<1x128x128xf32, #tpu.memory_space<vmem>> -> memref<128x128xf32, #tpu.memory_space<vmem>>
        %get3A_1279 = arith.index_cast %scan3A_1273 : i32 to index
        %get3A_1280 = arith.constant 0 : index
        %get3A_1281 = tpu.vector_load %get3A_1278[%get3A_1279, %get3A_1280] {strides = array<i32>} : memref<128x128xf32, #tpu.memory_space<vmem>>, vector<16xf32>,
        %scatter3A_1282 = arith.constant 0 : i32
        %scatter3A_1283 = arith.constant 0 : i32
        %scatter3A_1284 = tpu.memref_slice %arg8[%rem3A_245, %scatter3A_1282, %scatter3A_1283] : memref<2x64x129xf32, #tpu.memory_space<vmem>> -> memref<1x64x129xf32, #tpu.memory_space<vmem>>
        %scatter3A_1285 = tpu.memref_squeeze %scatter3A_1284 : memref<1x64x129xf32, #tpu.memory_space<vmem>> -> memref<64x129xf32, #tpu.memory_space<vmem>>
        tpu.vector_store_idx %scatter3A_1285[%add3A_5, %broadcast_in_dim3A_1274], %get3A_1281 : memref<64x129xf32, #tpu.memory_space<vmem>>[vector<16xi32>, vector<16xi32>], vector<16xf32>,
        %get3A_1286 = arith.constant 0 : i32
        %get3A_1287 = arith.constant 0 : i32
        %get3A_1288 = tpu.memref_slice %arg7[%rem3A_261, %get3A_1286, %get3A_1287] : memref<3x128x128xf32, #tpu.memory_space<vmem>> -> memref<1x128x128xf32, #tpu.memory_space<vmem>>
        %get3A_1289 = tpu.memref_squeeze %get3A_1288 : memref<1x128x128xf32, #tpu.memory_space<vmem>> -> memref<128x128xf32, #tpu.memory_space<vmem>>
        %get3A_1290 = arith.index_cast %scan3A_1273 : i32 to index
        %get3A_1291 = arith.constant 16 : index
        %get3A_1292 = tpu.vector_load %get3A_1289[%get3A_1290, %get3A_1291] {strides = array<i32>} : memref<128x128xf32, #tpu.memory_space<vmem>>, vector<16xf32>,
        %scatter3A_1293 = arith.constant 0 : i32
        %scatter3A_1294 = arith.constant 0 : i32
        %scatter3A_1295 = tpu.memref_slice %arg8[%rem3A_245, %scatter3A_1293, %scatter3A_1294] : memref<2x64x129xf32, #tpu.memory_space<vmem>> -> memref<1x64x129xf32, #tpu.memory_space<vmem>>
        %scatter3A_1296 = tpu.memref_squeeze %scatter3A_1295 : memref<1x64x129xf32, #tpu.memory_space<vmem>> -> memref<64x129xf32, #tpu.memory_space<vmem>>
        tpu.vector_store_idx %scatter3A_1296[%add3A_8, %broadcast_in_dim3A_1274], %get3A_1292 : memref<64x129xf32, #tpu.memory_space<vmem>>[vector<16xi32>, vector<16xi32>], vector<16xf32>,
        %get3A_1297 = arith.constant 0 : i32
        %get3A_1298 = arith.constant 0 : i32
        %get3A_1299 = tpu.memref_slice %arg7[%rem3A_261, %get3A_1297, %get3A_1298] : memref<3x128x128xf32, #tpu.memory_space<vmem>> -> memref<1x128x128xf32, #tpu.memory_space<vmem>>
        %get3A_1300 = tpu.memref_squeeze %get3A_1299 : memref<1x128x128xf32, #tpu.memory_space<vmem>> -> memref<128x128xf32, #tpu.memory_space<vmem>>
        %get3A_1301 = arith.index_cast %scan3A_1273 : i32 to index
        %get3A_1302 = arith.constant 32 : index
        %get3A_1303 = tpu.vector_load %get3A_1300[%get3A_1301, %get3A_1302] {strides = array<i32>} : memref<128x128xf32, #tpu.memory_space<vmem>>, vector<16xf32>,
        %scatter3A_1304 = arith.constant 0 : i32
        %scatter3A_1305 = arith.constant 0 : i32
        %scatter3A_1306 = tpu.memref_slice %arg8[%rem3A_245, %scatter3A_1304, %scatter3A_1305] : memref<2x64x129xf32, #tpu.memory_space<vmem>> -> memref<1x64x129xf32, #tpu.memory_space<vmem>>
        %scatter3A_1307 = tpu.memref_squeeze %scatter3A_1306 : memref<1x64x129xf32, #tpu.memory_space<vmem>> -> memref<64x129xf32, #tpu.memory_space<vmem>>
        tpu.vector_store_idx %scatter3A_1307[%add3A_11, %broadcast_in_dim3A_1274], %get3A_1303 : memref<64x129xf32, #tpu.memory_space<vmem>>[vector<16xi32>, vector<16xi32>], vector<16xf32>,
        %get3A_1308 = arith.constant 0 : i32
        %get3A_1309 = arith.constant 0 : i32
        %get3A_1310 = tpu.memref_slice %arg7[%rem3A_261, %get3A_1308, %get3A_1309] : memref<3x128x128xf32, #tpu.memory_space<vmem>> -> memref<1x128x128xf32, #tpu.memory_space<vmem>>
        %get3A_1311 = tpu.memref_squeeze %get3A_1310 : memref<1x128x128xf32, #tpu.memory_space<vmem>> -> memref<128x128xf32, #tpu.memory_space<vmem>>
        %get3A_1312 = arith.index_cast %scan3A_1273 : i32 to index
        %get3A_1313 = arith.constant 48 : index
        %get3A_1314 = tpu.vector_load %get3A_1311[%get3A_1312, %get3A_1313] {strides = array<i32>} : memref<128x128xf32, #tpu.memory_space<vmem>>, vector<16xf32>,
        %scatter3A_1315 = arith.constant 0 : i32
        %scatter3A_1316 = arith.constant 0 : i32
        %scatter3A_1317 = tpu.memref_slice %arg8[%rem3A_245, %scatter3A_1315, %scatter3A_1316] : memref<2x64x129xf32, #tpu.memory_space<vmem>> -> memref<1x64x129xf32, #tpu.memory_space<vmem>>
        %scatter3A_1318 = tpu.memref_squeeze %scatter3A_1317 : memref<1x64x129xf32, #tpu.memory_space<vmem>> -> memref<64x129xf32, #tpu.memory_space<vmem>>
        tpu.vector_store_idx %scatter3A_1318[%add3A_14, %broadcast_in_dim3A_1274], %get3A_1314 : memref<64x129xf32, #tpu.memory_space<vmem>>[vector<16xi32>, vector<16xi32>], vector<16xf32>,
        %scan3A_1319 = arith.constant 22 : i32
        %scan3A_1320 = arith.addi %scan3A_288, %scan3A_1319 : i32
        %broadcast_in_dim3A_1321 = vector.broadcast %scan3A_1320 : i32 to vector<16xi32>
        %get3A_1322 = arith.constant 0 : i32
        %get3A_1323 = arith.constant 0 : i32
        %get3A_1324 = tpu.memref_slice %arg7[%rem3A_261, %get3A_1322, %get3A_1323] : memref<3x128x128xf32, #tpu.memory_space<vmem>> -> memref<1x128x128xf32, #tpu.memory_space<vmem>>
        %get3A_1325 = tpu.memref_squeeze %get3A_1324 : memref<1x128x128xf32, #tpu.memory_space<vmem>> -> memref<128x128xf32, #tpu.memory_space<vmem>>
        %get3A_1326 = arith.index_cast %scan3A_1320 : i32 to index
        %get3A_1327 = arith.constant 0 : index
        %get3A_1328 = tpu.vector_load %get3A_1325[%get3A_1326, %get3A_1327] {strides = array<i32>} : memref<128x128xf32, #tpu.memory_space<vmem>>, vector<16xf32>,
        %scatter3A_1329 = arith.constant 0 : i32
        %scatter3A_1330 = arith.constant 0 : i32
        %scatter3A_1331 = tpu.memref_slice %arg8[%rem3A_245, %scatter3A_1329, %scatter3A_1330] : memref<2x64x129xf32, #tpu.memory_space<vmem>> -> memref<1x64x129xf32, #tpu.memory_space<vmem>>
        %scatter3A_1332 = tpu.memref_squeeze %scatter3A_1331 : memref<1x64x129xf32, #tpu.memory_space<vmem>> -> memref<64x129xf32, #tpu.memory_space<vmem>>
        tpu.vector_store_idx %scatter3A_1332[%add3A_5, %broadcast_in_dim3A_1321], %get3A_1328 : memref<64x129xf32, #tpu.memory_space<vmem>>[vector<16xi32>, vector<16xi32>], vector<16xf32>,
        %get3A_1333 = arith.constant 0 : i32
        %get3A_1334 = arith.constant 0 : i32
        %get3A_1335 = tpu.memref_slice %arg7[%rem3A_261, %get3A_1333, %get3A_1334] : memref<3x128x128xf32, #tpu.memory_space<vmem>> -> memref<1x128x128xf32, #tpu.memory_space<vmem>>
        %get3A_1336 = tpu.memref_squeeze %get3A_1335 : memref<1x128x128xf32, #tpu.memory_space<vmem>> -> memref<128x128xf32, #tpu.memory_space<vmem>>
        %get3A_1337 = arith.index_cast %scan3A_1320 : i32 to index
        %get3A_1338 = arith.constant 16 : index
        %get3A_1339 = tpu.vector_load %get3A_1336[%get3A_1337, %get3A_1338] {strides = array<i32>} : memref<128x128xf32, #tpu.memory_space<vmem>>, vector<16xf32>,
        %scatter3A_1340 = arith.constant 0 : i32
        %scatter3A_1341 = arith.constant 0 : i32
        %scatter3A_1342 = tpu.memref_slice %arg8[%rem3A_245, %scatter3A_1340, %scatter3A_1341] : memref<2x64x129xf32, #tpu.memory_space<vmem>> -> memref<1x64x129xf32, #tpu.memory_space<vmem>>
        %scatter3A_1343 = tpu.memref_squeeze %scatter3A_1342 : memref<1x64x129xf32, #tpu.memory_space<vmem>> -> memref<64x129xf32, #tpu.memory_space<vmem>>
        tpu.vector_store_idx %scatter3A_1343[%add3A_8, %broadcast_in_dim3A_1321], %get3A_1339 : memref<64x129xf32, #tpu.memory_space<vmem>>[vector<16xi32>, vector<16xi32>], vector<16xf32>,
        %get3A_1344 = arith.constant 0 : i32
        %get3A_1345 = arith.constant 0 : i32
        %get3A_1346 = tpu.memref_slice %arg7[%rem3A_261, %get3A_1344, %get3A_1345] : memref<3x128x128xf32, #tpu.memory_space<vmem>> -> memref<1x128x128xf32, #tpu.memory_space<vmem>>
        %get3A_1347 = tpu.memref_squeeze %get3A_1346 : memref<1x128x128xf32, #tpu.memory_space<vmem>> -> memref<128x128xf32, #tpu.memory_space<vmem>>
        %get3A_1348 = arith.index_cast %scan3A_1320 : i32 to index
        %get3A_1349 = arith.constant 32 : index
        %get3A_1350 = tpu.vector_load %get3A_1347[%get3A_1348, %get3A_1349] {strides = array<i32>} : memref<128x128xf32, #tpu.memory_space<vmem>>, vector<16xf32>,
        %scatter3A_1351 = arith.constant 0 : i32
        %scatter3A_1352 = arith.constant 0 : i32
        %scatter3A_1353 = tpu.memref_slice %arg8[%rem3A_245, %scatter3A_1351, %scatter3A_1352] : memref<2x64x129xf32, #tpu.memory_space<vmem>> -> memref<1x64x129xf32, #tpu.memory_space<vmem>>
        %scatter3A_1354 = tpu.memref_squeeze %scatter3A_1353 : memref<1x64x129xf32, #tpu.memory_space<vmem>> -> memref<64x129xf32, #tpu.memory_space<vmem>>
        tpu.vector_store_idx %scatter3A_1354[%add3A_11, %broadcast_in_dim3A_1321], %get3A_1350 : memref<64x129xf32, #tpu.memory_space<vmem>>[vector<16xi32>, vector<16xi32>], vector<16xf32>,
        %get3A_1355 = arith.constant 0 : i32
        %get3A_1356 = arith.constant 0 : i32
        %get3A_1357 = tpu.memref_slice %arg7[%rem3A_261, %get3A_1355, %get3A_1356] : memref<3x128x128xf32, #tpu.memory_space<vmem>> -> memref<1x128x128xf32, #tpu.memory_space<vmem>>
        %get3A_1358 = tpu.memref_squeeze %get3A_1357 : memref<1x128x128xf32, #tpu.memory_space<vmem>> -> memref<128x128xf32, #tpu.memory_space<vmem>>
        %get3A_1359 = arith.index_cast %scan3A_1320 : i32 to index
        %get3A_1360 = arith.constant 48 : index
        %get3A_1361 = tpu.vector_load %get3A_1358[%get3A_1359, %get3A_1360] {strides = array<i32>} : memref<128x128xf32, #tpu.memory_space<vmem>>, vector<16xf32>,
        %scatter3A_1362 = arith.constant 0 : i32
        %scatter3A_1363 = arith.constant 0 : i32
        %scatter3A_1364 = tpu.memref_slice %arg8[%rem3A_245, %scatter3A_1362, %scatter3A_1363] : memref<2x64x129xf32, #tpu.memory_space<vmem>> -> memref<1x64x129xf32, #tpu.memory_space<vmem>>
        %scatter3A_1365 = tpu.memref_squeeze %scatter3A_1364 : memref<1x64x129xf32, #tpu.memory_space<vmem>> -> memref<64x129xf32, #tpu.memory_space<vmem>>
        tpu.vector_store_idx %scatter3A_1365[%add3A_14, %broadcast_in_dim3A_1321], %get3A_1361 : memref<64x129xf32, #tpu.memory_space<vmem>>[vector<16xi32>, vector<16xi32>], vector<16xf32>,
        %scan3A_1366 = arith.constant 23 : i32
        %scan3A_1367 = arith.addi %scan3A_288, %scan3A_1366 : i32
        %broadcast_in_dim3A_1368 = vector.broadcast %scan3A_1367 : i32 to vector<16xi32>
        %get3A_1369 = arith.constant 0 : i32
        %get3A_1370 = arith.constant 0 : i32
        %get3A_1371 = tpu.memref_slice %arg7[%rem3A_261, %get3A_1369, %get3A_1370] : memref<3x128x128xf32, #tpu.memory_space<vmem>> -> memref<1x128x128xf32, #tpu.memory_space<vmem>>
        %get3A_1372 = tpu.memref_squeeze %get3A_1371 : memref<1x128x128xf32, #tpu.memory_space<vmem>> -> memref<128x128xf32, #tpu.memory_space<vmem>>
        %get3A_1373 = arith.index_cast %scan3A_1367 : i32 to index
        %get3A_1374 = arith.constant 0 : index
        %get3A_1375 = tpu.vector_load %get3A_1372[%get3A_1373, %get3A_1374] {strides = array<i32>} : memref<128x128xf32, #tpu.memory_space<vmem>>, vector<16xf32>,
        %scatter3A_1376 = arith.constant 0 : i32
        %scatter3A_1377 = arith.constant 0 : i32
        %scatter3A_1378 = tpu.memref_slice %arg8[%rem3A_245, %scatter3A_1376, %scatter3A_1377] : memref<2x64x129xf32, #tpu.memory_space<vmem>> -> memref<1x64x129xf32, #tpu.memory_space<vmem>>
        %scatter3A_1379 = tpu.memref_squeeze %scatter3A_1378 : memref<1x64x129xf32, #tpu.memory_space<vmem>> -> memref<64x129xf32, #tpu.memory_space<vmem>>
        tpu.vector_store_idx %scatter3A_1379[%add3A_5, %broadcast_in_dim3A_1368], %get3A_1375 : memref<64x129xf32, #tpu.memory_space<vmem>>[vector<16xi32>, vector<16xi32>], vector<16xf32>,
        %get3A_1380 = arith.constant 0 : i32
        %get3A_1381 = arith.constant 0 : i32
        %get3A_1382 = tpu.memref_slice %arg7[%rem3A_261, %get3A_1380, %get3A_1381] : memref<3x128x128xf32, #tpu.memory_space<vmem>> -> memref<1x128x128xf32, #tpu.memory_space<vmem>>
        %get3A_1383 = tpu.memref_squeeze %get3A_1382 : memref<1x128x128xf32, #tpu.memory_space<vmem>> -> memref<128x128xf32, #tpu.memory_space<vmem>>
        %get3A_1384 = arith.index_cast %scan3A_1367 : i32 to index
        %get3A_1385 = arith.constant 16 : index
        %get3A_1386 = tpu.vector_load %get3A_1383[%get3A_1384, %get3A_1385] {strides = array<i32>} : memref<128x128xf32, #tpu.memory_space<vmem>>, vector<16xf32>,
        %scatter3A_1387 = arith.constant 0 : i32
        %scatter3A_1388 = arith.constant 0 : i32
        %scatter3A_1389 = tpu.memref_slice %arg8[%rem3A_245, %scatter3A_1387, %scatter3A_1388] : memref<2x64x129xf32, #tpu.memory_space<vmem>> -> memref<1x64x129xf32, #tpu.memory_space<vmem>>
        %scatter3A_1390 = tpu.memref_squeeze %scatter3A_1389 : memref<1x64x129xf32, #tpu.memory_space<vmem>> -> memref<64x129xf32, #tpu.memory_space<vmem>>
        tpu.vector_store_idx %scatter3A_1390[%add3A_8, %broadcast_in_dim3A_1368], %get3A_1386 : memref<64x129xf32, #tpu.memory_space<vmem>>[vector<16xi32>, vector<16xi32>], vector<16xf32>,
        %get3A_1391 = arith.constant 0 : i32
        %get3A_1392 = arith.constant 0 : i32
        %get3A_1393 = tpu.memref_slice %arg7[%rem3A_261, %get3A_1391, %get3A_1392] : memref<3x128x128xf32, #tpu.memory_space<vmem>> -> memref<1x128x128xf32, #tpu.memory_space<vmem>>
        %get3A_1394 = tpu.memref_squeeze %get3A_1393 : memref<1x128x128xf32, #tpu.memory_space<vmem>> -> memref<128x128xf32, #tpu.memory_space<vmem>>
        %get3A_1395 = arith.index_cast %scan3A_1367 : i32 to index
        %get3A_1396 = arith.constant 32 : index
        %get3A_1397 = tpu.vector_load %get3A_1394[%get3A_1395, %get3A_1396] {strides = array<i32>} : memref<128x128xf32, #tpu.memory_space<vmem>>, vector<16xf32>,
        %scatter3A_1398 = arith.constant 0 : i32
        %scatter3A_1399 = arith.constant 0 : i32
        %scatter3A_1400 = tpu.memref_slice %arg8[%rem3A_245, %scatter3A_1398, %scatter3A_1399] : memref<2x64x129xf32, #tpu.memory_space<vmem>> -> memref<1x64x129xf32, #tpu.memory_space<vmem>>
        %scatter3A_1401 = tpu.memref_squeeze %scatter3A_1400 : memref<1x64x129xf32, #tpu.memory_space<vmem>> -> memref<64x129xf32, #tpu.memory_space<vmem>>
        tpu.vector_store_idx %scatter3A_1401[%add3A_11, %broadcast_in_dim3A_1368], %get3A_1397 : memref<64x129xf32, #tpu.memory_space<vmem>>[vector<16xi32>, vector<16xi32>], vector<16xf32>,
        %get3A_1402 = arith.constant 0 : i32
        %get3A_1403 = arith.constant 0 : i32
        %get3A_1404 = tpu.memref_slice %arg7[%rem3A_261, %get3A_1402, %get3A_1403] : memref<3x128x128xf32, #tpu.memory_space<vmem>> -> memref<1x128x128xf32, #tpu.memory_space<vmem>>
        %get3A_1405 = tpu.memref_squeeze %get3A_1404 : memref<1x128x128xf32, #tpu.memory_space<vmem>> -> memref<128x128xf32, #tpu.memory_space<vmem>>
        %get3A_1406 = arith.index_cast %scan3A_1367 : i32 to index
        %get3A_1407 = arith.constant 48 : index
        %get3A_1408 = tpu.vector_load %get3A_1405[%get3A_1406, %get3A_1407] {strides = array<i32>} : memref<128x128xf32, #tpu.memory_space<vmem>>, vector<16xf32>,
        %scatter3A_1409 = arith.constant 0 : i32
        %scatter3A_1410 = arith.constant 0 : i32
        %scatter3A_1411 = tpu.memref_slice %arg8[%rem3A_245, %scatter3A_1409, %scatter3A_1410] : memref<2x64x129xf32, #tpu.memory_space<vmem>> -> memref<1x64x129xf32, #tpu.memory_space<vmem>>
        %scatter3A_1412 = tpu.memref_squeeze %scatter3A_1411 : memref<1x64x129xf32, #tpu.memory_space<vmem>> -> memref<64x129xf32, #tpu.memory_space<vmem>>
        tpu.vector_store_idx %scatter3A_1412[%add3A_14, %broadcast_in_dim3A_1368], %get3A_1408 : memref<64x129xf32, #tpu.memory_space<vmem>>[vector<16xi32>, vector<16xi32>], vector<16xf32>,
        %scan3A_1413 = arith.constant 24 : i32
        %scan3A_1414 = arith.addi %scan3A_288, %scan3A_1413 : i32
        %broadcast_in_dim3A_1415 = vector.broadcast %scan3A_1414 : i32 to vector<16xi32>
        %get3A_1416 = arith.constant 0 : i32
        %get3A_1417 = arith.constant 0 : i32
        %get3A_1418 = tpu.memref_slice %arg7[%rem3A_261, %get3A_1416, %get3A_1417] : memref<3x128x128xf32, #tpu.memory_space<vmem>> -> memref<1x128x128xf32, #tpu.memory_space<vmem>>
        %get3A_1419 = tpu.memref_squeeze %get3A_1418 : memref<1x128x128xf32, #tpu.memory_space<vmem>> -> memref<128x128xf32, #tpu.memory_space<vmem>>
        %get3A_1420 = arith.index_cast %scan3A_1414 : i32 to index
        %get3A_1421 = arith.constant 0 : index
        %get3A_1422 = tpu.vector_load %get3A_1419[%get3A_1420, %get3A_1421] {strides = array<i32>} : memref<128x128xf32, #tpu.memory_space<vmem>>, vector<16xf32>,
        %scatter3A_1423 = arith.constant 0 : i32
        %scatter3A_1424 = arith.constant 0 : i32
        %scatter3A_1425 = tpu.memref_slice %arg8[%rem3A_245, %scatter3A_1423, %scatter3A_1424] : memref<2x64x129xf32, #tpu.memory_space<vmem>> -> memref<1x64x129xf32, #tpu.memory_space<vmem>>
        %scatter3A_1426 = tpu.memref_squeeze %scatter3A_1425 : memref<1x64x129xf32, #tpu.memory_space<vmem>> -> memref<64x129xf32, #tpu.memory_space<vmem>>
        tpu.vector_store_idx %scatter3A_1426[%add3A_5, %broadcast_in_dim3A_1415], %get3A_1422 : memref<64x129xf32, #tpu.memory_space<vmem>>[vector<16xi32>, vector<16xi32>], vector<16xf32>,
        %get3A_1427 = arith.constant 0 : i32
        %get3A_1428 = arith.constant 0 : i32
        %get3A_1429 = tpu.memref_slice %arg7[%rem3A_261, %get3A_1427, %get3A_1428] : memref<3x128x128xf32, #tpu.memory_space<vmem>> -> memref<1x128x128xf32, #tpu.memory_space<vmem>>
        %get3A_1430 = tpu.memref_squeeze %get3A_1429 : memref<1x128x128xf32, #tpu.memory_space<vmem>> -> memref<128x128xf32, #tpu.memory_space<vmem>>
        %get3A_1431 = arith.index_cast %scan3A_1414 : i32 to index
        %get3A_1432 = arith.constant 16 : index
        %get3A_1433 = tpu.vector_load %get3A_1430[%get3A_1431, %get3A_1432] {strides = array<i32>} : memref<128x128xf32, #tpu.memory_space<vmem>>, vector<16xf32>,
        %scatter3A_1434 = arith.constant 0 : i32
        %scatter3A_1435 = arith.constant 0 : i32
        %scatter3A_1436 = tpu.memref_slice %arg8[%rem3A_245, %scatter3A_1434, %scatter3A_1435] : memref<2x64x129xf32, #tpu.memory_space<vmem>> -> memref<1x64x129xf32, #tpu.memory_space<vmem>>
        %scatter3A_1437 = tpu.memref_squeeze %scatter3A_1436 : memref<1x64x129xf32, #tpu.memory_space<vmem>> -> memref<64x129xf32, #tpu.memory_space<vmem>>
        tpu.vector_store_idx %scatter3A_1437[%add3A_8, %broadcast_in_dim3A_1415], %get3A_1433 : memref<64x129xf32, #tpu.memory_space<vmem>>[vector<16xi32>, vector<16xi32>], vector<16xf32>,
        %get3A_1438 = arith.constant 0 : i32
        %get3A_1439 = arith.constant 0 : i32
        %get3A_1440 = tpu.memref_slice %arg7[%rem3A_261, %get3A_1438, %get3A_1439] : memref<3x128x128xf32, #tpu.memory_space<vmem>> -> memref<1x128x128xf32, #tpu.memory_space<vmem>>
        %get3A_1441 = tpu.memref_squeeze %get3A_1440 : memref<1x128x128xf32, #tpu.memory_space<vmem>> -> memref<128x128xf32, #tpu.memory_space<vmem>>
        %get3A_1442 = arith.index_cast %scan3A_1414 : i32 to index
        %get3A_1443 = arith.constant 32 : index
        %get3A_1444 = tpu.vector_load %get3A_1441[%get3A_1442, %get3A_1443] {strides = array<i32>} : memref<128x128xf32, #tpu.memory_space<vmem>>, vector<16xf32>,
        %scatter3A_1445 = arith.constant 0 : i32
        %scatter3A_1446 = arith.constant 0 : i32
        %scatter3A_1447 = tpu.memref_slice %arg8[%rem3A_245, %scatter3A_1445, %scatter3A_1446] : memref<2x64x129xf32, #tpu.memory_space<vmem>> -> memref<1x64x129xf32, #tpu.memory_space<vmem>>
        %scatter3A_1448 = tpu.memref_squeeze %scatter3A_1447 : memref<1x64x129xf32, #tpu.memory_space<vmem>> -> memref<64x129xf32, #tpu.memory_space<vmem>>
        tpu.vector_store_idx %scatter3A_1448[%add3A_11, %broadcast_in_dim3A_1415], %get3A_1444 : memref<64x129xf32, #tpu.memory_space<vmem>>[vector<16xi32>, vector<16xi32>], vector<16xf32>,
        %get3A_1449 = arith.constant 0 : i32
        %get3A_1450 = arith.constant 0 : i32
        %get3A_1451 = tpu.memref_slice %arg7[%rem3A_261, %get3A_1449, %get3A_1450] : memref<3x128x128xf32, #tpu.memory_space<vmem>> -> memref<1x128x128xf32, #tpu.memory_space<vmem>>
        %get3A_1452 = tpu.memref_squeeze %get3A_1451 : memref<1x128x128xf32, #tpu.memory_space<vmem>> -> memref<128x128xf32, #tpu.memory_space<vmem>>
        %get3A_1453 = arith.index_cast %scan3A_1414 : i32 to index
        %get3A_1454 = arith.constant 48 : index
        %get3A_1455 = tpu.vector_load %get3A_1452[%get3A_1453, %get3A_1454] {strides = array<i32>} : memref<128x128xf32, #tpu.memory_space<vmem>>, vector<16xf32>,
        %scatter3A_1456 = arith.constant 0 : i32
        %scatter3A_1457 = arith.constant 0 : i32
        %scatter3A_1458 = tpu.memref_slice %arg8[%rem3A_245, %scatter3A_1456, %scatter3A_1457] : memref<2x64x129xf32, #tpu.memory_space<vmem>> -> memref<1x64x129xf32, #tpu.memory_space<vmem>>
        %scatter3A_1459 = tpu.memref_squeeze %scatter3A_1458 : memref<1x64x129xf32, #tpu.memory_space<vmem>> -> memref<64x129xf32, #tpu.memory_space<vmem>>
        tpu.vector_store_idx %scatter3A_1459[%add3A_14, %broadcast_in_dim3A_1415], %get3A_1455 : memref<64x129xf32, #tpu.memory_space<vmem>>[vector<16xi32>, vector<16xi32>], vector<16xf32>,
        %scan3A_1460 = arith.constant 25 : i32
        %scan3A_1461 = arith.addi %scan3A_288, %scan3A_1460 : i32
        %broadcast_in_dim3A_1462 = vector.broadcast %scan3A_1461 : i32 to vector<16xi32>
        %get3A_1463 = arith.constant 0 : i32
        %get3A_1464 = arith.constant 0 : i32
        %get3A_1465 = tpu.memref_slice %arg7[%rem3A_261, %get3A_1463, %get3A_1464] : memref<3x128x128xf32, #tpu.memory_space<vmem>> -> memref<1x128x128xf32, #tpu.memory_space<vmem>>
        %get3A_1466 = tpu.memref_squeeze %get3A_1465 : memref<1x128x128xf32, #tpu.memory_space<vmem>> -> memref<128x128xf32, #tpu.memory_space<vmem>>
        %get3A_1467 = arith.index_cast %scan3A_1461 : i32 to index
        %get3A_1468 = arith.constant 0 : index
        %get3A_1469 = tpu.vector_load %get3A_1466[%get3A_1467, %get3A_1468] {strides = array<i32>} : memref<128x128xf32, #tpu.memory_space<vmem>>, vector<16xf32>,
        %scatter3A_1470 = arith.constant 0 : i32
        %scatter3A_1471 = arith.constant 0 : i32
        %scatter3A_1472 = tpu.memref_slice %arg8[%rem3A_245, %scatter3A_1470, %scatter3A_1471] : memref<2x64x129xf32, #tpu.memory_space<vmem>> -> memref<1x64x129xf32, #tpu.memory_space<vmem>>
        %scatter3A_1473 = tpu.memref_squeeze %scatter3A_1472 : memref<1x64x129xf32, #tpu.memory_space<vmem>> -> memref<64x129xf32, #tpu.memory_space<vmem>>
        tpu.vector_store_idx %scatter3A_1473[%add3A_5, %broadcast_in_dim3A_1462], %get3A_1469 : memref<64x129xf32, #tpu.memory_space<vmem>>[vector<16xi32>, vector<16xi32>], vector<16xf32>,
        %get3A_1474 = arith.constant 0 : i32
        %get3A_1475 = arith.constant 0 : i32
        %get3A_1476 = tpu.memref_slice %arg7[%rem3A_261, %get3A_1474, %get3A_1475] : memref<3x128x128xf32, #tpu.memory_space<vmem>> -> memref<1x128x128xf32, #tpu.memory_space<vmem>>
        %get3A_1477 = tpu.memref_squeeze %get3A_1476 : memref<1x128x128xf32, #tpu.memory_space<vmem>> -> memref<128x128xf32, #tpu.memory_space<vmem>>
        %get3A_1478 = arith.index_cast %scan3A_1461 : i32 to index
        %get3A_1479 = arith.constant 16 : index
        %get3A_1480 = tpu.vector_load %get3A_1477[%get3A_1478, %get3A_1479] {strides = array<i32>} : memref<128x128xf32, #tpu.memory_space<vmem>>, vector<16xf32>,
        %scatter3A_1481 = arith.constant 0 : i32
        %scatter3A_1482 = arith.constant 0 : i32
        %scatter3A_1483 = tpu.memref_slice %arg8[%rem3A_245, %scatter3A_1481, %scatter3A_1482] : memref<2x64x129xf32, #tpu.memory_space<vmem>> -> memref<1x64x129xf32, #tpu.memory_space<vmem>>
        %scatter3A_1484 = tpu.memref_squeeze %scatter3A_1483 : memref<1x64x129xf32, #tpu.memory_space<vmem>> -> memref<64x129xf32, #tpu.memory_space<vmem>>
        tpu.vector_store_idx %scatter3A_1484[%add3A_8, %broadcast_in_dim3A_1462], %get3A_1480 : memref<64x129xf32, #tpu.memory_space<vmem>>[vector<16xi32>, vector<16xi32>], vector<16xf32>,
        %get3A_1485 = arith.constant 0 : i32
        %get3A_1486 = arith.constant 0 : i32
        %get3A_1487 = tpu.memref_slice %arg7[%rem3A_261, %get3A_1485, %get3A_1486] : memref<3x128x128xf32, #tpu.memory_space<vmem>> -> memref<1x128x128xf32, #tpu.memory_space<vmem>>
        %get3A_1488 = tpu.memref_squeeze %get3A_1487 : memref<1x128x128xf32, #tpu.memory_space<vmem>> -> memref<128x128xf32, #tpu.memory_space<vmem>>
        %get3A_1489 = arith.index_cast %scan3A_1461 : i32 to index
        %get3A_1490 = arith.constant 32 : index
        %get3A_1491 = tpu.vector_load %get3A_1488[%get3A_1489, %get3A_1490] {strides = array<i32>} : memref<128x128xf32, #tpu.memory_space<vmem>>, vector<16xf32>,
        %scatter3A_1492 = arith.constant 0 : i32
        %scatter3A_1493 = arith.constant 0 : i32
        %scatter3A_1494 = tpu.memref_slice %arg8[%rem3A_245, %scatter3A_1492, %scatter3A_1493] : memref<2x64x129xf32, #tpu.memory_space<vmem>> -> memref<1x64x129xf32, #tpu.memory_space<vmem>>
        %scatter3A_1495 = tpu.memref_squeeze %scatter3A_1494 : memref<1x64x129xf32, #tpu.memory_space<vmem>> -> memref<64x129xf32, #tpu.memory_space<vmem>>
        tpu.vector_store_idx %scatter3A_1495[%add3A_11, %broadcast_in_dim3A_1462], %get3A_1491 : memref<64x129xf32, #tpu.memory_space<vmem>>[vector<16xi32>, vector<16xi32>], vector<16xf32>,
        %get3A_1496 = arith.constant 0 : i32
        %get3A_1497 = arith.constant 0 : i32
        %get3A_1498 = tpu.memref_slice %arg7[%rem3A_261, %get3A_1496, %get3A_1497] : memref<3x128x128xf32, #tpu.memory_space<vmem>> -> memref<1x128x128xf32, #tpu.memory_space<vmem>>
        %get3A_1499 = tpu.memref_squeeze %get3A_1498 : memref<1x128x128xf32, #tpu.memory_space<vmem>> -> memref<128x128xf32, #tpu.memory_space<vmem>>
        %get3A_1500 = arith.index_cast %scan3A_1461 : i32 to index
        %get3A_1501 = arith.constant 48 : index
        %get3A_1502 = tpu.vector_load %get3A_1499[%get3A_1500, %get3A_1501] {strides = array<i32>} : memref<128x128xf32, #tpu.memory_space<vmem>>, vector<16xf32>,
        %scatter3A_1503 = arith.constant 0 : i32
        %scatter3A_1504 = arith.constant 0 : i32
        %scatter3A_1505 = tpu.memref_slice %arg8[%rem3A_245, %scatter3A_1503, %scatter3A_1504] : memref<2x64x129xf32, #tpu.memory_space<vmem>> -> memref<1x64x129xf32, #tpu.memory_space<vmem>>
        %scatter3A_1506 = tpu.memref_squeeze %scatter3A_1505 : memref<1x64x129xf32, #tpu.memory_space<vmem>> -> memref<64x129xf32, #tpu.memory_space<vmem>>
        tpu.vector_store_idx %scatter3A_1506[%add3A_14, %broadcast_in_dim3A_1462], %get3A_1502 : memref<64x129xf32, #tpu.memory_space<vmem>>[vector<16xi32>, vector<16xi32>], vector<16xf32>,
        %scan3A_1507 = arith.constant 26 : i32
        %scan3A_1508 = arith.addi %scan3A_288, %scan3A_1507 : i32
        %broadcast_in_dim3A_1509 = vector.broadcast %scan3A_1508 : i32 to vector<16xi32>
        %get3A_1510 = arith.constant 0 : i32
        %get3A_1511 = arith.constant 0 : i32
        %get3A_1512 = tpu.memref_slice %arg7[%rem3A_261, %get3A_1510, %get3A_1511] : memref<3x128x128xf32, #tpu.memory_space<vmem>> -> memref<1x128x128xf32, #tpu.memory_space<vmem>>
        %get3A_1513 = tpu.memref_squeeze %get3A_1512 : memref<1x128x128xf32, #tpu.memory_space<vmem>> -> memref<128x128xf32, #tpu.memory_space<vmem>>
        %get3A_1514 = arith.index_cast %scan3A_1508 : i32 to index
        %get3A_1515 = arith.constant 0 : index
        %get3A_1516 = tpu.vector_load %get3A_1513[%get3A_1514, %get3A_1515] {strides = array<i32>} : memref<128x128xf32, #tpu.memory_space<vmem>>, vector<16xf32>,
        %scatter3A_1517 = arith.constant 0 : i32
        %scatter3A_1518 = arith.constant 0 : i32
        %scatter3A_1519 = tpu.memref_slice %arg8[%rem3A_245, %scatter3A_1517, %scatter3A_1518] : memref<2x64x129xf32, #tpu.memory_space<vmem>> -> memref<1x64x129xf32, #tpu.memory_space<vmem>>
        %scatter3A_1520 = tpu.memref_squeeze %scatter3A_1519 : memref<1x64x129xf32, #tpu.memory_space<vmem>> -> memref<64x129xf32, #tpu.memory_space<vmem>>
        tpu.vector_store_idx %scatter3A_1520[%add3A_5, %broadcast_in_dim3A_1509], %get3A_1516 : memref<64x129xf32, #tpu.memory_space<vmem>>[vector<16xi32>, vector<16xi32>], vector<16xf32>,
        %get3A_1521 = arith.constant 0 : i32
        %get3A_1522 = arith.constant 0 : i32
        %get3A_1523 = tpu.memref_slice %arg7[%rem3A_261, %get3A_1521, %get3A_1522] : memref<3x128x128xf32, #tpu.memory_space<vmem>> -> memref<1x128x128xf32, #tpu.memory_space<vmem>>
        %get3A_1524 = tpu.memref_squeeze %get3A_1523 : memref<1x128x128xf32, #tpu.memory_space<vmem>> -> memref<128x128xf32, #tpu.memory_space<vmem>>
        %get3A_1525 = arith.index_cast %scan3A_1508 : i32 to index
        %get3A_1526 = arith.constant 16 : index
        %get3A_1527 = tpu.vector_load %get3A_1524[%get3A_1525, %get3A_1526] {strides = array<i32>} : memref<128x128xf32, #tpu.memory_space<vmem>>, vector<16xf32>,
        %scatter3A_1528 = arith.constant 0 : i32
        %scatter3A_1529 = arith.constant 0 : i32
        %scatter3A_1530 = tpu.memref_slice %arg8[%rem3A_245, %scatter3A_1528, %scatter3A_1529] : memref<2x64x129xf32, #tpu.memory_space<vmem>> -> memref<1x64x129xf32, #tpu.memory_space<vmem>>
        %scatter3A_1531 = tpu.memref_squeeze %scatter3A_1530 : memref<1x64x129xf32, #tpu.memory_space<vmem>> -> memref<64x129xf32, #tpu.memory_space<vmem>>
        tpu.vector_store_idx %scatter3A_1531[%add3A_8, %broadcast_in_dim3A_1509], %get3A_1527 : memref<64x129xf32, #tpu.memory_space<vmem>>[vector<16xi32>, vector<16xi32>], vector<16xf32>,
        %get3A_1532 = arith.constant 0 : i32
        %get3A_1533 = arith.constant 0 : i32
        %get3A_1534 = tpu.memref_slice %arg7[%rem3A_261, %get3A_1532, %get3A_1533] : memref<3x128x128xf32, #tpu.memory_space<vmem>> -> memref<1x128x128xf32, #tpu.memory_space<vmem>>
        %get3A_1535 = tpu.memref_squeeze %get3A_1534 : memref<1x128x128xf32, #tpu.memory_space<vmem>> -> memref<128x128xf32, #tpu.memory_space<vmem>>
        %get3A_1536 = arith.index_cast %scan3A_1508 : i32 to index
        %get3A_1537 = arith.constant 32 : index
        %get3A_1538 = tpu.vector_load %get3A_1535[%get3A_1536, %get3A_1537] {strides = array<i32>} : memref<128x128xf32, #tpu.memory_space<vmem>>, vector<16xf32>,
        %scatter3A_1539 = arith.constant 0 : i32
        %scatter3A_1540 = arith.constant 0 : i32
        %scatter3A_1541 = tpu.memref_slice %arg8[%rem3A_245, %scatter3A_1539, %scatter3A_1540] : memref<2x64x129xf32, #tpu.memory_space<vmem>> -> memref<1x64x129xf32, #tpu.memory_space<vmem>>
        %scatter3A_1542 = tpu.memref_squeeze %scatter3A_1541 : memref<1x64x129xf32, #tpu.memory_space<vmem>> -> memref<64x129xf32, #tpu.memory_space<vmem>>
        tpu.vector_store_idx %scatter3A_1542[%add3A_11, %broadcast_in_dim3A_1509], %get3A_1538 : memref<64x129xf32, #tpu.memory_space<vmem>>[vector<16xi32>, vector<16xi32>], vector<16xf32>,
        %get3A_1543 = arith.constant 0 : i32
        %get3A_1544 = arith.constant 0 : i32
        %get3A_1545 = tpu.memref_slice %arg7[%rem3A_261, %get3A_1543, %get3A_1544] : memref<3x128x128xf32, #tpu.memory_space<vmem>> -> memref<1x128x128xf32, #tpu.memory_space<vmem>>
        %get3A_1546 = tpu.memref_squeeze %get3A_1545 : memref<1x128x128xf32, #tpu.memory_space<vmem>> -> memref<128x128xf32, #tpu.memory_space<vmem>>
        %get3A_1547 = arith.index_cast %scan3A_1508 : i32 to index
        %get3A_1548 = arith.constant 48 : index
        %get3A_1549 = tpu.vector_load %get3A_1546[%get3A_1547, %get3A_1548] {strides = array<i32>} : memref<128x128xf32, #tpu.memory_space<vmem>>, vector<16xf32>,
        %scatter3A_1550 = arith.constant 0 : i32
        %scatter3A_1551 = arith.constant 0 : i32
        %scatter3A_1552 = tpu.memref_slice %arg8[%rem3A_245, %scatter3A_1550, %scatter3A_1551] : memref<2x64x129xf32, #tpu.memory_space<vmem>> -> memref<1x64x129xf32, #tpu.memory_space<vmem>>
        %scatter3A_1553 = tpu.memref_squeeze %scatter3A_1552 : memref<1x64x129xf32, #tpu.memory_space<vmem>> -> memref<64x129xf32, #tpu.memory_space<vmem>>
        tpu.vector_store_idx %scatter3A_1553[%add3A_14, %broadcast_in_dim3A_1509], %get3A_1549 : memref<64x129xf32, #tpu.memory_space<vmem>>[vector<16xi32>, vector<16xi32>], vector<16xf32>,
        %scan3A_1554 = arith.constant 27 : i32
        %scan3A_1555 = arith.addi %scan3A_288, %scan3A_1554 : i32
        %broadcast_in_dim3A_1556 = vector.broadcast %scan3A_1555 : i32 to vector<16xi32>
        %get3A_1557 = arith.constant 0 : i32
        %get3A_1558 = arith.constant 0 : i32
        %get3A_1559 = tpu.memref_slice %arg7[%rem3A_261, %get3A_1557, %get3A_1558] : memref<3x128x128xf32, #tpu.memory_space<vmem>> -> memref<1x128x128xf32, #tpu.memory_space<vmem>>
        %get3A_1560 = tpu.memref_squeeze %get3A_1559 : memref<1x128x128xf32, #tpu.memory_space<vmem>> -> memref<128x128xf32, #tpu.memory_space<vmem>>
        %get3A_1561 = arith.index_cast %scan3A_1555 : i32 to index
        %get3A_1562 = arith.constant 0 : index
        %get3A_1563 = tpu.vector_load %get3A_1560[%get3A_1561, %get3A_1562] {strides = array<i32>} : memref<128x128xf32, #tpu.memory_space<vmem>>, vector<16xf32>,
        %scatter3A_1564 = arith.constant 0 : i32
        %scatter3A_1565 = arith.constant 0 : i32
        %scatter3A_1566 = tpu.memref_slice %arg8[%rem3A_245, %scatter3A_1564, %scatter3A_1565] : memref<2x64x129xf32, #tpu.memory_space<vmem>> -> memref<1x64x129xf32, #tpu.memory_space<vmem>>
        %scatter3A_1567 = tpu.memref_squeeze %scatter3A_1566 : memref<1x64x129xf32, #tpu.memory_space<vmem>> -> memref<64x129xf32, #tpu.memory_space<vmem>>
        tpu.vector_store_idx %scatter3A_1567[%add3A_5, %broadcast_in_dim3A_1556], %get3A_1563 : memref<64x129xf32, #tpu.memory_space<vmem>>[vector<16xi32>, vector<16xi32>], vector<16xf32>,
        %get3A_1568 = arith.constant 0 : i32
        %get3A_1569 = arith.constant 0 : i32
        %get3A_1570 = tpu.memref_slice %arg7[%rem3A_261, %get3A_1568, %get3A_1569] : memref<3x128x128xf32, #tpu.memory_space<vmem>> -> memref<1x128x128xf32, #tpu.memory_space<vmem>>
        %get3A_1571 = tpu.memref_squeeze %get3A_1570 : memref<1x128x128xf32, #tpu.memory_space<vmem>> -> memref<128x128xf32, #tpu.memory_space<vmem>>
        %get3A_1572 = arith.index_cast %scan3A_1555 : i32 to index
        %get3A_1573 = arith.constant 16 : index
        %get3A_1574 = tpu.vector_load %get3A_1571[%get3A_1572, %get3A_1573] {strides = array<i32>} : memref<128x128xf32, #tpu.memory_space<vmem>>, vector<16xf32>,
        %scatter3A_1575 = arith.constant 0 : i32
        %scatter3A_1576 = arith.constant 0 : i32
        %scatter3A_1577 = tpu.memref_slice %arg8[%rem3A_245, %scatter3A_1575, %scatter3A_1576] : memref<2x64x129xf32, #tpu.memory_space<vmem>> -> memref<1x64x129xf32, #tpu.memory_space<vmem>>
        %scatter3A_1578 = tpu.memref_squeeze %scatter3A_1577 : memref<1x64x129xf32, #tpu.memory_space<vmem>> -> memref<64x129xf32, #tpu.memory_space<vmem>>
        tpu.vector_store_idx %scatter3A_1578[%add3A_8, %broadcast_in_dim3A_1556], %get3A_1574 : memref<64x129xf32, #tpu.memory_space<vmem>>[vector<16xi32>, vector<16xi32>], vector<16xf32>,
        %get3A_1579 = arith.constant 0 : i32
        %get3A_1580 = arith.constant 0 : i32
        %get3A_1581 = tpu.memref_slice %arg7[%rem3A_261, %get3A_1579, %get3A_1580] : memref<3x128x128xf32, #tpu.memory_space<vmem>> -> memref<1x128x128xf32, #tpu.memory_space<vmem>>
        %get3A_1582 = tpu.memref_squeeze %get3A_1581 : memref<1x128x128xf32, #tpu.memory_space<vmem>> -> memref<128x128xf32, #tpu.memory_space<vmem>>
        %get3A_1583 = arith.index_cast %scan3A_1555 : i32 to index
        %get3A_1584 = arith.constant 32 : index
        %get3A_1585 = tpu.vector_load %get3A_1582[%get3A_1583, %get3A_1584] {strides = array<i32>} : memref<128x128xf32, #tpu.memory_space<vmem>>, vector<16xf32>,
        %scatter3A_1586 = arith.constant 0 : i32
        %scatter3A_1587 = arith.constant 0 : i32
        %scatter3A_1588 = tpu.memref_slice %arg8[%rem3A_245, %scatter3A_1586, %scatter3A_1587] : memref<2x64x129xf32, #tpu.memory_space<vmem>> -> memref<1x64x129xf32, #tpu.memory_space<vmem>>
        %scatter3A_1589 = tpu.memref_squeeze %scatter3A_1588 : memref<1x64x129xf32, #tpu.memory_space<vmem>> -> memref<64x129xf32, #tpu.memory_space<vmem>>
        tpu.vector_store_idx %scatter3A_1589[%add3A_11, %broadcast_in_dim3A_1556], %get3A_1585 : memref<64x129xf32, #tpu.memory_space<vmem>>[vector<16xi32>, vector<16xi32>], vector<16xf32>,
        %get3A_1590 = arith.constant 0 : i32
        %get3A_1591 = arith.constant 0 : i32
        %get3A_1592 = tpu.memref_slice %arg7[%rem3A_261, %get3A_1590, %get3A_1591] : memref<3x128x128xf32, #tpu.memory_space<vmem>> -> memref<1x128x128xf32, #tpu.memory_space<vmem>>
        %get3A_1593 = tpu.memref_squeeze %get3A_1592 : memref<1x128x128xf32, #tpu.memory_space<vmem>> -> memref<128x128xf32, #tpu.memory_space<vmem>>
        %get3A_1594 = arith.index_cast %scan3A_1555 : i32 to index
        %get3A_1595 = arith.constant 48 : index
        %get3A_1596 = tpu.vector_load %get3A_1593[%get3A_1594, %get3A_1595] {strides = array<i32>} : memref<128x128xf32, #tpu.memory_space<vmem>>, vector<16xf32>,
        %scatter3A_1597 = arith.constant 0 : i32
        %scatter3A_1598 = arith.constant 0 : i32
        %scatter3A_1599 = tpu.memref_slice %arg8[%rem3A_245, %scatter3A_1597, %scatter3A_1598] : memref<2x64x129xf32, #tpu.memory_space<vmem>> -> memref<1x64x129xf32, #tpu.memory_space<vmem>>
        %scatter3A_1600 = tpu.memref_squeeze %scatter3A_1599 : memref<1x64x129xf32, #tpu.memory_space<vmem>> -> memref<64x129xf32, #tpu.memory_space<vmem>>
        tpu.vector_store_idx %scatter3A_1600[%add3A_14, %broadcast_in_dim3A_1556], %get3A_1596 : memref<64x129xf32, #tpu.memory_space<vmem>>[vector<16xi32>, vector<16xi32>], vector<16xf32>,
        %scan3A_1601 = arith.constant 28 : i32
        %scan3A_1602 = arith.addi %scan3A_288, %scan3A_1601 : i32
        %broadcast_in_dim3A_1603 = vector.broadcast %scan3A_1602 : i32 to vector<16xi32>
        %get3A_1604 = arith.constant 0 : i32
        %get3A_1605 = arith.constant 0 : i32
        %get3A_1606 = tpu.memref_slice %arg7[%rem3A_261, %get3A_1604, %get3A_1605] : memref<3x128x128xf32, #tpu.memory_space<vmem>> -> memref<1x128x128xf32, #tpu.memory_space<vmem>>
        %get3A_1607 = tpu.memref_squeeze %get3A_1606 : memref<1x128x128xf32, #tpu.memory_space<vmem>> -> memref<128x128xf32, #tpu.memory_space<vmem>>
        %get3A_1608 = arith.index_cast %scan3A_1602 : i32 to index
        %get3A_1609 = arith.constant 0 : index
        %get3A_1610 = tpu.vector_load %get3A_1607[%get3A_1608, %get3A_1609] {strides = array<i32>} : memref<128x128xf32, #tpu.memory_space<vmem>>, vector<16xf32>,
        %scatter3A_1611 = arith.constant 0 : i32
        %scatter3A_1612 = arith.constant 0 : i32
        %scatter3A_1613 = tpu.memref_slice %arg8[%rem3A_245, %scatter3A_1611, %scatter3A_1612] : memref<2x64x129xf32, #tpu.memory_space<vmem>> -> memref<1x64x129xf32, #tpu.memory_space<vmem>>
        %scatter3A_1614 = tpu.memref_squeeze %scatter3A_1613 : memref<1x64x129xf32, #tpu.memory_space<vmem>> -> memref<64x129xf32, #tpu.memory_space<vmem>>
        tpu.vector_store_idx %scatter3A_1614[%add3A_5, %broadcast_in_dim3A_1603], %get3A_1610 : memref<64x129xf32, #tpu.memory_space<vmem>>[vector<16xi32>, vector<16xi32>], vector<16xf32>,
        %get3A_1615 = arith.constant 0 : i32
        %get3A_1616 = arith.constant 0 : i32
        %get3A_1617 = tpu.memref_slice %arg7[%rem3A_261, %get3A_1615, %get3A_1616] : memref<3x128x128xf32, #tpu.memory_space<vmem>> -> memref<1x128x128xf32, #tpu.memory_space<vmem>>
        %get3A_1618 = tpu.memref_squeeze %get3A_1617 : memref<1x128x128xf32, #tpu.memory_space<vmem>> -> memref<128x128xf32, #tpu.memory_space<vmem>>
        %get3A_1619 = arith.index_cast %scan3A_1602 : i32 to index
        %get3A_1620 = arith.constant 16 : index
        %get3A_1621 = tpu.vector_load %get3A_1618[%get3A_1619, %get3A_1620] {strides = array<i32>} : memref<128x128xf32, #tpu.memory_space<vmem>>, vector<16xf32>,
        %scatter3A_1622 = arith.constant 0 : i32
        %scatter3A_1623 = arith.constant 0 : i32
        %scatter3A_1624 = tpu.memref_slice %arg8[%rem3A_245, %scatter3A_1622, %scatter3A_1623] : memref<2x64x129xf32, #tpu.memory_space<vmem>> -> memref<1x64x129xf32, #tpu.memory_space<vmem>>
        %scatter3A_1625 = tpu.memref_squeeze %scatter3A_1624 : memref<1x64x129xf32, #tpu.memory_space<vmem>> -> memref<64x129xf32, #tpu.memory_space<vmem>>
        tpu.vector_store_idx %scatter3A_1625[%add3A_8, %broadcast_in_dim3A_1603], %get3A_1621 : memref<64x129xf32, #tpu.memory_space<vmem>>[vector<16xi32>, vector<16xi32>], vector<16xf32>,
        %get3A_1626 = arith.constant 0 : i32
        %get3A_1627 = arith.constant 0 : i32
        %get3A_1628 = tpu.memref_slice %arg7[%rem3A_261, %get3A_1626, %get3A_1627] : memref<3x128x128xf32, #tpu.memory_space<vmem>> -> memref<1x128x128xf32, #tpu.memory_space<vmem>>
        %get3A_1629 = tpu.memref_squeeze %get3A_1628 : memref<1x128x128xf32, #tpu.memory_space<vmem>> -> memref<128x128xf32, #tpu.memory_space<vmem>>
        %get3A_1630 = arith.index_cast %scan3A_1602 : i32 to index
        %get3A_1631 = arith.constant 32 : index
        %get3A_1632 = tpu.vector_load %get3A_1629[%get3A_1630, %get3A_1631] {strides = array<i32>} : memref<128x128xf32, #tpu.memory_space<vmem>>, vector<16xf32>,
        %scatter3A_1633 = arith.constant 0 : i32
        %scatter3A_1634 = arith.constant 0 : i32
        %scatter3A_1635 = tpu.memref_slice %arg8[%rem3A_245, %scatter3A_1633, %scatter3A_1634] : memref<2x64x129xf32, #tpu.memory_space<vmem>> -> memref<1x64x129xf32, #tpu.memory_space<vmem>>
        %scatter3A_1636 = tpu.memref_squeeze %scatter3A_1635 : memref<1x64x129xf32, #tpu.memory_space<vmem>> -> memref<64x129xf32, #tpu.memory_space<vmem>>
        tpu.vector_store_idx %scatter3A_1636[%add3A_11, %broadcast_in_dim3A_1603], %get3A_1632 : memref<64x129xf32, #tpu.memory_space<vmem>>[vector<16xi32>, vector<16xi32>], vector<16xf32>,
        %get3A_1637 = arith.constant 0 : i32
        %get3A_1638 = arith.constant 0 : i32
        %get3A_1639 = tpu.memref_slice %arg7[%rem3A_261, %get3A_1637, %get3A_1638] : memref<3x128x128xf32, #tpu.memory_space<vmem>> -> memref<1x128x128xf32, #tpu.memory_space<vmem>>
        %get3A_1640 = tpu.memref_squeeze %get3A_1639 : memref<1x128x128xf32, #tpu.memory_space<vmem>> -> memref<128x128xf32, #tpu.memory_space<vmem>>
        %get3A_1641 = arith.index_cast %scan3A_1602 : i32 to index
        %get3A_1642 = arith.constant 48 : index
        %get3A_1643 = tpu.vector_load %get3A_1640[%get3A_1641, %get3A_1642] {strides = array<i32>} : memref<128x128xf32, #tpu.memory_space<vmem>>, vector<16xf32>,
        %scatter3A_1644 = arith.constant 0 : i32
        %scatter3A_1645 = arith.constant 0 : i32
        %scatter3A_1646 = tpu.memref_slice %arg8[%rem3A_245, %scatter3A_1644, %scatter3A_1645] : memref<2x64x129xf32, #tpu.memory_space<vmem>> -> memref<1x64x129xf32, #tpu.memory_space<vmem>>
        %scatter3A_1647 = tpu.memref_squeeze %scatter3A_1646 : memref<1x64x129xf32, #tpu.memory_space<vmem>> -> memref<64x129xf32, #tpu.memory_space<vmem>>
        tpu.vector_store_idx %scatter3A_1647[%add3A_14, %broadcast_in_dim3A_1603], %get3A_1643 : memref<64x129xf32, #tpu.memory_space<vmem>>[vector<16xi32>, vector<16xi32>], vector<16xf32>,
        %scan3A_1648 = arith.constant 29 : i32
        %scan3A_1649 = arith.addi %scan3A_288, %scan3A_1648 : i32
        %broadcast_in_dim3A_1650 = vector.broadcast %scan3A_1649 : i32 to vector<16xi32>
        %get3A_1651 = arith.constant 0 : i32
        %get3A_1652 = arith.constant 0 : i32
        %get3A_1653 = tpu.memref_slice %arg7[%rem3A_261, %get3A_1651, %get3A_1652] : memref<3x128x128xf32, #tpu.memory_space<vmem>> -> memref<1x128x128xf32, #tpu.memory_space<vmem>>
        %get3A_1654 = tpu.memref_squeeze %get3A_1653 : memref<1x128x128xf32, #tpu.memory_space<vmem>> -> memref<128x128xf32, #tpu.memory_space<vmem>>
        %get3A_1655 = arith.index_cast %scan3A_1649 : i32 to index
        %get3A_1656 = arith.constant 0 : index
        %get3A_1657 = tpu.vector_load %get3A_1654[%get3A_1655, %get3A_1656] {strides = array<i32>} : memref<128x128xf32, #tpu.memory_space<vmem>>, vector<16xf32>,
        %scatter3A_1658 = arith.constant 0 : i32
        %scatter3A_1659 = arith.constant 0 : i32
        %scatter3A_1660 = tpu.memref_slice %arg8[%rem3A_245, %scatter3A_1658, %scatter3A_1659] : memref<2x64x129xf32, #tpu.memory_space<vmem>> -> memref<1x64x129xf32, #tpu.memory_space<vmem>>
        %scatter3A_1661 = tpu.memref_squeeze %scatter3A_1660 : memref<1x64x129xf32, #tpu.memory_space<vmem>> -> memref<64x129xf32, #tpu.memory_space<vmem>>
        tpu.vector_store_idx %scatter3A_1661[%add3A_5, %broadcast_in_dim3A_1650], %get3A_1657 : memref<64x129xf32, #tpu.memory_space<vmem>>[vector<16xi32>, vector<16xi32>], vector<16xf32>,
        %get3A_1662 = arith.constant 0 : i32
        %get3A_1663 = arith.constant 0 : i32
        %get3A_1664 = tpu.memref_slice %arg7[%rem3A_261, %get3A_1662, %get3A_1663] : memref<3x128x128xf32, #tpu.memory_space<vmem>> -> memref<1x128x128xf32, #tpu.memory_space<vmem>>
        %get3A_1665 = tpu.memref_squeeze %get3A_1664 : memref<1x128x128xf32, #tpu.memory_space<vmem>> -> memref<128x128xf32, #tpu.memory_space<vmem>>
        %get3A_1666 = arith.index_cast %scan3A_1649 : i32 to index
        %get3A_1667 = arith.constant 16 : index
        %get3A_1668 = tpu.vector_load %get3A_1665[%get3A_1666, %get3A_1667] {strides = array<i32>} : memref<128x128xf32, #tpu.memory_space<vmem>>, vector<16xf32>,
        %scatter3A_1669 = arith.constant 0 : i32
        %scatter3A_1670 = arith.constant 0 : i32
        %scatter3A_1671 = tpu.memref_slice %arg8[%rem3A_245, %scatter3A_1669, %scatter3A_1670] : memref<2x64x129xf32, #tpu.memory_space<vmem>> -> memref<1x64x129xf32, #tpu.memory_space<vmem>>
        %scatter3A_1672 = tpu.memref_squeeze %scatter3A_1671 : memref<1x64x129xf32, #tpu.memory_space<vmem>> -> memref<64x129xf32, #tpu.memory_space<vmem>>
        tpu.vector_store_idx %scatter3A_1672[%add3A_8, %broadcast_in_dim3A_1650], %get3A_1668 : memref<64x129xf32, #tpu.memory_space<vmem>>[vector<16xi32>, vector<16xi32>], vector<16xf32>,
        %get3A_1673 = arith.constant 0 : i32
        %get3A_1674 = arith.constant 0 : i32
        %get3A_1675 = tpu.memref_slice %arg7[%rem3A_261, %get3A_1673, %get3A_1674] : memref<3x128x128xf32, #tpu.memory_space<vmem>> -> memref<1x128x128xf32, #tpu.memory_space<vmem>>
        %get3A_1676 = tpu.memref_squeeze %get3A_1675 : memref<1x128x128xf32, #tpu.memory_space<vmem>> -> memref<128x128xf32, #tpu.memory_space<vmem>>
        %get3A_1677 = arith.index_cast %scan3A_1649 : i32 to index
        %get3A_1678 = arith.constant 32 : index
        %get3A_1679 = tpu.vector_load %get3A_1676[%get3A_1677, %get3A_1678] {strides = array<i32>} : memref<128x128xf32, #tpu.memory_space<vmem>>, vector<16xf32>,
        %scatter3A_1680 = arith.constant 0 : i32
        %scatter3A_1681 = arith.constant 0 : i32
        %scatter3A_1682 = tpu.memref_slice %arg8[%rem3A_245, %scatter3A_1680, %scatter3A_1681] : memref<2x64x129xf32, #tpu.memory_space<vmem>> -> memref<1x64x129xf32, #tpu.memory_space<vmem>>
        %scatter3A_1683 = tpu.memref_squeeze %scatter3A_1682 : memref<1x64x129xf32, #tpu.memory_space<vmem>> -> memref<64x129xf32, #tpu.memory_space<vmem>>
        tpu.vector_store_idx %scatter3A_1683[%add3A_11, %broadcast_in_dim3A_1650], %get3A_1679 : memref<64x129xf32, #tpu.memory_space<vmem>>[vector<16xi32>, vector<16xi32>], vector<16xf32>,
        %get3A_1684 = arith.constant 0 : i32
        %get3A_1685 = arith.constant 0 : i32
        %get3A_1686 = tpu.memref_slice %arg7[%rem3A_261, %get3A_1684, %get3A_1685] : memref<3x128x128xf32, #tpu.memory_space<vmem>> -> memref<1x128x128xf32, #tpu.memory_space<vmem>>
        %get3A_1687 = tpu.memref_squeeze %get3A_1686 : memref<1x128x128xf32, #tpu.memory_space<vmem>> -> memref<128x128xf32, #tpu.memory_space<vmem>>
        %get3A_1688 = arith.index_cast %scan3A_1649 : i32 to index
        %get3A_1689 = arith.constant 48 : index
        %get3A_1690 = tpu.vector_load %get3A_1687[%get3A_1688, %get3A_1689] {strides = array<i32>} : memref<128x128xf32, #tpu.memory_space<vmem>>, vector<16xf32>,
        %scatter3A_1691 = arith.constant 0 : i32
        %scatter3A_1692 = arith.constant 0 : i32
        %scatter3A_1693 = tpu.memref_slice %arg8[%rem3A_245, %scatter3A_1691, %scatter3A_1692] : memref<2x64x129xf32, #tpu.memory_space<vmem>> -> memref<1x64x129xf32, #tpu.memory_space<vmem>>
        %scatter3A_1694 = tpu.memref_squeeze %scatter3A_1693 : memref<1x64x129xf32, #tpu.memory_space<vmem>> -> memref<64x129xf32, #tpu.memory_space<vmem>>
        tpu.vector_store_idx %scatter3A_1694[%add3A_14, %broadcast_in_dim3A_1650], %get3A_1690 : memref<64x129xf32, #tpu.memory_space<vmem>>[vector<16xi32>, vector<16xi32>], vector<16xf32>,
        %scan3A_1695 = arith.constant 30 : i32
        %scan3A_1696 = arith.addi %scan3A_288, %scan3A_1695 : i32
        %broadcast_in_dim3A_1697 = vector.broadcast %scan3A_1696 : i32 to vector<16xi32>
        %get3A_1698 = arith.constant 0 : i32
        %get3A_1699 = arith.constant 0 : i32
        %get3A_1700 = tpu.memref_slice %arg7[%rem3A_261, %get3A_1698, %get3A_1699] : memref<3x128x128xf32, #tpu.memory_space<vmem>> -> memref<1x128x128xf32, #tpu.memory_space<vmem>>
        %get3A_1701 = tpu.memref_squeeze %get3A_1700 : memref<1x128x128xf32, #tpu.memory_space<vmem>> -> memref<128x128xf32, #tpu.memory_space<vmem>>
        %get3A_1702 = arith.index_cast %scan3A_1696 : i32 to index
        %get3A_1703 = arith.constant 0 : index
        %get3A_1704 = tpu.vector_load %get3A_1701[%get3A_1702, %get3A_1703] {strides = array<i32>} : memref<128x128xf32, #tpu.memory_space<vmem>>, vector<16xf32>,
        %scatter3A_1705 = arith.constant 0 : i32
        %scatter3A_1706 = arith.constant 0 : i32
        %scatter3A_1707 = tpu.memref_slice %arg8[%rem3A_245, %scatter3A_1705, %scatter3A_1706] : memref<2x64x129xf32, #tpu.memory_space<vmem>> -> memref<1x64x129xf32, #tpu.memory_space<vmem>>
        %scatter3A_1708 = tpu.memref_squeeze %scatter3A_1707 : memref<1x64x129xf32, #tpu.memory_space<vmem>> -> memref<64x129xf32, #tpu.memory_space<vmem>>
        tpu.vector_store_idx %scatter3A_1708[%add3A_5, %broadcast_in_dim3A_1697], %get3A_1704 : memref<64x129xf32, #tpu.memory_space<vmem>>[vector<16xi32>, vector<16xi32>], vector<16xf32>,
        %get3A_1709 = arith.constant 0 : i32
        %get3A_1710 = arith.constant 0 : i32
        %get3A_1711 = tpu.memref_slice %arg7[%rem3A_261, %get3A_1709, %get3A_1710] : memref<3x128x128xf32, #tpu.memory_space<vmem>> -> memref<1x128x128xf32, #tpu.memory_space<vmem>>
        %get3A_1712 = tpu.memref_squeeze %get3A_1711 : memref<1x128x128xf32, #tpu.memory_space<vmem>> -> memref<128x128xf32, #tpu.memory_space<vmem>>
        %get3A_1713 = arith.index_cast %scan3A_1696 : i32 to index
        %get3A_1714 = arith.constant 16 : index
        %get3A_1715 = tpu.vector_load %get3A_1712[%get3A_1713, %get3A_1714] {strides = array<i32>} : memref<128x128xf32, #tpu.memory_space<vmem>>, vector<16xf32>,
        %scatter3A_1716 = arith.constant 0 : i32
        %scatter3A_1717 = arith.constant 0 : i32
        %scatter3A_1718 = tpu.memref_slice %arg8[%rem3A_245, %scatter3A_1716, %scatter3A_1717] : memref<2x64x129xf32, #tpu.memory_space<vmem>> -> memref<1x64x129xf32, #tpu.memory_space<vmem>>
        %scatter3A_1719 = tpu.memref_squeeze %scatter3A_1718 : memref<1x64x129xf32, #tpu.memory_space<vmem>> -> memref<64x129xf32, #tpu.memory_space<vmem>>
        tpu.vector_store_idx %scatter3A_1719[%add3A_8, %broadcast_in_dim3A_1697], %get3A_1715 : memref<64x129xf32, #tpu.memory_space<vmem>>[vector<16xi32>, vector<16xi32>], vector<16xf32>,
        %get3A_1720 = arith.constant 0 : i32
        %get3A_1721 = arith.constant 0 : i32
        %get3A_1722 = tpu.memref_slice %arg7[%rem3A_261, %get3A_1720, %get3A_1721] : memref<3x128x128xf32, #tpu.memory_space<vmem>> -> memref<1x128x128xf32, #tpu.memory_space<vmem>>
        %get3A_1723 = tpu.memref_squeeze %get3A_1722 : memref<1x128x128xf32, #tpu.memory_space<vmem>> -> memref<128x128xf32, #tpu.memory_space<vmem>>
        %get3A_1724 = arith.index_cast %scan3A_1696 : i32 to index
        %get3A_1725 = arith.constant 32 : index
        %get3A_1726 = tpu.vector_load %get3A_1723[%get3A_1724, %get3A_1725] {strides = array<i32>} : memref<128x128xf32, #tpu.memory_space<vmem>>, vector<16xf32>,
        %scatter3A_1727 = arith.constant 0 : i32
        %scatter3A_1728 = arith.constant 0 : i32
        %scatter3A_1729 = tpu.memref_slice %arg8[%rem3A_245, %scatter3A_1727, %scatter3A_1728] : memref<2x64x129xf32, #tpu.memory_space<vmem>> -> memref<1x64x129xf32, #tpu.memory_space<vmem>>
        %scatter3A_1730 = tpu.memref_squeeze %scatter3A_1729 : memref<1x64x129xf32, #tpu.memory_space<vmem>> -> memref<64x129xf32, #tpu.memory_space<vmem>>
        tpu.vector_store_idx %scatter3A_1730[%add3A_11, %broadcast_in_dim3A_1697], %get3A_1726 : memref<64x129xf32, #tpu.memory_space<vmem>>[vector<16xi32>, vector<16xi32>], vector<16xf32>,
        %get3A_1731 = arith.constant 0 : i32
        %get3A_1732 = arith.constant 0 : i32
        %get3A_1733 = tpu.memref_slice %arg7[%rem3A_261, %get3A_1731, %get3A_1732] : memref<3x128x128xf32, #tpu.memory_space<vmem>> -> memref<1x128x128xf32, #tpu.memory_space<vmem>>
        %get3A_1734 = tpu.memref_squeeze %get3A_1733 : memref<1x128x128xf32, #tpu.memory_space<vmem>> -> memref<128x128xf32, #tpu.memory_space<vmem>>
        %get3A_1735 = arith.index_cast %scan3A_1696 : i32 to index
        %get3A_1736 = arith.constant 48 : index
        %get3A_1737 = tpu.vector_load %get3A_1734[%get3A_1735, %get3A_1736] {strides = array<i32>} : memref<128x128xf32, #tpu.memory_space<vmem>>, vector<16xf32>,
        %scatter3A_1738 = arith.constant 0 : i32
        %scatter3A_1739 = arith.constant 0 : i32
        %scatter3A_1740 = tpu.memref_slice %arg8[%rem3A_245, %scatter3A_1738, %scatter3A_1739] : memref<2x64x129xf32, #tpu.memory_space<vmem>> -> memref<1x64x129xf32, #tpu.memory_space<vmem>>
        %scatter3A_1741 = tpu.memref_squeeze %scatter3A_1740 : memref<1x64x129xf32, #tpu.memory_space<vmem>> -> memref<64x129xf32, #tpu.memory_space<vmem>>
        tpu.vector_store_idx %scatter3A_1741[%add3A_14, %broadcast_in_dim3A_1697], %get3A_1737 : memref<64x129xf32, #tpu.memory_space<vmem>>[vector<16xi32>, vector<16xi32>], vector<16xf32>,
        %scan3A_1742 = arith.constant 31 : i32
        %scan3A_1743 = arith.addi %scan3A_288, %scan3A_1742 : i32
        %broadcast_in_dim3A_1744 = vector.broadcast %scan3A_1743 : i32 to vector<16xi32>
        %get3A_1745 = arith.constant 0 : i32
        %get3A_1746 = arith.constant 0 : i32
        %get3A_1747 = tpu.memref_slice %arg7[%rem3A_261, %get3A_1745, %get3A_1746] : memref<3x128x128xf32, #tpu.memory_space<vmem>> -> memref<1x128x128xf32, #tpu.memory_space<vmem>>
        %get3A_1748 = tpu.memref_squeeze %get3A_1747 : memref<1x128x128xf32, #tpu.memory_space<vmem>> -> memref<128x128xf32, #tpu.memory_space<vmem>>
        %get3A_1749 = arith.index_cast %scan3A_1743 : i32 to index
        %get3A_1750 = arith.constant 0 : index
        %get3A_1751 = tpu.vector_load %get3A_1748[%get3A_1749, %get3A_1750] {strides = array<i32>} : memref<128x128xf32, #tpu.memory_space<vmem>>, vector<16xf32>,
        %scatter3A_1752 = arith.constant 0 : i32
        %scatter3A_1753 = arith.constant 0 : i32
        %scatter3A_1754 = tpu.memref_slice %arg8[%rem3A_245, %scatter3A_1752, %scatter3A_1753] : memref<2x64x129xf32, #tpu.memory_space<vmem>> -> memref<1x64x129xf32, #tpu.memory_space<vmem>>
        %scatter3A_1755 = tpu.memref_squeeze %scatter3A_1754 : memref<1x64x129xf32, #tpu.memory_space<vmem>> -> memref<64x129xf32, #tpu.memory_space<vmem>>
        tpu.vector_store_idx %scatter3A_1755[%add3A_5, %broadcast_in_dim3A_1744], %get3A_1751 : memref<64x129xf32, #tpu.memory_space<vmem>>[vector<16xi32>, vector<16xi32>], vector<16xf32>,
        %get3A_1756 = arith.constant 0 : i32
        %get3A_1757 = arith.constant 0 : i32
        %get3A_1758 = tpu.memref_slice %arg7[%rem3A_261, %get3A_1756, %get3A_1757] : memref<3x128x128xf32, #tpu.memory_space<vmem>> -> memref<1x128x128xf32, #tpu.memory_space<vmem>>
        %get3A_1759 = tpu.memref_squeeze %get3A_1758 : memref<1x128x128xf32, #tpu.memory_space<vmem>> -> memref<128x128xf32, #tpu.memory_space<vmem>>
        %get3A_1760 = arith.index_cast %scan3A_1743 : i32 to index
        %get3A_1761 = arith.constant 16 : index
        %get3A_1762 = tpu.vector_load %get3A_1759[%get3A_1760, %get3A_1761] {strides = array<i32>} : memref<128x128xf32, #tpu.memory_space<vmem>>, vector<16xf32>,
        %scatter3A_1763 = arith.constant 0 : i32
        %scatter3A_1764 = arith.constant 0 : i32
        %scatter3A_1765 = tpu.memref_slice %arg8[%rem3A_245, %scatter3A_1763, %scatter3A_1764] : memref<2x64x129xf32, #tpu.memory_space<vmem>> -> memref<1x64x129xf32, #tpu.memory_space<vmem>>
        %scatter3A_1766 = tpu.memref_squeeze %scatter3A_1765 : memref<1x64x129xf32, #tpu.memory_space<vmem>> -> memref<64x129xf32, #tpu.memory_space<vmem>>
        tpu.vector_store_idx %scatter3A_1766[%add3A_8, %broadcast_in_dim3A_1744], %get3A_1762 : memref<64x129xf32, #tpu.memory_space<vmem>>[vector<16xi32>, vector<16xi32>], vector<16xf32>,
        %get3A_1767 = arith.constant 0 : i32
        %get3A_1768 = arith.constant 0 : i32
        %get3A_1769 = tpu.memref_slice %arg7[%rem3A_261, %get3A_1767, %get3A_1768] : memref<3x128x128xf32, #tpu.memory_space<vmem>> -> memref<1x128x128xf32, #tpu.memory_space<vmem>>
        %get3A_1770 = tpu.memref_squeeze %get3A_1769 : memref<1x128x128xf32, #tpu.memory_space<vmem>> -> memref<128x128xf32, #tpu.memory_space<vmem>>
        %get3A_1771 = arith.index_cast %scan3A_1743 : i32 to index
        %get3A_1772 = arith.constant 32 : index
        %get3A_1773 = tpu.vector_load %get3A_1770[%get3A_1771, %get3A_1772] {strides = array<i32>} : memref<128x128xf32, #tpu.memory_space<vmem>>, vector<16xf32>,
        %scatter3A_1774 = arith.constant 0 : i32
        %scatter3A_1775 = arith.constant 0 : i32
        %scatter3A_1776 = tpu.memref_slice %arg8[%rem3A_245, %scatter3A_1774, %scatter3A_1775] : memref<2x64x129xf32, #tpu.memory_space<vmem>> -> memref<1x64x129xf32, #tpu.memory_space<vmem>>
        %scatter3A_1777 = tpu.memref_squeeze %scatter3A_1776 : memref<1x64x129xf32, #tpu.memory_space<vmem>> -> memref<64x129xf32, #tpu.memory_space<vmem>>
        tpu.vector_store_idx %scatter3A_1777[%add3A_11, %broadcast_in_dim3A_1744], %get3A_1773 : memref<64x129xf32, #tpu.memory_space<vmem>>[vector<16xi32>, vector<16xi32>], vector<16xf32>,
        %get3A_1778 = arith.constant 0 : i32
        %get3A_1779 = arith.constant 0 : i32
        %get3A_1780 = tpu.memref_slice %arg7[%rem3A_261, %get3A_1778, %get3A_1779] : memref<3x128x128xf32, #tpu.memory_space<vmem>> -> memref<1x128x128xf32, #tpu.memory_space<vmem>>
        %get3A_1781 = tpu.memref_squeeze %get3A_1780 : memref<1x128x128xf32, #tpu.memory_space<vmem>> -> memref<128x128xf32, #tpu.memory_space<vmem>>
        %get3A_1782 = arith.index_cast %scan3A_1743 : i32 to index
        %get3A_1783 = arith.constant 48 : index
        %get3A_1784 = tpu.vector_load %get3A_1781[%get3A_1782, %get3A_1783] {strides = array<i32>} : memref<128x128xf32, #tpu.memory_space<vmem>>, vector<16xf32>,
        %scatter3A_1785 = arith.constant 0 : i32
        %scatter3A_1786 = arith.constant 0 : i32
        %scatter3A_1787 = tpu.memref_slice %arg8[%rem3A_245, %scatter3A_1785, %scatter3A_1786] : memref<2x64x129xf32, #tpu.memory_space<vmem>> -> memref<1x64x129xf32, #tpu.memory_space<vmem>>
        %scatter3A_1788 = tpu.memref_squeeze %scatter3A_1787 : memref<1x64x129xf32, #tpu.memory_space<vmem>> -> memref<64x129xf32, #tpu.memory_space<vmem>>
        tpu.vector_store_idx %scatter3A_1788[%add3A_14, %broadcast_in_dim3A_1744], %get3A_1784 : memref<64x129xf32, #tpu.memory_space<vmem>>[vector<16xi32>, vector<16xi32>], vector<16xf32>,
      }
      %scan3A_267 = arith.constant 128 : i32
      %dma_start3A_268 = arith.constant 0 : i32
      %dma_start3A_269 = arith.constant 0 : i32
      %dma_start3A_270 = tpu.memref_slice %arg8[%rem3A_245, %dma_start3A_268, %dma_start3A_269] : memref<2x64x129xf32, #tpu.memory_space<vmem>> -> memref<1x64x128xf32, #tpu.memory_space<vmem>>
      %dma_start3A_271 = tpu.memref_squeeze %dma_start3A_270 : memref<1x64x128xf32, #tpu.memory_space<vmem>> -> memref<64x128xf32, #tpu.memory_space<vmem>>
      %dma_start3A_272 = arith.constant 0 : i32
      %dma_start3A_273 = tpu.memref_slice %arg4[%scan3A_243, %dma_start3A_272, %mul3A_2] : memref<50x64x4096xf32, #tpu.memory_space<hbm>> -> memref<1x64x128xf32, #tpu.memory_space<hbm>>
      %dma_start3A_274 = tpu.memref_squeeze %dma_start3A_273 : memref<1x64x128xf32, #tpu.memory_space<hbm>> -> memref<64x128xf32, #tpu.memory_space<hbm>>
      %dma_start3A_275 = arith.constant 0 : i32
      %dma_start3A_276 = tpu.memref_slice %arg4[%scan3A_243, %dma_start3A_275, %mul3A_2] : memref<50x64x4096xf32, #tpu.memory_space<hbm>> -> memref<1x64x128xf32, #tpu.memory_space<hbm>>
      %dma_start3A_277 = tpu.memref_squeeze %dma_start3A_276 : memref<1x64x128xf32, #tpu.memory_space<hbm>> -> memref<64x128xf32, #tpu.memory_space<hbm>>
      %dma_start3A_278 = arith.constant 0 : i32
      %dma_start3A_279 = arith.constant 0 : i32
      %dma_start3A_280 = tpu.memref_slice %arg8[%rem3A_245, %dma_start3A_278, %dma_start3A_279] : memref<2x64x129xf32, #tpu.memory_space<vmem>> -> memref<1x64x128xf32, #tpu.memory_space<vmem>>
      %dma_start3A_281 = tpu.memref_squeeze %dma_start3A_280 : memref<1x64x128xf32, #tpu.memory_space<vmem>> -> memref<64x128xf32, #tpu.memory_space<vmem>>
      tpu.enqueue_dma source(%dma_start3A_281 : memref<64x128xf32, #tpu.memory_space<vmem>>) target(%dma_start3A_277 : memref<64x128xf32, #tpu.memory_space<hbm>>) target_semaphore(%arg10 : memref<!tpu.dma_semaphore, #tpu.memory_space<semaphore_mem>>)
      %add3A_282 = arith.constant 3 : i32
      %add3A_283 = arith.addi %scan3A_243, %add3A_282 : i32
      %lt3A = arith.constant 50 : i32
      %lt3A_284 = arith.cmpi slt, %add3A_283, %lt3A : i32
      %convert_element_type3A_285 = arith.extui %lt3A_284 : i1 to i32
      %cond3A_286 = arith.constant 0 : i32
      %cond3A_287 = arith.cmpi ne, %convert_element_type3A_285, %cond3A_286 : i32
      scf.if %cond3A_287 {
        %add3A_288 = arith.constant 3 : i32
        %add3A_289 = arith.addi %scan3A_243, %add3A_288 : i32
        %rem3A_290 = arith.constant 3 : i32
        %rem3A_291 = arith.remsi %add3A_289, %rem3A_290 : i32
        %dma_start3A_292 = arith.constant 0 : i32
        %dma_start3A_293 = arith.constant 0 : i32
        %dma_start3A_294 = tpu.memref_slice %arg7[%rem3A_291, %dma_start3A_292, %dma_start3A_293] : memref<3x128x128xf32, #tpu.memory_space<vmem>> -> memref<1x128x128xf32, #tpu.memory_space<vmem>>
        %dma_start3A_295 = tpu.memref_squeeze %dma_start3A_294 : memref<1x128x128xf32, #tpu.memory_space<vmem>> -> memref<128x128xf32, #tpu.memory_space<vmem>>
        %dma_start3A_296 = arith.constant 0 : i32
        %dma_start3A_297 = tpu.memref_slice %arg6[%add3A_289, %dma_start3A_296] : memref<50x136xi32, #tpu.memory_space<vmem>> -> memref<1x128xi32, #tpu.memory_space<vmem>>
        %dma_start3A_298 = tpu.memref_squeeze %dma_start3A_297 : memref<1x128xi32, #tpu.memory_space<vmem>> -> memref<128xi32, #tpu.memory_space<vmem>>
        %dma_start3A_299 = arith.constant 0 : i32
        %dma_start3A_300 = arith.constant 0 : i32
        %dma_start3A_301 = tpu.memref_slice %arg2[%dma_start3A_299, %dma_start3A_300] : memref<100000x128xf32, #tpu.memory_space<hbm>> -> memref<100000x128xf32, #tpu.memory_space<hbm>>
        tpu.enqueue_indirect_dma source(%dma_start3A_301 : memref<100000x128xf32, #tpu.memory_space<hbm>>) target(%dma_start3A_295 : memref<128x128xf32, #tpu.memory_space<vmem>>) offsets(%dma_start3A_298 : memref<128xi32, #tpu.memory_space<vmem>>) semaphore(%arg9 : memref<!tpu.dma_semaphore, #tpu.memory_space<semaphore_mem>>)
      } else {
      }
    }
    %scan3A_207 = arith.constant 50 : i32
    %dma_wait3A = arith.constant 0 : i32
    %dma_wait3A_208 = arith.constant 0 : i32
    %dma_wait3A_209 = arith.constant 0 : i32
    %dma_wait3A_210 = arith.constant 0 : i32
    %dma_wait3A_211 = tpu.memref_slice %arg8[%dma_wait3A, %dma_wait3A_209, %dma_wait3A_210] : memref<2x64x129xf32, #tpu.memory_space<vmem>> -> memref<1x64x128xf32, #tpu.memory_space<vmem>>
    %dma_wait3A_212 = tpu.memref_squeeze %dma_wait3A_211 : memref<1x64x128xf32, #tpu.memory_space<vmem>> -> memref<64x128xf32, #tpu.memory_space<vmem>>
    %dma_wait3A_213 = arith.constant 0 : i32
    %dma_wait3A_214 = arith.constant 0 : i32
    %dma_wait3A_215 = tpu.memref_slice %arg4[%dma_wait3A_208, %dma_wait3A_213, %dma_wait3A_214] : memref<50x64x4096xf32, #tpu.memory_space<hbm>> -> memref<1x64x128xf32, #tpu.memory_space<hbm>>
    %dma_wait3A_216 = tpu.memref_squeeze %dma_wait3A_215 : memref<1x64x128xf32, #tpu.memory_space<hbm>> -> memref<64x128xf32, #tpu.memory_space<hbm>>
    %dma_wait3A_217 = arith.constant 0 : i32
    %dma_wait3A_218 = arith.constant 0 : i32
    %dma_wait3A_219 = tpu.memref_slice %arg4[%dma_wait3A_208, %dma_wait3A_217, %dma_wait3A_218] : memref<50x64x4096xf32, #tpu.memory_space<hbm>> -> memref<1x64x128xf32, #tpu.memory_space<hbm>>
    %dma_wait3A_220 = tpu.memref_squeeze %dma_wait3A_219 : memref<1x64x128xf32, #tpu.memory_space<hbm>> -> memref<64x128xf32, #tpu.memory_space<hbm>>
    %dma_wait3A_221 = arith.constant 0 : i32
    %dma_wait3A_222 = arith.constant 0 : i32
    %dma_wait3A_223 = tpu.memref_slice %arg8[%dma_wait3A, %dma_wait3A_221, %dma_wait3A_222] : memref<2x64x129xf32, #tpu.memory_space<vmem>> -> memref<1x64x128xf32, #tpu.memory_space<vmem>>
    %dma_wait3A_224 = tpu.memref_squeeze %dma_wait3A_223 : memref<1x64x128xf32, #tpu.memory_space<vmem>> -> memref<64x128xf32, #tpu.memory_space<vmem>>
    tpu.wait_dma2 semaphore(%arg10 : memref<!tpu.dma_semaphore, #tpu.memory_space<semaphore_mem>>) src(%dma_wait3A_224 : memref<64x128xf32, #tpu.memory_space<vmem>>) dst(%dma_wait3A_220 : memref<64x128xf32, #tpu.memory_space<hbm>>)
    %dma_wait3A_225 = arith.constant 0 : i32
    %dma_wait3A_226 = arith.constant 0 : i32
    %dma_wait3A_227 = arith.constant 0 : i32
    %dma_wait3A_228 = arith.constant 0 : i32
    %dma_wait3A_229 = tpu.memref_slice %arg8[%dma_wait3A_225, %dma_wait3A_227, %dma_wait3A_228] : memref<2x64x129xf32, #tpu.memory_space<vmem>> -> memref<1x64x128xf32, #tpu.memory_space<vmem>>
    %dma_wait3A_230 = tpu.memref_squeeze %dma_wait3A_229 : memref<1x64x128xf32, #tpu.memory_space<vmem>> -> memref<64x128xf32, #tpu.memory_space<vmem>>
    %dma_wait3A_231 = arith.constant 0 : i32
    %dma_wait3A_232 = arith.constant 0 : i32
    %dma_wait3A_233 = tpu.memref_slice %arg4[%dma_wait3A_226, %dma_wait3A_231, %dma_wait3A_232] : memref<50x64x4096xf32, #tpu.memory_space<hbm>> -> memref<1x64x128xf32, #tpu.memory_space<hbm>>
    %dma_wait3A_234 = tpu.memref_squeeze %dma_wait3A_233 : memref<1x64x128xf32, #tpu.memory_space<hbm>> -> memref<64x128xf32, #tpu.memory_space<hbm>>
    %dma_wait3A_235 = arith.constant 0 : i32
    %dma_wait3A_236 = arith.constant 0 : i32
    %dma_wait3A_237 = tpu.memref_slice %arg4[%dma_wait3A_226, %dma_wait3A_235, %dma_wait3A_236] : memref<50x64x4096xf32, #tpu.memory_space<hbm>> -> memref<1x64x128xf32, #tpu.memory_space<hbm>>
    %dma_wait3A_238 = tpu.memref_squeeze %dma_wait3A_237 : memref<1x64x128xf32, #tpu.memory_space<hbm>> -> memref<64x128xf32, #tpu.memory_space<hbm>>
    %dma_wait3A_239 = arith.constant 0 : i32
    %dma_wait3A_240 = arith.constant 0 : i32
    %dma_wait3A_241 = tpu.memref_slice %arg8[%dma_wait3A_225, %dma_wait3A_239, %dma_wait3A_240] : memref<2x64x129xf32, #tpu.memory_space<vmem>> -> memref<1x64x128xf32, #tpu.memory_space<vmem>>
    %dma_wait3A_242 = tpu.memref_squeeze %dma_wait3A_241 : memref<1x64x128xf32, #tpu.memory_space<vmem>> -> memref<64x128xf32, #tpu.memory_space<vmem>>
    tpu.wait_dma2 semaphore(%arg10 : memref<!tpu.dma_semaphore, #tpu.memory_space<semaphore_mem>>) src(%dma_wait3A_242 : memref<64x128xf32, #tpu.memory_space<vmem>>) dst(%dma_wait3A_238 : memref<64x128xf32, #tpu.memory_space<hbm>>)
    return
  }
}

</mosaic_0001>

<sc_bundles>
// kernel: kernel.3.cloned.1.call-start
scs
__scs_entry_jumppad:
0x0: {  	(pc) =	sbr.rel $0x88, $3  }
0x1: {  	(tag) =	ssettag $0x0;
	lr =	simm.s32 $0x1  }
0x2: {  	[smem:$0x3F9F] =	sst lr;
	_ =	strace $0xD0000000  }
0x3: {  	_ = 	snop  }
0x4: {  	_ = 	snop  }
0x5: {  	_ = 	snop  }
0x6: {  	_ = 	snop  }
0x7: {  	_ = 	snop  }
__scs_overlays_trampoline_lowered:
0x8: {  	[smem:$0x3FAE] =	sst s0  }
0x9: {  	[smem:$0x3FAF] =	sst s1  }
0xa: {  	[smem:$0x3FB0] =	sst s2  }
0xb: {  	[smem:$0x3FB1] =	sst s3  }
0xc: {  	[smem:$0x3FB2] =	sst s4  }
0xd: {  	[smem:$0x3FB3] =	sst s5  }
0xe: {  	[smem:$0x3FB4] =	sst s6  }
0xf: {  	[smem:$0x3FB5] =	sst s7  }
0x10: {  	[smem:$0x3FB6] =	sst s8  }
0x11: {  	[smem:$0x3FB7] =	sst s9;
	s0 =	simm.s32 @!p0 $0x0  }
0x12: {  	s1 =	sld [smem:$0x3F9D];
	s0 =	simm.s32 @p0 $0x1  }
0x13: {  	[smem:$0x3FB8] =	sst s0;
	s0 =	simm.s32 @!p1 $0x0  }
0x14: {  	s2 =	sld [smem:$0x3F9C];
	s0 =	simm.s32 @p1 $0x1  }
0x15: {  	[smem:$0x3FB9] =	sst s0;
	s0 =	simm.s32 @!p2 $0x0  }
0x16: {  	s3 =	sld [smem:$0x3FDB];
	s0 =	simm.s32 @p2 $0x1  }
0x17: {  	s4 =	simm.s32 $0x1BF5;
	[smem:$0x3FBB] =	sst s0  }
0x18: {  	s0 =	sld [smem:$0x3F9E];
	_ =	swait.ge [sflag:s4], $0x0  }
0x19: {  	s7 =	sld [smem:$0x3F9F]  }
0x1a: {  	s8 =	sadd.s32 $0xFFFFE003, lr  }
0x1b: {  	s9 =	sadd.s32 $0xFFFFFEF7, lr;
	s5 =	simm.s32 $0xFFFFFFFF;
	p2 =	slt.u32 s8, $0xFFFFF086  }
0x1c: {  	p1 =	slt.u32 s9, $0xF7A;
	s5 =	simm.s32 @!p2 $0x0  }
0x1d: {  	s5 =	simm.s32 @p1 $0x1;
	p0 =	seq.s32 s7, s2  }
0x1e: {  	s7 =	smul.u32 @!p0 $0xF7A, s2;
	p2 =	seq.s32 @!p0 s5, $0x0  }
0x1f: {  	s9 =	smul.u32 $0xF7A, s1;
	s8 =	simm.s32 @!p0 $0x1BF5;
	p2 =	por !p2, p0  }
0x20: {  	[sflag:s8] =	ssyncset.s32 @!p0 $0xFFFFF086;
	s6 =	sadd.s32 @!p0 s3, s7;
	s7 =	simm.s32 @!p0 $0x108  }
0x21: {  	s3 =	sadd.s32 s3, s9;
	s6 =	sadd.s32 @!p0 $0x88, s6;
	s7 =	simm.s32 @p2 $0x1082  }
0x22: {  	[simem:s7], [sflag:s8] =	dma.local @!p0 [hbm:s6], $0xF7A  }
0x23: {  	s9 =	sor.u32 $0xD0000000, s2;
	s6 =	simm.s32 $0x108;
	_ =	swait.ge @!p0 [sflag:s8], $0x0  }
0x24: {  	s3 =	sadd.s32 $0x88, s3;
	s6 =	simm.s32 @!p1 $0x1082;
	[sflag:s4] =	ssyncset.s32 $0xFFFFF086  }
0x25: {  	[simem:s6], [sflag:s4] =	dma.local [hbm:s3], $0xF7A  }
0x26: {  	[smem:$0x3F9F] =	sst s1;
	(tag) =	ssettag s2;
	_ =	strace s9  }
0x27: {  	s1 =	sld [smem:$0x3FAF]  }
0x28: {  	s2 =	sld [smem:$0x3FB0]  }
0x29: {  	s4 =	sld [smem:$0x3FB2]  }
0x2a: {  	p0 =	seq.s32 s5, $0x0;
	s5 =	sld [smem:$0x3FB3]  }
0x2b: {  	s6 =	sld [smem:$0x3FB4]  }
0x2c: {  	s7 =	sld [smem:$0x3FB5]  }
0x2d: {  	s3 =	simm.s32 $0x108;
	s8 =	sld [smem:$0x3FB6]  }
0x2e: {  	s3 =	simm.s32 @!p0 $0x1082;
	s9 =	sld [smem:$0x3FB7]  }
0x2f: {  	lr =	sadd.s32 s0, s3;
	s0 =	sld [smem:$0x3FAE]  }
0x30: {  	s3 =	sld [smem:$0x3FB1]  }
0x31: {  	[smem:$0x3FBA] =	sst s10  }
0x32: {  	s10 =	sld [smem:$0x3FB8];
	_ =	sdelay $0x3  }
0x33: {  	p0 =	seq.s32 s10, $0x1;
	s10 =	sld [smem:$0x3FBA];
	_ =	sdelay $0x3  }
0x34: {  	[smem:$0x3FBA] =	sst s10  }
0x35: {  	s10 =	sld [smem:$0x3FB9];
	_ =	sdelay $0x3  }
0x36: {  	p1 =	seq.s32 s10, $0x1;
	s10 =	sld [smem:$0x3FBA];
	_ =	sdelay $0x3  }
0x37: {  	[smem:$0x3FBA] =	sst s10  }
0x38: {  	s10 =	sld [smem:$0x3FBB]  }
0x39: {  	_ = 	snop;
	(pc) =	sbr.ind lr, $3  }
0x3a: {  	_ = 	snop  }
0x3b: {  	_ = 	snop  }
0x3c: {  	p2 =	seq.s32 s10, $0x1;
	s10 =	sld [smem:$0x3FBA]  }
0x3d: {  	_ =	shalt  }
0x3e: {  	_ =	shalt  }
0x3f: {  	_ =	shalt  }
0x40: {  	_ =	shalt  }
0x41: {  	_ =	shalt  }
0x42: {  	_ =	shalt  }
0x43: {  	_ =	shalt  }
0x44: {  	_ =	shalt  }
0x45: {  	_ =	shalt  }
0x46: {  	_ =	shalt  }
0x47: {  	_ =	shalt  }
0x48: {  	_ =	shalt  }
0x49: {  	_ =	shalt  }
0x4a: {  	_ =	shalt  }
0x4b: {  	_ =	shalt  }
0x4c: {  	_ =	shalt  }
0x4d: {  	_ =	shalt  }
0x4e: {  	_ =	shalt  }
0x4f: {  	_ =	shalt  }
0x50: {  	_ =	shalt  }
0x51: {  	_ =	shalt  }
0x52: {  	_ =	shalt  }
0x53: {  	_ =	shalt  }
0x54: {  	_ =	shalt  }
0x55: {  	_ =	shalt  }
0x56: {  	_ =	shalt  }
0x57: {  	_ =	shalt  }
0x58: {  	_ =	shalt  }
0x59: {  	_ =	shalt  }
0x5a: {  	_ =	shalt  }
0x5b: {  	_ =	shalt  }
0x5c: {  	_ =	shalt  }
0x5d: {  	_ =	shalt  }
0x5e: {  	_ =	shalt  }
0x5f: {  	_ =	shalt  }
0x60: {  	_ =	shalt  }
0x61: {  	_ =	shalt  }
0x62: {  	_ =	shalt  }
0x63: {  	_ =	shalt  }
0x64: {  	_ =	shalt  }
0x65: {  	_ =	shalt  }
0x66: {  	_ =	shalt  }
0x67: {  	_ =	shalt  }
0x68: {  	_ =	shalt  }
0x69: {  	_ =	shalt  }
0x6a: {  	_ =	shalt  }
0x6b: {  	_ =	shalt  }
0x6c: {  	_ =	shalt  }
0x6d: {  	_ =	shalt  }
0x6e: {  	_ =	shalt  }
0x6f: {  	_ =	shalt  }
0x70: {  	_ =	shalt  }
0x71: {  	_ =	shalt  }
0x72: {  	_ =	shalt  }
0x73: {  	_ =	shalt  }
0x74: {  	_ =	shalt  }
0x75: {  	_ =	shalt  }
0x76: {  	_ =	shalt  }
0x77: {  	_ =	shalt  }
0x78: {  	_ =	shalt  }
0x79: {  	_ =	shalt  }
0x7a: {  	_ =	shalt  }
0x7b: {  	_ =	shalt  }
0x7c: {  	_ =	shalt  }
0x7d: {  	_ =	shalt  }
0x7e: {  	_ =	shalt  }
0x7f: {  	_ =	shalt  }
0x80: {  	_ =	shalt  }
0x81: {  	_ =	shalt  }
0x82: {  	_ =	shalt  }
0x83: {  	_ =	shalt  }
0x84: {  	_ =	shalt  }
0x85: {  	_ =	shalt  }
0x86: {  	_ =	shalt  }
0x87: {  	_ =	shalt  }
.Lfunc_end0:
.L_simem_size_0:
called_computation_lowered:
.L_overlay_start_0:
0x88: {  	s2 =	sld [smem:$0x3FD9]  }
0x89: {  	s3 =	sld [smem:$0x3FFE];
	_ =	sdelay $0x1  }
0x8a: {  	s1 =	srdreg.scid  }
0x8b: {  	s0 =	sand.u32 $0x1, s1  }
0x8c: {  	s16 =	sshll.u32 s0, $0xA;
	s2 =	sadd.s32 s3, s2  }
0x8d: {  	s2 =	sadd.s32 s2, s16  }
0x8e: {  	[smem:$0x3FC6] =	sst s2  }
0x8f: {  	_ = 	snop  }
0x90: {  	(tm) =	ssettm $0x1  }
0x91: {  	s17 =	sld [smem:$0x3FFB];
	_ =	sdelay $0x3  }
0x92: {  	_ =	strace s17  }
0x93: {  	s2 =	sld [smem:$0x3FFC];
	_ =	sdelay $0x3  }
0x94: {  	_ =	strace s2  }
0x95: {  	s2 =	sld [smem:$0x3FFD];
	_ =	sdelay $0x3  }
0x96: {  	_ =	strace s2  }
0x97: {  	_ =	strace $0x8FFFFFFF  }
0x98: {  	s18 =	sld [smem:$0x3FDB];
	_ =	sdelay $0x1  }
0x99: {  	s19 =	simm.s32 $_scs_section_size  }
0x9a: {  	s4 =	simm.s32 $_size__tile_overlayer_lowered;
	s5 =	simm.s32 $_tile_overlayer_lowered  }
0x9b: {  	s22 =	simm.s32 $0x1BFF;
	s21 =	sshll.u32 s5, $0x1;
	s2 =	sadd.s32 s19, s18  }
0x9c: {  	s6 =	simm.s32 $0x0;
	s20 =	sshll.u32 s4, $0x1;
	s4 =	sadd.s32 s21, s2  }
0x9d: {  	[timem:s6], [sflag:s22] =	dma.local [hbm:s4], s20  }
0x9e: {  	_ =	swait.ge [sflag:s22], s20  }
0x9f: {  	s3 =	ssub.s32 $0x0, s20;
	[sflag:s22] =	ssyncset.done $0x0  }
0xa0: {  	[sflag:s22] =	ssyncadd.s32 s3;
	_ =	sdelay $0x1  }
0xa1: {  	s23 =	simm.s32 $0x1B8B  }
0xa2: {  	_ =	swait.ge [sflag:s23], $0x1  }
0xa3: {  	[sflag:s23] =	ssyncset.done $0x0  }
0xa4: {  	s25 =	simm.s32 $0x1B8E;
	s24 =	sld [smem:$0x3FFE];
	[sflag:s23] =	ssyncadd.s32 $0xFFFFFFFF  }
0xa5: {  	s26 =	simm.s32 $execute0_lowered;
	[smem:$0x3FD2] =	sst s25  }
0xa6: {  	s4 =	sshll.u32 s26, $0x1;
	_ =	strace $0x80000046;
	[dreg:$0x1] =	wrdreg $0xFFFFFFFF  }
0xa7: {  	s28 =	simm.s32 $_size_execute0_lowered;
	s2 =	sadd.s32 s2, s4;
	[dreg:$0x0] =	wrdreg $0x0  }
0xa8: {  	s4 =	sshll.u32 s28, $0x1;
	[dreg:$0x2] =	wrdreg s2  }
0xa9: {  	[dreg:$0x3] =	wrdreg s4  }
0xaa: {  	[dreg:$0x4] =	wrdreg $0xC0  }
0xab: {  	_ =	task [dreg:s6], $0x5FFFF  }
0xac: {  	[dreg:$0x1] =	wrdreg $0xFFFFFFFF  }
0xad: {  	[dreg:$0x0] =	wrdreg $0x60  }
0xae: {  	[dreg:$0x2] =	wrdreg s24  }
0xaf: {  	[dreg:$0x3] =	wrdreg $0x9  }
0xb0: {  	_ =	task.clear_ibuf [dreg:s6], $0x4FFFF;
	_ =	strace $0x90000046  }
0xb1: {  	s29 =	simm.s32 $0x9;
	_ =	strace $0x80000048  }
0xb2: {  	_ =	swait.ge [sflag:s29], $0x1  }
0xb3: {  	[sflag:s29] =	ssyncadd.s32 $0xFFFFFFFF  }
0xb4: {  	_ =	strace $0x90000048  }
0xb5: {  	_ =	sfence  }
0xb6: {  	s30 =	sld [smem:$0x0];
	_ =	sdelay $0x2  }
0xb7: {  	s31 =	sshll.u32 s1, $0xD;
	s1 =	sshrl.u32 s1, $0x2  }
0xb8: {  	s3 =	sand.u32 $0x4000, s31;
	s1 =	sadd.s32 s1, s30  }
0xb9: {  	s0 =	sor.u32 s3, s0;
	s1 =	sshll.u32 s1, $0x11  }
0xba: {  	s0 =	sor.u32 s1, s0  }
0xbb: {  	s0 =	sadd.s32 $0x8F2B, s0  }
0xbc: {  	[sflag:s0] =	ssyncadd.remote.s32 $0x1  }
0xbd: {  	_ =	sfence.sel $0xFFFF  }
0xbe: {  	[dreg:$0x0] =	wrdreg $0xFFFFFFFF;
	(pc) =	sbr.abs _section_cstart, $3  }
0xbf: {  	[dreg:$0x1] =	wrdreg $0xFFFFFFFF  }
0xc0: {  	_ =	task.clear_ibuf [dreg:s6], $0x2FFFF;
	_ =	strace $0x9FFFFFFF  }
0xc1: {  	(tm) =	ssettm $0x7FFFFFFF  }
tec
execute0_lowered:
.L_overlay_start_1:
0x0: {  	(tag) =	ssettag $0x1  }
0x1: {  	v20 =	vlaneseq.u32  }
0x2: {  	v1 =	vimm.s32 $0x0;
	vm0 =	vcmask $0x300;
	v0 =	vmul.u32 $0x88, v20  }
0x3: {  	v1 =	vsel vm0, $0x3, v1;
	v40 =	vmul.u32 $0x38, v20  }
0x4: {  	v2 =	vadd.s32 $0x880, v0;
	v3 =	vadd.s32 $0x1100, v0;
	v4 =	vor.u32 $0x1, v0  }
0x5: {  	v5 =	vadd.s32 $0x881, v0;
	v6 =	vadd.s32 $0x1101, v0;
	v7 =	vor.u32 $0x2, v0  }
0x6: {  	v8 =	vadd.s32 $0x882, v0;
	v9 =	vadd.s32 $0x1102, v0;
	v10 =	vor.u32 $0x3, v0  }
0x7: {  	v11 =	vadd.s32 $0x883, v0;
	v12 =	vadd.s32 $0x1103, v0;
	v13 =	vor.u32 $0x4, v0  }
0x8: {  	s1 =	srdreg.scid;
	v14 =	vadd.s32 $0x884, v0;
	v15 =	vadd.s32 $0x1104, v0;
	v16 =	vor.u32 $0x5, v0  }
0x9: {  	s0 =	stileid.u32;
	s5 =	rddreg [dreg:$0x0];
	v17 =	vadd.s32 $0x885, v0;
	v18 =	vadd.s32 $0x1105, v0;
	v19 =	vor.u32 $0x6, v0  }
0xa: {  	s2 =	simm.s32 $0x0;
	s9 =	simm.s32 $0x1C00;
	s10 =	simm.s32 $0x80;
	v20 =	vadd.s32 $0x886, v0;
	v21 =	vadd.s32 $0x1106, v0;
	v22 =	vor.u32 $0x7, v0  }
0xb: {  	s11 =	simm.s32 $0x1C88;
	s12 =	simm.s32 $0x7690;
	s13 =	simm.s32 $0x1D10;
	v23 =	vadd.s32 $0x887, v0;
	v24 =	vadd.s32 $0x1107, v0;
	v25 =	vadd.s32 $0x30, v40  }
0xc: {  	s14 =	simm.s32 $0xB690;
	s15 =	simm.s32 $0x1;
	s4 =	sand.u32 $0x1, s1;
	v26 =	vadd.s32 $0x3B0, v40;
	v27 =	vadd.s32 $0x730, v40;
	v28 =	vadd.s32 $0xAB0, v40  }
0xd: {  	s16 =	simm.s32 $0x2;
	s3 =	sshll.u32 s0, $0x8;
	s6 =	sshll.u32 s4, $0x7;
	v29 =	vadd.s32 $0xE30, v40;
	v30 =	vadd.s32 $0x11B0, v40;
	v31 =	vadd.s32 $0x1530, v40  }
0xe: {  	s17 =	simm.s32 $0x0;
	s1 =	rddreg [dreg:$0x1];
	s3 =	sor.u32 s6, s3;
	v32 =	vadd.s32 $0x18B0, v40;
	v33 =	vadd.s32 $0x31, v40;
	v34 =	vadd.s32 $0x3B1, v40  }
0xf: {  	[smem:$0x7FF] =	sst s2;
	s7 =	ssub.s32 $0x2, s4;
	v35 =	vadd.s32 $0x731, v40;
	v36 =	vadd.s32 $0xAB1, v40;
	v37 =	vadd.s32 $0xE31, v40;
	s6 =	smul.u32 $0x7, s3  }
0x10: {  	_ =	strace $0x80000047;
	s4 =	sadd.s32 $0x7400, s5;
	s8 =	sshrl.u32 s7, $0x1;
	v38 =	vadd.s32 $0x11B1, v40;
	v39 =	vadd.s32 $0x1531, v40;
	v40 =	vadd.s32 $0x18B1, v40  }
0x11: {  	v41 =	vadd.s32 $0x1980, v0;
	v42 =	vadd.s32 $0x1981, v0;
	v43 =	vadd.s32 $0x1982, v0;
	s7 =	ssub.s32 s7, s8;
	s8 =	simm.s32 $0x3;
	s6 =	sadd.s32 s6, s5  }
0x12: {  	v44 =	vadd.s32 $0x1983, v0;
	v45 =	vadd.s32 $0x1984, v0;
	v46 =	vadd.s32 $0x1985, v0;
	s7 =	smax.u32 s7, $0x1;
	s5 =	sadd.s32 $0x18DE00, s5;
	s6 =	sadd.s32 $0x400, s6  }
.LBB2_1:
0x13: {  	v47 =	vmov s2  }
0x14: {  	[tilespmem:s2], [sflag:$0x3] =	stream.linear.gather [hbm4b:s6+s2], $0x1C00, $0x38;
	v47 =	vshrl.u32 v47, $0x3;
	[tilespmem:$0x13A90] =	vst v63  }
0x15: {  	_ =	swait.ge [sflag:s8], $0x1C00;
	v47 =	vshll.u32 v47, v1  }
0x16: {  	[sflag:s8] =	ssyncset.done $0x0;
	v47 =	vbroadcast v47, $0x0  }
0x17: {  	s18 =	simm.s32 $0x1C0;
	[sflag:s8] =	ssyncadd.s32 $0xFFFFE400  }
0x18: {  	v48 =	vld [tilespmem:s18+$0xFFFFFE40];
	v49 =	vadd.s32 v0, v47;
	_ =	sdelay $0x4  }
0x19: {  	[tilespmem:v49+s9+$0x0] =	vst.idx.msk $0xffff, v48  }
0x1a: {  	v52 =	vadd.s32 v2, v47;
	v48 =	vld [tilespmem:s18+$0xFFFFFE50];
	_ =	sdelay $0x4  }
0x1b: {  	[tilespmem:v52+s9+$0x0] =	vst.idx.msk $0xffff, v48  }
0x1c: {  	s19 =	simm.s32 $0x1;
	v47 =	vadd.s32 v3, v47;
	v48 =	vld [tilespmem:s18+$0xFFFFFE60]  }
0x1d: {  	v53 =	vmov s19  }
0x1e: {  	v49 =	vshrl.u32 v53, $0x3  }
0x1f: {  	v49 =	vshll.u32 v49, v1  }
0x20: {  	v49 =	vbroadcast v49, $0x0  }
0x21: {  	[tilespmem:v47+s9+$0x0] =	vst.idx.msk $0xffff, v48  }
0x22: {  	v54 =	vadd.s32 v4, v49;
	v47 =	vld [tilespmem:s18+$0xFFFFFE78];
	_ =	sdelay $0x4  }
0x23: {  	[tilespmem:v54+s9+$0x0] =	vst.idx.msk $0xffff, v47  }
0x24: {  	v55 =	vadd.s32 v5, v49;
	v47 =	vld [tilespmem:s18+$0xFFFFFE88];
	_ =	sdelay $0x4  }
0x25: {  	[tilespmem:v55+s9+$0x0] =	vst.idx.msk $0xffff, v47  }
0x26: {  	s29 =	simm.s32 $0x2;
	v56 =	vadd.s32 v6, v49;
	v47 =	vld [tilespmem:s18+$0xFFFFFE98]  }
0x27: {  	v57 =	vmov s29  }
0x28: {  	v49 =	vshrl.u32 v57, $0x3  }
0x29: {  	v49 =	vshll.u32 v49, v1  }
0x2a: {  	v49 =	vbroadcast v49, $0x0  }
0x2b: {  	[tilespmem:v56+s9+$0x0] =	vst.idx.msk $0xffff, v47  }
0x2c: {  	v58 =	vadd.s32 v7, v49;
	v47 =	vld [tilespmem:s18+$0xFFFFFEB0];
	_ =	sdelay $0x4  }
0x2d: {  	[tilespmem:v58+s9+$0x0] =	vst.idx.msk $0xffff, v47  }
0x2e: {  	v59 =	vadd.s32 v8, v49;
	v47 =	vld [tilespmem:s18+$0xFFFFFEC0];
	_ =	sdelay $0x4  }
0x2f: {  	[tilespmem:v59+s9+$0x0] =	vst.idx.msk $0xffff, v47  }
0x30: {  	s30 =	simm.s32 $0x3;
	v60 =	vadd.s32 v9, v49;
	v47 =	vld [tilespmem:s18+$0xFFFFFED0]  }
0x31: {  	v61 =	vmov s30  }
0x32: {  	v49 =	vshrl.u32 v61, $0x3  }
0x33: {  	v49 =	vshll.u32 v49, v1  }
0x34: {  	v49 =	vbroadcast v49, $0x0  }
0x35: {  	[tilespmem:v60+s9+$0x0] =	vst.idx.msk $0xffff, v47  }
0x36: {  	v62 =	vadd.s32 v10, v49;
	v47 =	vld [tilespmem:s18+$0xFFFFFEE8];
	_ =	sdelay $0x4  }
0x37: {  	[tilespmem:v62+s9+$0x0] =	vst.idx.msk $0xffff, v47  }
0x38: {  	v63 =	vadd.s32 v11, v49;
	v47 =	vld [tilespmem:s18+$0xFFFFFEF8];
	_ =	sdelay $0x4  }
0x39: {  	[tilespmem:v63+s9+$0x0] =	vst.idx.msk $0xffff, v47  }
0x3a: {  	s31 =	simm.s32 $0x4;
	v52 =	vadd.s32 v12, v49;
	v47 =	vld [tilespmem:s18+$0xFFFFFF08]  }
0x3b: {  	v53 =	vmov s31  }
0x3c: {  	v49 =	vshrl.u32 v53, $0x3  }
0x3d: {  	v49 =	vshll.u32 v49, v1  }
0x3e: {  	v49 =	vbroadcast v49, $0x0  }
0x3f: {  	[tilespmem:v52+s9+$0x0] =	vst.idx.msk $0xffff, v47  }
0x40: {  	v54 =	vadd.s32 v13, v49;
	v47 =	vld [tilespmem:s18+$0xFFFFFF20];
	_ =	sdelay $0x4  }
0x41: {  	[tilespmem:v54+s9+$0x0] =	vst.idx.msk $0xffff, v47  }
0x42: {  	v55 =	vadd.s32 v14, v49;
	v47 =	vld [tilespmem:s18+$0xFFFFFF30];
	_ =	sdelay $0x4  }
0x43: {  	[tilespmem:v55+s9+$0x0] =	vst.idx.msk $0xffff, v47  }
0x44: {  	s20 =	simm.s32 $0x5;
	v56 =	vadd.s32 v15, v49;
	v47 =	vld [tilespmem:s18+$0xFFFFFF40]  }
0x45: {  	v57 =	vmov s20  }
0x46: {  	v49 =	vshrl.u32 v57, $0x3  }
0x47: {  	v49 =	vshll.u32 v49, v1  }
0x48: {  	v49 =	vbroadcast v49, $0x0  }
0x49: {  	[tilespmem:v56+s9+$0x0] =	vst.idx.msk $0xffff, v47  }
0x4a: {  	v58 =	vadd.s32 v16, v49;
	v47 =	vld [tilespmem:s18+$0xFFFFFF58];
	_ =	sdelay $0x4  }
0x4b: {  	[tilespmem:v58+s9+$0x0] =	vst.idx.msk $0xffff, v47  }
0x4c: {  	v59 =	vadd.s32 v17, v49;
	v47 =	vld [tilespmem:s18+$0xFFFFFF68];
	_ =	sdelay $0x4  }
0x4d: {  	[tilespmem:v59+s9+$0x0] =	vst.idx.msk $0xffff, v47  }
0x4e: {  	s21 =	simm.s32 $0x6;
	v60 =	vadd.s32 v18, v49;
	v47 =	vld [tilespmem:s18+$0xFFFFFF78]  }
0x4f: {  	v61 =	vmov s21  }
0x50: {  	v49 =	vshrl.u32 v61, $0x3  }
0x51: {  	v49 =	vshll.u32 v49, v1  }
0x52: {  	v49 =	vbroadcast v49, $0x0  }
0x53: {  	[tilespmem:v60+s9+$0x0] =	vst.idx.msk $0xffff, v47  }
0x54: {  	v62 =	vadd.s32 v19, v49;
	v47 =	vld [tilespmem:s18+$0xFFFFFF90];
	_ =	sdelay $0x4  }
0x55: {  	[tilespmem:v62+s9+$0x0] =	vst.idx.msk $0xffff, v47  }
0x56: {  	v63 =	vadd.s32 v20, v49;
	v47 =	vld [tilespmem:s18+$0xFFFFFFA0];
	_ =	sdelay $0x4  }
0x57: {  	[tilespmem:v63+s9+$0x0] =	vst.idx.msk $0xffff, v47  }
0x58: {  	s22 =	simm.s32 $0x7;
	v52 =	vadd.s32 v21, v49;
	v47 =	vld [tilespmem:s18+$0xFFFFFFB0]  }
0x59: {  	v53 =	vmov s22  }
0x5a: {  	v49 =	vshrl.u32 v53, $0x3  }
0x5b: {  	v49 =	vshll.u32 v49, v1  }
0x5c: {  	v49 =	vbroadcast v49, $0x0  }
0x5d: {  	[tilespmem:v52+s9+$0x0] =	vst.idx.msk $0xffff, v47  }
0x5e: {  	v54 =	vadd.s32 v22, v49;
	v47 =	vld [tilespmem:s18+$0xFFFFFFC8];
	_ =	sdelay $0x4  }
0x5f: {  	[tilespmem:v54+s9+$0x0] =	vst.idx.msk $0xffff, v47  }
0x60: {  	v55 =	vadd.s32 v23, v49;
	v47 =	vld [tilespmem:s18+$0xFFFFFFD8];
	_ =	sdelay $0x4  }
0x61: {  	[tilespmem:v55+s9+$0x0] =	vst.idx.msk $0xffff, v47  }
0x62: {  	s23 =	simm.s32 $0x8;
	v56 =	vadd.s32 v24, v49;
	v47 =	vld [tilespmem:s18+$0xFFFFFFE8]  }
0x63: {  	v57 =	vmov s23  }
0x64: {  	v49 =	vshrl.u32 v57, $0x3  }
0x65: {  	v49 =	vshll.u32 v49, v1  }
0x66: {  	v49 =	vbroadcast v49, $0x0  }
0x67: {  	[tilespmem:v56+s9+$0x0] =	vst.idx.msk $0xffff, v47  }
0x68: {  	v58 =	vadd.s32 v0, v49;
	v47 =	vld [tilespmem:s18+$0x0];
	_ =	sdelay $0x4  }
0x69: {  	[tilespmem:v58+s9+$0x0] =	vst.idx.msk $0xffff, v47  }
0x6a: {  	v59 =	vadd.s32 v2, v49;
	v47 =	vld [tilespmem:s18+$0x10];
	_ =	sdelay $0x4  }
0x6b: {  	[tilespmem:v59+s9+$0x0] =	vst.idx.msk $0xffff, v47  }
0x6c: {  	s24 =	simm.s32 $0x9;
	v60 =	vadd.s32 v3, v49;
	v47 =	vld [tilespmem:s18+$0x20]  }
0x6d: {  	v61 =	vmov s24  }
0x6e: {  	v49 =	vshrl.u32 v61, $0x3  }
0x6f: {  	v49 =	vshll.u32 v49, v1  }
0x70: {  	v49 =	vbroadcast v49, $0x0  }
0x71: {  	[tilespmem:v60+s9+$0x0] =	vst.idx.msk $0xffff, v47  }
0x72: {  	v62 =	vadd.s32 v4, v49;
	v47 =	vld [tilespmem:s18+$0x38];
	_ =	sdelay $0x4  }
0x73: {  	[tilespmem:v62+s9+$0x0] =	vst.idx.msk $0xffff, v47  }
0x74: {  	v63 =	vadd.s32 v5, v49;
	v47 =	vld [tilespmem:s18+$0x48];
	_ =	sdelay $0x4  }
0x75: {  	[tilespmem:v63+s9+$0x0] =	vst.idx.msk $0xffff, v47  }
0x76: {  	s25 =	simm.s32 $0xA;
	v52 =	vadd.s32 v6, v49;
	v47 =	vld [tilespmem:s18+$0x58]  }
0x77: {  	v53 =	vmov s25  }
0x78: {  	v49 =	vshrl.u32 v53, $0x3  }
0x79: {  	v49 =	vshll.u32 v49, v1  }
0x7a: {  	v49 =	vbroadcast v49, $0x0  }
0x7b: {  	[tilespmem:v52+s9+$0x0] =	vst.idx.msk $0xffff, v47  }
0x7c: {  	v54 =	vadd.s32 v7, v49;
	v47 =	vld [tilespmem:s18+$0x70];
	_ =	sdelay $0x4  }
0x7d: {  	[tilespmem:v54+s9+$0x0] =	vst.idx.msk $0xffff, v47  }
0x7e: {  	v55 =	vadd.s32 v8, v49;
	v47 =	vld [tilespmem:s18+$0x80];
	_ =	sdelay $0x4  }
0x7f: {  	[tilespmem:v55+s9+$0x0] =	vst.idx.msk $0xffff, v47  }
0x80: {  	s26 =	simm.s32 $0xB;
	v56 =	vadd.s32 v9, v49;
	v47 =	vld [tilespmem:s18+$0x90]  }
0x81: {  	v57 =	vmov s26  }
0x82: {  	v49 =	vshrl.u32 v57, $0x3  }
0x83: {  	v49 =	vshll.u32 v49, v1  }
0x84: {  	v49 =	vbroadcast v49, $0x0  }
0x85: {  	[tilespmem:v56+s9+$0x0] =	vst.idx.msk $0xffff, v47  }
0x86: {  	v58 =	vadd.s32 v10, v49;
	v47 =	vld [tilespmem:s18+$0xA8];
	_ =	sdelay $0x4  }
0x87: {  	[tilespmem:v58+s9+$0x0] =	vst.idx.msk $0xffff, v47  }
0x88: {  	v59 =	vadd.s32 v11, v49;
	v47 =	vld [tilespmem:s18+$0xB8];
	_ =	sdelay $0x4  }
0x89: {  	[tilespmem:v59+s9+$0x0] =	vst.idx.msk $0xffff, v47  }
0x8a: {  	s28 =	simm.s32 $0xC;
	v60 =	vadd.s32 v12, v49;
	v47 =	vld [tilespmem:s18+$0xC8]  }
0x8b: {  	v61 =	vmov s28  }
0x8c: {  	v49 =	vshrl.u32 v61, $0x3  }
0x8d: {  	v49 =	vshll.u32 v49, v1  }
0x8e: {  	v49 =	vbroadcast v49, $0x0  }
0x8f: {  	[tilespmem:v60+s9+$0x0] =	vst.idx.msk $0xffff, v47  }
0x90: {  	v62 =	vadd.s32 v13, v49;
	v47 =	vld [tilespmem:s18+$0xE0];
	_ =	sdelay $0x4  }
0x91: {  	[tilespmem:v62+s9+$0x0] =	vst.idx.msk $0xffff, v47  }
0x92: {  	v63 =	vadd.s32 v14, v49;
	v47 =	vld [tilespmem:s18+$0xF0];
	_ =	sdelay $0x4  }
0x93: {  	[tilespmem:v63+s9+$0x0] =	vst.idx.msk $0xffff, v47  }
0x94: {  	s29 =	simm.s32 $0xD;
	v52 =	vadd.s32 v15, v49;
	v47 =	vld [tilespmem:s18+$0x100]  }
0x95: {  	v53 =	vmov s29  }
0x96: {  	v49 =	vshrl.u32 v53, $0x3  }
0x97: {  	v49 =	vshll.u32 v49, v1  }
0x98: {  	v49 =	vbroadcast v49, $0x0  }
0x99: {  	[tilespmem:v52+s9+$0x0] =	vst.idx.msk $0xffff, v47  }
0x9a: {  	v54 =	vadd.s32 v16, v49;
	v47 =	vld [tilespmem:s18+$0x118];
	_ =	sdelay $0x4  }
0x9b: {  	[tilespmem:v54+s9+$0x0] =	vst.idx.msk $0xffff, v47  }
0x9c: {  	v55 =	vadd.s32 v17, v49;
	v47 =	vld [tilespmem:s18+$0x128];
	_ =	sdelay $0x4  }
0x9d: {  	[tilespmem:v55+s9+$0x0] =	vst.idx.msk $0xffff, v47  }
0x9e: {  	s30 =	simm.s32 $0xE;
	v56 =	vadd.s32 v18, v49;
	v47 =	vld [tilespmem:s18+$0x138]  }
0x9f: {  	v57 =	vmov s30  }
0xa0: {  	v49 =	vshrl.u32 v57, $0x3  }
0xa1: {  	v49 =	vshll.u32 v49, v1  }
0xa2: {  	v49 =	vbroadcast v49, $0x0  }
0xa3: {  	[tilespmem:v56+s9+$0x0] =	vst.idx.msk $0xffff, v47  }
0xa4: {  	v58 =	vadd.s32 v19, v49;
	v47 =	vld [tilespmem:s18+$0x150];
	_ =	sdelay $0x4  }
0xa5: {  	[tilespmem:v58+s9+$0x0] =	vst.idx.msk $0xffff, v47  }
0xa6: {  	v59 =	vadd.s32 v20, v49;
	v47 =	vld [tilespmem:s18+$0x160];
	_ =	sdelay $0x4  }
0xa7: {  	[tilespmem:v59+s9+$0x0] =	vst.idx.msk $0xffff, v47  }
0xa8: {  	s31 =	simm.s32 $0xF;
	v60 =	vadd.s32 v21, v49;
	v47 =	vld [tilespmem:s18+$0x170]  }
0xa9: {  	v61 =	vmov s31  }
0xaa: {  	v49 =	vshrl.u32 v61, $0x3  }
0xab: {  	v49 =	vshll.u32 v49, v1  }
0xac: {  	v49 =	vbroadcast v49, $0x0  }
0xad: {  	[tilespmem:v60+s9+$0x0] =	vst.idx.msk $0xffff, v47  }
0xae: {  	v62 =	vadd.s32 v22, v49;
	v47 =	vld [tilespmem:s18+$0x188];
	_ =	sdelay $0x4  }
0xaf: {  	[tilespmem:v62+s9+$0x0] =	vst.idx.msk $0xffff, v47  }
0xb0: {  	v63 =	vadd.s32 v23, v49;
	v47 =	vld [tilespmem:s18+$0x198];
	_ =	sdelay $0x4  }
0xb1: {  	[tilespmem:v63+s9+$0x0] =	vst.idx.msk $0xffff, v47  }
0xb2: {  	s19 =	simm.s32 $0x10;
	v48 =	vadd.s32 v24, v49;
	v47 =	vld [tilespmem:s18+$0x1A8]  }
0xb3: {  	s20 =	simm.s32 $0x20;
	v49 =	vmov s19  }
.LBB2_2:
0xb4: {  	p0 =	slt.u32 s20, $0x70;
	v49 =	vshrl.u32 v49, $0x3  }
0xb5: {  	v49 =	vshll.u32 v49, v1  }
0xb6: {  	v49 =	vbroadcast v49, $0x0  }
0xb7: {  	s18 =	sadd.s32 $0x380, s18;
	[tilespmem:v48+s9+$0x0] =	vst.idx.msk $0xffff, v47  }
0xb8: {  	v47 =	vld [tilespmem:s18+$0xFFFFFE40];
	v48 =	vadd.s32 v0, v49;
	_ =	sdelay $0x4  }
0xb9: {  	[tilespmem:v48+s9+$0x0] =	vst.idx.msk $0xffff, v47  }
0xba: {  	v48 =	vadd.s32 v2, v49;
	v47 =	vld [tilespmem:s18+$0xFFFFFE50];
	_ =	sdelay $0x4  }
0xbb: {  	[tilespmem:v48+s9+$0x0] =	vst.idx.msk $0xffff, v47  }
0xbc: {  	s21 =	sadd.s32 $0x1, s19;
	v48 =	vadd.s32 v3, v49;
	v47 =	vld [tilespmem:s18+$0xFFFFFE60]  }
0xbd: {  	v49 =	vmov s21  }
0xbe: {  	v49 =	vshrl.u32 v49, $0x3  }
0xbf: {  	v49 =	vshll.u32 v49, v1  }
0xc0: {  	v49 =	vbroadcast v49, $0x0  }
0xc1: {  	[tilespmem:v48+s9+$0x0] =	vst.idx.msk $0xffff, v47  }
0xc2: {  	v48 =	vadd.s32 v4, v49;
	v47 =	vld [tilespmem:s18+$0xFFFFFE78];
	_ =	sdelay $0x4  }
0xc3: {  	[tilespmem:v48+s9+$0x0] =	vst.idx.msk $0xffff, v47  }
0xc4: {  	v48 =	vadd.s32 v5, v49;
	v47 =	vld [tilespmem:s18+$0xFFFFFE88];
	_ =	sdelay $0x4  }
0xc5: {  	[tilespmem:v48+s9+$0x0] =	vst.idx.msk $0xffff, v47  }
0xc6: {  	s21 =	sadd.s32 $0x2, s19;
	v48 =	vadd.s32 v6, v49;
	v47 =	vld [tilespmem:s18+$0xFFFFFE98]  }
0xc7: {  	v49 =	vmov s21  }
0xc8: {  	v49 =	vshrl.u32 v49, $0x3  }
0xc9: {  	v49 =	vshll.u32 v49, v1  }
0xca: {  	v49 =	vbroadcast v49, $0x0  }
0xcb: {  	[tilespmem:v48+s9+$0x0] =	vst.idx.msk $0xffff, v47  }
0xcc: {  	v48 =	vadd.s32 v7, v49;
	v47 =	vld [tilespmem:s18+$0xFFFFFEB0];
	_ =	sdelay $0x4  }
0xcd: {  	[tilespmem:v48+s9+$0x0] =	vst.idx.msk $0xffff, v47  }
0xce: {  	v48 =	vadd.s32 v8, v49;
	v47 =	vld [tilespmem:s18+$0xFFFFFEC0];
	_ =	sdelay $0x4  }
0xcf: {  	[tilespmem:v48+s9+$0x0] =	vst.idx.msk $0xffff, v47  }
0xd0: {  	s21 =	sadd.s32 $0x3, s19;
	v48 =	vadd.s32 v9, v49;
	v47 =	vld [tilespmem:s18+$0xFFFFFED0]  }
0xd1: {  	v49 =	vmov s21  }
0xd2: {  	v49 =	vshrl.u32 v49, $0x3  }
0xd3: {  	v49 =	vshll.u32 v49, v1  }
0xd4: {  	v49 =	vbroadcast v49, $0x0  }
0xd5: {  	[tilespmem:v48+s9+$0x0] =	vst.idx.msk $0xffff, v47  }
0xd6: {  	v48 =	vadd.s32 v10, v49;
	v47 =	vld [tilespmem:s18+$0xFFFFFEE8];
	_ =	sdelay $0x4  }
0xd7: {  	[tilespmem:v48+s9+$0x0] =	vst.idx.msk $0xffff, v47  }
0xd8: {  	v48 =	vadd.s32 v11, v49;
	v47 =	vld [tilespmem:s18+$0xFFFFFEF8];
	_ =	sdelay $0x4  }
0xd9: {  	[tilespmem:v48+s9+$0x0] =	vst.idx.msk $0xffff, v47  }
0xda: {  	s21 =	sadd.s32 $0x4, s19;
	v48 =	vadd.s32 v12, v49;
	v47 =	vld [tilespmem:s18+$0xFFFFFF08]  }
0xdb: {  	v49 =	vmov s21  }
0xdc: {  	v49 =	vshrl.u32 v49, $0x3  }
0xdd: {  	v49 =	vshll.u32 v49, v1  }
0xde: {  	v49 =	vbroadcast v49, $0x0  }
0xdf: {  	[tilespmem:v48+s9+$0x0] =	vst.idx.msk $0xffff, v47  }
0xe0: {  	v48 =	vadd.s32 v13, v49;
	v47 =	vld [tilespmem:s18+$0xFFFFFF20];
	_ =	sdelay $0x4  }
0xe1: {  	[tilespmem:v48+s9+$0x0] =	vst.idx.msk $0xffff, v47  }
0xe2: {  	v48 =	vadd.s32 v14, v49;
	v47 =	vld [tilespmem:s18+$0xFFFFFF30];
	_ =	sdelay $0x4  }
0xe3: {  	[tilespmem:v48+s9+$0x0] =	vst.idx.msk $0xffff, v47  }
0xe4: {  	s21 =	sadd.s32 $0x5, s19;
	v48 =	vadd.s32 v15, v49;
	v47 =	vld [tilespmem:s18+$0xFFFFFF40]  }
0xe5: {  	v49 =	vmov s21  }
0xe6: {  	v49 =	vshrl.u32 v49, $0x3  }
0xe7: {  	v49 =	vshll.u32 v49, v1  }
0xe8: {  	v49 =	vbroadcast v49, $0x0  }
0xe9: {  	[tilespmem:v48+s9+$0x0] =	vst.idx.msk $0xffff, v47  }
0xea: {  	v48 =	vadd.s32 v16, v49;
	v47 =	vld [tilespmem:s18+$0xFFFFFF58];
	_ =	sdelay $0x4  }
0xeb: {  	[tilespmem:v48+s9+$0x0] =	vst.idx.msk $0xffff, v47  }
0xec: {  	v48 =	vadd.s32 v17, v49;
	v47 =	vld [tilespmem:s18+$0xFFFFFF68];
	_ =	sdelay $0x4  }
0xed: {  	[tilespmem:v48+s9+$0x0] =	vst.idx.msk $0xffff, v47  }
0xee: {  	s21 =	sadd.s32 $0x6, s19;
	v48 =	vadd.s32 v18, v49;
	v47 =	vld [tilespmem:s18+$0xFFFFFF78]  }
0xef: {  	v49 =	vmov s21  }
0xf0: {  	v49 =	vshrl.u32 v49, $0x3  }
0xf1: {  	v49 =	vshll.u32 v49, v1  }
0xf2: {  	v49 =	vbroadcast v49, $0x0  }
0xf3: {  	[tilespmem:v48+s9+$0x0] =	vst.idx.msk $0xffff, v47  }
0xf4: {  	v48 =	vadd.s32 v19, v49;
	v47 =	vld [tilespmem:s18+$0xFFFFFF90];
	_ =	sdelay $0x4  }
0xf5: {  	[tilespmem:v48+s9+$0x0] =	vst.idx.msk $0xffff, v47  }
0xf6: {  	v48 =	vadd.s32 v20, v49;
	v47 =	vld [tilespmem:s18+$0xFFFFFFA0];
	_ =	sdelay $0x4  }
0xf7: {  	[tilespmem:v48+s9+$0x0] =	vst.idx.msk $0xffff, v47  }
0xf8: {  	s21 =	sadd.s32 $0x7, s19;
	v48 =	vadd.s32 v21, v49;
	v47 =	vld [tilespmem:s18+$0xFFFFFFB0]  }
0xf9: {  	v49 =	vmov s21  }
0xfa: {  	v49 =	vshrl.u32 v49, $0x3  }
0xfb: {  	v49 =	vshll.u32 v49, v1  }
0xfc: {  	v49 =	vbroadcast v49, $0x0  }
0xfd: {  	[tilespmem:v48+s9+$0x0] =	vst.idx.msk $0xffff, v47  }
0xfe: {  	v48 =	vadd.s32 v22, v49;
	v47 =	vld [tilespmem:s18+$0xFFFFFFC8];
	_ =	sdelay $0x4  }
0xff: {  	[tilespmem:v48+s9+$0x0] =	vst.idx.msk $0xffff, v47  }
0x100: {  	v48 =	vadd.s32 v23, v49;
	v47 =	vld [tilespmem:s18+$0xFFFFFFD8];
	_ =	sdelay $0x4  }
0x101: {  	[tilespmem:v48+s9+$0x0] =	vst.idx.msk $0xffff, v47  }
0x102: {  	s21 =	sadd.s32 $0x8, s19;
	v48 =	vadd.s32 v24, v49;
	v47 =	vld [tilespmem:s18+$0xFFFFFFE8]  }
0x103: {  	v49 =	vmov s21  }
0x104: {  	v49 =	vshrl.u32 v49, $0x3  }
0x105: {  	v49 =	vshll.u32 v49, v1  }
0x106: {  	v49 =	vbroadcast v49, $0x0  }
0x107: {  	[tilespmem:v48+s9+$0x0] =	vst.idx.msk $0xffff, v47  }
0x108: {  	v48 =	vadd.s32 v0, v49;
	v47 =	vld [tilespmem:s18+$0x0];
	_ =	sdelay $0x4  }
0x109: {  	[tilespmem:v48+s9+$0x0] =	vst.idx.msk $0xffff, v47  }
0x10a: {  	v48 =	vadd.s32 v2, v49;
	v47 =	vld [tilespmem:s18+$0x10];
	_ =	sdelay $0x4  }
0x10b: {  	[tilespmem:v48+s9+$0x0] =	vst.idx.msk $0xffff, v47  }
0x10c: {  	s21 =	sadd.s32 $0x9, s19;
	v48 =	vadd.s32 v3, v49;
	v47 =	vld [tilespmem:s18+$0x20]  }
0x10d: {  	v49 =	vmov s21  }
0x10e: {  	v49 =	vshrl.u32 v49, $0x3  }
0x10f: {  	v49 =	vshll.u32 v49, v1  }
0x110: {  	v49 =	vbroadcast v49, $0x0  }
0x111: {  	[tilespmem:v48+s9+$0x0] =	vst.idx.msk $0xffff, v47  }
0x112: {  	v48 =	vadd.s32 v4, v49;
	v47 =	vld [tilespmem:s18+$0x38];
	_ =	sdelay $0x4  }
0x113: {  	[tilespmem:v48+s9+$0x0] =	vst.idx.msk $0xffff, v47  }
0x114: {  	v48 =	vadd.s32 v5, v49;
	v47 =	vld [tilespmem:s18+$0x48];
	_ =	sdelay $0x4  }
0x115: {  	[tilespmem:v48+s9+$0x0] =	vst.idx.msk $0xffff, v47  }
0x116: {  	s21 =	sadd.s32 $0xA, s19;
	v48 =	vadd.s32 v6, v49;
	v47 =	vld [tilespmem:s18+$0x58]  }
0x117: {  	v49 =	vmov s21  }
0x118: {  	v49 =	vshrl.u32 v49, $0x3  }
0x119: {  	v49 =	vshll.u32 v49, v1  }
0x11a: {  	v49 =	vbroadcast v49, $0x0  }
0x11b: {  	[tilespmem:v48+s9+$0x0] =	vst.idx.msk $0xffff, v47  }
0x11c: {  	v48 =	vadd.s32 v7, v49;
	v47 =	vld [tilespmem:s18+$0x70];
	_ =	sdelay $0x4  }
0x11d: {  	[tilespmem:v48+s9+$0x0] =	vst.idx.msk $0xffff, v47  }
0x11e: {  	v48 =	vadd.s32 v8, v49;
	v47 =	vld [tilespmem:s18+$0x80];
	_ =	sdelay $0x4  }
0x11f: {  	[tilespmem:v48+s9+$0x0] =	vst.idx.msk $0xffff, v47  }
0x120: {  	s21 =	sadd.s32 $0xB, s19;
	v48 =	vadd.s32 v9, v49;
	v47 =	vld [tilespmem:s18+$0x90]  }
0x121: {  	v49 =	vmov s21  }
0x122: {  	v49 =	vshrl.u32 v49, $0x3  }
0x123: {  	v49 =	vshll.u32 v49, v1  }
0x124: {  	v49 =	vbroadcast v49, $0x0  }
0x125: {  	[tilespmem:v48+s9+$0x0] =	vst.idx.msk $0xffff, v47  }
0x126: {  	v48 =	vadd.s32 v10, v49;
	v47 =	vld [tilespmem:s18+$0xA8];
	_ =	sdelay $0x4  }
0x127: {  	[tilespmem:v48+s9+$0x0] =	vst.idx.msk $0xffff, v47  }
0x128: {  	v48 =	vadd.s32 v11, v49;
	v47 =	vld [tilespmem:s18+$0xB8];
	_ =	sdelay $0x4  }
0x129: {  	[tilespmem:v48+s9+$0x0] =	vst.idx.msk $0xffff, v47  }
0x12a: {  	s21 =	sadd.s32 $0xC, s19;
	v48 =	vadd.s32 v12, v49;
	v47 =	vld [tilespmem:s18+$0xC8]  }
0x12b: {  	v49 =	vmov s21  }
0x12c: {  	v49 =	vshrl.u32 v49, $0x3  }
0x12d: {  	v49 =	vshll.u32 v49, v1  }
0x12e: {  	v49 =	vbroadcast v49, $0x0  }
0x12f: {  	[tilespmem:v48+s9+$0x0] =	vst.idx.msk $0xffff, v47  }
0x130: {  	v48 =	vadd.s32 v13, v49;
	v47 =	vld [tilespmem:s18+$0xE0];
	_ =	sdelay $0x4  }
0x131: {  	[tilespmem:v48+s9+$0x0] =	vst.idx.msk $0xffff, v47  }
0x132: {  	v48 =	vadd.s32 v14, v49;
	v47 =	vld [tilespmem:s18+$0xF0];
	_ =	sdelay $0x4  }
0x133: {  	[tilespmem:v48+s9+$0x0] =	vst.idx.msk $0xffff, v47  }
0x134: {  	s21 =	sadd.s32 $0xD, s19;
	v48 =	vadd.s32 v15, v49;
	v47 =	vld [tilespmem:s18+$0x100]  }
0x135: {  	v49 =	vmov s21  }
0x136: {  	v49 =	vshrl.u32 v49, $0x3  }
0x137: {  	v49 =	vshll.u32 v49, v1  }
0x138: {  	v49 =	vbroadcast v49, $0x0  }
0x139: {  	[tilespmem:v48+s9+$0x0] =	vst.idx.msk $0xffff, v47  }
0x13a: {  	v48 =	vadd.s32 v16, v49;
	v47 =	vld [tilespmem:s18+$0x118];
	_ =	sdelay $0x4  }
0x13b: {  	[tilespmem:v48+s9+$0x0] =	vst.idx.msk $0xffff, v47  }
0x13c: {  	v48 =	vadd.s32 v17, v49;
	v47 =	vld [tilespmem:s18+$0x128];
	_ =	sdelay $0x4  }
0x13d: {  	[tilespmem:v48+s9+$0x0] =	vst.idx.msk $0xffff, v47  }
0x13e: {  	s21 =	sadd.s32 $0xE, s19;
	v48 =	vadd.s32 v18, v49;
	v47 =	vld [tilespmem:s18+$0x138]  }
0x13f: {  	v49 =	vmov s21  }
0x140: {  	v49 =	vshrl.u32 v49, $0x3  }
0x141: {  	v49 =	vshll.u32 v49, v1  }
0x142: {  	v49 =	vbroadcast v49, $0x0  }
0x143: {  	[tilespmem:v48+s9+$0x0] =	vst.idx.msk $0xffff, v47  }
0x144: {  	v48 =	vadd.s32 v19, v49;
	v47 =	vld [tilespmem:s18+$0x150];
	_ =	sdelay $0x4  }
0x145: {  	[tilespmem:v48+s9+$0x0] =	vst.idx.msk $0xffff, v47  }
0x146: {  	v48 =	vadd.s32 v20, v49;
	v47 =	vld [tilespmem:s18+$0x160];
	_ =	sdelay $0x4  }
0x147: {  	[tilespmem:v48+s9+$0x0] =	vst.idx.msk $0xffff, v47  }
0x148: {  	s21 =	sadd.s32 $0xF, s19;
	s19 =	smov.u32 s20;
	v48 =	vadd.s32 v21, v49;
	v47 =	vld [tilespmem:s18+$0x170]  }
0x149: {  	v49 =	vmov s21  }
0x14a: {  	v49 =	vshrl.u32 v49, $0x3  }
0x14b: {  	v49 =	vshll.u32 v49, v1  }
0x14c: {  	v49 =	vbroadcast v49, $0x0  }
0x14d: {  	[tilespmem:v48+s9+$0x0] =	vst.idx.msk $0xffff, v47  }
0x14e: {  	v48 =	vadd.s32 v22, v49;
	v47 =	vld [tilespmem:s18+$0x188];
	_ =	sdelay $0x4  }
0x14f: {  	[tilespmem:v48+s9+$0x0] =	vst.idx.msk $0xffff, v47  }
0x150: {  	v48 =	vadd.s32 v23, v49;
	v47 =	vld [tilespmem:s18+$0x198];
	_ =	sdelay $0x2  }
.Ltmp0:
0x151: {  	(pc) =	sbr.rel @p0 .LBB2_2-.Ltmp0, $4  }
0x152: {  	_ = 	snop  }
0x153: {  	[tilespmem:v48+s9+$0x0] =	vst.idx.msk $0xffff, v47  }
0x154: {  	v48 =	vadd.s32 v24, v49;
	v47 =	vld [tilespmem:s18+$0x1A8]  }
0x155: {  	s20 =	sadd.s32 $0x10, s20;
	v49 =	vmov s19  }
0x156: {  	_ = 	snop  }
0x157: {  	v49 =	vshrl.u32 v49, $0x3  }
0x158: {  	v49 =	vshll.u32 v49, v1  }
0x159: {  	v49 =	vbroadcast v49, $0x0  }
0x15a: {  	s18 =	sadd.s32 $0x380, s18;
	[tilespmem:v48+s9+$0x0] =	vst.idx.msk $0xffff, v47  }
0x15b: {  	v47 =	vld [tilespmem:s18+$0xFFFFFE40];
	v61 =	vadd.s32 v0, v49;
	_ =	sdelay $0x4  }
0x15c: {  	[tilespmem:v61+s9+$0x0] =	vst.idx.msk $0xffff, v47  }
0x15d: {  	v62 =	vadd.s32 v2, v49;
	v47 =	vld [tilespmem:s18+$0xFFFFFE50];
	_ =	sdelay $0x4  }
0x15e: {  	[tilespmem:v62+s9+$0x0] =	vst.idx.msk $0xffff, v47  }
0x15f: {  	s20 =	sadd.s32 $0x1, s19;
	v63 =	vadd.s32 v3, v49;
	v47 =	vld [tilespmem:s18+$0xFFFFFE60]  }
0x160: {  	v52 =	vmov s20  }
0x161: {  	v49 =	vshrl.u32 v52, $0x3  }
0x162: {  	v49 =	vshll.u32 v49, v1  }
0x163: {  	v49 =	vbroadcast v49, $0x0  }
0x164: {  	[tilespmem:v63+s9+$0x0] =	vst.idx.msk $0xffff, v47  }
0x165: {  	v53 =	vadd.s32 v4, v49;
	v47 =	vld [tilespmem:s18+$0xFFFFFE78];
	_ =	sdelay $0x4  }
0x166: {  	[tilespmem:v53+s9+$0x0] =	vst.idx.msk $0xffff, v47  }
0x167: {  	v54 =	vadd.s32 v5, v49;
	v47 =	vld [tilespmem:s18+$0xFFFFFE88];
	_ =	sdelay $0x4  }
0x168: {  	[tilespmem:v54+s9+$0x0] =	vst.idx.msk $0xffff, v47  }
0x169: {  	s28 =	sadd.s32 $0x2, s19;
	v55 =	vadd.s32 v6, v49;
	v47 =	vld [tilespmem:s18+$0xFFFFFE98]  }
0x16a: {  	v56 =	vmov s28  }
0x16b: {  	v49 =	vshrl.u32 v56, $0x3  }
0x16c: {  	v49 =	vshll.u32 v49, v1  }
0x16d: {  	v49 =	vbroadcast v49, $0x0  }
0x16e: {  	[tilespmem:v55+s9+$0x0] =	vst.idx.msk $0xffff, v47  }
0x16f: {  	v57 =	vadd.s32 v7, v49;
	v47 =	vld [tilespmem:s18+$0xFFFFFEB0];
	_ =	sdelay $0x4  }
0x170: {  	[tilespmem:v57+s9+$0x0] =	vst.idx.msk $0xffff, v47  }
0x171: {  	v58 =	vadd.s32 v8, v49;
	v47 =	vld [tilespmem:s18+$0xFFFFFEC0];
	_ =	sdelay $0x4  }
0x172: {  	[tilespmem:v58+s9+$0x0] =	vst.idx.msk $0xffff, v47  }
0x173: {  	s29 =	sadd.s32 $0x3, s19;
	v59 =	vadd.s32 v9, v49;
	v47 =	vld [tilespmem:s18+$0xFFFFFED0]  }
0x174: {  	v60 =	vmov s29  }
0x175: {  	v49 =	vshrl.u32 v60, $0x3  }
0x176: {  	v49 =	vshll.u32 v49, v1  }
0x177: {  	v49 =	vbroadcast v49, $0x0  }
0x178: {  	[tilespmem:v59+s9+$0x0] =	vst.idx.msk $0xffff, v47  }
0x179: {  	v61 =	vadd.s32 v10, v49;
	v47 =	vld [tilespmem:s18+$0xFFFFFEE8];
	_ =	sdelay $0x4  }
0x17a: {  	[tilespmem:v61+s9+$0x0] =	vst.idx.msk $0xffff, v47  }
0x17b: {  	v62 =	vadd.s32 v11, v49;
	v47 =	vld [tilespmem:s18+$0xFFFFFEF8];
	_ =	sdelay $0x4  }
0x17c: {  	[tilespmem:v62+s9+$0x0] =	vst.idx.msk $0xffff, v47  }
0x17d: {  	s30 =	sadd.s32 $0x4, s19;
	v63 =	vadd.s32 v12, v49;
	v47 =	vld [tilespmem:s18+$0xFFFFFF08]  }
0x17e: {  	v52 =	vmov s30  }
0x17f: {  	v49 =	vshrl.u32 v52, $0x3  }
0x180: {  	v49 =	vshll.u32 v49, v1  }
0x181: {  	v49 =	vbroadcast v49, $0x0  }
0x182: {  	[tilespmem:v63+s9+$0x0] =	vst.idx.msk $0xffff, v47  }
0x183: {  	v53 =	vadd.s32 v13, v49;
	v47 =	vld [tilespmem:s18+$0xFFFFFF20];
	_ =	sdelay $0x4  }
0x184: {  	[tilespmem:v53+s9+$0x0] =	vst.idx.msk $0xffff, v47  }
0x185: {  	v54 =	vadd.s32 v14, v49;
	v47 =	vld [tilespmem:s18+$0xFFFFFF30];
	_ =	sdelay $0x4  }
0x186: {  	[tilespmem:v54+s9+$0x0] =	vst.idx.msk $0xffff, v47  }
0x187: {  	s31 =	sadd.s32 $0x5, s19;
	v55 =	vadd.s32 v15, v49;
	v47 =	vld [tilespmem:s18+$0xFFFFFF40]  }
0x188: {  	v56 =	vmov s31  }
0x189: {  	v49 =	vshrl.u32 v56, $0x3  }
0x18a: {  	v49 =	vshll.u32 v49, v1  }
0x18b: {  	v49 =	vbroadcast v49, $0x0  }
0x18c: {  	[tilespmem:v55+s9+$0x0] =	vst.idx.msk $0xffff, v47  }
0x18d: {  	v57 =	vadd.s32 v16, v49;
	v47 =	vld [tilespmem:s18+$0xFFFFFF58];
	_ =	sdelay $0x4  }
0x18e: {  	[tilespmem:v57+s9+$0x0] =	vst.idx.msk $0xffff, v47  }
0x18f: {  	v58 =	vadd.s32 v17, v49;
	v47 =	vld [tilespmem:s18+$0xFFFFFF68];
	_ =	sdelay $0x4  }
0x190: {  	[tilespmem:v58+s9+$0x0] =	vst.idx.msk $0xffff, v47  }
0x191: {  	s21 =	sadd.s32 $0x6, s19;
	v59 =	vadd.s32 v18, v49;
	v47 =	vld [tilespmem:s18+$0xFFFFFF78]  }
0x192: {  	v60 =	vmov s21  }
0x193: {  	v49 =	vshrl.u32 v60, $0x3  }
0x194: {  	v49 =	vshll.u32 v49, v1  }
0x195: {  	v49 =	vbroadcast v49, $0x0  }
0x196: {  	[tilespmem:v59+s9+$0x0] =	vst.idx.msk $0xffff, v47  }
0x197: {  	v61 =	vadd.s32 v19, v49;
	v47 =	vld [tilespmem:s18+$0xFFFFFF90];
	_ =	sdelay $0x4  }
0x198: {  	[tilespmem:v61+s9+$0x0] =	vst.idx.msk $0xffff, v47  }
0x199: {  	v62 =	vadd.s32 v20, v49;
	v47 =	vld [tilespmem:s18+$0xFFFFFFA0];
	_ =	sdelay $0x4  }
0x19a: {  	[tilespmem:v62+s9+$0x0] =	vst.idx.msk $0xffff, v47  }
0x19b: {  	s22 =	sadd.s32 $0x7, s19;
	v63 =	vadd.s32 v21, v49;
	v47 =	vld [tilespmem:s18+$0xFFFFFFB0]  }
0x19c: {  	v52 =	vmov s22  }
0x19d: {  	v49 =	vshrl.u32 v52, $0x3  }
0x19e: {  	v49 =	vshll.u32 v49, v1  }
0x19f: {  	v49 =	vbroadcast v49, $0x0  }
0x1a0: {  	[tilespmem:v63+s9+$0x0] =	vst.idx.msk $0xffff, v47  }
0x1a1: {  	v53 =	vadd.s32 v22, v49;
	v47 =	vld [tilespmem:s18+$0xFFFFFFC8];
	_ =	sdelay $0x4  }
0x1a2: {  	[tilespmem:v53+s9+$0x0] =	vst.idx.msk $0xffff, v47  }
0x1a3: {  	v54 =	vadd.s32 v23, v49;
	v47 =	vld [tilespmem:s18+$0xFFFFFFD8];
	_ =	sdelay $0x4  }
0x1a4: {  	[tilespmem:v54+s9+$0x0] =	vst.idx.msk $0xffff, v47  }
0x1a5: {  	s23 =	sadd.s32 $0x8, s19;
	v55 =	vadd.s32 v24, v49;
	v47 =	vld [tilespmem:s18+$0xFFFFFFE8]  }
0x1a6: {  	v56 =	vmov s23  }
0x1a7: {  	v49 =	vshrl.u32 v56, $0x3  }
0x1a8: {  	v49 =	vshll.u32 v49, v1  }
0x1a9: {  	v49 =	vbroadcast v49, $0x0  }
0x1aa: {  	[tilespmem:v55+s9+$0x0] =	vst.idx.msk $0xffff, v47  }
0x1ab: {  	v57 =	vadd.s32 v0, v49;
	v47 =	vld [tilespmem:s18+$0x0];
	_ =	sdelay $0x4  }
0x1ac: {  	[tilespmem:v57+s9+$0x0] =	vst.idx.msk $0xffff, v47  }
0x1ad: {  	v58 =	vadd.s32 v2, v49;
	v47 =	vld [tilespmem:s18+$0x10];
	_ =	sdelay $0x4  }
0x1ae: {  	[tilespmem:v58+s9+$0x0] =	vst.idx.msk $0xffff, v47  }
0x1af: {  	s24 =	sadd.s32 $0x9, s19;
	v59 =	vadd.s32 v3, v49;
	v47 =	vld [tilespmem:s18+$0x20]  }
0x1b0: {  	v60 =	vmov s24  }
0x1b1: {  	v49 =	vshrl.u32 v60, $0x3  }
0x1b2: {  	v49 =	vshll.u32 v49, v1  }
0x1b3: {  	v49 =	vbroadcast v49, $0x0  }
0x1b4: {  	[tilespmem:v59+s9+$0x0] =	vst.idx.msk $0xffff, v47  }
0x1b5: {  	v61 =	vadd.s32 v4, v49;
	v47 =	vld [tilespmem:s18+$0x38];
	_ =	sdelay $0x4  }
0x1b6: {  	[tilespmem:v61+s9+$0x0] =	vst.idx.msk $0xffff, v47  }
0x1b7: {  	v62 =	vadd.s32 v5, v49;
	v47 =	vld [tilespmem:s18+$0x48];
	_ =	sdelay $0x4  }
0x1b8: {  	[tilespmem:v62+s9+$0x0] =	vst.idx.msk $0xffff, v47  }
0x1b9: {  	s25 =	sadd.s32 $0xA, s19;
	v63 =	vadd.s32 v6, v49;
	v47 =	vld [tilespmem:s18+$0x58]  }
0x1ba: {  	v52 =	vmov s25  }
0x1bb: {  	v49 =	vshrl.u32 v52, $0x3  }
0x1bc: {  	v49 =	vshll.u32 v49, v1  }
0x1bd: {  	v49 =	vbroadcast v49, $0x0  }
0x1be: {  	[tilespmem:v63+s9+$0x0] =	vst.idx.msk $0xffff, v47  }
0x1bf: {  	v53 =	vadd.s32 v7, v49;
	v47 =	vld [tilespmem:s18+$0x70];
	_ =	sdelay $0x4  }
0x1c0: {  	[tilespmem:v53+s9+$0x0] =	vst.idx.msk $0xffff, v47  }
0x1c1: {  	v54 =	vadd.s32 v8, v49;
	v47 =	vld [tilespmem:s18+$0x80];
	_ =	sdelay $0x4  }
0x1c2: {  	[tilespmem:v54+s9+$0x0] =	vst.idx.msk $0xffff, v47  }
0x1c3: {  	s26 =	sadd.s32 $0xB, s19;
	v55 =	vadd.s32 v9, v49;
	v47 =	vld [tilespmem:s18+$0x90]  }
0x1c4: {  	v56 =	vmov s26  }
0x1c5: {  	v49 =	vshrl.u32 v56, $0x3  }
0x1c6: {  	v49 =	vshll.u32 v49, v1  }
0x1c7: {  	v49 =	vbroadcast v49, $0x0  }
0x1c8: {  	[tilespmem:v55+s9+$0x0] =	vst.idx.msk $0xffff, v47  }
0x1c9: {  	v57 =	vadd.s32 v10, v49;
	v47 =	vld [tilespmem:s18+$0xA8];
	_ =	sdelay $0x4  }
0x1ca: {  	[tilespmem:v57+s9+$0x0] =	vst.idx.msk $0xffff, v47  }
0x1cb: {  	v58 =	vadd.s32 v11, v49;
	v47 =	vld [tilespmem:s18+$0xB8];
	_ =	sdelay $0x4  }
0x1cc: {  	[tilespmem:v58+s9+$0x0] =	vst.idx.msk $0xffff, v47  }
0x1cd: {  	s28 =	sadd.s32 $0xC, s19;
	v59 =	vadd.s32 v12, v49;
	v47 =	vld [tilespmem:s18+$0xC8]  }
0x1ce: {  	v60 =	vmov s28  }
0x1cf: {  	v49 =	vshrl.u32 v60, $0x3  }
0x1d0: {  	v49 =	vshll.u32 v49, v1  }
0x1d1: {  	v49 =	vbroadcast v49, $0x0  }
0x1d2: {  	[tilespmem:v59+s9+$0x0] =	vst.idx.msk $0xffff, v47  }
0x1d3: {  	v61 =	vadd.s32 v13, v49;
	v47 =	vld [tilespmem:s18+$0xE0];
	_ =	sdelay $0x4  }
0x1d4: {  	[tilespmem:v61+s9+$0x0] =	vst.idx.msk $0xffff, v47  }
0x1d5: {  	v62 =	vadd.s32 v14, v49;
	v47 =	vld [tilespmem:s18+$0xF0];
	_ =	sdelay $0x4  }
0x1d6: {  	[tilespmem:v62+s9+$0x0] =	vst.idx.msk $0xffff, v47  }
0x1d7: {  	s29 =	sadd.s32 $0xD, s19;
	v63 =	vadd.s32 v15, v49;
	v47 =	vld [tilespmem:s18+$0x100]  }
0x1d8: {  	v52 =	vmov s29  }
0x1d9: {  	v49 =	vshrl.u32 v52, $0x3  }
0x1da: {  	v49 =	vshll.u32 v49, v1  }
0x1db: {  	v49 =	vbroadcast v49, $0x0  }
0x1dc: {  	[tilespmem:v63+s9+$0x0] =	vst.idx.msk $0xffff, v47  }
0x1dd: {  	v53 =	vadd.s32 v16, v49;
	v47 =	vld [tilespmem:s18+$0x118];
	_ =	sdelay $0x4  }
0x1de: {  	[tilespmem:v53+s9+$0x0] =	vst.idx.msk $0xffff, v47  }
0x1df: {  	v54 =	vadd.s32 v17, v49;
	v47 =	vld [tilespmem:s18+$0x128];
	_ =	sdelay $0x4  }
0x1e0: {  	[tilespmem:v54+s9+$0x0] =	vst.idx.msk $0xffff, v47  }
0x1e1: {  	s30 =	sadd.s32 $0xE, s19;
	v55 =	vadd.s32 v18, v49;
	v47 =	vld [tilespmem:s18+$0x138]  }
0x1e2: {  	v56 =	vmov s30  }
0x1e3: {  	v49 =	vshrl.u32 v56, $0x3  }
0x1e4: {  	v49 =	vshll.u32 v49, v1  }
0x1e5: {  	v49 =	vbroadcast v49, $0x0  }
0x1e6: {  	[tilespmem:v55+s9+$0x0] =	vst.idx.msk $0xffff, v47  }
0x1e7: {  	v57 =	vadd.s32 v19, v49;
	v47 =	vld [tilespmem:s18+$0x150];
	_ =	sdelay $0x4  }
0x1e8: {  	[tilespmem:v57+s9+$0x0] =	vst.idx.msk $0xffff, v47  }
0x1e9: {  	v58 =	vadd.s32 v20, v49;
	v47 =	vld [tilespmem:s18+$0x160];
	_ =	sdelay $0x4  }
0x1ea: {  	[tilespmem:v58+s9+$0x0] =	vst.idx.msk $0xffff, v47  }
0x1eb: {  	s31 =	sadd.s32 $0xF, s19;
	v59 =	vadd.s32 v21, v49;
	v47 =	vld [tilespmem:s18+$0x170]  }
0x1ec: {  	v60 =	vmov s31  }
0x1ed: {  	v49 =	vshrl.u32 v60, $0x3  }
0x1ee: {  	v49 =	vshll.u32 v49, v1  }
0x1ef: {  	v49 =	vbroadcast v49, $0x0  }
0x1f0: {  	[tilespmem:v59+s9+$0x0] =	vst.idx.msk $0xffff, v47  }
0x1f1: {  	v61 =	vadd.s32 v22, v49;
	v47 =	vld [tilespmem:s18+$0x188];
	_ =	sdelay $0x4  }
0x1f2: {  	[tilespmem:v61+s9+$0x0] =	vst.idx.msk $0xffff, v47  }
0x1f3: {  	v62 =	vadd.s32 v23, v49;
	v47 =	vld [tilespmem:s18+$0x198];
	_ =	sdelay $0x4  }
0x1f4: {  	[tilespmem:v62+s9+$0x0] =	vst.idx.msk $0xffff, v47  }
0x1f5: {  	v63 =	vadd.s32 v24, v49;
	v47 =	vld [tilespmem:s18+$0x1A8];
	_ =	sdelay $0x4  }
0x1f6: {  	s18 =	simm.s32 $0x0;
	[tilespmem:v63+s9+$0x0] =	vst.idx.msk $0xffff, v47  }
0x1f7: {  	v47 =	vld.idx.msk [tilespmem:v25+s18+$0x0], $0xffff;
	_ =	sdelay $0x4  }
0x1f8: {  	[tilespmem:$0x3580] =	vst v47  }
0x1f9: {  	v47 =	vld.idx.msk [tilespmem:v26+s18+$0x0], $0xffff;
	_ =	sdelay $0x4  }
0x1fa: {  	[tilespmem:$0x3590] =	vst v47  }
0x1fb: {  	v47 =	vld.idx.msk [tilespmem:v27+s18+$0x0], $0xffff;
	_ =	sdelay $0x4  }
0x1fc: {  	[tilespmem:$0x35A0] =	vst v47  }
0x1fd: {  	v47 =	vld.idx.msk [tilespmem:v28+s18+$0x0], $0xffff;
	_ =	sdelay $0x4  }
0x1fe: {  	[tilespmem:$0x35B0] =	vst v47  }
0x1ff: {  	v47 =	vld.idx.msk [tilespmem:v29+s18+$0x0], $0xffff;
	_ =	sdelay $0x4  }
0x200: {  	[tilespmem:$0x35C0] =	vst v47  }
0x201: {  	v47 =	vld.idx.msk [tilespmem:v30+s18+$0x0], $0xffff;
	_ =	sdelay $0x4  }
0x202: {  	[tilespmem:$0x35D0] =	vst v47  }
0x203: {  	v47 =	vld.idx.msk [tilespmem:v31+s18+$0x0], $0xffff;
	_ =	sdelay $0x4  }
0x204: {  	[tilespmem:$0x35E0] =	vst v47  }
0x205: {  	v47 =	vld.idx.msk [tilespmem:v32+s18+$0x0], $0xffff;
	_ =	sdelay $0x4  }
0x206: {  	[tilespmem:$0x35F0] =	vst v47  }
0x207: {  	v47 =	vld.idx.msk [tilespmem:v33+s18+$0x0], $0xffff;
	_ =	sdelay $0x4  }
0x208: {  	[tilespmem:$0x3608] =	vst v47  }
0x209: {  	v47 =	vld.idx.msk [tilespmem:v34+s18+$0x0], $0xffff;
	_ =	sdelay $0x4  }
0x20a: {  	[tilespmem:$0x3618] =	vst v47  }
0x20b: {  	v47 =	vld.idx.msk [tilespmem:v35+s18+$0x0], $0xffff;
	_ =	sdelay $0x4  }
0x20c: {  	[tilespmem:$0x3628] =	vst v47  }
0x20d: {  	v47 =	vld.idx.msk [tilespmem:v36+s18+$0x0], $0xffff;
	_ =	sdelay $0x4  }
0x20e: {  	[tilespmem:$0x3638] =	vst v47  }
0x20f: {  	v47 =	vld.idx.msk [tilespmem:v37+s18+$0x0], $0xffff;
	_ =	sdelay $0x4  }
0x210: {  	[tilespmem:$0x3648] =	vst v47  }
0x211: {  	v47 =	vld.idx.msk [tilespmem:v38+s18+$0x0], $0xffff;
	_ =	sdelay $0x4  }
0x212: {  	[tilespmem:$0x3658] =	vst v47  }
0x213: {  	v47 =	vld.idx.msk [tilespmem:v39+s18+$0x0], $0xffff;
	_ =	sdelay $0x4  }
0x214: {  	[tilespmem:$0x3668] =	vst v47  }
0x215: {  	v47 =	vld.idx.msk [tilespmem:v40+s18+$0x0], $0xffff;
	_ =	sdelay $0x4  }
0x216: {  	s19 =	simm.s32 $0x3690;
	[tilespmem:$0x3678] =	vst v47  }
0x217: {  	[tilespmem:s19], [sflag:$0x1] =	stream.indirect.gather [hbm4b:s4+s10], $0x80, s9, s10, $0xb8;
	[tilespmem:$0x13A90] =	vst v63  }
0x218: {  	_ = 	snop  }
0x219: {  	[tilespmem:s12], [sflag:$0x1] =	stream.indirect.gather [hbm4b:s4+s10], $0x80, s11, s10, $0xb8;
	[tilespmem:$0x13A90] =	vst v63  }
0x21a: {  	_ = 	snop  }
0x21b: {  	[tilespmem:s14], [sflag:$0x1] =	stream.indirect.gather [hbm4b:s4+s10], $0x80, s13, s10, $0xb8;
	[tilespmem:$0x13A90] =	vst v63  }
.LBB2_4:
0x21c: {  	s20 =	smulhi.u32 $0xAAAAAAAB, s18  }
0x21d: {  	_ =	swait.ge [sflag:s15], $0x4000;
	p0 =	slt.u32 s18, $0x2  }
0x21e: {  	s31 =	sand.u32 $0x1, s18;
	[sflag:s15] =	ssyncset.done $0x0;
	s20 =	sshrl.u32 s20, $0x1  }
0x21f: {  	s21 =	simm.s32 @!p0 $0x2;
	[sflag:s15] =	ssyncadd.s32 $0xFFFFC000;
	s22 =	smul.u32 $0xFFFD0000, s20  }
0x220: {  	p1 =	seq.s32 s31, $0x1;
	_ =	swait.ge @!p0 [sflag:s21], $0x2000;
	s20 =	simm.s32 $0x11890  }
0x221: {  	[sflag:s21] =	ssyncset.done @!p0 $0x0;
	s20 =	simm.s32 @!p1 $0xF690;
	s22 =	sshra.s32 s22, $0x2  }
0x222: {  	[sflag:s21] =	ssyncadd.s32 @!p0 $0xFFFFE000;
	s21 =	smov.u32 s19;
	v47 =	vmov s22;
	s22 =	simm.s32 $0x0  }
.LBB2_5:
0x223: {  	v48 =	vmov s22  }
0x224: {  	v48 =	vshrl.u32 v48, $0x3  }
0x225: {  	v48 =	vshll.u32 v48, v1  }
0x226: {  	v48 =	vbroadcast v48, $0x0;
	_ =	sdelay $0x1  }
0x227: {  	v49 =	vld.idx.msk [tilespmem:v47+s21+$0x0 ss:$0x1], $0xffff;
	v50 =	vadd.s32 v0, v48;
	_ =	sdelay $0x4  }
0x228: {  	[tilespmem:v50+s20+$0x0] =	vst.idx.msk $0xffff, v49  }
0x229: {  	v56 =	vadd.s32 v2, v48;
	v49 =	vld.idx.msk [tilespmem:v47+s21+$0x10 ss:$0x1], $0xffff;
	_ =	sdelay $0x4  }
0x22a: {  	[tilespmem:v56+s20+$0x0] =	vst.idx.msk $0xffff, v49  }
0x22b: {  	v57 =	vadd.s32 v3, v48;
	v49 =	vld.idx.msk [tilespmem:v47+s21+$0x20 ss:$0x1], $0xffff;
	_ =	sdelay $0x4  }
0x22c: {  	[tilespmem:v57+s20+$0x0] =	vst.idx.msk $0xffff, v49  }
0x22d: {  	s23 =	sadd.s32 $0x1, s22;
	v48 =	vadd.s32 v41, v48;
	v49 =	vld.idx.msk [tilespmem:v47+s21+$0x30 ss:$0x1], $0xffff  }
0x22e: {  	v58 =	vmov s23  }
0x22f: {  	v50 =	vshrl.u32 v58, $0x3  }
0x230: {  	v50 =	vshll.u32 v50, v1  }
0x231: {  	v50 =	vbroadcast v50, $0x0  }
0x232: {  	[tilespmem:v48+s20+$0x0] =	vst.idx.msk $0xffff, v49  }
0x233: {  	v59 =	vadd.s32 v4, v50;
	v48 =	vld.idx.msk [tilespmem:v47+s21+$0x80 ss:$0x1], $0xffff;
	_ =	sdelay $0x4  }
0x234: {  	[tilespmem:v59+s20+$0x0] =	vst.idx.msk $0xffff, v48  }
0x235: {  	v60 =	vadd.s32 v5, v50;
	v48 =	vld.idx.msk [tilespmem:v47+s21+$0x90 ss:$0x1], $0xffff;
	_ =	sdelay $0x4  }
0x236: {  	[tilespmem:v60+s20+$0x0] =	vst.idx.msk $0xffff, v48  }
0x237: {  	v61 =	vadd.s32 v6, v50;
	v48 =	vld.idx.msk [tilespmem:v47+s21+$0xA0 ss:$0x1], $0xffff;
	_ =	sdelay $0x4  }
0x238: {  	[tilespmem:v61+s20+$0x0] =	vst.idx.msk $0xffff, v48  }
0x239: {  	s30 =	sadd.s32 $0x2, s22;
	v62 =	vadd.s32 v42, v50;
	v48 =	vld.idx.msk [tilespmem:v47+s21+$0xB0 ss:$0x1], $0xffff  }
0x23a: {  	v63 =	vmov s30  }
0x23b: {  	v50 =	vshrl.u32 v63, $0x3  }
0x23c: {  	v50 =	vshll.u32 v50, v1  }
0x23d: {  	v50 =	vbroadcast v50, $0x0  }
0x23e: {  	[tilespmem:v62+s20+$0x0] =	vst.idx.msk $0xffff, v48  }
0x23f: {  	v52 =	vadd.s32 v7, v50;
	v48 =	vld.idx.msk [tilespmem:v47+s21+$0x100 ss:$0x1], $0xffff;
	_ =	sdelay $0x4  }
0x240: {  	[tilespmem:v52+s20+$0x0] =	vst.idx.msk $0xffff, v48  }
0x241: {  	v53 =	vadd.s32 v8, v50;
	v48 =	vld.idx.msk [tilespmem:v47+s21+$0x110 ss:$0x1], $0xffff;
	_ =	sdelay $0x4  }
0x242: {  	[tilespmem:v53+s20+$0x0] =	vst.idx.msk $0xffff, v48  }
0x243: {  	v54 =	vadd.s32 v9, v50;
	v48 =	vld.idx.msk [tilespmem:v47+s21+$0x120 ss:$0x1], $0xffff;
	_ =	sdelay $0x4  }
0x244: {  	[tilespmem:v54+s20+$0x0] =	vst.idx.msk $0xffff, v48  }
0x245: {  	s31 =	sadd.s32 $0x3, s22;
	v55 =	vadd.s32 v43, v50;
	v48 =	vld.idx.msk [tilespmem:v47+s21+$0x130 ss:$0x1], $0xffff  }
0x246: {  	v56 =	vmov s31  }
0x247: {  	v50 =	vshrl.u32 v56, $0x3  }
0x248: {  	v50 =	vshll.u32 v50, v1  }
0x249: {  	v50 =	vbroadcast v50, $0x0  }
0x24a: {  	[tilespmem:v55+s20+$0x0] =	vst.idx.msk $0xffff, v48  }
0x24b: {  	v57 =	vadd.s32 v10, v50;
	v48 =	vld.idx.msk [tilespmem:v47+s21+$0x180 ss:$0x1], $0xffff;
	_ =	sdelay $0x4  }
0x24c: {  	[tilespmem:v57+s20+$0x0] =	vst.idx.msk $0xffff, v48  }
0x24d: {  	v58 =	vadd.s32 v11, v50;
	v48 =	vld.idx.msk [tilespmem:v47+s21+$0x190 ss:$0x1], $0xffff;
	_ =	sdelay $0x4  }
0x24e: {  	[tilespmem:v58+s20+$0x0] =	vst.idx.msk $0xffff, v48  }
0x24f: {  	v59 =	vadd.s32 v12, v50;
	v48 =	vld.idx.msk [tilespmem:v47+s21+$0x1A0 ss:$0x1], $0xffff;
	_ =	sdelay $0x4  }
0x250: {  	[tilespmem:v59+s20+$0x0] =	vst.idx.msk $0xffff, v48  }
0x251: {  	s24 =	sadd.s32 $0x4, s22;
	v60 =	vadd.s32 v44, v50;
	v48 =	vld.idx.msk [tilespmem:v47+s21+$0x1B0 ss:$0x1], $0xffff  }
0x252: {  	v61 =	vmov s24  }
0x253: {  	v50 =	vshrl.u32 v61, $0x3  }
0x254: {  	v50 =	vshll.u32 v50, v1  }
0x255: {  	v50 =	vbroadcast v50, $0x0  }
0x256: {  	[tilespmem:v60+s20+$0x0] =	vst.idx.msk $0xffff, v48  }
0x257: {  	v62 =	vadd.s32 v13, v50;
	v48 =	vld.idx.msk [tilespmem:v47+s21+$0x200 ss:$0x1], $0xffff;
	_ =	sdelay $0x4  }
0x258: {  	[tilespmem:v62+s20+$0x0] =	vst.idx.msk $0xffff, v48  }
0x259: {  	v63 =	vadd.s32 v14, v50;
	v48 =	vld.idx.msk [tilespmem:v47+s21+$0x210 ss:$0x1], $0xffff;
	_ =	sdelay $0x4  }
0x25a: {  	[tilespmem:v63+s20+$0x0] =	vst.idx.msk $0xffff, v48  }
0x25b: {  	v52 =	vadd.s32 v15, v50;
	v48 =	vld.idx.msk [tilespmem:v47+s21+$0x220 ss:$0x1], $0xffff;
	_ =	sdelay $0x4  }
0x25c: {  	[tilespmem:v52+s20+$0x0] =	vst.idx.msk $0xffff, v48  }
0x25d: {  	s25 =	sadd.s32 $0x5, s22;
	v53 =	vadd.s32 v45, v50;
	v48 =	vld.idx.msk [tilespmem:v47+s21+$0x230 ss:$0x1], $0xffff  }
0x25e: {  	v54 =	vmov s25  }
0x25f: {  	v50 =	vshrl.u32 v54, $0x3  }
0x260: {  	v50 =	vshll.u32 v50, v1  }
0x261: {  	v50 =	vbroadcast v50, $0x0  }
0x262: {  	[tilespmem:v53+s20+$0x0] =	vst.idx.msk $0xffff, v48  }
0x263: {  	v55 =	vadd.s32 v16, v50;
	v48 =	vld.idx.msk [tilespmem:v47+s21+$0x280 ss:$0x1], $0xffff;
	_ =	sdelay $0x4  }
0x264: {  	[tilespmem:v55+s20+$0x0] =	vst.idx.msk $0xffff, v48  }
0x265: {  	v56 =	vadd.s32 v17, v50;
	v48 =	vld.idx.msk [tilespmem:v47+s21+$0x290 ss:$0x1], $0xffff;
	_ =	sdelay $0x4  }
0x266: {  	[tilespmem:v56+s20+$0x0] =	vst.idx.msk $0xffff, v48  }
0x267: {  	v57 =	vadd.s32 v18, v50;
	v48 =	vld.idx.msk [tilespmem:v47+s21+$0x2A0 ss:$0x1], $0xffff;
	_ =	sdelay $0x4  }
0x268: {  	[tilespmem:v57+s20+$0x0] =	vst.idx.msk $0xffff, v48  }
0x269: {  	s26 =	sadd.s32 $0x6, s22;
	v58 =	vadd.s32 v46, v50;
	v48 =	vld.idx.msk [tilespmem:v47+s21+$0x2B0 ss:$0x1], $0xffff  }
0x26a: {  	v59 =	vmov s26  }
0x26b: {  	v50 =	vshrl.u32 v59, $0x3  }
0x26c: {  	v50 =	vshll.u32 v50, v1  }
0x26d: {  	v50 =	vbroadcast v50, $0x0  }
0x26e: {  	[tilespmem:v58+s20+$0x0] =	vst.idx.msk $0xffff, v48  }
0x26f: {  	v60 =	vadd.s32 v19, v50;
	v48 =	vld.idx.msk [tilespmem:v47+s21+$0x300 ss:$0x1], $0xffff;
	_ =	sdelay $0x4  }
0x270: {  	[tilespmem:v60+s20+$0x0] =	vst.idx.msk $0xffff, v48  }
0x271: {  	v61 =	vadd.s32 v20, v50;
	v48 =	vld.idx.msk [tilespmem:v47+s21+$0x310 ss:$0x1], $0xffff;
	_ =	sdelay $0x4  }
0x272: {  	[tilespmem:v61+s20+$0x0] =	vst.idx.msk $0xffff, v48  }
0x273: {  	v62 =	vadd.s32 v21, v50;
	v48 =	vld.idx.msk [tilespmem:v47+s21+$0x320 ss:$0x1], $0xffff;
	_ =	sdelay $0x4  }
0x274: {  	[tilespmem:v62+s20+$0x0] =	vst.idx.msk $0xffff, v48;
	v48 =	vadd.s32 $0x1986, v0  }
0x275: {  	s28 =	sadd.s32 $0x7, s22;
	v49 =	vld.idx.msk [tilespmem:v47+s21+$0x330 ss:$0x1], $0xffff;
	v50 =	vadd.s32 v48, v50  }
0x276: {  	v51 =	vmov s28  }
0x277: {  	v51 =	vshrl.u32 v51, $0x3  }
0x278: {  	v51 =	vshll.u32 v51, v1  }
0x279: {  	v51 =	vbroadcast v51, $0x0  }
0x27a: {  	[tilespmem:v50+s20+$0x0] =	vst.idx.msk $0xffff, v49  }
0x27b: {  	v63 =	vadd.s32 v22, v51;
	v49 =	vld.idx.msk [tilespmem:v47+s21+$0x380 ss:$0x1], $0xffff;
	_ =	sdelay $0x4  }
0x27c: {  	[tilespmem:v63+s20+$0x0] =	vst.idx.msk $0xffff, v49  }
0x27d: {  	v52 =	vadd.s32 v23, v51;
	v49 =	vld.idx.msk [tilespmem:v47+s21+$0x390 ss:$0x1], $0xffff;
	_ =	sdelay $0x4  }
0x27e: {  	[tilespmem:v52+s20+$0x0] =	vst.idx.msk $0xffff, v49  }
0x27f: {  	v53 =	vadd.s32 v24, v51;
	v49 =	vld.idx.msk [tilespmem:v47+s21+$0x3A0 ss:$0x1], $0xffff;
	_ =	sdelay $0x4  }
0x280: {  	[tilespmem:v53+s20+$0x0] =	vst.idx.msk $0xffff, v49;
	v49 =	vadd.s32 $0x1987, v0  }
0x281: {  	s29 =	sadd.s32 $0x8, s22;
	v50 =	vld.idx.msk [tilespmem:v47+s21+$0x3B0 ss:$0x1], $0xffff;
	v51 =	vadd.s32 v49, v51  }
0x282: {  	v52 =	vmov s29  }
0x283: {  	v52 =	vshrl.u32 v52, $0x3  }
0x284: {  	v52 =	vshll.u32 v52, v1  }
0x285: {  	v52 =	vbroadcast v52, $0x0  }
0x286: {  	[tilespmem:v51+s20+$0x0] =	vst.idx.msk $0xffff, v50  }
0x287: {  	v54 =	vadd.s32 v0, v52;
	v50 =	vld.idx.msk [tilespmem:v47+s21+$0x400 ss:$0x1], $0xffff;
	_ =	sdelay $0x4  }
0x288: {  	[tilespmem:v54+s20+$0x0] =	vst.idx.msk $0xffff, v50  }
0x289: {  	v55 =	vadd.s32 v2, v52;
	v50 =	vld.idx.msk [tilespmem:v47+s21+$0x410 ss:$0x1], $0xffff;
	_ =	sdelay $0x4  }
0x28a: {  	[tilespmem:v55+s20+$0x0] =	vst.idx.msk $0xffff, v50  }
0x28b: {  	v56 =	vadd.s32 v3, v52;
	v50 =	vld.idx.msk [tilespmem:v47+s21+$0x420 ss:$0x1], $0xffff;
	_ =	sdelay $0x4  }
0x28c: {  	[tilespmem:v56+s20+$0x0] =	vst.idx.msk $0xffff, v50  }
0x28d: {  	s30 =	sadd.s32 $0x9, s22;
	v57 =	vadd.s32 v41, v52;
	v50 =	vld.idx.msk [tilespmem:v47+s21+$0x430 ss:$0x1], $0xffff  }
0x28e: {  	v58 =	vmov s30  }
0x28f: {  	v52 =	vshrl.u32 v58, $0x3  }
0x290: {  	v52 =	vshll.u32 v52, v1  }
0x291: {  	v52 =	vbroadcast v52, $0x0  }
0x292: {  	[tilespmem:v57+s20+$0x0] =	vst.idx.msk $0xffff, v50  }
0x293: {  	v59 =	vadd.s32 v4, v52;
	v50 =	vld.idx.msk [tilespmem:v47+s21+$0x480 ss:$0x1], $0xffff;
	_ =	sdelay $0x4  }
0x294: {  	[tilespmem:v59+s20+$0x0] =	vst.idx.msk $0xffff, v50  }
0x295: {  	v60 =	vadd.s32 v5, v52;
	v50 =	vld.idx.msk [tilespmem:v47+s21+$0x490 ss:$0x1], $0xffff;
	_ =	sdelay $0x4  }
0x296: {  	[tilespmem:v60+s20+$0x0] =	vst.idx.msk $0xffff, v50  }
0x297: {  	v61 =	vadd.s32 v6, v52;
	v50 =	vld.idx.msk [tilespmem:v47+s21+$0x4A0 ss:$0x1], $0xffff;
	_ =	sdelay $0x4  }
0x298: {  	[tilespmem:v61+s20+$0x0] =	vst.idx.msk $0xffff, v50  }
0x299: {  	s31 =	sadd.s32 $0xA, s22;
	v62 =	vadd.s32 v42, v52;
	v50 =	vld.idx.msk [tilespmem:v47+s21+$0x4B0 ss:$0x1], $0xffff  }
0x29a: {  	v63 =	vmov s31  }
0x29b: {  	v52 =	vshrl.u32 v63, $0x3  }
0x29c: {  	v52 =	vshll.u32 v52, v1  }
0x29d: {  	v52 =	vbroadcast v52, $0x0  }
0x29e: {  	[tilespmem:v62+s20+$0x0] =	vst.idx.msk $0xffff, v50  }
0x29f: {  	v54 =	vadd.s32 v7, v52;
	v50 =	vld.idx.msk [tilespmem:v47+s21+$0x500 ss:$0x1], $0xffff;
	_ =	sdelay $0x4  }
0x2a0: {  	[tilespmem:v54+s20+$0x0] =	vst.idx.msk $0xffff, v50  }
0x2a1: {  	v55 =	vadd.s32 v8, v52;
	v50 =	vld.idx.msk [tilespmem:v47+s21+$0x510 ss:$0x1], $0xffff;
	_ =	sdelay $0x4  }
0x2a2: {  	[tilespmem:v55+s20+$0x0] =	vst.idx.msk $0xffff, v50  }
0x2a3: {  	v56 =	vadd.s32 v9, v52;
	v50 =	vld.idx.msk [tilespmem:v47+s21+$0x520 ss:$0x1], $0xffff;
	_ =	sdelay $0x4  }
0x2a4: {  	[tilespmem:v56+s20+$0x0] =	vst.idx.msk $0xffff, v50  }
0x2a5: {  	s24 =	sadd.s32 $0xB, s22;
	v57 =	vadd.s32 v43, v52;
	v50 =	vld.idx.msk [tilespmem:v47+s21+$0x530 ss:$0x1], $0xffff  }
0x2a6: {  	v58 =	vmov s24  }
0x2a7: {  	v52 =	vshrl.u32 v58, $0x3  }
0x2a8: {  	v52 =	vshll.u32 v52, v1  }
0x2a9: {  	v52 =	vbroadcast v52, $0x0  }
0x2aa: {  	[tilespmem:v57+s20+$0x0] =	vst.idx.msk $0xffff, v50  }
0x2ab: {  	v59 =	vadd.s32 v10, v52;
	v50 =	vld.idx.msk [tilespmem:v47+s21+$0x580 ss:$0x1], $0xffff;
	_ =	sdelay $0x4  }
0x2ac: {  	[tilespmem:v59+s20+$0x0] =	vst.idx.msk $0xffff, v50  }
0x2ad: {  	v60 =	vadd.s32 v11, v52;
	v50 =	vld.idx.msk [tilespmem:v47+s21+$0x590 ss:$0x1], $0xffff;
	_ =	sdelay $0x4  }
0x2ae: {  	[tilespmem:v60+s20+$0x0] =	vst.idx.msk $0xffff, v50  }
0x2af: {  	v61 =	vadd.s32 v12, v52;
	v50 =	vld.idx.msk [tilespmem:v47+s21+$0x5A0 ss:$0x1], $0xffff;
	_ =	sdelay $0x4  }
0x2b0: {  	[tilespmem:v61+s20+$0x0] =	vst.idx.msk $0xffff, v50  }
0x2b1: {  	s25 =	sadd.s32 $0xC, s22;
	v62 =	vadd.s32 v44, v52;
	v50 =	vld.idx.msk [tilespmem:v47+s21+$0x5B0 ss:$0x1], $0xffff  }
0x2b2: {  	v63 =	vmov s25  }
0x2b3: {  	v52 =	vshrl.u32 v63, $0x3  }
0x2b4: {  	v52 =	vshll.u32 v52, v1  }
0x2b5: {  	v52 =	vbroadcast v52, $0x0  }
0x2b6: {  	[tilespmem:v62+s20+$0x0] =	vst.idx.msk $0xffff, v50  }
0x2b7: {  	v54 =	vadd.s32 v13, v52;
	v50 =	vld.idx.msk [tilespmem:v47+s21+$0x600 ss:$0x1], $0xffff;
	_ =	sdelay $0x4  }
0x2b8: {  	[tilespmem:v54+s20+$0x0] =	vst.idx.msk $0xffff, v50  }
0x2b9: {  	v55 =	vadd.s32 v14, v52;
	v50 =	vld.idx.msk [tilespmem:v47+s21+$0x610 ss:$0x1], $0xffff;
	_ =	sdelay $0x4  }
0x2ba: {  	[tilespmem:v55+s20+$0x0] =	vst.idx.msk $0xffff, v50  }
0x2bb: {  	v56 =	vadd.s32 v15, v52;
	v50 =	vld.idx.msk [tilespmem:v47+s21+$0x620 ss:$0x1], $0xffff;
	_ =	sdelay $0x4  }
0x2bc: {  	[tilespmem:v56+s20+$0x0] =	vst.idx.msk $0xffff, v50  }
0x2bd: {  	s26 =	sadd.s32 $0xD, s22;
	v57 =	vadd.s32 v45, v52;
	v50 =	vld.idx.msk [tilespmem:v47+s21+$0x630 ss:$0x1], $0xffff  }
0x2be: {  	v58 =	vmov s26  }
0x2bf: {  	v52 =	vshrl.u32 v58, $0x3  }
0x2c0: {  	v52 =	vshll.u32 v52, v1  }
0x2c1: {  	v52 =	vbroadcast v52, $0x0  }
0x2c2: {  	[tilespmem:v57+s20+$0x0] =	vst.idx.msk $0xffff, v50  }
0x2c3: {  	v59 =	vadd.s32 v16, v52;
	v50 =	vld.idx.msk [tilespmem:v47+s21+$0x680 ss:$0x1], $0xffff;
	_ =	sdelay $0x4  }
0x2c4: {  	[tilespmem:v59+s20+$0x0] =	vst.idx.msk $0xffff, v50  }
0x2c5: {  	v60 =	vadd.s32 v17, v52;
	v50 =	vld.idx.msk [tilespmem:v47+s21+$0x690 ss:$0x1], $0xffff;
	_ =	sdelay $0x4  }
0x2c6: {  	[tilespmem:v60+s20+$0x0] =	vst.idx.msk $0xffff, v50  }
0x2c7: {  	v61 =	vadd.s32 v18, v52;
	v50 =	vld.idx.msk [tilespmem:v47+s21+$0x6A0 ss:$0x1], $0xffff;
	_ =	sdelay $0x4  }
0x2c8: {  	[tilespmem:v61+s20+$0x0] =	vst.idx.msk $0xffff, v50  }
0x2c9: {  	s28 =	sadd.s32 $0xE, s22;
	v62 =	vadd.s32 v46, v52;
	v50 =	vld.idx.msk [tilespmem:v47+s21+$0x6B0 ss:$0x1], $0xffff  }
0x2ca: {  	v63 =	vmov s28  }
0x2cb: {  	v52 =	vshrl.u32 v63, $0x3  }
0x2cc: {  	v52 =	vshll.u32 v52, v1  }
0x2cd: {  	v52 =	vbroadcast v52, $0x0  }
0x2ce: {  	[tilespmem:v62+s20+$0x0] =	vst.idx.msk $0xffff, v50  }
0x2cf: {  	v54 =	vadd.s32 v19, v52;
	v50 =	vld.idx.msk [tilespmem:v47+s21+$0x700 ss:$0x1], $0xffff;
	_ =	sdelay $0x4  }
0x2d0: {  	[tilespmem:v54+s20+$0x0] =	vst.idx.msk $0xffff, v50  }
0x2d1: {  	v55 =	vadd.s32 v20, v52;
	v50 =	vld.idx.msk [tilespmem:v47+s21+$0x710 ss:$0x1], $0xffff;
	_ =	sdelay $0x4  }
0x2d2: {  	[tilespmem:v55+s20+$0x0] =	vst.idx.msk $0xffff, v50  }
0x2d3: {  	v56 =	vadd.s32 v21, v52;
	v50 =	vld.idx.msk [tilespmem:v47+s21+$0x720 ss:$0x1], $0xffff;
	_ =	sdelay $0x4  }
0x2d4: {  	[tilespmem:v56+s20+$0x0] =	vst.idx.msk $0xffff, v50  }
0x2d5: {  	s29 =	sadd.s32 $0xF, s22;
	v57 =	vadd.s32 v48, v52;
	v50 =	vld.idx.msk [tilespmem:v47+s21+$0x730 ss:$0x1], $0xffff  }
0x2d6: {  	v58 =	vmov s29  }
0x2d7: {  	v52 =	vshrl.u32 v58, $0x3  }
0x2d8: {  	v52 =	vshll.u32 v52, v1  }
0x2d9: {  	v52 =	vbroadcast v52, $0x0  }
0x2da: {  	[tilespmem:v57+s20+$0x0] =	vst.idx.msk $0xffff, v50  }
0x2db: {  	v59 =	vadd.s32 v22, v52;
	v50 =	vld.idx.msk [tilespmem:v47+s21+$0x780 ss:$0x1], $0xffff;
	_ =	sdelay $0x4  }
0x2dc: {  	[tilespmem:v59+s20+$0x0] =	vst.idx.msk $0xffff, v50  }
0x2dd: {  	v60 =	vadd.s32 v23, v52;
	v50 =	vld.idx.msk [tilespmem:v47+s21+$0x790 ss:$0x1], $0xffff;
	_ =	sdelay $0x4  }
0x2de: {  	[tilespmem:v60+s20+$0x0] =	vst.idx.msk $0xffff, v50  }
0x2df: {  	v61 =	vadd.s32 v24, v52;
	v50 =	vld.idx.msk [tilespmem:v47+s21+$0x7A0 ss:$0x1], $0xffff;
	_ =	sdelay $0x4  }
0x2e0: {  	[tilespmem:v61+s20+$0x0] =	vst.idx.msk $0xffff, v50  }
0x2e1: {  	s30 =	sadd.s32 $0x10, s22;
	v62 =	vadd.s32 v49, v52;
	v50 =	vld.idx.msk [tilespmem:v47+s21+$0x7B0 ss:$0x1], $0xffff  }
0x2e2: {  	v63 =	vmov s30  }
0x2e3: {  	v52 =	vshrl.u32 v63, $0x3  }
0x2e4: {  	v52 =	vshll.u32 v52, v1  }
0x2e5: {  	v52 =	vbroadcast v52, $0x0  }
0x2e6: {  	[tilespmem:v62+s20+$0x0] =	vst.idx.msk $0xffff, v50  }
0x2e7: {  	v54 =	vadd.s32 v0, v52;
	v50 =	vld.idx.msk [tilespmem:v47+s21+$0x800 ss:$0x1], $0xffff;
	_ =	sdelay $0x4  }
0x2e8: {  	[tilespmem:v54+s20+$0x0] =	vst.idx.msk $0xffff, v50  }
0x2e9: {  	v55 =	vadd.s32 v2, v52;
	v50 =	vld.idx.msk [tilespmem:v47+s21+$0x810 ss:$0x1], $0xffff;
	_ =	sdelay $0x4  }
0x2ea: {  	[tilespmem:v55+s20+$0x0] =	vst.idx.msk $0xffff, v50  }
0x2eb: {  	v56 =	vadd.s32 v3, v52;
	v50 =	vld.idx.msk [tilespmem:v47+s21+$0x820 ss:$0x1], $0xffff;
	_ =	sdelay $0x4  }
0x2ec: {  	[tilespmem:v56+s20+$0x0] =	vst.idx.msk $0xffff, v50  }
0x2ed: {  	s31 =	sadd.s32 $0x11, s22;
	v57 =	vadd.s32 v41, v52;
	v50 =	vld.idx.msk [tilespmem:v47+s21+$0x830 ss:$0x1], $0xffff  }
0x2ee: {  	v58 =	vmov s31  }
0x2ef: {  	v52 =	vshrl.u32 v58, $0x3  }
0x2f0: {  	v52 =	vshll.u32 v52, v1  }
0x2f1: {  	v52 =	vbroadcast v52, $0x0  }
0x2f2: {  	[tilespmem:v57+s20+$0x0] =	vst.idx.msk $0xffff, v50  }
0x2f3: {  	v59 =	vadd.s32 v4, v52;
	v50 =	vld.idx.msk [tilespmem:v47+s21+$0x880 ss:$0x1], $0xffff;
	_ =	sdelay $0x4  }
0x2f4: {  	[tilespmem:v59+s20+$0x0] =	vst.idx.msk $0xffff, v50  }
0x2f5: {  	v60 =	vadd.s32 v5, v52;
	v50 =	vld.idx.msk [tilespmem:v47+s21+$0x890 ss:$0x1], $0xffff;
	_ =	sdelay $0x4  }
0x2f6: {  	[tilespmem:v60+s20+$0x0] =	vst.idx.msk $0xffff, v50  }
0x2f7: {  	v61 =	vadd.s32 v6, v52;
	v50 =	vld.idx.msk [tilespmem:v47+s21+$0x8A0 ss:$0x1], $0xffff;
	_ =	sdelay $0x4  }
0x2f8: {  	[tilespmem:v61+s20+$0x0] =	vst.idx.msk $0xffff, v50  }
0x2f9: {  	s24 =	sadd.s32 $0x12, s22;
	v62 =	vadd.s32 v42, v52;
	v50 =	vld.idx.msk [tilespmem:v47+s21+$0x8B0 ss:$0x1], $0xffff  }
0x2fa: {  	v63 =	vmov s24  }
0x2fb: {  	v52 =	vshrl.u32 v63, $0x3  }
0x2fc: {  	v52 =	vshll.u32 v52, v1  }
0x2fd: {  	v52 =	vbroadcast v52, $0x0  }
0x2fe: {  	[tilespmem:v62+s20+$0x0] =	vst.idx.msk $0xffff, v50  }
0x2ff: {  	v54 =	vadd.s32 v7, v52;
	v50 =	vld.idx.msk [tilespmem:v47+s21+$0x900 ss:$0x1], $0xffff;
	_ =	sdelay $0x4  }
0x300: {  	[tilespmem:v54+s20+$0x0] =	vst.idx.msk $0xffff, v50  }
0x301: {  	v55 =	vadd.s32 v8, v52;
	v50 =	vld.idx.msk [tilespmem:v47+s21+$0x910 ss:$0x1], $0xffff;
	_ =	sdelay $0x4  }
0x302: {  	[tilespmem:v55+s20+$0x0] =	vst.idx.msk $0xffff, v50  }
0x303: {  	v56 =	vadd.s32 v9, v52;
	v50 =	vld.idx.msk [tilespmem:v47+s21+$0x920 ss:$0x1], $0xffff;
	_ =	sdelay $0x4  }
0x304: {  	[tilespmem:v56+s20+$0x0] =	vst.idx.msk $0xffff, v50  }
0x305: {  	s25 =	sadd.s32 $0x13, s22;
	v57 =	vadd.s32 v43, v52;
	v50 =	vld.idx.msk [tilespmem:v47+s21+$0x930 ss:$0x1], $0xffff  }
0x306: {  	v58 =	vmov s25  }
0x307: {  	v52 =	vshrl.u32 v58, $0x3  }
0x308: {  	v52 =	vshll.u32 v52, v1  }
0x309: {  	v52 =	vbroadcast v52, $0x0  }
0x30a: {  	[tilespmem:v57+s20+$0x0] =	vst.idx.msk $0xffff, v50  }
0x30b: {  	v59 =	vadd.s32 v10, v52;
	v50 =	vld.idx.msk [tilespmem:v47+s21+$0x980 ss:$0x1], $0xffff;
	_ =	sdelay $0x4  }
0x30c: {  	[tilespmem:v59+s20+$0x0] =	vst.idx.msk $0xffff, v50  }
0x30d: {  	v60 =	vadd.s32 v11, v52;
	v50 =	vld.idx.msk [tilespmem:v47+s21+$0x990 ss:$0x1], $0xffff;
	_ =	sdelay $0x4  }
0x30e: {  	[tilespmem:v60+s20+$0x0] =	vst.idx.msk $0xffff, v50  }
0x30f: {  	v61 =	vadd.s32 v12, v52;
	v50 =	vld.idx.msk [tilespmem:v47+s21+$0x9A0 ss:$0x1], $0xffff;
	_ =	sdelay $0x4  }
0x310: {  	[tilespmem:v61+s20+$0x0] =	vst.idx.msk $0xffff, v50  }
0x311: {  	s26 =	sadd.s32 $0x14, s22;
	v62 =	vadd.s32 v44, v52;
	v50 =	vld.idx.msk [tilespmem:v47+s21+$0x9B0 ss:$0x1], $0xffff  }
0x312: {  	v63 =	vmov s26  }
0x313: {  	v52 =	vshrl.u32 v63, $0x3  }
0x314: {  	v52 =	vshll.u32 v52, v1  }
0x315: {  	v52 =	vbroadcast v52, $0x0  }
0x316: {  	[tilespmem:v62+s20+$0x0] =	vst.idx.msk $0xffff, v50  }
0x317: {  	v54 =	vadd.s32 v13, v52;
	v50 =	vld.idx.msk [tilespmem:v47+s21+$0xA00 ss:$0x1], $0xffff;
	_ =	sdelay $0x4  }
0x318: {  	[tilespmem:v54+s20+$0x0] =	vst.idx.msk $0xffff, v50  }
0x319: {  	v55 =	vadd.s32 v14, v52;
	v50 =	vld.idx.msk [tilespmem:v47+s21+$0xA10 ss:$0x1], $0xffff;
	_ =	sdelay $0x4  }
0x31a: {  	[tilespmem:v55+s20+$0x0] =	vst.idx.msk $0xffff, v50  }
0x31b: {  	v56 =	vadd.s32 v15, v52;
	v50 =	vld.idx.msk [tilespmem:v47+s21+$0xA20 ss:$0x1], $0xffff;
	_ =	sdelay $0x4  }
0x31c: {  	[tilespmem:v56+s20+$0x0] =	vst.idx.msk $0xffff, v50  }
0x31d: {  	s28 =	sadd.s32 $0x15, s22;
	v57 =	vadd.s32 v45, v52;
	v50 =	vld.idx.msk [tilespmem:v47+s21+$0xA30 ss:$0x1], $0xffff  }
0x31e: {  	v58 =	vmov s28  }
0x31f: {  	v52 =	vshrl.u32 v58, $0x3  }
0x320: {  	v52 =	vshll.u32 v52, v1  }
0x321: {  	v52 =	vbroadcast v52, $0x0  }
0x322: {  	[tilespmem:v57+s20+$0x0] =	vst.idx.msk $0xffff, v50  }
0x323: {  	v59 =	vadd.s32 v16, v52;
	v50 =	vld.idx.msk [tilespmem:v47+s21+$0xA80 ss:$0x1], $0xffff;
	_ =	sdelay $0x4  }
0x324: {  	[tilespmem:v59+s20+$0x0] =	vst.idx.msk $0xffff, v50  }
0x325: {  	v60 =	vadd.s32 v17, v52;
	v50 =	vld.idx.msk [tilespmem:v47+s21+$0xA90 ss:$0x1], $0xffff;
	_ =	sdelay $0x4  }
0x326: {  	[tilespmem:v60+s20+$0x0] =	vst.idx.msk $0xffff, v50  }
0x327: {  	v61 =	vadd.s32 v18, v52;
	v50 =	vld.idx.msk [tilespmem:v47+s21+$0xAA0 ss:$0x1], $0xffff;
	_ =	sdelay $0x4  }
0x328: {  	[tilespmem:v61+s20+$0x0] =	vst.idx.msk $0xffff, v50  }
0x329: {  	s29 =	sadd.s32 $0x16, s22;
	v62 =	vadd.s32 v46, v52;
	v50 =	vld.idx.msk [tilespmem:v47+s21+$0xAB0 ss:$0x1], $0xffff  }
0x32a: {  	v63 =	vmov s29  }
0x32b: {  	v52 =	vshrl.u32 v63, $0x3  }
0x32c: {  	v52 =	vshll.u32 v52, v1  }
0x32d: {  	v52 =	vbroadcast v52, $0x0  }
0x32e: {  	[tilespmem:v62+s20+$0x0] =	vst.idx.msk $0xffff, v50  }
0x32f: {  	v54 =	vadd.s32 v19, v52;
	v50 =	vld.idx.msk [tilespmem:v47+s21+$0xB00 ss:$0x1], $0xffff;
	_ =	sdelay $0x4  }
0x330: {  	[tilespmem:v54+s20+$0x0] =	vst.idx.msk $0xffff, v50  }
0x331: {  	v55 =	vadd.s32 v20, v52;
	v50 =	vld.idx.msk [tilespmem:v47+s21+$0xB10 ss:$0x1], $0xffff;
	_ =	sdelay $0x4  }
0x332: {  	[tilespmem:v55+s20+$0x0] =	vst.idx.msk $0xffff, v50  }
0x333: {  	v56 =	vadd.s32 v21, v52;
	v50 =	vld.idx.msk [tilespmem:v47+s21+$0xB20 ss:$0x1], $0xffff;
	_ =	sdelay $0x4  }
0x334: {  	[tilespmem:v56+s20+$0x0] =	vst.idx.msk $0xffff, v50  }
0x335: {  	s30 =	sadd.s32 $0x17, s22;
	v57 =	vadd.s32 v48, v52;
	v50 =	vld.idx.msk [tilespmem:v47+s21+$0xB30 ss:$0x1], $0xffff  }
0x336: {  	v58 =	vmov s30  }
0x337: {  	v52 =	vshrl.u32 v58, $0x3  }
0x338: {  	v52 =	vshll.u32 v52, v1  }
0x339: {  	v52 =	vbroadcast v52, $0x0  }
0x33a: {  	[tilespmem:v57+s20+$0x0] =	vst.idx.msk $0xffff, v50  }
0x33b: {  	v59 =	vadd.s32 v22, v52;
	v50 =	vld.idx.msk [tilespmem:v47+s21+$0xB80 ss:$0x1], $0xffff;
	_ =	sdelay $0x4  }
0x33c: {  	[tilespmem:v59+s20+$0x0] =	vst.idx.msk $0xffff, v50  }
0x33d: {  	v60 =	vadd.s32 v23, v52;
	v50 =	vld.idx.msk [tilespmem:v47+s21+$0xB90 ss:$0x1], $0xffff;
	_ =	sdelay $0x4  }
0x33e: {  	[tilespmem:v60+s20+$0x0] =	vst.idx.msk $0xffff, v50  }
0x33f: {  	v61 =	vadd.s32 v24, v52;
	v50 =	vld.idx.msk [tilespmem:v47+s21+$0xBA0 ss:$0x1], $0xffff;
	_ =	sdelay $0x4  }
0x340: {  	[tilespmem:v61+s20+$0x0] =	vst.idx.msk $0xffff, v50  }
0x341: {  	s31 =	sadd.s32 $0x18, s22;
	v62 =	vadd.s32 v49, v52;
	v50 =	vld.idx.msk [tilespmem:v47+s21+$0xBB0 ss:$0x1], $0xffff  }
0x342: {  	v63 =	vmov s31  }
0x343: {  	v52 =	vshrl.u32 v63, $0x3  }
0x344: {  	v52 =	vshll.u32 v52, v1  }
0x345: {  	v52 =	vbroadcast v52, $0x0  }
0x346: {  	[tilespmem:v62+s20+$0x0] =	vst.idx.msk $0xffff, v50  }
0x347: {  	v54 =	vadd.s32 v0, v52;
	v50 =	vld.idx.msk [tilespmem:v47+s21+$0xC00 ss:$0x1], $0xffff;
	_ =	sdelay $0x4  }
0x348: {  	[tilespmem:v54+s20+$0x0] =	vst.idx.msk $0xffff, v50  }
0x349: {  	v55 =	vadd.s32 v2, v52;
	v50 =	vld.idx.msk [tilespmem:v47+s21+$0xC10 ss:$0x1], $0xffff;
	_ =	sdelay $0x4  }
0x34a: {  	[tilespmem:v55+s20+$0x0] =	vst.idx.msk $0xffff, v50  }
0x34b: {  	v56 =	vadd.s32 v3, v52;
	v50 =	vld.idx.msk [tilespmem:v47+s21+$0xC20 ss:$0x1], $0xffff;
	_ =	sdelay $0x4  }
0x34c: {  	[tilespmem:v56+s20+$0x0] =	vst.idx.msk $0xffff, v50  }
0x34d: {  	s24 =	sadd.s32 $0x19, s22;
	v57 =	vadd.s32 v41, v52;
	v50 =	vld.idx.msk [tilespmem:v47+s21+$0xC30 ss:$0x1], $0xffff  }
0x34e: {  	v58 =	vmov s24  }
0x34f: {  	v52 =	vshrl.u32 v58, $0x3  }
0x350: {  	v52 =	vshll.u32 v52, v1  }
0x351: {  	v52 =	vbroadcast v52, $0x0  }
0x352: {  	[tilespmem:v57+s20+$0x0] =	vst.idx.msk $0xffff, v50  }
0x353: {  	v59 =	vadd.s32 v4, v52;
	v50 =	vld.idx.msk [tilespmem:v47+s21+$0xC80 ss:$0x1], $0xffff;
	_ =	sdelay $0x4  }
0x354: {  	[tilespmem:v59+s20+$0x0] =	vst.idx.msk $0xffff, v50  }
0x355: {  	v60 =	vadd.s32 v5, v52;
	v50 =	vld.idx.msk [tilespmem:v47+s21+$0xC90 ss:$0x1], $0xffff;
	_ =	sdelay $0x4  }
0x356: {  	[tilespmem:v60+s20+$0x0] =	vst.idx.msk $0xffff, v50  }
0x357: {  	v61 =	vadd.s32 v6, v52;
	v50 =	vld.idx.msk [tilespmem:v47+s21+$0xCA0 ss:$0x1], $0xffff;
	_ =	sdelay $0x4  }
0x358: {  	[tilespmem:v61+s20+$0x0] =	vst.idx.msk $0xffff, v50  }
0x359: {  	s25 =	sadd.s32 $0x1A, s22;
	v62 =	vadd.s32 v42, v52;
	v50 =	vld.idx.msk [tilespmem:v47+s21+$0xCB0 ss:$0x1], $0xffff  }
0x35a: {  	v63 =	vmov s25  }
0x35b: {  	v52 =	vshrl.u32 v63, $0x3  }
0x35c: {  	v52 =	vshll.u32 v52, v1  }
0x35d: {  	v52 =	vbroadcast v52, $0x0  }
0x35e: {  	[tilespmem:v62+s20+$0x0] =	vst.idx.msk $0xffff, v50  }
0x35f: {  	v54 =	vadd.s32 v7, v52;
	v50 =	vld.idx.msk [tilespmem:v47+s21+$0xD00 ss:$0x1], $0xffff;
	_ =	sdelay $0x4  }
0x360: {  	[tilespmem:v54+s20+$0x0] =	vst.idx.msk $0xffff, v50  }
0x361: {  	v55 =	vadd.s32 v8, v52;
	v50 =	vld.idx.msk [tilespmem:v47+s21+$0xD10 ss:$0x1], $0xffff;
	_ =	sdelay $0x4  }
0x362: {  	[tilespmem:v55+s20+$0x0] =	vst.idx.msk $0xffff, v50  }
0x363: {  	v56 =	vadd.s32 v9, v52;
	v50 =	vld.idx.msk [tilespmem:v47+s21+$0xD20 ss:$0x1], $0xffff;
	_ =	sdelay $0x4  }
0x364: {  	[tilespmem:v56+s20+$0x0] =	vst.idx.msk $0xffff, v50  }
0x365: {  	s26 =	sadd.s32 $0x1B, s22;
	v57 =	vadd.s32 v43, v52;
	v50 =	vld.idx.msk [tilespmem:v47+s21+$0xD30 ss:$0x1], $0xffff  }
0x366: {  	v58 =	vmov s26  }
0x367: {  	v52 =	vshrl.u32 v58, $0x3  }
0x368: {  	v52 =	vshll.u32 v52, v1  }
0x369: {  	v52 =	vbroadcast v52, $0x0  }
0x36a: {  	[tilespmem:v57+s20+$0x0] =	vst.idx.msk $0xffff, v50  }
0x36b: {  	v59 =	vadd.s32 v10, v52;
	v50 =	vld.idx.msk [tilespmem:v47+s21+$0xD80 ss:$0x1], $0xffff;
	_ =	sdelay $0x4  }
0x36c: {  	[tilespmem:v59+s20+$0x0] =	vst.idx.msk $0xffff, v50  }
0x36d: {  	v60 =	vadd.s32 v11, v52;
	v50 =	vld.idx.msk [tilespmem:v47+s21+$0xD90 ss:$0x1], $0xffff;
	_ =	sdelay $0x4  }
0x36e: {  	[tilespmem:v60+s20+$0x0] =	vst.idx.msk $0xffff, v50  }
0x36f: {  	v61 =	vadd.s32 v12, v52;
	v50 =	vld.idx.msk [tilespmem:v47+s21+$0xDA0 ss:$0x1], $0xffff;
	_ =	sdelay $0x4  }
0x370: {  	[tilespmem:v61+s20+$0x0] =	vst.idx.msk $0xffff, v50  }
0x371: {  	s28 =	sadd.s32 $0x1C, s22;
	v62 =	vadd.s32 v44, v52;
	v50 =	vld.idx.msk [tilespmem:v47+s21+$0xDB0 ss:$0x1], $0xffff  }
0x372: {  	v63 =	vmov s28  }
0x373: {  	v52 =	vshrl.u32 v63, $0x3  }
0x374: {  	v52 =	vshll.u32 v52, v1  }
0x375: {  	v52 =	vbroadcast v52, $0x0  }
0x376: {  	[tilespmem:v62+s20+$0x0] =	vst.idx.msk $0xffff, v50  }
0x377: {  	v55 =	vadd.s32 v13, v52;
	v50 =	vld.idx.msk [tilespmem:v47+s21+$0xE00 ss:$0x1], $0xffff;
	_ =	sdelay $0x4  }
0x378: {  	[tilespmem:v55+s20+$0x0] =	vst.idx.msk $0xffff, v50  }
0x379: {  	v56 =	vadd.s32 v14, v52;
	v50 =	vld.idx.msk [tilespmem:v47+s21+$0xE10 ss:$0x1], $0xffff;
	_ =	sdelay $0x4  }
0x37a: {  	[tilespmem:v56+s20+$0x0] =	vst.idx.msk $0xffff, v50  }
0x37b: {  	v57 =	vadd.s32 v15, v52;
	v50 =	vld.idx.msk [tilespmem:v47+s21+$0xE20 ss:$0x1], $0xffff;
	_ =	sdelay $0x4  }
0x37c: {  	[tilespmem:v57+s20+$0x0] =	vst.idx.msk $0xffff, v50  }
0x37d: {  	s29 =	sadd.s32 $0x1D, s22;
	v58 =	vadd.s32 v45, v52;
	v50 =	vld.idx.msk [tilespmem:v47+s21+$0xE30 ss:$0x1], $0xffff  }
0x37e: {  	v59 =	vmov s29  }
0x37f: {  	v52 =	vshrl.u32 v59, $0x3  }
0x380: {  	v52 =	vshll.u32 v52, v1  }
0x381: {  	v52 =	vbroadcast v52, $0x0  }
0x382: {  	[tilespmem:v58+s20+$0x0] =	vst.idx.msk $0xffff, v50  }
0x383: {  	v60 =	vadd.s32 v16, v52;
	v50 =	vld.idx.msk [tilespmem:v47+s21+$0xE80 ss:$0x1], $0xffff;
	_ =	sdelay $0x4  }
0x384: {  	[tilespmem:v60+s20+$0x0] =	vst.idx.msk $0xffff, v50  }
0x385: {  	v61 =	vadd.s32 v17, v52;
	v50 =	vld.idx.msk [tilespmem:v47+s21+$0xE90 ss:$0x1], $0xffff;
	_ =	sdelay $0x4  }
0x386: {  	[tilespmem:v61+s20+$0x0] =	vst.idx.msk $0xffff, v50  }
0x387: {  	v62 =	vadd.s32 v18, v52;
	v50 =	vld.idx.msk [tilespmem:v47+s21+$0xEA0 ss:$0x1], $0xffff;
	_ =	sdelay $0x4  }
0x388: {  	[tilespmem:v62+s20+$0x0] =	vst.idx.msk $0xffff, v50  }
0x389: {  	s30 =	sadd.s32 $0x1E, s22;
	v63 =	vadd.s32 v46, v52;
	v50 =	vld.idx.msk [tilespmem:v47+s21+$0xEB0 ss:$0x1], $0xffff  }
0x38a: {  	v56 =	vmov s30  }
0x38b: {  	v52 =	vshrl.u32 v56, $0x3  }
0x38c: {  	v52 =	vshll.u32 v52, v1  }
0x38d: {  	v52 =	vbroadcast v52, $0x0  }
0x38e: {  	[tilespmem:v63+s20+$0x0] =	vst.idx.msk $0xffff, v50  }
0x38f: {  	v57 =	vadd.s32 v19, v52;
	v50 =	vld.idx.msk [tilespmem:v47+s21+$0xF00 ss:$0x1], $0xffff;
	_ =	sdelay $0x4  }
0x390: {  	[tilespmem:v57+s20+$0x0] =	vst.idx.msk $0xffff, v50  }
0x391: {  	v58 =	vadd.s32 v20, v52;
	v50 =	vld.idx.msk [tilespmem:v47+s21+$0xF10 ss:$0x1], $0xffff;
	_ =	sdelay $0x4  }
0x392: {  	[tilespmem:v58+s20+$0x0] =	vst.idx.msk $0xffff, v50  }
0x393: {  	v59 =	vadd.s32 v21, v52;
	v50 =	vld.idx.msk [tilespmem:v47+s21+$0xF20 ss:$0x1], $0xffff;
	_ =	sdelay $0x4  }
0x394: {  	[tilespmem:v59+s20+$0x0] =	vst.idx.msk $0xffff, v50  }
0x395: {  	s31 =	sadd.s32 $0x1F, s22;
	v48 =	vadd.s32 v48, v52;
	v50 =	vld.idx.msk [tilespmem:v47+s21+$0xF30 ss:$0x1], $0xffff  }
0x396: {  	v60 =	vmov s31  }
0x397: {  	v51 =	vshrl.u32 v60, $0x3  }
0x398: {  	v51 =	vshll.u32 v51, v1  }
0x399: {  	v51 =	vbroadcast v51, $0x0  }
0x39a: {  	[tilespmem:v48+s20+$0x0] =	vst.idx.msk $0xffff, v50  }
0x39b: {  	v61 =	vadd.s32 v22, v51;
	v48 =	vld.idx.msk [tilespmem:v47+s21+$0xF80 ss:$0x1], $0xffff;
	_ =	sdelay $0x4  }
0x39c: {  	[tilespmem:v61+s20+$0x0] =	vst.idx.msk $0xffff, v48  }
0x39d: {  	v62 =	vadd.s32 v23, v51;
	v48 =	vld.idx.msk [tilespmem:v47+s21+$0xF90 ss:$0x1], $0xffff;
	_ =	sdelay $0x4  }
0x39e: {  	[tilespmem:v62+s20+$0x0] =	vst.idx.msk $0xffff, v48  }
0x39f: {  	v63 =	vadd.s32 v24, v51;
	v48 =	vld.idx.msk [tilespmem:v47+s21+$0xFA0 ss:$0x1], $0xffff;
	_ =	sdelay $0x4  }
0x3a0: {  	[tilespmem:v63+s20+$0x0] =	vst.idx.msk $0xffff, v48  }
0x3a1: {  	p0 =	slt.u32 s22, $0x60;
	v49 =	vadd.s32 v49, v51;
	v48 =	vld.idx.msk [tilespmem:v47+s21+$0xFB0 ss:$0x1], $0xffff  }
.Ltmp1:
0x3a2: {  	_ = 	snop;
	(pc) =	sbr.rel @p0 .LBB2_5-.Ltmp1, $2  }
0x3a3: {  	_ =	sdelay $0x2  }
0x3a4: {  	s22 =	sadd.s32 $0x20, s22;
	s21 =	sadd.s32 $0x1000, s21;
	[tilespmem:v49+s20+$0x0] =	vst.idx.msk $0xffff, v48  }
0x3a5: {  	s21 =	sshll.u32 s18, $0x12  }
0x3a6: {  	s21 =	sor.u32 s3, s21  }
0x3a7: {  	s21 =	sshrl.u32 s21, $0x3  }
0x3a8: {  	s21 =	sadd.s32 s5, s21  }
0x3a9: {  	s22 =	simm.s32 $0x200;
	s23 =	sadd.s32 $0x88, s20;
	s24 =	sadd.s32 $0x0, s21  }
.LBB2_7:
0x3aa: {  	[hbm4b:s24+s2] =	stream.linear.scatter [tilespmem:s20], [sflag:$0x2], $0x80, $0x38;
	[tilespmem:$0x13A90] =	vst v63  }
0x3ab: {  	s24 =	smov.u32 s22;
	s20 =	smov.u32 s23;
	p0 =	sne.s32 s22, $0x7E00  }
.Ltmp2:
0x3ac: {  	s22 =	sadd.s32 $0x200, s22;
	(pc) =	sbr.rel @p0 .LBB2_7-.Ltmp2, $2  }
0x3ad: {  	_ =	sdelay $0x2  }
0x3ae: {  	s23 =	sadd.s32 $0x88, s23;
	s24 =	sadd.s32 s24, s21  }
0x3af: {  	p0 =	sgt.u32 s18, $0x2E  }
0x3b0: {  	s21 =	sadd.s32 @!p0 $0x3, s18  }
0x3b1: {  	s22 =	smul.u32 @!p0 $0xAB, s21;
	_ =	sdelay $0x1  }
0x3b2: {  	s22 =	sshrl.u32 @!p0 s22, $0x9  }
0x3b3: {  	s22 =	sand.u32 @!p0 $0x7F, s22  }
0x3b4: {  	s22 =	smul.u32 @!p0 $0x3, s22  }
0x3b5: {  	[hbm4b:s24+s2] =	stream.linear.scatter [tilespmem:s20], [sflag:$0x2], $0x80, $0x38;
	[tilespmem:$0x13A90] =	vst v63  }
0x3b6: {  	s20 =	ssub.s32 @!p0 s21, s22;
	s21 =	smul.u32 @!p0 $0x220, s21  }
0x3b7: {  	s20 =	sand.u32 @!p0 $0xFF, s20  }
0x3b8: {  	s18 =	sadd.s32 $0x1, s18;
	s20 =	sshll.u32 @!p0 s20, $0xE;
	s21 =	sshra.s32 @!p0 s21, $0x2  }
0x3b9: {  	s22 =	simm.s32 @!p0 $0x80;
	s20 =	sor.u32 @!p0 $0x3690, s20;
	s21 =	sadd.s32 @!p0 $0x1C00, s21  }
0x3ba: {  	[tilespmem:s20], [sflag:$0x1] =	stream.indirect.gather @!p0 [hbm4b:s4+s22], $0x80, s21, s22, $0xb8;
	[tilespmem:$0x13A90] =	vst v63  }
0x3bb: {  	p0 =	sne.s32 s18, $0x32  }
.Ltmp3:
0x3bc: {  	_ = 	snop;
	(pc) =	sbr.rel @p0 .LBB2_4-.Ltmp3, $2  }
0x3bd: {  	_ =	sdelay $0x2  }
0x3be: {  	s19 =	sadd.s32 $0x4000, s19  }
0x3bf: {  	s17 =	sadd.s32 $0x1, s17  }
0x3c0: {  	_ =	swait.ge [sflag:s16], $0x2000;
	p0 =	sne.s32 s17, s7  }
.Ltmp4:
0x3c1: {  	[sflag:s16] =	ssyncset.done $0x0;
	(pc) =	sbr.rel @p0 .LBB2_1-.Ltmp4, $4  }
0x3c2: {  	[sflag:s16] =	ssyncadd.s32 $0xFFFFE000  }
0x3c3: {  	_ =	swait.ge [sflag:s16], $0x2000  }
0x3c4: {  	[sflag:s16] =	ssyncset.done $0x0  }
0x3c5: {  	[sflag:s16] =	ssyncadd.s32 $0xFFFFE000  }
0x3c6: {  	_ =	sfence.sel $0x180000  }
0x3c7: {  	[bflag:$0x0] =	sbarrier.arrive $0xFFFF  }
0x3c8: {  	p0 =	sne.s32 s0, $0x0;
	_ =	strace $0x90000047  }
0x3c9: {  	s0 =	sadd.s32 @!p0 $0x100000, s1;
	[bflag:$0x2] =	sbarrier.arrive $0xFFFF  }
0x3ca: {  	[sflag:s0] =	ssyncadd.tile.s32 @!p0 $0x1;
	_ =	shalt  }
.Lfunc_end2:
_tile_overlayer_lowered:
.L_overlay_start_2:
0x3cb: {  	(tag) =	ssettag $0x2  }
0x3cc: {  	s0 =	rddreg [dreg:$0x0];
	s2 =	stileid.u32  }
0x3cd: {  	s1 =	rddreg [dreg:$0x1];
	p0 =	sne.s32 s2, $0x0  }
0x3ce: {  	s3 =	rddreg [dreg:$0x2];
	[bflag:$0x3] =	sbarrier.arrive $0xFFFF;
	s2 =	simm.s32 @!p0 $0x1C03  }
0x3cf: {  	[timem:s3], [sflag:s2] =	dma.local @!p0 [hbm:s0], s1  }
0x3d0: {  	s0 =	simm.s32 @!p0 $0x3  }
0x3d1: {  	_ =	swait.ge @!p0 [sflag:s0], s1  }
0x3d2: {  	s1 =	ssub.s32 @!p0 $0x0, s1;
	[sflag:s0] =	ssyncset.done @!p0 $0x0  }
0x3d3: {  	[sflag:s0] =	ssyncadd.s32 @!p0 s1  }
0x3d4: {  	[bflag:$0x3] =	sbarrier.arrive $0xFFFF  }
0x3d5: {  	_ =	shalt  }

</sc_bundles>
